<compile_context>
chip_gen: v7x
topology: tpu7x:2x2x1
jax: 0.10.2.dev20260603
libtpu: 0.0.44.dev20260713+nightly
codegen_flags: <defaults>
</compile_context>

<pallas_src>
import functools
import math

import jax
import jax.numpy as jnp
from jax import lax
from jax.experimental import pallas as pl
from jax.experimental.pallas import tpu as pltpu
from jax.experimental.pallas import tpu_sc as plsc

_DECAY = 0.1
_EPS = 1e-8
_LN_EPS = 1e-5
_C = 8
_NW = 32
_VL = 16


def kernel(H, valid_lens, ln_scale, ln_bias):
    B, F, T, D = H.shape
    S = B * F
    SPW = S // _NW
    ND = D // _VL
    w0 = float(math.exp(-_DECAY * (T - 1)))
    r = float(math.exp(_DECAY))

    lens_flat = valid_lens.astype(jnp.int32).reshape(S)

    mesh = plsc.VectorSubcoreMesh(core_axis_name="c", subcore_axis_name="s")

    @functools.partial(
        pl.kernel,
        mesh=mesh,
        out_type=jax.ShapeDtypeStruct((B, F, D), jnp.float32),
        scratch_types=[
            pltpu.VMEM((S,), jnp.int32),
            pltpu.VMEM((2, (T + _C - 1) // _C, _C, D), jnp.float32),
            pltpu.VMEM((D,), jnp.float32),
            pltpu.VMEM((D,), jnp.float32),
            pltpu.VMEM((D,), jnp.float32),
            pltpu.SemaphoreType.DMA,
        ],
    )
    def sc_kernel(
        h_hbm, lens_hbm, scale_hbm, bias_hbm, out_hbm,
        lens_v, rows_v, scale_v, bias_v, out_v, dsem,
    ):
        wid = lax.axis_index("s") * 2 + lax.axis_index("c")
        pltpu.sync_copy(lens_hbm, lens_v)
        pltpu.sync_copy(scale_hbm, scale_v)
        pltpu.sync_copy(bias_hbm, bias_v)

        def chunk_copy(seg, j, slot):
            b = seg // F
            f = lax.rem(seg, F)
            return pltpu.make_async_copy(
                h_hbm.at[b, f, pl.ds(j * _C, _C), :],
                rows_v.at[slot, j],
                dsem,
            )

        def issue(i, slot):
            seg = wid * SPW + i
            ln = lens_v[pl.ds(seg, 1)][0]
            nch = (ln + (_C - 1)) // _C

            def body(j, carry):
                chunk_copy(seg, j, slot).start()
                return carry

            lax.fori_loop(0, nch, body, 0)
            return nch

        def drain(i, slot, nch):
            seg = wid * SPW + i

            def body(j, carry):
                chunk_copy(seg, j, slot).wait()
                return carry

            lax.fori_loop(0, nch, body, 0)

        def compute(i, slot):
            seg = wid * SPW + i
            ln = lens_v[pl.ds(seg, 1)][0]
            r_vec = jnp.full((_VL,), r, jnp.float32)
            w0_vec = jnp.full((_VL,), w0, jnp.float32)
            zero = jnp.zeros((_VL,), jnp.float32)
            inv_wsum = zero
            for g in range(ND // 16):
                def rbody(t, carry):
                    accs, w = carry
                    cj = t // _C
                    cr = t - cj * _C
                    new = []
                    for d in range(16):
                        col = (g * 16 + d) * _VL
                        v = rows_v[slot, cj, cr, pl.ds(col, _VL)]
                        new.append(accs[d] + v * w)
                    return (tuple(new), w * r_vec)

                accs, w_end = lax.fori_loop(
                    0, ln, rbody, (tuple([zero] * 16), w0_vec)
                )
                if g == 0:
                    wsum = (w_end - w0_vec) * (1.0 / (r - 1.0))
                    wsum = jnp.maximum(wsum, _EPS)
                    inv_wsum = 1.0 / wsum
                for d in range(16):
                    col = (g * 16 + d) * _VL
                    out_v[pl.ds(col, _VL)] = accs[d] * inv_wsum
            sm = zero
            sq = zero
            for d in range(ND):
                v = out_v[pl.ds(d * _VL, _VL)]
                sm = sm + v
                sq = sq + v * v
            sm_s = sm[0]
            sq_s = sq[0]
            for l in range(1, _VL):
                sm_s = sm_s + sm[l]
                sq_s = sq_s + sq[l]
            mu_s = sm_s * (1.0 / D)
            ex2_s = sq_s * (1.0 / D)
            mu = jnp.broadcast_to(mu_s, (_VL,))
            var = jnp.broadcast_to(ex2_s, (_VL,)) - mu * mu
            x = var + _LN_EPS
            xi = lax.bitcast_convert_type(x, jnp.int32)
            yi = jnp.int32(0x5F3759DF) - (xi >> 1)
            y = lax.bitcast_convert_type(yi, jnp.float32)
            for _ in range(4):
                y = y * (1.5 - 0.5 * x * y * y)
            m_s = jnp.where(ln >= 1, jnp.float32(1.0), jnp.float32(0.0))
            mvec = jnp.broadcast_to(m_s, (_VL,))
            for d in range(ND):
                ds_ = pl.ds(d * _VL, _VL)
                v = out_v[ds_]
                vn = (v - mu) * y * scale_v[ds_] + bias_v[ds_]
                out_v[ds_] = v + (vn - v) * mvec
            b = seg // F
            f = lax.rem(seg, F)
            pltpu.sync_copy(out_v, out_hbm.at[b, f, :])

        nch0 = issue(0, 0)

        def main(i, nch_cur):
            slot = lax.rem(i, 2)
            nch_nxt = lax.cond(
                i + 1 < SPW,
                lambda: issue(i + 1, 1 - slot),
                lambda: 0,
            )
            drain(i, slot, nch_cur)
            compute(i, slot)
            return nch_nxt

        lax.fori_loop(0, SPW, main, nch0)

    return sc_kernel(H, lens_flat, ln_scale, ln_bias)

# --- scband reference (transcript-rebuilt; emitter-appended) ---
"""Pipeline reference for scband-masked-decay-aggregator-89945205113616 (READ-ONLY COPY).

The authoritative reference and input builder live on the scoring server;
editing this copy changes nothing except your own understanding.
"""

import jax, jax.numpy as jnp
import numpy as np


def setup_inputs(seed: int = 0) -> dict:
    key = jax.random.key(seed)
    k1, k2 = jax.random.split(key, 2)
    H = jax.random.normal(k1, (64, 26, 50, 768), dtype=jnp.float32)
    valid_lens = jax.random.randint(k2, (64, 26), 0, 50).astype(jnp.int64)
    ln_scale = jnp.ones((768,), dtype=jnp.float32)
    ln_bias = jnp.zeros((768,), dtype=jnp.float32)
    return {"H": H, "valid_lens": valid_lens, "ln_scale": ln_scale, "ln_bias": ln_bias}


def reference(H, valid_lens, ln_scale, ln_bias):
    eps = 1e-08
    decay_alpha = 0.1
    B, F, T, D = H.shape
    # mask from valid_lens: [B, F, T, 1]
    arange_t = jnp.arange(T).reshape(1, 1, T, 1)
    valid = arange_t < valid_lens.reshape(B, F, 1, 1)
    mask = valid.astype(jnp.float32)
    Hm = jnp.nan_to_num(H, nan=0.0, posinf=0.0, neginf=0.0) * mask
    t_idx = jnp.arange(T, dtype=jnp.float32).reshape(1, 1, T, 1)
    # mode == 'decay': exponential time decay, most recent gets largest weight
    dist = (T - 1) - t_idx
    w = jnp.exp(-decay_alpha * dist) * mask  # [B, F, T, 1]
    w_sum = jnp.maximum(jnp.sum(w, axis=2, keepdims=True), eps)  # [B, F, 1, 1]
    E = jnp.sum(Hm * w, axis=2) / jnp.squeeze(w_sum, axis=2)  # [B, F, D]
    has_any = jnp.squeeze(w_sum, axis=2) > eps  # [B, F, 1]
    # LayerNorm over last dim (use_ln=True), same default eps as nn.LayerNorm
    mu = jnp.mean(E, axis=-1, keepdims=True)
    var = jnp.mean((E - mu) ** 2, axis=-1, keepdims=True)
    E_ln = (E - mu) / jnp.sqrt(var + 1e-5) * ln_scale + ln_bias
    E = jnp.where(has_any, E_ln, E)
    return E

if __name__ == "__main__":
    import jax
    _d = setup_inputs()
    print(jax.jit(kernel)(*tuple(_d.values())))

</pallas_src>

<mosaic_0001>
#map = affine_map<(d0, d1) -> (0, 0, 0, 0)>
#map1 = affine_map<(d0, d1) -> (0)>
#map2 = affine_map<(d0, d1) -> (0, 0, 0)>
module attributes {stable_mosaic.version = 14 : i64} {
  func.func @sc_kernel(%arg0: i32, %arg1: i32, %arg2: memref<64x26x50x768xf32, #tpu.memory_space<hbm>>, %arg3: memref<1664xi32, #tpu.memory_space<hbm>>, %arg4: memref<768xf32, #tpu.memory_space<hbm>>, %arg5: memref<768xf32, #tpu.memory_space<hbm>>, %arg6: memref<64x26x768xf32, #tpu.memory_space<hbm>>, %arg7: memref<1664xi32, #tpu.memory_space<vmem>>, %arg8: memref<2x7x8x768xf32, #tpu.memory_space<vmem>>, %arg9: memref<768xf32, #tpu.memory_space<vmem>>, %arg10: memref<768xf32, #tpu.memory_space<vmem>>, %arg11: memref<768xf32, #tpu.memory_space<vmem>>, %arg12: memref<!tpu.dma_semaphore, #tpu.memory_space<semaphore_mem>>) attributes {dimension_semantics = [#tpu.dimension_semantics<core_parallel>, #tpu.dimension_semantics<subcore_parallel>], iteration_bounds = array<i64: 2, 16>, scalar_prefetch = 0 : i64, scratch_operands = 6 : i64, tpu.core_type = #tpu.core_type<sc_vector_subcore>, window_params = [{transform_indices = #map}, {transform_indices = #map1}, {transform_indices = #map1}, {transform_indices = #map1}, {transform_indices = #map2}]} {
    %mul3A = arith.constant 2 : i32
    %mul3A_0 = arith.muli %arg1, %mul3A : i32
    %add3A = arith.addi %mul3A_0, %arg0 : i32
    "tpu.region"() ({
      %run_scoped3A = tpu.sem_alloc : memref<!tpu.dma_semaphore, #tpu.memory_space<semaphore_mem>>
      tpu.enqueue_dma source(%arg3 : memref<1664xi32, #tpu.memory_space<hbm>>) target(%arg7 : memref<1664xi32, #tpu.memory_space<vmem>>) target_semaphore(%run_scoped3A : memref<!tpu.dma_semaphore, #tpu.memory_space<semaphore_mem>>)
      tpu.wait_dma2 semaphore(%run_scoped3A : memref<!tpu.dma_semaphore, #tpu.memory_space<semaphore_mem>>) src(%arg3 : memref<1664xi32, #tpu.memory_space<hbm>>) dst(%arg7 : memref<1664xi32, #tpu.memory_space<vmem>>)
      tpu.yield
    }) : () -> ()
    "tpu.region"() ({
      %run_scoped3A = tpu.sem_alloc : memref<!tpu.dma_semaphore, #tpu.memory_space<semaphore_mem>>
      tpu.enqueue_dma source(%arg4 : memref<768xf32, #tpu.memory_space<hbm>>) target(%arg9 : memref<768xf32, #tpu.memory_space<vmem>>) target_semaphore(%run_scoped3A : memref<!tpu.dma_semaphore, #tpu.memory_space<semaphore_mem>>)
      tpu.wait_dma2 semaphore(%run_scoped3A : memref<!tpu.dma_semaphore, #tpu.memory_space<semaphore_mem>>) src(%arg4 : memref<768xf32, #tpu.memory_space<hbm>>) dst(%arg9 : memref<768xf32, #tpu.memory_space<vmem>>)
      tpu.yield
    }) : () -> ()
    "tpu.region"() ({
      %run_scoped3A = tpu.sem_alloc : memref<!tpu.dma_semaphore, #tpu.memory_space<semaphore_mem>>
      tpu.enqueue_dma source(%arg5 : memref<768xf32, #tpu.memory_space<hbm>>) target(%arg10 : memref<768xf32, #tpu.memory_space<vmem>>) target_semaphore(%run_scoped3A : memref<!tpu.dma_semaphore, #tpu.memory_space<semaphore_mem>>)
      tpu.wait_dma2 semaphore(%run_scoped3A : memref<!tpu.dma_semaphore, #tpu.memory_space<semaphore_mem>>) src(%arg5 : memref<768xf32, #tpu.memory_space<hbm>>) dst(%arg10 : memref<768xf32, #tpu.memory_space<vmem>>)
      tpu.yield
    }) : () -> ()
    %mul3A_1 = arith.constant 52 : i32
    %mul3A_2 = arith.muli %add3A, %mul3A_1 : i32
    %add3A_3 = arith.constant 0 : i32
    %add3A_4 = arith.addi %mul3A_2, %add3A_3 : i32
    %get3A = arith.index_cast %add3A_4 : i32 to index
    %get3A_5 = tpu.vector_load %arg7[%get3A] {strides = array<i32>} : memref<1664xi32, #tpu.memory_space<vmem>>, vector<1xi32>,
    %get3A_6 = vector.shape_cast %get3A_5 : vector<1xi32> to vector<1xi32>
    %squeeze3A = vector.extract %get3A_6[0] : i32 from vector<1xi32>
    %add3A_7 = arith.constant 7 : i32
    %add3A_8 = arith.addi %squeeze3A, %add3A_7 : i32
    %jit3A = arith.constant 8 : i32
    %div3A = arith.divsi %add3A_8, %jit3A : i32
    %sign3A = arith.constant 0 : i32
    %sign3A_9 = arith.cmpi sgt, %add3A_8, %sign3A : i32
    %sign3A_10 = arith.extui %sign3A_9 : i1 to i32
    %sign3A_11 = arith.constant 0 : i32
    %sign3A_12 = arith.cmpi slt, %add3A_8, %sign3A_11 : i32
    %sign3A_13 = arith.extui %sign3A_12 : i1 to i32
    %sign3A_14 = arith.subi %sign3A_10, %sign3A_13 : i32
    %sign3A_15 = arith.constant 0 : i32
    %sign3A_16 = arith.cmpi sgt, %jit3A, %sign3A_15 : i32
    %sign3A_17 = arith.extui %sign3A_16 : i1 to i32
    %sign3A_18 = arith.constant 0 : i32
    %sign3A_19 = arith.cmpi slt, %jit3A, %sign3A_18 : i32
    %sign3A_20 = arith.extui %sign3A_19 : i1 to i32
    %sign3A_21 = arith.subi %sign3A_17, %sign3A_20 : i32
    %ne3A = arith.cmpi ne, %sign3A_14, %sign3A_21 : i32
    %rem3A = arith.remsi %add3A_8, %jit3A : i32
    %ne3A_22 = arith.constant 0 : i32
    %ne3A_23 = arith.cmpi ne, %rem3A, %ne3A_22 : i32
    %and3A = arith.andi %ne3A, %ne3A_23 : i1
    %sub3A = arith.constant 1 : i32
    %sub3A_24 = arith.subi %div3A, %sub3A : i32
    %select_n3A = arith.select %and3A, %sub3A_24, %div3A : i32
    %while3A = arith.constant 0 : i32
    %while3A_25 = arith.constant 0 : i32
    %while3A_26 = arith.subi %select_n3A, %while3A_25 : i32
    %while3A_27 = arith.addi %while3A_25, %while3A_26 : i32
    %while3A_28 = arith.constant 1 : i32
    %while3A_29 = arith.divsi %while3A_26, %while3A_28 : i32
    %while3A_30 = arith.muli %while3A_29, %while3A_28 : i32
    %while3A_31 = arith.addi %while3A_25, %while3A_30 : i32
    %while3A_32 = arith.constant 1 : i32
    scf.for %while3A_39 = %while3A_25 to %while3A_31 step %while3A_32  : i32 {
      %jit3A_40 = arith.constant 26 : i32
      %div3A_41 = arith.divsi %add3A_4, %jit3A_40 : i32
      %sign3A_42 = arith.constant 0 : i32
      %sign3A_43 = arith.cmpi sgt, %add3A_4, %sign3A_42 : i32
      %sign3A_44 = arith.extui %sign3A_43 : i1 to i32
      %sign3A_45 = arith.constant 0 : i32
      %sign3A_46 = arith.cmpi slt, %add3A_4, %sign3A_45 : i32
      %sign3A_47 = arith.extui %sign3A_46 : i1 to i32
      %sign3A_48 = arith.subi %sign3A_44, %sign3A_47 : i32
      %sign3A_49 = arith.constant 0 : i32
      %sign3A_50 = arith.cmpi sgt, %jit3A_40, %sign3A_49 : i32
      %sign3A_51 = arith.extui %sign3A_50 : i1 to i32
      %sign3A_52 = arith.constant 0 : i32
      %sign3A_53 = arith.cmpi slt, %jit3A_40, %sign3A_52 : i32
      %sign3A_54 = arith.extui %sign3A_53 : i1 to i32
      %sign3A_55 = arith.subi %sign3A_51, %sign3A_54 : i32
      %ne3A_56 = arith.cmpi ne, %sign3A_48, %sign3A_55 : i32
      %rem3A_57 = arith.remsi %add3A_4, %jit3A_40 : i32
      %ne3A_58 = arith.constant 0 : i32
      %ne3A_59 = arith.cmpi ne, %rem3A_57, %ne3A_58 : i32
      %and3A_60 = arith.andi %ne3A_56, %ne3A_59 : i1
      %sub3A_61 = arith.constant 1 : i32
      %sub3A_62 = arith.subi %div3A_41, %sub3A_61 : i32
      %select_n3A_63 = arith.select %and3A_60, %sub3A_62, %div3A_41 : i32
      %rem3A_64 = arith.constant 26 : i32
      %rem3A_65 = arith.remsi %add3A_4, %rem3A_64 : i32
      %mul3A_66 = arith.constant 8 : i32
      %mul3A_67 = arith.muli %while3A_39, %mul3A_66 : i32
      %dma_start3A = arith.constant 0 : i32
      %dma_start3A_68 = arith.constant 0 : i32
      %dma_start3A_69 = arith.constant 0 : i32
      %dma_start3A_70 = tpu.memref_slice %arg8[%dma_start3A, %while3A_39, %dma_start3A_68, %dma_start3A_69] : memref<2x7x8x768xf32, #tpu.memory_space<vmem>> -> memref<1x1x8x768xf32, #tpu.memory_space<vmem>>
      %dma_start3A_71 = tpu.memref_squeeze %dma_start3A_70 : memref<1x1x8x768xf32, #tpu.memory_space<vmem>> -> memref<8x768xf32, #tpu.memory_space<vmem>>
      %dma_start3A_72 = arith.constant 0 : i32
      %dma_start3A_73 = tpu.memref_slice %arg2[%select_n3A_63, %rem3A_65, %mul3A_67, %dma_start3A_72] : memref<64x26x50x768xf32, #tpu.memory_space<hbm>> -> memref<1x1x8x768xf32, #tpu.memory_space<hbm>>
      %dma_start3A_74 = tpu.memref_squeeze %dma_start3A_73 : memref<1x1x8x768xf32, #tpu.memory_space<hbm>> -> memref<8x768xf32, #tpu.memory_space<hbm>>
      %dma_start3A_75 = arith.constant 0 : i32
      %dma_start3A_76 = arith.constant 0 : i32
      %dma_start3A_77 = tpu.memref_slice %arg8[%dma_start3A, %while3A_39, %dma_start3A_75, %dma_start3A_76] : memref<2x7x8x768xf32, #tpu.memory_space<vmem>> -> memref<1x1x8x768xf32, #tpu.memory_space<vmem>>
      %dma_start3A_78 = tpu.memref_squeeze %dma_start3A_77 : memref<1x1x8x768xf32, #tpu.memory_space<vmem>> -> memref<8x768xf32, #tpu.memory_space<vmem>>
      %dma_start3A_79 = arith.constant 0 : i32
      %dma_start3A_80 = tpu.memref_slice %arg2[%select_n3A_63, %rem3A_65, %mul3A_67, %dma_start3A_79] : memref<64x26x50x768xf32, #tpu.memory_space<hbm>> -> memref<1x1x8x768xf32, #tpu.memory_space<hbm>>
      %dma_start3A_81 = tpu.memref_squeeze %dma_start3A_80 : memref<1x1x8x768xf32, #tpu.memory_space<hbm>> -> memref<8x768xf32, #tpu.memory_space<hbm>>
      tpu.enqueue_dma source(%dma_start3A_81 : memref<8x768xf32, #tpu.memory_space<hbm>>) target(%dma_start3A_78 : memref<8x768xf32, #tpu.memory_space<vmem>>) target_semaphore(%arg12 : memref<!tpu.dma_semaphore, #tpu.memory_space<semaphore_mem>>)
    }
    %while3A_33 = arith.constant 1 : i32
    scf.for %while3A_39 = %while3A_31 to %while3A_27 step %while3A_33  : i32 {
      %jit3A_40 = arith.constant 26 : i32
      %div3A_41 = arith.divsi %add3A_4, %jit3A_40 : i32
      %sign3A_42 = arith.constant 0 : i32
      %sign3A_43 = arith.cmpi sgt, %add3A_4, %sign3A_42 : i32
      %sign3A_44 = arith.extui %sign3A_43 : i1 to i32
      %sign3A_45 = arith.constant 0 : i32
      %sign3A_46 = arith.cmpi slt, %add3A_4, %sign3A_45 : i32
      %sign3A_47 = arith.extui %sign3A_46 : i1 to i32
      %sign3A_48 = arith.subi %sign3A_44, %sign3A_47 : i32
      %sign3A_49 = arith.constant 0 : i32
      %sign3A_50 = arith.cmpi sgt, %jit3A_40, %sign3A_49 : i32
      %sign3A_51 = arith.extui %sign3A_50 : i1 to i32
      %sign3A_52 = arith.constant 0 : i32
      %sign3A_53 = arith.cmpi slt, %jit3A_40, %sign3A_52 : i32
      %sign3A_54 = arith.extui %sign3A_53 : i1 to i32
      %sign3A_55 = arith.subi %sign3A_51, %sign3A_54 : i32
      %ne3A_56 = arith.cmpi ne, %sign3A_48, %sign3A_55 : i32
      %rem3A_57 = arith.remsi %add3A_4, %jit3A_40 : i32
      %ne3A_58 = arith.constant 0 : i32
      %ne3A_59 = arith.cmpi ne, %rem3A_57, %ne3A_58 : i32
      %and3A_60 = arith.andi %ne3A_56, %ne3A_59 : i1
      %sub3A_61 = arith.constant 1 : i32
      %sub3A_62 = arith.subi %div3A_41, %sub3A_61 : i32
      %select_n3A_63 = arith.select %and3A_60, %sub3A_62, %div3A_41 : i32
      %rem3A_64 = arith.constant 26 : i32
      %rem3A_65 = arith.remsi %add3A_4, %rem3A_64 : i32
      %mul3A_66 = arith.constant 8 : i32
      %mul3A_67 = arith.muli %while3A_39, %mul3A_66 : i32
      %dma_start3A = arith.constant 0 : i32
      %dma_start3A_68 = arith.constant 0 : i32
      %dma_start3A_69 = arith.constant 0 : i32
      %dma_start3A_70 = tpu.memref_slice %arg8[%dma_start3A, %while3A_39, %dma_start3A_68, %dma_start3A_69] : memref<2x7x8x768xf32, #tpu.memory_space<vmem>> -> memref<1x1x8x768xf32, #tpu.memory_space<vmem>>
      %dma_start3A_71 = tpu.memref_squeeze %dma_start3A_70 : memref<1x1x8x768xf32, #tpu.memory_space<vmem>> -> memref<8x768xf32, #tpu.memory_space<vmem>>
      %dma_start3A_72 = arith.constant 0 : i32
      %dma_start3A_73 = tpu.memref_slice %arg2[%select_n3A_63, %rem3A_65, %mul3A_67, %dma_start3A_72] : memref<64x26x50x768xf32, #tpu.memory_space<hbm>> -> memref<1x1x8x768xf32, #tpu.memory_space<hbm>>
      %dma_start3A_74 = tpu.memref_squeeze %dma_start3A_73 : memref<1x1x8x768xf32, #tpu.memory_space<hbm>> -> memref<8x768xf32, #tpu.memory_space<hbm>>
      %dma_start3A_75 = arith.constant 0 : i32
      %dma_start3A_76 = arith.constant 0 : i32
      %dma_start3A_77 = tpu.memref_slice %arg8[%dma_start3A, %while3A_39, %dma_start3A_75, %dma_start3A_76] : memref<2x7x8x768xf32, #tpu.memory_space<vmem>> -> memref<1x1x8x768xf32, #tpu.memory_space<vmem>>
      %dma_start3A_78 = tpu.memref_squeeze %dma_start3A_77 : memref<1x1x8x768xf32, #tpu.memory_space<vmem>> -> memref<8x768xf32, #tpu.memory_space<vmem>>
      %dma_start3A_79 = arith.constant 0 : i32
      %dma_start3A_80 = tpu.memref_slice %arg2[%select_n3A_63, %rem3A_65, %mul3A_67, %dma_start3A_79] : memref<64x26x50x768xf32, #tpu.memory_space<hbm>> -> memref<1x1x8x768xf32, #tpu.memory_space<hbm>>
      %dma_start3A_81 = tpu.memref_squeeze %dma_start3A_80 : memref<1x1x8x768xf32, #tpu.memory_space<hbm>> -> memref<8x768xf32, #tpu.memory_space<hbm>>
      tpu.enqueue_dma source(%dma_start3A_81 : memref<8x768xf32, #tpu.memory_space<hbm>>) target(%dma_start3A_78 : memref<8x768xf32, #tpu.memory_space<vmem>>) target_semaphore(%arg12 : memref<!tpu.dma_semaphore, #tpu.memory_space<semaphore_mem>>)
    }
    %scan3A = arith.constant 0 : i32
    %scan3A_34 = arith.constant 52 : i32
    %scan3A_35 = arith.addi %scan3A, %scan3A_34 : i32
    %scan3A_36 = arith.constant 1 : i32
    %scan3A_37 = scf.for %scan3A_39 = %scan3A to %scan3A_35 step %scan3A_36 iter_args(%scan3A_40 = %select_n3A) -> (i32)  : i32 {
      %rem3A_41 = arith.constant 2 : i32
      %rem3A_42 = arith.remsi %scan3A_39, %rem3A_41 : i32
      %add3A_43 = arith.constant 1 : i32
      %add3A_44 = arith.addi %scan3A_39, %add3A_43 : i32
      %lt3A = arith.constant 52 : i32
      %lt3A_45 = arith.cmpi slt, %add3A_44, %lt3A : i32
      %convert_element_type3A = arith.extui %lt3A_45 : i1 to i32
      %cond3A = arith.constant 0 : i32
      %cond3A_46 = arith.cmpi ne, %convert_element_type3A, %cond3A : i32
      %cond3A_47 = scf.if %cond3A_46 -> (i32) {
        %add3A_1779 = arith.constant 1 : i32
        %add3A_1780 = arith.addi %scan3A_39, %add3A_1779 : i32
        %sub3A_1781 = arith.constant 1 : i32
        %sub3A_1782 = arith.subi %sub3A_1781, %rem3A_42 : i32
        %mul3A_1783 = arith.constant 52 : i32
        %mul3A_1784 = arith.muli %add3A, %mul3A_1783 : i32
        %add3A_1785 = arith.addi %mul3A_1784, %add3A_1780 : i32
        %get3A_1786 = arith.index_cast %add3A_1785 : i32 to index
        %get3A_1787 = tpu.vector_load %arg7[%get3A_1786] {strides = array<i32>} : memref<1664xi32, #tpu.memory_space<vmem>>, vector<1xi32>,
        %get3A_1788 = vector.shape_cast %get3A_1787 : vector<1xi32> to vector<1xi32>
        %squeeze3A_1789 = vector.extract %get3A_1788[0] : i32 from vector<1xi32>
        %add3A_1790 = arith.constant 7 : i32
        %add3A_1791 = arith.addi %squeeze3A_1789, %add3A_1790 : i32
        %jit3A_1792 = arith.constant 8 : i32
        %div3A_1793 = arith.divsi %add3A_1791, %jit3A_1792 : i32
        %sign3A_1794 = arith.constant 0 : i32
        %sign3A_1795 = arith.cmpi sgt, %add3A_1791, %sign3A_1794 : i32
        %sign3A_1796 = arith.extui %sign3A_1795 : i1 to i32
        %sign3A_1797 = arith.constant 0 : i32
        %sign3A_1798 = arith.cmpi slt, %add3A_1791, %sign3A_1797 : i32
        %sign3A_1799 = arith.extui %sign3A_1798 : i1 to i32
        %sign3A_1800 = arith.subi %sign3A_1796, %sign3A_1799 : i32
        %sign3A_1801 = arith.constant 0 : i32
        %sign3A_1802 = arith.cmpi sgt, %jit3A_1792, %sign3A_1801 : i32
        %sign3A_1803 = arith.extui %sign3A_1802 : i1 to i32
        %sign3A_1804 = arith.constant 0 : i32
        %sign3A_1805 = arith.cmpi slt, %jit3A_1792, %sign3A_1804 : i32
        %sign3A_1806 = arith.extui %sign3A_1805 : i1 to i32
        %sign3A_1807 = arith.subi %sign3A_1803, %sign3A_1806 : i32
        %ne3A_1808 = arith.cmpi ne, %sign3A_1800, %sign3A_1807 : i32
        %rem3A_1809 = arith.remsi %add3A_1791, %jit3A_1792 : i32
        %ne3A_1810 = arith.constant 0 : i32
        %ne3A_1811 = arith.cmpi ne, %rem3A_1809, %ne3A_1810 : i32
        %and3A_1812 = arith.andi %ne3A_1808, %ne3A_1811 : i1
        %sub3A_1813 = arith.constant 1 : i32
        %sub3A_1814 = arith.subi %div3A_1793, %sub3A_1813 : i32
        %select_n3A_1815 = arith.select %and3A_1812, %sub3A_1814, %div3A_1793 : i32
        %while3A_1816 = arith.constant 0 : i32
        %while3A_1817 = arith.constant 0 : i32
        %while3A_1818 = arith.subi %select_n3A_1815, %while3A_1817 : i32
        %while3A_1819 = arith.addi %while3A_1817, %while3A_1818 : i32
        %while3A_1820 = arith.constant 1 : i32
        %while3A_1821 = arith.divsi %while3A_1818, %while3A_1820 : i32
        %while3A_1822 = arith.muli %while3A_1821, %while3A_1820 : i32
        %while3A_1823 = arith.addi %while3A_1817, %while3A_1822 : i32
        %while3A_1824 = arith.constant 1 : i32
        scf.for %while3A_1826 = %while3A_1817 to %while3A_1823 step %while3A_1824  : i32 {
          %jit3A_1827 = arith.constant 26 : i32
          %div3A_1828 = arith.divsi %add3A_1785, %jit3A_1827 : i32
          %sign3A_1829 = arith.constant 0 : i32
          %sign3A_1830 = arith.cmpi sgt, %add3A_1785, %sign3A_1829 : i32
          %sign3A_1831 = arith.extui %sign3A_1830 : i1 to i32
          %sign3A_1832 = arith.constant 0 : i32
          %sign3A_1833 = arith.cmpi slt, %add3A_1785, %sign3A_1832 : i32
          %sign3A_1834 = arith.extui %sign3A_1833 : i1 to i32
          %sign3A_1835 = arith.subi %sign3A_1831, %sign3A_1834 : i32
          %sign3A_1836 = arith.constant 0 : i32
          %sign3A_1837 = arith.cmpi sgt, %jit3A_1827, %sign3A_1836 : i32
          %sign3A_1838 = arith.extui %sign3A_1837 : i1 to i32
          %sign3A_1839 = arith.constant 0 : i32
          %sign3A_1840 = arith.cmpi slt, %jit3A_1827, %sign3A_1839 : i32
          %sign3A_1841 = arith.extui %sign3A_1840 : i1 to i32
          %sign3A_1842 = arith.subi %sign3A_1838, %sign3A_1841 : i32
          %ne3A_1843 = arith.cmpi ne, %sign3A_1835, %sign3A_1842 : i32
          %rem3A_1844 = arith.remsi %add3A_1785, %jit3A_1827 : i32
          %ne3A_1845 = arith.constant 0 : i32
          %ne3A_1846 = arith.cmpi ne, %rem3A_1844, %ne3A_1845 : i32
          %and3A_1847 = arith.andi %ne3A_1843, %ne3A_1846 : i1
          %sub3A_1848 = arith.constant 1 : i32
          %sub3A_1849 = arith.subi %div3A_1828, %sub3A_1848 : i32
          %select_n3A_1850 = arith.select %and3A_1847, %sub3A_1849, %div3A_1828 : i32
          %rem3A_1851 = arith.constant 26 : i32
          %rem3A_1852 = arith.remsi %add3A_1785, %rem3A_1851 : i32
          %mul3A_1853 = arith.constant 8 : i32
          %mul3A_1854 = arith.muli %while3A_1826, %mul3A_1853 : i32
          %dma_start3A = arith.constant 0 : i32
          %dma_start3A_1855 = arith.constant 0 : i32
          %dma_start3A_1856 = tpu.memref_slice %arg8[%sub3A_1782, %while3A_1826, %dma_start3A, %dma_start3A_1855] : memref<2x7x8x768xf32, #tpu.memory_space<vmem>> -> memref<1x1x8x768xf32, #tpu.memory_space<vmem>>
          %dma_start3A_1857 = tpu.memref_squeeze %dma_start3A_1856 : memref<1x1x8x768xf32, #tpu.memory_space<vmem>> -> memref<8x768xf32, #tpu.memory_space<vmem>>
          %dma_start3A_1858 = arith.constant 0 : i32
          %dma_start3A_1859 = tpu.memref_slice %arg2[%select_n3A_1850, %rem3A_1852, %mul3A_1854, %dma_start3A_1858] : memref<64x26x50x768xf32, #tpu.memory_space<hbm>> -> memref<1x1x8x768xf32, #tpu.memory_space<hbm>>
          %dma_start3A_1860 = tpu.memref_squeeze %dma_start3A_1859 : memref<1x1x8x768xf32, #tpu.memory_space<hbm>> -> memref<8x768xf32, #tpu.memory_space<hbm>>
          %dma_start3A_1861 = arith.constant 0 : i32
          %dma_start3A_1862 = arith.constant 0 : i32
          %dma_start3A_1863 = tpu.memref_slice %arg8[%sub3A_1782, %while3A_1826, %dma_start3A_1861, %dma_start3A_1862] : memref<2x7x8x768xf32, #tpu.memory_space<vmem>> -> memref<1x1x8x768xf32, #tpu.memory_space<vmem>>
          %dma_start3A_1864 = tpu.memref_squeeze %dma_start3A_1863 : memref<1x1x8x768xf32, #tpu.memory_space<vmem>> -> memref<8x768xf32, #tpu.memory_space<vmem>>
          %dma_start3A_1865 = arith.constant 0 : i32
          %dma_start3A_1866 = tpu.memref_slice %arg2[%select_n3A_1850, %rem3A_1852, %mul3A_1854, %dma_start3A_1865] : memref<64x26x50x768xf32, #tpu.memory_space<hbm>> -> memref<1x1x8x768xf32, #tpu.memory_space<hbm>>
          %dma_start3A_1867 = tpu.memref_squeeze %dma_start3A_1866 : memref<1x1x8x768xf32, #tpu.memory_space<hbm>> -> memref<8x768xf32, #tpu.memory_space<hbm>>
          tpu.enqueue_dma source(%dma_start3A_1867 : memref<8x768xf32, #tpu.memory_space<hbm>>) target(%dma_start3A_1864 : memref<8x768xf32, #tpu.memory_space<vmem>>) target_semaphore(%arg12 : memref<!tpu.dma_semaphore, #tpu.memory_space<semaphore_mem>>)
        }
        %while3A_1825 = arith.constant 1 : i32
        scf.for %while3A_1826 = %while3A_1823 to %while3A_1819 step %while3A_1825  : i32 {
          %jit3A_1827 = arith.constant 26 : i32
          %div3A_1828 = arith.divsi %add3A_1785, %jit3A_1827 : i32
          %sign3A_1829 = arith.constant 0 : i32
          %sign3A_1830 = arith.cmpi sgt, %add3A_1785, %sign3A_1829 : i32
          %sign3A_1831 = arith.extui %sign3A_1830 : i1 to i32
          %sign3A_1832 = arith.constant 0 : i32
          %sign3A_1833 = arith.cmpi slt, %add3A_1785, %sign3A_1832 : i32
          %sign3A_1834 = arith.extui %sign3A_1833 : i1 to i32
          %sign3A_1835 = arith.subi %sign3A_1831, %sign3A_1834 : i32
          %sign3A_1836 = arith.constant 0 : i32
          %sign3A_1837 = arith.cmpi sgt, %jit3A_1827, %sign3A_1836 : i32
          %sign3A_1838 = arith.extui %sign3A_1837 : i1 to i32
          %sign3A_1839 = arith.constant 0 : i32
          %sign3A_1840 = arith.cmpi slt, %jit3A_1827, %sign3A_1839 : i32
          %sign3A_1841 = arith.extui %sign3A_1840 : i1 to i32
          %sign3A_1842 = arith.subi %sign3A_1838, %sign3A_1841 : i32
          %ne3A_1843 = arith.cmpi ne, %sign3A_1835, %sign3A_1842 : i32
          %rem3A_1844 = arith.remsi %add3A_1785, %jit3A_1827 : i32
          %ne3A_1845 = arith.constant 0 : i32
          %ne3A_1846 = arith.cmpi ne, %rem3A_1844, %ne3A_1845 : i32
          %and3A_1847 = arith.andi %ne3A_1843, %ne3A_1846 : i1
          %sub3A_1848 = arith.constant 1 : i32
          %sub3A_1849 = arith.subi %div3A_1828, %sub3A_1848 : i32
          %select_n3A_1850 = arith.select %and3A_1847, %sub3A_1849, %div3A_1828 : i32
          %rem3A_1851 = arith.constant 26 : i32
          %rem3A_1852 = arith.remsi %add3A_1785, %rem3A_1851 : i32
          %mul3A_1853 = arith.constant 8 : i32
          %mul3A_1854 = arith.muli %while3A_1826, %mul3A_1853 : i32
          %dma_start3A = arith.constant 0 : i32
          %dma_start3A_1855 = arith.constant 0 : i32
          %dma_start3A_1856 = tpu.memref_slice %arg8[%sub3A_1782, %while3A_1826, %dma_start3A, %dma_start3A_1855] : memref<2x7x8x768xf32, #tpu.memory_space<vmem>> -> memref<1x1x8x768xf32, #tpu.memory_space<vmem>>
          %dma_start3A_1857 = tpu.memref_squeeze %dma_start3A_1856 : memref<1x1x8x768xf32, #tpu.memory_space<vmem>> -> memref<8x768xf32, #tpu.memory_space<vmem>>
          %dma_start3A_1858 = arith.constant 0 : i32
          %dma_start3A_1859 = tpu.memref_slice %arg2[%select_n3A_1850, %rem3A_1852, %mul3A_1854, %dma_start3A_1858] : memref<64x26x50x768xf32, #tpu.memory_space<hbm>> -> memref<1x1x8x768xf32, #tpu.memory_space<hbm>>
          %dma_start3A_1860 = tpu.memref_squeeze %dma_start3A_1859 : memref<1x1x8x768xf32, #tpu.memory_space<hbm>> -> memref<8x768xf32, #tpu.memory_space<hbm>>
          %dma_start3A_1861 = arith.constant 0 : i32
          %dma_start3A_1862 = arith.constant 0 : i32
          %dma_start3A_1863 = tpu.memref_slice %arg8[%sub3A_1782, %while3A_1826, %dma_start3A_1861, %dma_start3A_1862] : memref<2x7x8x768xf32, #tpu.memory_space<vmem>> -> memref<1x1x8x768xf32, #tpu.memory_space<vmem>>
          %dma_start3A_1864 = tpu.memref_squeeze %dma_start3A_1863 : memref<1x1x8x768xf32, #tpu.memory_space<vmem>> -> memref<8x768xf32, #tpu.memory_space<vmem>>
          %dma_start3A_1865 = arith.constant 0 : i32
          %dma_start3A_1866 = tpu.memref_slice %arg2[%select_n3A_1850, %rem3A_1852, %mul3A_1854, %dma_start3A_1865] : memref<64x26x50x768xf32, #tpu.memory_space<hbm>> -> memref<1x1x8x768xf32, #tpu.memory_space<hbm>>
          %dma_start3A_1867 = tpu.memref_squeeze %dma_start3A_1866 : memref<1x1x8x768xf32, #tpu.memory_space<hbm>> -> memref<8x768xf32, #tpu.memory_space<hbm>>
          tpu.enqueue_dma source(%dma_start3A_1867 : memref<8x768xf32, #tpu.memory_space<hbm>>) target(%dma_start3A_1864 : memref<8x768xf32, #tpu.memory_space<vmem>>) target_semaphore(%arg12 : memref<!tpu.dma_semaphore, #tpu.memory_space<semaphore_mem>>)
        }
        scf.yield %select_n3A_1815 : i32
      } else {
        %cond3A_1779 = arith.constant 0 : i32
        scf.yield %cond3A_1779 : i32
      }
      %mul3A_48 = arith.constant 52 : i32
      %mul3A_49 = arith.muli %add3A, %mul3A_48 : i32
      %add3A_50 = arith.addi %mul3A_49, %scan3A_39 : i32
      %while3A_51 = arith.constant 0 : i32
      %while3A_52 = arith.constant 0 : i32
      %while3A_53 = arith.subi %scan3A_40, %while3A_52 : i32
      %while3A_54 = arith.addi %while3A_52, %while3A_53 : i32
      %while3A_55 = arith.constant 1 : i32
      %while3A_56 = arith.divsi %while3A_53, %while3A_55 : i32
      %while3A_57 = arith.muli %while3A_56, %while3A_55 : i32
      %while3A_58 = arith.addi %while3A_52, %while3A_57 : i32
      %while3A_59 = arith.constant 1 : i32
      scf.for %while3A_1779 = %while3A_52 to %while3A_58 step %while3A_59  : i32 {
        %jit3A_1780 = arith.constant 26 : i32
        %div3A_1781 = arith.divsi %add3A_50, %jit3A_1780 : i32
        %sign3A_1782 = arith.constant 0 : i32
        %sign3A_1783 = arith.cmpi sgt, %add3A_50, %sign3A_1782 : i32
        %sign3A_1784 = arith.extui %sign3A_1783 : i1 to i32
        %sign3A_1785 = arith.constant 0 : i32
        %sign3A_1786 = arith.cmpi slt, %add3A_50, %sign3A_1785 : i32
        %sign3A_1787 = arith.extui %sign3A_1786 : i1 to i32
        %sign3A_1788 = arith.subi %sign3A_1784, %sign3A_1787 : i32
        %sign3A_1789 = arith.constant 0 : i32
        %sign3A_1790 = arith.cmpi sgt, %jit3A_1780, %sign3A_1789 : i32
        %sign3A_1791 = arith.extui %sign3A_1790 : i1 to i32
        %sign3A_1792 = arith.constant 0 : i32
        %sign3A_1793 = arith.cmpi slt, %jit3A_1780, %sign3A_1792 : i32
        %sign3A_1794 = arith.extui %sign3A_1793 : i1 to i32
        %sign3A_1795 = arith.subi %sign3A_1791, %sign3A_1794 : i32
        %ne3A_1796 = arith.cmpi ne, %sign3A_1788, %sign3A_1795 : i32
        %rem3A_1797 = arith.remsi %add3A_50, %jit3A_1780 : i32
        %ne3A_1798 = arith.constant 0 : i32
        %ne3A_1799 = arith.cmpi ne, %rem3A_1797, %ne3A_1798 : i32
        %and3A_1800 = arith.andi %ne3A_1796, %ne3A_1799 : i1
        %sub3A_1801 = arith.constant 1 : i32
        %sub3A_1802 = arith.subi %div3A_1781, %sub3A_1801 : i32
        %select_n3A_1803 = arith.select %and3A_1800, %sub3A_1802, %div3A_1781 : i32
        %rem3A_1804 = arith.constant 26 : i32
        %rem3A_1805 = arith.remsi %add3A_50, %rem3A_1804 : i32
        %mul3A_1806 = arith.constant 8 : i32
        %mul3A_1807 = arith.muli %while3A_1779, %mul3A_1806 : i32
        %dma_wait3A = arith.constant 0 : i32
        %dma_wait3A_1808 = arith.constant 0 : i32
        %dma_wait3A_1809 = tpu.memref_slice %arg8[%rem3A_42, %while3A_1779, %dma_wait3A, %dma_wait3A_1808] : memref<2x7x8x768xf32, #tpu.memory_space<vmem>> -> memref<1x1x8x768xf32, #tpu.memory_space<vmem>>
        %dma_wait3A_1810 = tpu.memref_squeeze %dma_wait3A_1809 : memref<1x1x8x768xf32, #tpu.memory_space<vmem>> -> memref<8x768xf32, #tpu.memory_space<vmem>>
        %dma_wait3A_1811 = arith.constant 0 : i32
        %dma_wait3A_1812 = tpu.memref_slice %arg2[%select_n3A_1803, %rem3A_1805, %mul3A_1807, %dma_wait3A_1811] : memref<64x26x50x768xf32, #tpu.memory_space<hbm>> -> memref<1x1x8x768xf32, #tpu.memory_space<hbm>>
        %dma_wait3A_1813 = tpu.memref_squeeze %dma_wait3A_1812 : memref<1x1x8x768xf32, #tpu.memory_space<hbm>> -> memref<8x768xf32, #tpu.memory_space<hbm>>
        %dma_wait3A_1814 = arith.constant 0 : i32
        %dma_wait3A_1815 = arith.constant 0 : i32
        %dma_wait3A_1816 = tpu.memref_slice %arg8[%rem3A_42, %while3A_1779, %dma_wait3A_1814, %dma_wait3A_1815] : memref<2x7x8x768xf32, #tpu.memory_space<vmem>> -> memref<1x1x8x768xf32, #tpu.memory_space<vmem>>
        %dma_wait3A_1817 = tpu.memref_squeeze %dma_wait3A_1816 : memref<1x1x8x768xf32, #tpu.memory_space<vmem>> -> memref<8x768xf32, #tpu.memory_space<vmem>>
        %dma_wait3A_1818 = arith.constant 0 : i32
        %dma_wait3A_1819 = tpu.memref_slice %arg2[%select_n3A_1803, %rem3A_1805, %mul3A_1807, %dma_wait3A_1818] : memref<64x26x50x768xf32, #tpu.memory_space<hbm>> -> memref<1x1x8x768xf32, #tpu.memory_space<hbm>>
        %dma_wait3A_1820 = tpu.memref_squeeze %dma_wait3A_1819 : memref<1x1x8x768xf32, #tpu.memory_space<hbm>> -> memref<8x768xf32, #tpu.memory_space<hbm>>
        tpu.wait_dma2 semaphore(%arg12 : memref<!tpu.dma_semaphore, #tpu.memory_space<semaphore_mem>>) src(%dma_wait3A_1820 : memref<8x768xf32, #tpu.memory_space<hbm>>) dst(%dma_wait3A_1817 : memref<8x768xf32, #tpu.memory_space<vmem>>)
      }
      %while3A_60 = arith.constant 1 : i32
      scf.for %while3A_1779 = %while3A_58 to %while3A_54 step %while3A_60  : i32 {
        %jit3A_1780 = arith.constant 26 : i32
        %div3A_1781 = arith.divsi %add3A_50, %jit3A_1780 : i32
        %sign3A_1782 = arith.constant 0 : i32
        %sign3A_1783 = arith.cmpi sgt, %add3A_50, %sign3A_1782 : i32
        %sign3A_1784 = arith.extui %sign3A_1783 : i1 to i32
        %sign3A_1785 = arith.constant 0 : i32
        %sign3A_1786 = arith.cmpi slt, %add3A_50, %sign3A_1785 : i32
        %sign3A_1787 = arith.extui %sign3A_1786 : i1 to i32
        %sign3A_1788 = arith.subi %sign3A_1784, %sign3A_1787 : i32
        %sign3A_1789 = arith.constant 0 : i32
        %sign3A_1790 = arith.cmpi sgt, %jit3A_1780, %sign3A_1789 : i32
        %sign3A_1791 = arith.extui %sign3A_1790 : i1 to i32
        %sign3A_1792 = arith.constant 0 : i32
        %sign3A_1793 = arith.cmpi slt, %jit3A_1780, %sign3A_1792 : i32
        %sign3A_1794 = arith.extui %sign3A_1793 : i1 to i32
        %sign3A_1795 = arith.subi %sign3A_1791, %sign3A_1794 : i32
        %ne3A_1796 = arith.cmpi ne, %sign3A_1788, %sign3A_1795 : i32
        %rem3A_1797 = arith.remsi %add3A_50, %jit3A_1780 : i32
        %ne3A_1798 = arith.constant 0 : i32
        %ne3A_1799 = arith.cmpi ne, %rem3A_1797, %ne3A_1798 : i32
        %and3A_1800 = arith.andi %ne3A_1796, %ne3A_1799 : i1
        %sub3A_1801 = arith.constant 1 : i32
        %sub3A_1802 = arith.subi %div3A_1781, %sub3A_1801 : i32
        %select_n3A_1803 = arith.select %and3A_1800, %sub3A_1802, %div3A_1781 : i32
        %rem3A_1804 = arith.constant 26 : i32
        %rem3A_1805 = arith.remsi %add3A_50, %rem3A_1804 : i32
        %mul3A_1806 = arith.constant 8 : i32
        %mul3A_1807 = arith.muli %while3A_1779, %mul3A_1806 : i32
        %dma_wait3A = arith.constant 0 : i32
        %dma_wait3A_1808 = arith.constant 0 : i32
        %dma_wait3A_1809 = tpu.memref_slice %arg8[%rem3A_42, %while3A_1779, %dma_wait3A, %dma_wait3A_1808] : memref<2x7x8x768xf32, #tpu.memory_space<vmem>> -> memref<1x1x8x768xf32, #tpu.memory_space<vmem>>
        %dma_wait3A_1810 = tpu.memref_squeeze %dma_wait3A_1809 : memref<1x1x8x768xf32, #tpu.memory_space<vmem>> -> memref<8x768xf32, #tpu.memory_space<vmem>>
        %dma_wait3A_1811 = arith.constant 0 : i32
        %dma_wait3A_1812 = tpu.memref_slice %arg2[%select_n3A_1803, %rem3A_1805, %mul3A_1807, %dma_wait3A_1811] : memref<64x26x50x768xf32, #tpu.memory_space<hbm>> -> memref<1x1x8x768xf32, #tpu.memory_space<hbm>>
        %dma_wait3A_1813 = tpu.memref_squeeze %dma_wait3A_1812 : memref<1x1x8x768xf32, #tpu.memory_space<hbm>> -> memref<8x768xf32, #tpu.memory_space<hbm>>
        %dma_wait3A_1814 = arith.constant 0 : i32
        %dma_wait3A_1815 = arith.constant 0 : i32
        %dma_wait3A_1816 = tpu.memref_slice %arg8[%rem3A_42, %while3A_1779, %dma_wait3A_1814, %dma_wait3A_1815] : memref<2x7x8x768xf32, #tpu.memory_space<vmem>> -> memref<1x1x8x768xf32, #tpu.memory_space<vmem>>
        %dma_wait3A_1817 = tpu.memref_squeeze %dma_wait3A_1816 : memref<1x1x8x768xf32, #tpu.memory_space<vmem>> -> memref<8x768xf32, #tpu.memory_space<vmem>>
        %dma_wait3A_1818 = arith.constant 0 : i32
        %dma_wait3A_1819 = tpu.memref_slice %arg2[%select_n3A_1803, %rem3A_1805, %mul3A_1807, %dma_wait3A_1818] : memref<64x26x50x768xf32, #tpu.memory_space<hbm>> -> memref<1x1x8x768xf32, #tpu.memory_space<hbm>>
        %dma_wait3A_1820 = tpu.memref_squeeze %dma_wait3A_1819 : memref<1x1x8x768xf32, #tpu.memory_space<hbm>> -> memref<8x768xf32, #tpu.memory_space<hbm>>
        tpu.wait_dma2 semaphore(%arg12 : memref<!tpu.dma_semaphore, #tpu.memory_space<semaphore_mem>>) src(%dma_wait3A_1820 : memref<8x768xf32, #tpu.memory_space<hbm>>) dst(%dma_wait3A_1817 : memref<8x768xf32, #tpu.memory_space<vmem>>)
      }
      %mul3A_61 = arith.constant 52 : i32
      %mul3A_62 = arith.muli %add3A, %mul3A_61 : i32
      %add3A_63 = arith.addi %mul3A_62, %scan3A_39 : i32
      %get3A_64 = arith.index_cast %add3A_63 : i32 to index
      %get3A_65 = tpu.vector_load %arg7[%get3A_64] {strides = array<i32>} : memref<1664xi32, #tpu.memory_space<vmem>>, vector<1xi32>,
      %get3A_66 = vector.shape_cast %get3A_65 : vector<1xi32> to vector<1xi32>
      %squeeze3A_67 = vector.extract %get3A_66[0] : i32 from vector<1xi32>
      %broadcast_in_dim3A = arith.constant 1.10517097 : f32
      %broadcast_in_dim3A_68 = vector.broadcast %broadcast_in_dim3A : f32 to vector<16xf32>
      %broadcast_in_dim3A_69 = arith.constant 0.00744658289 : f32
      %broadcast_in_dim3A_70 = vector.broadcast %broadcast_in_dim3A_69 : f32 to vector<16xf32>
      %broadcast_in_dim3A_71 = arith.constant 0.000000e+00 : f32
      %broadcast_in_dim3A_72 = vector.broadcast %broadcast_in_dim3A_71 : f32 to vector<16xf32>
      %while3A_73 = arith.constant 0 : i32
      %while3A_74 = arith.subi %squeeze3A_67, %while3A_73 : i32
      %while3A_75 = arith.addi %while3A_73, %while3A_74 : i32
      %while3A_76 = arith.constant 1 : i32
      %while3A_77 = arith.divsi %while3A_74, %while3A_76 : i32
      %while3A_78 = arith.muli %while3A_77, %while3A_76 : i32
      %while3A_79 = arith.addi %while3A_73, %while3A_78 : i32
      %while3A_80 = arith.constant 1 : i32
      %while3A_81:17 = scf.for %while3A_1779 = %while3A_73 to %while3A_79 step %while3A_80 iter_args(%while3A_1780 = %broadcast_in_dim3A_72, %while3A_1781 = %broadcast_in_dim3A_72, %while3A_1782 = %broadcast_in_dim3A_72, %while3A_1783 = %broadcast_in_dim3A_72, %while3A_1784 = %broadcast_in_dim3A_72, %while3A_1785 = %broadcast_in_dim3A_72, %while3A_1786 = %broadcast_in_dim3A_72, %while3A_1787 = %broadcast_in_dim3A_72, %while3A_1788 = %broadcast_in_dim3A_72, %while3A_1789 = %broadcast_in_dim3A_72, %while3A_1790 = %broadcast_in_dim3A_72, %while3A_1791 = %broadcast_in_dim3A_72, %while3A_1792 = %broadcast_in_dim3A_72, %while3A_1793 = %broadcast_in_dim3A_72, %while3A_1794 = %broadcast_in_dim3A_72, %while3A_1795 = %broadcast_in_dim3A_72, %while3A_1796 = %broadcast_in_dim3A_70) -> (vector<16xf32>, vector<16xf32>, vector<16xf32>, vector<16xf32>, vector<16xf32>, vector<16xf32>, vector<16xf32>, vector<16xf32>, vector<16xf32>, vector<16xf32>, vector<16xf32>, vector<16xf32>, vector<16xf32>, vector<16xf32>, vector<16xf32>, vector<16xf32>, vector<16xf32>)  : i32 {
        %jit3A_1797 = arith.constant 8 : i32
        %div3A_1798 = arith.divsi %while3A_1779, %jit3A_1797 : i32
        %sign3A_1799 = arith.constant 0 : i32
        %sign3A_1800 = arith.cmpi sgt, %while3A_1779, %sign3A_1799 : i32
        %sign3A_1801 = arith.extui %sign3A_1800 : i1 to i32
        %sign3A_1802 = arith.constant 0 : i32
        %sign3A_1803 = arith.cmpi slt, %while3A_1779, %sign3A_1802 : i32
        %sign3A_1804 = arith.extui %sign3A_1803 : i1 to i32
        %sign3A_1805 = arith.subi %sign3A_1801, %sign3A_1804 : i32
        %sign3A_1806 = arith.constant 0 : i32
        %sign3A_1807 = arith.cmpi sgt, %jit3A_1797, %sign3A_1806 : i32
        %sign3A_1808 = arith.extui %sign3A_1807 : i1 to i32
        %sign3A_1809 = arith.constant 0 : i32
        %sign3A_1810 = arith.cmpi slt, %jit3A_1797, %sign3A_1809 : i32
        %sign3A_1811 = arith.extui %sign3A_1810 : i1 to i32
        %sign3A_1812 = arith.subi %sign3A_1808, %sign3A_1811 : i32
        %ne3A_1813 = arith.cmpi ne, %sign3A_1805, %sign3A_1812 : i32
        %rem3A_1814 = arith.remsi %while3A_1779, %jit3A_1797 : i32
        %ne3A_1815 = arith.constant 0 : i32
        %ne3A_1816 = arith.cmpi ne, %rem3A_1814, %ne3A_1815 : i32
        %and3A_1817 = arith.andi %ne3A_1813, %ne3A_1816 : i1
        %sub3A_1818 = arith.constant 1 : i32
        %sub3A_1819 = arith.subi %div3A_1798, %sub3A_1818 : i32
        %select_n3A_1820 = arith.select %and3A_1817, %sub3A_1819, %div3A_1798 : i32
        %mul3A_1821 = arith.constant 8 : i32
        %mul3A_1822 = arith.muli %select_n3A_1820, %mul3A_1821 : i32
        %sub3A_1823 = arith.subi %while3A_1779, %mul3A_1822 : i32
        %get3A_1824 = arith.index_cast %rem3A_42 : i32 to index
        %get3A_1825 = arith.index_cast %select_n3A_1820 : i32 to index
        %get3A_1826 = arith.index_cast %sub3A_1823 : i32 to index
        %get3A_1827 = arith.constant 0 : index
        %get3A_1828 = tpu.vector_load %arg8[%get3A_1824, %get3A_1825, %get3A_1826, %get3A_1827] {strides = array<i32>} : memref<2x7x8x768xf32, #tpu.memory_space<vmem>>, vector<1x1x1x16xf32>,
        %get3A_1829 = vector.shape_cast %get3A_1828 : vector<1x1x1x16xf32> to vector<16xf32>
        %mul3A_1830 = arith.mulf %get3A_1829, %while3A_1796 : vector<16xf32>
        %add3A_1831 = arith.addf %while3A_1780, %mul3A_1830 : vector<16xf32>
        %get3A_1832 = arith.index_cast %rem3A_42 : i32 to index
        %get3A_1833 = arith.index_cast %select_n3A_1820 : i32 to index
        %get3A_1834 = arith.index_cast %sub3A_1823 : i32 to index
        %get3A_1835 = arith.constant 16 : index
        %get3A_1836 = tpu.vector_load %arg8[%get3A_1832, %get3A_1833, %get3A_1834, %get3A_1835] {strides = array<i32>} : memref<2x7x8x768xf32, #tpu.memory_space<vmem>>, vector<1x1x1x16xf32>,
        %get3A_1837 = vector.shape_cast %get3A_1836 : vector<1x1x1x16xf32> to vector<16xf32>
        %mul3A_1838 = arith.mulf %get3A_1837, %while3A_1796 : vector<16xf32>
        %add3A_1839 = arith.addf %while3A_1781, %mul3A_1838 : vector<16xf32>
        %get3A_1840 = arith.index_cast %rem3A_42 : i32 to index
        %get3A_1841 = arith.index_cast %select_n3A_1820 : i32 to index
        %get3A_1842 = arith.index_cast %sub3A_1823 : i32 to index
        %get3A_1843 = arith.constant 32 : index
        %get3A_1844 = tpu.vector_load %arg8[%get3A_1840, %get3A_1841, %get3A_1842, %get3A_1843] {strides = array<i32>} : memref<2x7x8x768xf32, #tpu.memory_space<vmem>>, vector<1x1x1x16xf32>,
        %get3A_1845 = vector.shape_cast %get3A_1844 : vector<1x1x1x16xf32> to vector<16xf32>
        %mul3A_1846 = arith.mulf %get3A_1845, %while3A_1796 : vector<16xf32>
        %add3A_1847 = arith.addf %while3A_1782, %mul3A_1846 : vector<16xf32>
        %get3A_1848 = arith.index_cast %rem3A_42 : i32 to index
        %get3A_1849 = arith.index_cast %select_n3A_1820 : i32 to index
        %get3A_1850 = arith.index_cast %sub3A_1823 : i32 to index
        %get3A_1851 = arith.constant 48 : index
        %get3A_1852 = tpu.vector_load %arg8[%get3A_1848, %get3A_1849, %get3A_1850, %get3A_1851] {strides = array<i32>} : memref<2x7x8x768xf32, #tpu.memory_space<vmem>>, vector<1x1x1x16xf32>,
        %get3A_1853 = vector.shape_cast %get3A_1852 : vector<1x1x1x16xf32> to vector<16xf32>
        %mul3A_1854 = arith.mulf %get3A_1853, %while3A_1796 : vector<16xf32>
        %add3A_1855 = arith.addf %while3A_1783, %mul3A_1854 : vector<16xf32>
        %get3A_1856 = arith.index_cast %rem3A_42 : i32 to index
        %get3A_1857 = arith.index_cast %select_n3A_1820 : i32 to index
        %get3A_1858 = arith.index_cast %sub3A_1823 : i32 to index
        %get3A_1859 = arith.constant 64 : index
        %get3A_1860 = tpu.vector_load %arg8[%get3A_1856, %get3A_1857, %get3A_1858, %get3A_1859] {strides = array<i32>} : memref<2x7x8x768xf32, #tpu.memory_space<vmem>>, vector<1x1x1x16xf32>,
        %get3A_1861 = vector.shape_cast %get3A_1860 : vector<1x1x1x16xf32> to vector<16xf32>
        %mul3A_1862 = arith.mulf %get3A_1861, %while3A_1796 : vector<16xf32>
        %add3A_1863 = arith.addf %while3A_1784, %mul3A_1862 : vector<16xf32>
        %get3A_1864 = arith.index_cast %rem3A_42 : i32 to index
        %get3A_1865 = arith.index_cast %select_n3A_1820 : i32 to index
        %get3A_1866 = arith.index_cast %sub3A_1823 : i32 to index
        %get3A_1867 = arith.constant 80 : index
        %get3A_1868 = tpu.vector_load %arg8[%get3A_1864, %get3A_1865, %get3A_1866, %get3A_1867] {strides = array<i32>} : memref<2x7x8x768xf32, #tpu.memory_space<vmem>>, vector<1x1x1x16xf32>,
        %get3A_1869 = vector.shape_cast %get3A_1868 : vector<1x1x1x16xf32> to vector<16xf32>
        %mul3A_1870 = arith.mulf %get3A_1869, %while3A_1796 : vector<16xf32>
        %add3A_1871 = arith.addf %while3A_1785, %mul3A_1870 : vector<16xf32>
        %get3A_1872 = arith.index_cast %rem3A_42 : i32 to index
        %get3A_1873 = arith.index_cast %select_n3A_1820 : i32 to index
        %get3A_1874 = arith.index_cast %sub3A_1823 : i32 to index
        %get3A_1875 = arith.constant 96 : index
        %get3A_1876 = tpu.vector_load %arg8[%get3A_1872, %get3A_1873, %get3A_1874, %get3A_1875] {strides = array<i32>} : memref<2x7x8x768xf32, #tpu.memory_space<vmem>>, vector<1x1x1x16xf32>,
        %get3A_1877 = vector.shape_cast %get3A_1876 : vector<1x1x1x16xf32> to vector<16xf32>
        %mul3A_1878 = arith.mulf %get3A_1877, %while3A_1796 : vector<16xf32>
        %add3A_1879 = arith.addf %while3A_1786, %mul3A_1878 : vector<16xf32>
        %get3A_1880 = arith.index_cast %rem3A_42 : i32 to index
        %get3A_1881 = arith.index_cast %select_n3A_1820 : i32 to index
        %get3A_1882 = arith.index_cast %sub3A_1823 : i32 to index
        %get3A_1883 = arith.constant 112 : index
        %get3A_1884 = tpu.vector_load %arg8[%get3A_1880, %get3A_1881, %get3A_1882, %get3A_1883] {strides = array<i32>} : memref<2x7x8x768xf32, #tpu.memory_space<vmem>>, vector<1x1x1x16xf32>,
        %get3A_1885 = vector.shape_cast %get3A_1884 : vector<1x1x1x16xf32> to vector<16xf32>
        %mul3A_1886 = arith.mulf %get3A_1885, %while3A_1796 : vector<16xf32>
        %add3A_1887 = arith.addf %while3A_1787, %mul3A_1886 : vector<16xf32>
        %get3A_1888 = arith.index_cast %rem3A_42 : i32 to index
        %get3A_1889 = arith.index_cast %select_n3A_1820 : i32 to index
        %get3A_1890 = arith.index_cast %sub3A_1823 : i32 to index
        %get3A_1891 = arith.constant 128 : index
        %get3A_1892 = tpu.vector_load %arg8[%get3A_1888, %get3A_1889, %get3A_1890, %get3A_1891] {strides = array<i32>} : memref<2x7x8x768xf32, #tpu.memory_space<vmem>>, vector<1x1x1x16xf32>,
        %get3A_1893 = vector.shape_cast %get3A_1892 : vector<1x1x1x16xf32> to vector<16xf32>
        %mul3A_1894 = arith.mulf %get3A_1893, %while3A_1796 : vector<16xf32>
        %add3A_1895 = arith.addf %while3A_1788, %mul3A_1894 : vector<16xf32>
        %get3A_1896 = arith.index_cast %rem3A_42 : i32 to index
        %get3A_1897 = arith.index_cast %select_n3A_1820 : i32 to index
        %get3A_1898 = arith.index_cast %sub3A_1823 : i32 to index
        %get3A_1899 = arith.constant 144 : index
        %get3A_1900 = tpu.vector_load %arg8[%get3A_1896, %get3A_1897, %get3A_1898, %get3A_1899] {strides = array<i32>} : memref<2x7x8x768xf32, #tpu.memory_space<vmem>>, vector<1x1x1x16xf32>,
        %get3A_1901 = vector.shape_cast %get3A_1900 : vector<1x1x1x16xf32> to vector<16xf32>
        %mul3A_1902 = arith.mulf %get3A_1901, %while3A_1796 : vector<16xf32>
        %add3A_1903 = arith.addf %while3A_1789, %mul3A_1902 : vector<16xf32>
        %get3A_1904 = arith.index_cast %rem3A_42 : i32 to index
        %get3A_1905 = arith.index_cast %select_n3A_1820 : i32 to index
        %get3A_1906 = arith.index_cast %sub3A_1823 : i32 to index
        %get3A_1907 = arith.constant 160 : index
        %get3A_1908 = tpu.vector_load %arg8[%get3A_1904, %get3A_1905, %get3A_1906, %get3A_1907] {strides = array<i32>} : memref<2x7x8x768xf32, #tpu.memory_space<vmem>>, vector<1x1x1x16xf32>,
        %get3A_1909 = vector.shape_cast %get3A_1908 : vector<1x1x1x16xf32> to vector<16xf32>
        %mul3A_1910 = arith.mulf %get3A_1909, %while3A_1796 : vector<16xf32>
        %add3A_1911 = arith.addf %while3A_1790, %mul3A_1910 : vector<16xf32>
        %get3A_1912 = arith.index_cast %rem3A_42 : i32 to index
        %get3A_1913 = arith.index_cast %select_n3A_1820 : i32 to index
        %get3A_1914 = arith.index_cast %sub3A_1823 : i32 to index
        %get3A_1915 = arith.constant 176 : index
        %get3A_1916 = tpu.vector_load %arg8[%get3A_1912, %get3A_1913, %get3A_1914, %get3A_1915] {strides = array<i32>} : memref<2x7x8x768xf32, #tpu.memory_space<vmem>>, vector<1x1x1x16xf32>,
        %get3A_1917 = vector.shape_cast %get3A_1916 : vector<1x1x1x16xf32> to vector<16xf32>
        %mul3A_1918 = arith.mulf %get3A_1917, %while3A_1796 : vector<16xf32>
        %add3A_1919 = arith.addf %while3A_1791, %mul3A_1918 : vector<16xf32>
        %get3A_1920 = arith.index_cast %rem3A_42 : i32 to index
        %get3A_1921 = arith.index_cast %select_n3A_1820 : i32 to index
        %get3A_1922 = arith.index_cast %sub3A_1823 : i32 to index
        %get3A_1923 = arith.constant 192 : index
        %get3A_1924 = tpu.vector_load %arg8[%get3A_1920, %get3A_1921, %get3A_1922, %get3A_1923] {strides = array<i32>} : memref<2x7x8x768xf32, #tpu.memory_space<vmem>>, vector<1x1x1x16xf32>,
        %get3A_1925 = vector.shape_cast %get3A_1924 : vector<1x1x1x16xf32> to vector<16xf32>
        %mul3A_1926 = arith.mulf %get3A_1925, %while3A_1796 : vector<16xf32>
        %add3A_1927 = arith.addf %while3A_1792, %mul3A_1926 : vector<16xf32>
        %get3A_1928 = arith.index_cast %rem3A_42 : i32 to index
        %get3A_1929 = arith.index_cast %select_n3A_1820 : i32 to index
        %get3A_1930 = arith.index_cast %sub3A_1823 : i32 to index
        %get3A_1931 = arith.constant 208 : index
        %get3A_1932 = tpu.vector_load %arg8[%get3A_1928, %get3A_1929, %get3A_1930, %get3A_1931] {strides = array<i32>} : memref<2x7x8x768xf32, #tpu.memory_space<vmem>>, vector<1x1x1x16xf32>,
        %get3A_1933 = vector.shape_cast %get3A_1932 : vector<1x1x1x16xf32> to vector<16xf32>
        %mul3A_1934 = arith.mulf %get3A_1933, %while3A_1796 : vector<16xf32>
        %add3A_1935 = arith.addf %while3A_1793, %mul3A_1934 : vector<16xf32>
        %get3A_1936 = arith.index_cast %rem3A_42 : i32 to index
        %get3A_1937 = arith.index_cast %select_n3A_1820 : i32 to index
        %get3A_1938 = arith.index_cast %sub3A_1823 : i32 to index
        %get3A_1939 = arith.constant 224 : index
        %get3A_1940 = tpu.vector_load %arg8[%get3A_1936, %get3A_1937, %get3A_1938, %get3A_1939] {strides = array<i32>} : memref<2x7x8x768xf32, #tpu.memory_space<vmem>>, vector<1x1x1x16xf32>,
        %get3A_1941 = vector.shape_cast %get3A_1940 : vector<1x1x1x16xf32> to vector<16xf32>
        %mul3A_1942 = arith.mulf %get3A_1941, %while3A_1796 : vector<16xf32>
        %add3A_1943 = arith.addf %while3A_1794, %mul3A_1942 : vector<16xf32>
        %get3A_1944 = arith.index_cast %rem3A_42 : i32 to index
        %get3A_1945 = arith.index_cast %select_n3A_1820 : i32 to index
        %get3A_1946 = arith.index_cast %sub3A_1823 : i32 to index
        %get3A_1947 = arith.constant 240 : index
        %get3A_1948 = tpu.vector_load %arg8[%get3A_1944, %get3A_1945, %get3A_1946, %get3A_1947] {strides = array<i32>} : memref<2x7x8x768xf32, #tpu.memory_space<vmem>>, vector<1x1x1x16xf32>,
        %get3A_1949 = vector.shape_cast %get3A_1948 : vector<1x1x1x16xf32> to vector<16xf32>
        %mul3A_1950 = arith.mulf %get3A_1949, %while3A_1796 : vector<16xf32>
        %add3A_1951 = arith.addf %while3A_1795, %mul3A_1950 : vector<16xf32>
        %mul3A_1952 = arith.mulf %while3A_1796, %broadcast_in_dim3A_68 : vector<16xf32>
        scf.yield %add3A_1831, %add3A_1839, %add3A_1847, %add3A_1855, %add3A_1863, %add3A_1871, %add3A_1879, %add3A_1887, %add3A_1895, %add3A_1903, %add3A_1911, %add3A_1919, %add3A_1927, %add3A_1935, %add3A_1943, %add3A_1951, %mul3A_1952 : vector<16xf32>, vector<16xf32>, vector<16xf32>, vector<16xf32>, vector<16xf32>, vector<16xf32>, vector<16xf32>, vector<16xf32>, vector<16xf32>, vector<16xf32>, vector<16xf32>, vector<16xf32>, vector<16xf32>, vector<16xf32>, vector<16xf32>, vector<16xf32>, vector<16xf32>
      }
      %while3A_82 = arith.constant 1 : i32
      %while3A_83:17 = scf.for %while3A_1779 = %while3A_79 to %while3A_75 step %while3A_82 iter_args(%while3A_1780 = %while3A_81#0, %while3A_1781 = %while3A_81#1, %while3A_1782 = %while3A_81#2, %while3A_1783 = %while3A_81#3, %while3A_1784 = %while3A_81#4, %while3A_1785 = %while3A_81#5, %while3A_1786 = %while3A_81#6, %while3A_1787 = %while3A_81#7, %while3A_1788 = %while3A_81#8, %while3A_1789 = %while3A_81#9, %while3A_1790 = %while3A_81#10, %while3A_1791 = %while3A_81#11, %while3A_1792 = %while3A_81#12, %while3A_1793 = %while3A_81#13, %while3A_1794 = %while3A_81#14, %while3A_1795 = %while3A_81#15, %while3A_1796 = %while3A_81#16) -> (vector<16xf32>, vector<16xf32>, vector<16xf32>, vector<16xf32>, vector<16xf32>, vector<16xf32>, vector<16xf32>, vector<16xf32>, vector<16xf32>, vector<16xf32>, vector<16xf32>, vector<16xf32>, vector<16xf32>, vector<16xf32>, vector<16xf32>, vector<16xf32>, vector<16xf32>)  : i32 {
        %jit3A_1797 = arith.constant 8 : i32
        %div3A_1798 = arith.divsi %while3A_1779, %jit3A_1797 : i32
        %sign3A_1799 = arith.constant 0 : i32
        %sign3A_1800 = arith.cmpi sgt, %while3A_1779, %sign3A_1799 : i32
        %sign3A_1801 = arith.extui %sign3A_1800 : i1 to i32
        %sign3A_1802 = arith.constant 0 : i32
        %sign3A_1803 = arith.cmpi slt, %while3A_1779, %sign3A_1802 : i32
        %sign3A_1804 = arith.extui %sign3A_1803 : i1 to i32
        %sign3A_1805 = arith.subi %sign3A_1801, %sign3A_1804 : i32
        %sign3A_1806 = arith.constant 0 : i32
        %sign3A_1807 = arith.cmpi sgt, %jit3A_1797, %sign3A_1806 : i32
        %sign3A_1808 = arith.extui %sign3A_1807 : i1 to i32
        %sign3A_1809 = arith.constant 0 : i32
        %sign3A_1810 = arith.cmpi slt, %jit3A_1797, %sign3A_1809 : i32
        %sign3A_1811 = arith.extui %sign3A_1810 : i1 to i32
        %sign3A_1812 = arith.subi %sign3A_1808, %sign3A_1811 : i32
        %ne3A_1813 = arith.cmpi ne, %sign3A_1805, %sign3A_1812 : i32
        %rem3A_1814 = arith.remsi %while3A_1779, %jit3A_1797 : i32
        %ne3A_1815 = arith.constant 0 : i32
        %ne3A_1816 = arith.cmpi ne, %rem3A_1814, %ne3A_1815 : i32
        %and3A_1817 = arith.andi %ne3A_1813, %ne3A_1816 : i1
        %sub3A_1818 = arith.constant 1 : i32
        %sub3A_1819 = arith.subi %div3A_1798, %sub3A_1818 : i32
        %select_n3A_1820 = arith.select %and3A_1817, %sub3A_1819, %div3A_1798 : i32
        %mul3A_1821 = arith.constant 8 : i32
        %mul3A_1822 = arith.muli %select_n3A_1820, %mul3A_1821 : i32
        %sub3A_1823 = arith.subi %while3A_1779, %mul3A_1822 : i32
        %get3A_1824 = arith.index_cast %rem3A_42 : i32 to index
        %get3A_1825 = arith.index_cast %select_n3A_1820 : i32 to index
        %get3A_1826 = arith.index_cast %sub3A_1823 : i32 to index
        %get3A_1827 = arith.constant 0 : index
        %get3A_1828 = tpu.vector_load %arg8[%get3A_1824, %get3A_1825, %get3A_1826, %get3A_1827] {strides = array<i32>} : memref<2x7x8x768xf32, #tpu.memory_space<vmem>>, vector<1x1x1x16xf32>,
        %get3A_1829 = vector.shape_cast %get3A_1828 : vector<1x1x1x16xf32> to vector<16xf32>
        %mul3A_1830 = arith.mulf %get3A_1829, %while3A_1796 : vector<16xf32>
        %add3A_1831 = arith.addf %while3A_1780, %mul3A_1830 : vector<16xf32>
        %get3A_1832 = arith.index_cast %rem3A_42 : i32 to index
        %get3A_1833 = arith.index_cast %select_n3A_1820 : i32 to index
        %get3A_1834 = arith.index_cast %sub3A_1823 : i32 to index
        %get3A_1835 = arith.constant 16 : index
        %get3A_1836 = tpu.vector_load %arg8[%get3A_1832, %get3A_1833, %get3A_1834, %get3A_1835] {strides = array<i32>} : memref<2x7x8x768xf32, #tpu.memory_space<vmem>>, vector<1x1x1x16xf32>,
        %get3A_1837 = vector.shape_cast %get3A_1836 : vector<1x1x1x16xf32> to vector<16xf32>
        %mul3A_1838 = arith.mulf %get3A_1837, %while3A_1796 : vector<16xf32>
        %add3A_1839 = arith.addf %while3A_1781, %mul3A_1838 : vector<16xf32>
        %get3A_1840 = arith.index_cast %rem3A_42 : i32 to index
        %get3A_1841 = arith.index_cast %select_n3A_1820 : i32 to index
        %get3A_1842 = arith.index_cast %sub3A_1823 : i32 to index
        %get3A_1843 = arith.constant 32 : index
        %get3A_1844 = tpu.vector_load %arg8[%get3A_1840, %get3A_1841, %get3A_1842, %get3A_1843] {strides = array<i32>} : memref<2x7x8x768xf32, #tpu.memory_space<vmem>>, vector<1x1x1x16xf32>,
        %get3A_1845 = vector.shape_cast %get3A_1844 : vector<1x1x1x16xf32> to vector<16xf32>
        %mul3A_1846 = arith.mulf %get3A_1845, %while3A_1796 : vector<16xf32>
        %add3A_1847 = arith.addf %while3A_1782, %mul3A_1846 : vector<16xf32>
        %get3A_1848 = arith.index_cast %rem3A_42 : i32 to index
        %get3A_1849 = arith.index_cast %select_n3A_1820 : i32 to index
        %get3A_1850 = arith.index_cast %sub3A_1823 : i32 to index
        %get3A_1851 = arith.constant 48 : index
        %get3A_1852 = tpu.vector_load %arg8[%get3A_1848, %get3A_1849, %get3A_1850, %get3A_1851] {strides = array<i32>} : memref<2x7x8x768xf32, #tpu.memory_space<vmem>>, vector<1x1x1x16xf32>,
        %get3A_1853 = vector.shape_cast %get3A_1852 : vector<1x1x1x16xf32> to vector<16xf32>
        %mul3A_1854 = arith.mulf %get3A_1853, %while3A_1796 : vector<16xf32>
        %add3A_1855 = arith.addf %while3A_1783, %mul3A_1854 : vector<16xf32>
        %get3A_1856 = arith.index_cast %rem3A_42 : i32 to index
        %get3A_1857 = arith.index_cast %select_n3A_1820 : i32 to index
        %get3A_1858 = arith.index_cast %sub3A_1823 : i32 to index
        %get3A_1859 = arith.constant 64 : index
        %get3A_1860 = tpu.vector_load %arg8[%get3A_1856, %get3A_1857, %get3A_1858, %get3A_1859] {strides = array<i32>} : memref<2x7x8x768xf32, #tpu.memory_space<vmem>>, vector<1x1x1x16xf32>,
        %get3A_1861 = vector.shape_cast %get3A_1860 : vector<1x1x1x16xf32> to vector<16xf32>
        %mul3A_1862 = arith.mulf %get3A_1861, %while3A_1796 : vector<16xf32>
        %add3A_1863 = arith.addf %while3A_1784, %mul3A_1862 : vector<16xf32>
        %get3A_1864 = arith.index_cast %rem3A_42 : i32 to index
        %get3A_1865 = arith.index_cast %select_n3A_1820 : i32 to index
        %get3A_1866 = arith.index_cast %sub3A_1823 : i32 to index
        %get3A_1867 = arith.constant 80 : index
        %get3A_1868 = tpu.vector_load %arg8[%get3A_1864, %get3A_1865, %get3A_1866, %get3A_1867] {strides = array<i32>} : memref<2x7x8x768xf32, #tpu.memory_space<vmem>>, vector<1x1x1x16xf32>,
        %get3A_1869 = vector.shape_cast %get3A_1868 : vector<1x1x1x16xf32> to vector<16xf32>
        %mul3A_1870 = arith.mulf %get3A_1869, %while3A_1796 : vector<16xf32>
        %add3A_1871 = arith.addf %while3A_1785, %mul3A_1870 : vector<16xf32>
        %get3A_1872 = arith.index_cast %rem3A_42 : i32 to index
        %get3A_1873 = arith.index_cast %select_n3A_1820 : i32 to index
        %get3A_1874 = arith.index_cast %sub3A_1823 : i32 to index
        %get3A_1875 = arith.constant 96 : index
        %get3A_1876 = tpu.vector_load %arg8[%get3A_1872, %get3A_1873, %get3A_1874, %get3A_1875] {strides = array<i32>} : memref<2x7x8x768xf32, #tpu.memory_space<vmem>>, vector<1x1x1x16xf32>,
        %get3A_1877 = vector.shape_cast %get3A_1876 : vector<1x1x1x16xf32> to vector<16xf32>
        %mul3A_1878 = arith.mulf %get3A_1877, %while3A_1796 : vector<16xf32>
        %add3A_1879 = arith.addf %while3A_1786, %mul3A_1878 : vector<16xf32>
        %get3A_1880 = arith.index_cast %rem3A_42 : i32 to index
        %get3A_1881 = arith.index_cast %select_n3A_1820 : i32 to index
        %get3A_1882 = arith.index_cast %sub3A_1823 : i32 to index
        %get3A_1883 = arith.constant 112 : index
        %get3A_1884 = tpu.vector_load %arg8[%get3A_1880, %get3A_1881, %get3A_1882, %get3A_1883] {strides = array<i32>} : memref<2x7x8x768xf32, #tpu.memory_space<vmem>>, vector<1x1x1x16xf32>,
        %get3A_1885 = vector.shape_cast %get3A_1884 : vector<1x1x1x16xf32> to vector<16xf32>
        %mul3A_1886 = arith.mulf %get3A_1885, %while3A_1796 : vector<16xf32>
        %add3A_1887 = arith.addf %while3A_1787, %mul3A_1886 : vector<16xf32>
        %get3A_1888 = arith.index_cast %rem3A_42 : i32 to index
        %get3A_1889 = arith.index_cast %select_n3A_1820 : i32 to index
        %get3A_1890 = arith.index_cast %sub3A_1823 : i32 to index
        %get3A_1891 = arith.constant 128 : index
        %get3A_1892 = tpu.vector_load %arg8[%get3A_1888, %get3A_1889, %get3A_1890, %get3A_1891] {strides = array<i32>} : memref<2x7x8x768xf32, #tpu.memory_space<vmem>>, vector<1x1x1x16xf32>,
        %get3A_1893 = vector.shape_cast %get3A_1892 : vector<1x1x1x16xf32> to vector<16xf32>
        %mul3A_1894 = arith.mulf %get3A_1893, %while3A_1796 : vector<16xf32>
        %add3A_1895 = arith.addf %while3A_1788, %mul3A_1894 : vector<16xf32>
        %get3A_1896 = arith.index_cast %rem3A_42 : i32 to index
        %get3A_1897 = arith.index_cast %select_n3A_1820 : i32 to index
        %get3A_1898 = arith.index_cast %sub3A_1823 : i32 to index
        %get3A_1899 = arith.constant 144 : index
        %get3A_1900 = tpu.vector_load %arg8[%get3A_1896, %get3A_1897, %get3A_1898, %get3A_1899] {strides = array<i32>} : memref<2x7x8x768xf32, #tpu.memory_space<vmem>>, vector<1x1x1x16xf32>,
        %get3A_1901 = vector.shape_cast %get3A_1900 : vector<1x1x1x16xf32> to vector<16xf32>
        %mul3A_1902 = arith.mulf %get3A_1901, %while3A_1796 : vector<16xf32>
        %add3A_1903 = arith.addf %while3A_1789, %mul3A_1902 : vector<16xf32>
        %get3A_1904 = arith.index_cast %rem3A_42 : i32 to index
        %get3A_1905 = arith.index_cast %select_n3A_1820 : i32 to index
        %get3A_1906 = arith.index_cast %sub3A_1823 : i32 to index
        %get3A_1907 = arith.constant 160 : index
        %get3A_1908 = tpu.vector_load %arg8[%get3A_1904, %get3A_1905, %get3A_1906, %get3A_1907] {strides = array<i32>} : memref<2x7x8x768xf32, #tpu.memory_space<vmem>>, vector<1x1x1x16xf32>,
        %get3A_1909 = vector.shape_cast %get3A_1908 : vector<1x1x1x16xf32> to vector<16xf32>
        %mul3A_1910 = arith.mulf %get3A_1909, %while3A_1796 : vector<16xf32>
        %add3A_1911 = arith.addf %while3A_1790, %mul3A_1910 : vector<16xf32>
        %get3A_1912 = arith.index_cast %rem3A_42 : i32 to index
        %get3A_1913 = arith.index_cast %select_n3A_1820 : i32 to index
        %get3A_1914 = arith.index_cast %sub3A_1823 : i32 to index
        %get3A_1915 = arith.constant 176 : index
        %get3A_1916 = tpu.vector_load %arg8[%get3A_1912, %get3A_1913, %get3A_1914, %get3A_1915] {strides = array<i32>} : memref<2x7x8x768xf32, #tpu.memory_space<vmem>>, vector<1x1x1x16xf32>,
        %get3A_1917 = vector.shape_cast %get3A_1916 : vector<1x1x1x16xf32> to vector<16xf32>
        %mul3A_1918 = arith.mulf %get3A_1917, %while3A_1796 : vector<16xf32>
        %add3A_1919 = arith.addf %while3A_1791, %mul3A_1918 : vector<16xf32>
        %get3A_1920 = arith.index_cast %rem3A_42 : i32 to index
        %get3A_1921 = arith.index_cast %select_n3A_1820 : i32 to index
        %get3A_1922 = arith.index_cast %sub3A_1823 : i32 to index
        %get3A_1923 = arith.constant 192 : index
        %get3A_1924 = tpu.vector_load %arg8[%get3A_1920, %get3A_1921, %get3A_1922, %get3A_1923] {strides = array<i32>} : memref<2x7x8x768xf32, #tpu.memory_space<vmem>>, vector<1x1x1x16xf32>,
        %get3A_1925 = vector.shape_cast %get3A_1924 : vector<1x1x1x16xf32> to vector<16xf32>
        %mul3A_1926 = arith.mulf %get3A_1925, %while3A_1796 : vector<16xf32>
        %add3A_1927 = arith.addf %while3A_1792, %mul3A_1926 : vector<16xf32>
        %get3A_1928 = arith.index_cast %rem3A_42 : i32 to index
        %get3A_1929 = arith.index_cast %select_n3A_1820 : i32 to index
        %get3A_1930 = arith.index_cast %sub3A_1823 : i32 to index
        %get3A_1931 = arith.constant 208 : index
        %get3A_1932 = tpu.vector_load %arg8[%get3A_1928, %get3A_1929, %get3A_1930, %get3A_1931] {strides = array<i32>} : memref<2x7x8x768xf32, #tpu.memory_space<vmem>>, vector<1x1x1x16xf32>,
        %get3A_1933 = vector.shape_cast %get3A_1932 : vector<1x1x1x16xf32> to vector<16xf32>
        %mul3A_1934 = arith.mulf %get3A_1933, %while3A_1796 : vector<16xf32>
        %add3A_1935 = arith.addf %while3A_1793, %mul3A_1934 : vector<16xf32>
        %get3A_1936 = arith.index_cast %rem3A_42 : i32 to index
        %get3A_1937 = arith.index_cast %select_n3A_1820 : i32 to index
        %get3A_1938 = arith.index_cast %sub3A_1823 : i32 to index
        %get3A_1939 = arith.constant 224 : index
        %get3A_1940 = tpu.vector_load %arg8[%get3A_1936, %get3A_1937, %get3A_1938, %get3A_1939] {strides = array<i32>} : memref<2x7x8x768xf32, #tpu.memory_space<vmem>>, vector<1x1x1x16xf32>,
        %get3A_1941 = vector.shape_cast %get3A_1940 : vector<1x1x1x16xf32> to vector<16xf32>
        %mul3A_1942 = arith.mulf %get3A_1941, %while3A_1796 : vector<16xf32>
        %add3A_1943 = arith.addf %while3A_1794, %mul3A_1942 : vector<16xf32>
        %get3A_1944 = arith.index_cast %rem3A_42 : i32 to index
        %get3A_1945 = arith.index_cast %select_n3A_1820 : i32 to index
        %get3A_1946 = arith.index_cast %sub3A_1823 : i32 to index
        %get3A_1947 = arith.constant 240 : index
        %get3A_1948 = tpu.vector_load %arg8[%get3A_1944, %get3A_1945, %get3A_1946, %get3A_1947] {strides = array<i32>} : memref<2x7x8x768xf32, #tpu.memory_space<vmem>>, vector<1x1x1x16xf32>,
        %get3A_1949 = vector.shape_cast %get3A_1948 : vector<1x1x1x16xf32> to vector<16xf32>
        %mul3A_1950 = arith.mulf %get3A_1949, %while3A_1796 : vector<16xf32>
        %add3A_1951 = arith.addf %while3A_1795, %mul3A_1950 : vector<16xf32>
        %mul3A_1952 = arith.mulf %while3A_1796, %broadcast_in_dim3A_68 : vector<16xf32>
        scf.yield %add3A_1831, %add3A_1839, %add3A_1847, %add3A_1855, %add3A_1863, %add3A_1871, %add3A_1879, %add3A_1887, %add3A_1895, %add3A_1903, %add3A_1911, %add3A_1919, %add3A_1927, %add3A_1935, %add3A_1943, %add3A_1951, %mul3A_1952 : vector<16xf32>, vector<16xf32>, vector<16xf32>, vector<16xf32>, vector<16xf32>, vector<16xf32>, vector<16xf32>, vector<16xf32>, vector<16xf32>, vector<16xf32>, vector<16xf32>, vector<16xf32>, vector<16xf32>, vector<16xf32>, vector<16xf32>, vector<16xf32>, vector<16xf32>
      }
      %sub3A_84 = arith.subf %while3A_83#16, %broadcast_in_dim3A_70 : vector<16xf32>
      %mul3A_85 = arith.constant 9.50833225 : f32
      %mul3A_86 = vector.broadcast %mul3A_85 : f32 to vector<16xf32>
      %mul3A_87 = arith.mulf %sub3A_84, %mul3A_86 : vector<16xf32>
      %max3A = arith.constant 9.99999993E-9 : f32
      %max3A_88 = vector.broadcast %max3A : f32 to vector<16xf32>
      %max3A_89 = arith.maximumf %mul3A_87, %max3A_88 : vector<16xf32>
      %div3A_90 = arith.constant 1.000000e+00 : f32
      %div3A_91 = vector.broadcast %div3A_90 : f32 to vector<16xf32>
      %div3A_92 = arith.divf %div3A_91, %max3A_89 : vector<16xf32>
      %mul3A_93 = arith.mulf %while3A_83#0, %div3A_92 : vector<16xf32>
      %swap3A = arith.constant 0 : index
      %swap3A_94 = tpu.vector_load %arg11[%swap3A] {strides = array<i32>} : memref<768xf32, #tpu.memory_space<vmem>>, vector<16xf32>,
      %swap3A_95 = vector.shape_cast %swap3A_94 : vector<16xf32> to vector<16xf32>
      %swap3A_96 = vector.shape_cast %mul3A_93 : vector<16xf32> to vector<16xf32>
      tpu.vector_store %arg11[%swap3A], %swap3A_96 {strides = array<i32>} : memref<768xf32, #tpu.memory_space<vmem>>, vector<16xf32>,
      %mul3A_97 = arith.mulf %while3A_83#1, %div3A_92 : vector<16xf32>
      %swap3A_98 = arith.constant 16 : index
      %swap3A_99 = tpu.vector_load %arg11[%swap3A_98] {strides = array<i32>} : memref<768xf32, #tpu.memory_space<vmem>>, vector<16xf32>,
      %swap3A_100 = vector.shape_cast %swap3A_99 : vector<16xf32> to vector<16xf32>
      %swap3A_101 = vector.shape_cast %mul3A_97 : vector<16xf32> to vector<16xf32>
      tpu.vector_store %arg11[%swap3A_98], %swap3A_101 {strides = array<i32>} : memref<768xf32, #tpu.memory_space<vmem>>, vector<16xf32>,
      %mul3A_102 = arith.mulf %while3A_83#2, %div3A_92 : vector<16xf32>
      %swap3A_103 = arith.constant 32 : index
      %swap3A_104 = tpu.vector_load %arg11[%swap3A_103] {strides = array<i32>} : memref<768xf32, #tpu.memory_space<vmem>>, vector<16xf32>,
      %swap3A_105 = vector.shape_cast %swap3A_104 : vector<16xf32> to vector<16xf32>
      %swap3A_106 = vector.shape_cast %mul3A_102 : vector<16xf32> to vector<16xf32>
      tpu.vector_store %arg11[%swap3A_103], %swap3A_106 {strides = array<i32>} : memref<768xf32, #tpu.memory_space<vmem>>, vector<16xf32>,
      %mul3A_107 = arith.mulf %while3A_83#3, %div3A_92 : vector<16xf32>
      %swap3A_108 = arith.constant 48 : index
      %swap3A_109 = tpu.vector_load %arg11[%swap3A_108] {strides = array<i32>} : memref<768xf32, #tpu.memory_space<vmem>>, vector<16xf32>,
      %swap3A_110 = vector.shape_cast %swap3A_109 : vector<16xf32> to vector<16xf32>
      %swap3A_111 = vector.shape_cast %mul3A_107 : vector<16xf32> to vector<16xf32>
      tpu.vector_store %arg11[%swap3A_108], %swap3A_111 {strides = array<i32>} : memref<768xf32, #tpu.memory_space<vmem>>, vector<16xf32>,
      %mul3A_112 = arith.mulf %while3A_83#4, %div3A_92 : vector<16xf32>
      %swap3A_113 = arith.constant 64 : index
      %swap3A_114 = tpu.vector_load %arg11[%swap3A_113] {strides = array<i32>} : memref<768xf32, #tpu.memory_space<vmem>>, vector<16xf32>,
      %swap3A_115 = vector.shape_cast %swap3A_114 : vector<16xf32> to vector<16xf32>
      %swap3A_116 = vector.shape_cast %mul3A_112 : vector<16xf32> to vector<16xf32>
      tpu.vector_store %arg11[%swap3A_113], %swap3A_116 {strides = array<i32>} : memref<768xf32, #tpu.memory_space<vmem>>, vector<16xf32>,
      %mul3A_117 = arith.mulf %while3A_83#5, %div3A_92 : vector<16xf32>
      %swap3A_118 = arith.constant 80 : index
      %swap3A_119 = tpu.vector_load %arg11[%swap3A_118] {strides = array<i32>} : memref<768xf32, #tpu.memory_space<vmem>>, vector<16xf32>,
      %swap3A_120 = vector.shape_cast %swap3A_119 : vector<16xf32> to vector<16xf32>
      %swap3A_121 = vector.shape_cast %mul3A_117 : vector<16xf32> to vector<16xf32>
      tpu.vector_store %arg11[%swap3A_118], %swap3A_121 {strides = array<i32>} : memref<768xf32, #tpu.memory_space<vmem>>, vector<16xf32>,
      %mul3A_122 = arith.mulf %while3A_83#6, %div3A_92 : vector<16xf32>
      %swap3A_123 = arith.constant 96 : index
      %swap3A_124 = tpu.vector_load %arg11[%swap3A_123] {strides = array<i32>} : memref<768xf32, #tpu.memory_space<vmem>>, vector<16xf32>,
      %swap3A_125 = vector.shape_cast %swap3A_124 : vector<16xf32> to vector<16xf32>
      %swap3A_126 = vector.shape_cast %mul3A_122 : vector<16xf32> to vector<16xf32>
      tpu.vector_store %arg11[%swap3A_123], %swap3A_126 {strides = array<i32>} : memref<768xf32, #tpu.memory_space<vmem>>, vector<16xf32>,
      %mul3A_127 = arith.mulf %while3A_83#7, %div3A_92 : vector<16xf32>
      %swap3A_128 = arith.constant 112 : index
      %swap3A_129 = tpu.vector_load %arg11[%swap3A_128] {strides = array<i32>} : memref<768xf32, #tpu.memory_space<vmem>>, vector<16xf32>,
      %swap3A_130 = vector.shape_cast %swap3A_129 : vector<16xf32> to vector<16xf32>
      %swap3A_131 = vector.shape_cast %mul3A_127 : vector<16xf32> to vector<16xf32>
      tpu.vector_store %arg11[%swap3A_128], %swap3A_131 {strides = array<i32>} : memref<768xf32, #tpu.memory_space<vmem>>, vector<16xf32>,
      %mul3A_132 = arith.mulf %while3A_83#8, %div3A_92 : vector<16xf32>
      %swap3A_133 = arith.constant 128 : index
      %swap3A_134 = tpu.vector_load %arg11[%swap3A_133] {strides = array<i32>} : memref<768xf32, #tpu.memory_space<vmem>>, vector<16xf32>,
      %swap3A_135 = vector.shape_cast %swap3A_134 : vector<16xf32> to vector<16xf32>
      %swap3A_136 = vector.shape_cast %mul3A_132 : vector<16xf32> to vector<16xf32>
      tpu.vector_store %arg11[%swap3A_133], %swap3A_136 {strides = array<i32>} : memref<768xf32, #tpu.memory_space<vmem>>, vector<16xf32>,
      %mul3A_137 = arith.mulf %while3A_83#9, %div3A_92 : vector<16xf32>
      %swap3A_138 = arith.constant 144 : index
      %swap3A_139 = tpu.vector_load %arg11[%swap3A_138] {strides = array<i32>} : memref<768xf32, #tpu.memory_space<vmem>>, vector<16xf32>,
      %swap3A_140 = vector.shape_cast %swap3A_139 : vector<16xf32> to vector<16xf32>
      %swap3A_141 = vector.shape_cast %mul3A_137 : vector<16xf32> to vector<16xf32>
      tpu.vector_store %arg11[%swap3A_138], %swap3A_141 {strides = array<i32>} : memref<768xf32, #tpu.memory_space<vmem>>, vector<16xf32>,
      %mul3A_142 = arith.mulf %while3A_83#10, %div3A_92 : vector<16xf32>
      %swap3A_143 = arith.constant 160 : index
      %swap3A_144 = tpu.vector_load %arg11[%swap3A_143] {strides = array<i32>} : memref<768xf32, #tpu.memory_space<vmem>>, vector<16xf32>,
      %swap3A_145 = vector.shape_cast %swap3A_144 : vector<16xf32> to vector<16xf32>
      %swap3A_146 = vector.shape_cast %mul3A_142 : vector<16xf32> to vector<16xf32>
      tpu.vector_store %arg11[%swap3A_143], %swap3A_146 {strides = array<i32>} : memref<768xf32, #tpu.memory_space<vmem>>, vector<16xf32>,
      %mul3A_147 = arith.mulf %while3A_83#11, %div3A_92 : vector<16xf32>
      %swap3A_148 = arith.constant 176 : index
      %swap3A_149 = tpu.vector_load %arg11[%swap3A_148] {strides = array<i32>} : memref<768xf32, #tpu.memory_space<vmem>>, vector<16xf32>,
      %swap3A_150 = vector.shape_cast %swap3A_149 : vector<16xf32> to vector<16xf32>
      %swap3A_151 = vector.shape_cast %mul3A_147 : vector<16xf32> to vector<16xf32>
      tpu.vector_store %arg11[%swap3A_148], %swap3A_151 {strides = array<i32>} : memref<768xf32, #tpu.memory_space<vmem>>, vector<16xf32>,
      %mul3A_152 = arith.mulf %while3A_83#12, %div3A_92 : vector<16xf32>
      %swap3A_153 = arith.constant 192 : index
      %swap3A_154 = tpu.vector_load %arg11[%swap3A_153] {strides = array<i32>} : memref<768xf32, #tpu.memory_space<vmem>>, vector<16xf32>,
      %swap3A_155 = vector.shape_cast %swap3A_154 : vector<16xf32> to vector<16xf32>
      %swap3A_156 = vector.shape_cast %mul3A_152 : vector<16xf32> to vector<16xf32>
      tpu.vector_store %arg11[%swap3A_153], %swap3A_156 {strides = array<i32>} : memref<768xf32, #tpu.memory_space<vmem>>, vector<16xf32>,
      %mul3A_157 = arith.mulf %while3A_83#13, %div3A_92 : vector<16xf32>
      %swap3A_158 = arith.constant 208 : index
      %swap3A_159 = tpu.vector_load %arg11[%swap3A_158] {strides = array<i32>} : memref<768xf32, #tpu.memory_space<vmem>>, vector<16xf32>,
      %swap3A_160 = vector.shape_cast %swap3A_159 : vector<16xf32> to vector<16xf32>
      %swap3A_161 = vector.shape_cast %mul3A_157 : vector<16xf32> to vector<16xf32>
      tpu.vector_store %arg11[%swap3A_158], %swap3A_161 {strides = array<i32>} : memref<768xf32, #tpu.memory_space<vmem>>, vector<16xf32>,
      %mul3A_162 = arith.mulf %while3A_83#14, %div3A_92 : vector<16xf32>
      %swap3A_163 = arith.constant 224 : index
      %swap3A_164 = tpu.vector_load %arg11[%swap3A_163] {strides = array<i32>} : memref<768xf32, #tpu.memory_space<vmem>>, vector<16xf32>,
      %swap3A_165 = vector.shape_cast %swap3A_164 : vector<16xf32> to vector<16xf32>
      %swap3A_166 = vector.shape_cast %mul3A_162 : vector<16xf32> to vector<16xf32>
      tpu.vector_store %arg11[%swap3A_163], %swap3A_166 {strides = array<i32>} : memref<768xf32, #tpu.memory_space<vmem>>, vector<16xf32>,
      %mul3A_167 = arith.mulf %while3A_83#15, %div3A_92 : vector<16xf32>
      %swap3A_168 = arith.constant 240 : index
      %swap3A_169 = tpu.vector_load %arg11[%swap3A_168] {strides = array<i32>} : memref<768xf32, #tpu.memory_space<vmem>>, vector<16xf32>,
      %swap3A_170 = vector.shape_cast %swap3A_169 : vector<16xf32> to vector<16xf32>
      %swap3A_171 = vector.shape_cast %mul3A_167 : vector<16xf32> to vector<16xf32>
      tpu.vector_store %arg11[%swap3A_168], %swap3A_171 {strides = array<i32>} : memref<768xf32, #tpu.memory_space<vmem>>, vector<16xf32>,
      %while3A_172 = arith.constant 0 : i32
      %while3A_173 = arith.subi %squeeze3A_67, %while3A_172 : i32
      %while3A_174 = arith.addi %while3A_172, %while3A_173 : i32
      %while3A_175 = arith.constant 1 : i32
      %while3A_176 = arith.divsi %while3A_173, %while3A_175 : i32
      %while3A_177 = arith.muli %while3A_176, %while3A_175 : i32
      %while3A_178 = arith.addi %while3A_172, %while3A_177 : i32
      %while3A_179 = arith.constant 1 : i32
      %while3A_180:17 = scf.for %while3A_1779 = %while3A_172 to %while3A_178 step %while3A_179 iter_args(%while3A_1780 = %broadcast_in_dim3A_72, %while3A_1781 = %broadcast_in_dim3A_72, %while3A_1782 = %broadcast_in_dim3A_72, %while3A_1783 = %broadcast_in_dim3A_72, %while3A_1784 = %broadcast_in_dim3A_72, %while3A_1785 = %broadcast_in_dim3A_72, %while3A_1786 = %broadcast_in_dim3A_72, %while3A_1787 = %broadcast_in_dim3A_72, %while3A_1788 = %broadcast_in_dim3A_72, %while3A_1789 = %broadcast_in_dim3A_72, %while3A_1790 = %broadcast_in_dim3A_72, %while3A_1791 = %broadcast_in_dim3A_72, %while3A_1792 = %broadcast_in_dim3A_72, %while3A_1793 = %broadcast_in_dim3A_72, %while3A_1794 = %broadcast_in_dim3A_72, %while3A_1795 = %broadcast_in_dim3A_72, %while3A_1796 = %broadcast_in_dim3A_70) -> (vector<16xf32>, vector<16xf32>, vector<16xf32>, vector<16xf32>, vector<16xf32>, vector<16xf32>, vector<16xf32>, vector<16xf32>, vector<16xf32>, vector<16xf32>, vector<16xf32>, vector<16xf32>, vector<16xf32>, vector<16xf32>, vector<16xf32>, vector<16xf32>, vector<16xf32>)  : i32 {
        %jit3A_1797 = arith.constant 8 : i32
        %div3A_1798 = arith.divsi %while3A_1779, %jit3A_1797 : i32
        %sign3A_1799 = arith.constant 0 : i32
        %sign3A_1800 = arith.cmpi sgt, %while3A_1779, %sign3A_1799 : i32
        %sign3A_1801 = arith.extui %sign3A_1800 : i1 to i32
        %sign3A_1802 = arith.constant 0 : i32
        %sign3A_1803 = arith.cmpi slt, %while3A_1779, %sign3A_1802 : i32
        %sign3A_1804 = arith.extui %sign3A_1803 : i1 to i32
        %sign3A_1805 = arith.subi %sign3A_1801, %sign3A_1804 : i32
        %sign3A_1806 = arith.constant 0 : i32
        %sign3A_1807 = arith.cmpi sgt, %jit3A_1797, %sign3A_1806 : i32
        %sign3A_1808 = arith.extui %sign3A_1807 : i1 to i32
        %sign3A_1809 = arith.constant 0 : i32
        %sign3A_1810 = arith.cmpi slt, %jit3A_1797, %sign3A_1809 : i32
        %sign3A_1811 = arith.extui %sign3A_1810 : i1 to i32
        %sign3A_1812 = arith.subi %sign3A_1808, %sign3A_1811 : i32
        %ne3A_1813 = arith.cmpi ne, %sign3A_1805, %sign3A_1812 : i32
        %rem3A_1814 = arith.remsi %while3A_1779, %jit3A_1797 : i32
        %ne3A_1815 = arith.constant 0 : i32
        %ne3A_1816 = arith.cmpi ne, %rem3A_1814, %ne3A_1815 : i32
        %and3A_1817 = arith.andi %ne3A_1813, %ne3A_1816 : i1
        %sub3A_1818 = arith.constant 1 : i32
        %sub3A_1819 = arith.subi %div3A_1798, %sub3A_1818 : i32
        %select_n3A_1820 = arith.select %and3A_1817, %sub3A_1819, %div3A_1798 : i32
        %mul3A_1821 = arith.constant 8 : i32
        %mul3A_1822 = arith.muli %select_n3A_1820, %mul3A_1821 : i32
        %sub3A_1823 = arith.subi %while3A_1779, %mul3A_1822 : i32
        %get3A_1824 = arith.index_cast %rem3A_42 : i32 to index
        %get3A_1825 = arith.index_cast %select_n3A_1820 : i32 to index
        %get3A_1826 = arith.index_cast %sub3A_1823 : i32 to index
        %get3A_1827 = arith.constant 256 : index
        %get3A_1828 = tpu.vector_load %arg8[%get3A_1824, %get3A_1825, %get3A_1826, %get3A_1827] {strides = array<i32>} : memref<2x7x8x768xf32, #tpu.memory_space<vmem>>, vector<1x1x1x16xf32>,
        %get3A_1829 = vector.shape_cast %get3A_1828 : vector<1x1x1x16xf32> to vector<16xf32>
        %mul3A_1830 = arith.mulf %get3A_1829, %while3A_1796 : vector<16xf32>
        %add3A_1831 = arith.addf %while3A_1780, %mul3A_1830 : vector<16xf32>
        %get3A_1832 = arith.index_cast %rem3A_42 : i32 to index
        %get3A_1833 = arith.index_cast %select_n3A_1820 : i32 to index
        %get3A_1834 = arith.index_cast %sub3A_1823 : i32 to index
        %get3A_1835 = arith.constant 272 : index
        %get3A_1836 = tpu.vector_load %arg8[%get3A_1832, %get3A_1833, %get3A_1834, %get3A_1835] {strides = array<i32>} : memref<2x7x8x768xf32, #tpu.memory_space<vmem>>, vector<1x1x1x16xf32>,
        %get3A_1837 = vector.shape_cast %get3A_1836 : vector<1x1x1x16xf32> to vector<16xf32>
        %mul3A_1838 = arith.mulf %get3A_1837, %while3A_1796 : vector<16xf32>
        %add3A_1839 = arith.addf %while3A_1781, %mul3A_1838 : vector<16xf32>
        %get3A_1840 = arith.index_cast %rem3A_42 : i32 to index
        %get3A_1841 = arith.index_cast %select_n3A_1820 : i32 to index
        %get3A_1842 = arith.index_cast %sub3A_1823 : i32 to index
        %get3A_1843 = arith.constant 288 : index
        %get3A_1844 = tpu.vector_load %arg8[%get3A_1840, %get3A_1841, %get3A_1842, %get3A_1843] {strides = array<i32>} : memref<2x7x8x768xf32, #tpu.memory_space<vmem>>, vector<1x1x1x16xf32>,
        %get3A_1845 = vector.shape_cast %get3A_1844 : vector<1x1x1x16xf32> to vector<16xf32>
        %mul3A_1846 = arith.mulf %get3A_1845, %while3A_1796 : vector<16xf32>
        %add3A_1847 = arith.addf %while3A_1782, %mul3A_1846 : vector<16xf32>
        %get3A_1848 = arith.index_cast %rem3A_42 : i32 to index
        %get3A_1849 = arith.index_cast %select_n3A_1820 : i32 to index
        %get3A_1850 = arith.index_cast %sub3A_1823 : i32 to index
        %get3A_1851 = arith.constant 304 : index
        %get3A_1852 = tpu.vector_load %arg8[%get3A_1848, %get3A_1849, %get3A_1850, %get3A_1851] {strides = array<i32>} : memref<2x7x8x768xf32, #tpu.memory_space<vmem>>, vector<1x1x1x16xf32>,
        %get3A_1853 = vector.shape_cast %get3A_1852 : vector<1x1x1x16xf32> to vector<16xf32>
        %mul3A_1854 = arith.mulf %get3A_1853, %while3A_1796 : vector<16xf32>
        %add3A_1855 = arith.addf %while3A_1783, %mul3A_1854 : vector<16xf32>
        %get3A_1856 = arith.index_cast %rem3A_42 : i32 to index
        %get3A_1857 = arith.index_cast %select_n3A_1820 : i32 to index
        %get3A_1858 = arith.index_cast %sub3A_1823 : i32 to index
        %get3A_1859 = arith.constant 320 : index
        %get3A_1860 = tpu.vector_load %arg8[%get3A_1856, %get3A_1857, %get3A_1858, %get3A_1859] {strides = array<i32>} : memref<2x7x8x768xf32, #tpu.memory_space<vmem>>, vector<1x1x1x16xf32>,
        %get3A_1861 = vector.shape_cast %get3A_1860 : vector<1x1x1x16xf32> to vector<16xf32>
        %mul3A_1862 = arith.mulf %get3A_1861, %while3A_1796 : vector<16xf32>
        %add3A_1863 = arith.addf %while3A_1784, %mul3A_1862 : vector<16xf32>
        %get3A_1864 = arith.index_cast %rem3A_42 : i32 to index
        %get3A_1865 = arith.index_cast %select_n3A_1820 : i32 to index
        %get3A_1866 = arith.index_cast %sub3A_1823 : i32 to index
        %get3A_1867 = arith.constant 336 : index
        %get3A_1868 = tpu.vector_load %arg8[%get3A_1864, %get3A_1865, %get3A_1866, %get3A_1867] {strides = array<i32>} : memref<2x7x8x768xf32, #tpu.memory_space<vmem>>, vector<1x1x1x16xf32>,
        %get3A_1869 = vector.shape_cast %get3A_1868 : vector<1x1x1x16xf32> to vector<16xf32>
        %mul3A_1870 = arith.mulf %get3A_1869, %while3A_1796 : vector<16xf32>
        %add3A_1871 = arith.addf %while3A_1785, %mul3A_1870 : vector<16xf32>
        %get3A_1872 = arith.index_cast %rem3A_42 : i32 to index
        %get3A_1873 = arith.index_cast %select_n3A_1820 : i32 to index
        %get3A_1874 = arith.index_cast %sub3A_1823 : i32 to index
        %get3A_1875 = arith.constant 352 : index
        %get3A_1876 = tpu.vector_load %arg8[%get3A_1872, %get3A_1873, %get3A_1874, %get3A_1875] {strides = array<i32>} : memref<2x7x8x768xf32, #tpu.memory_space<vmem>>, vector<1x1x1x16xf32>,
        %get3A_1877 = vector.shape_cast %get3A_1876 : vector<1x1x1x16xf32> to vector<16xf32>
        %mul3A_1878 = arith.mulf %get3A_1877, %while3A_1796 : vector<16xf32>
        %add3A_1879 = arith.addf %while3A_1786, %mul3A_1878 : vector<16xf32>
        %get3A_1880 = arith.index_cast %rem3A_42 : i32 to index
        %get3A_1881 = arith.index_cast %select_n3A_1820 : i32 to index
        %get3A_1882 = arith.index_cast %sub3A_1823 : i32 to index
        %get3A_1883 = arith.constant 368 : index
        %get3A_1884 = tpu.vector_load %arg8[%get3A_1880, %get3A_1881, %get3A_1882, %get3A_1883] {strides = array<i32>} : memref<2x7x8x768xf32, #tpu.memory_space<vmem>>, vector<1x1x1x16xf32>,
        %get3A_1885 = vector.shape_cast %get3A_1884 : vector<1x1x1x16xf32> to vector<16xf32>
        %mul3A_1886 = arith.mulf %get3A_1885, %while3A_1796 : vector<16xf32>
        %add3A_1887 = arith.addf %while3A_1787, %mul3A_1886 : vector<16xf32>
        %get3A_1888 = arith.index_cast %rem3A_42 : i32 to index
        %get3A_1889 = arith.index_cast %select_n3A_1820 : i32 to index
        %get3A_1890 = arith.index_cast %sub3A_1823 : i32 to index
        %get3A_1891 = arith.constant 384 : index
        %get3A_1892 = tpu.vector_load %arg8[%get3A_1888, %get3A_1889, %get3A_1890, %get3A_1891] {strides = array<i32>} : memref<2x7x8x768xf32, #tpu.memory_space<vmem>>, vector<1x1x1x16xf32>,
        %get3A_1893 = vector.shape_cast %get3A_1892 : vector<1x1x1x16xf32> to vector<16xf32>
        %mul3A_1894 = arith.mulf %get3A_1893, %while3A_1796 : vector<16xf32>
        %add3A_1895 = arith.addf %while3A_1788, %mul3A_1894 : vector<16xf32>
        %get3A_1896 = arith.index_cast %rem3A_42 : i32 to index
        %get3A_1897 = arith.index_cast %select_n3A_1820 : i32 to index
        %get3A_1898 = arith.index_cast %sub3A_1823 : i32 to index
        %get3A_1899 = arith.constant 400 : index
        %get3A_1900 = tpu.vector_load %arg8[%get3A_1896, %get3A_1897, %get3A_1898, %get3A_1899] {strides = array<i32>} : memref<2x7x8x768xf32, #tpu.memory_space<vmem>>, vector<1x1x1x16xf32>,
        %get3A_1901 = vector.shape_cast %get3A_1900 : vector<1x1x1x16xf32> to vector<16xf32>
        %mul3A_1902 = arith.mulf %get3A_1901, %while3A_1796 : vector<16xf32>
        %add3A_1903 = arith.addf %while3A_1789, %mul3A_1902 : vector<16xf32>
        %get3A_1904 = arith.index_cast %rem3A_42 : i32 to index
        %get3A_1905 = arith.index_cast %select_n3A_1820 : i32 to index
        %get3A_1906 = arith.index_cast %sub3A_1823 : i32 to index
        %get3A_1907 = arith.constant 416 : index
        %get3A_1908 = tpu.vector_load %arg8[%get3A_1904, %get3A_1905, %get3A_1906, %get3A_1907] {strides = array<i32>} : memref<2x7x8x768xf32, #tpu.memory_space<vmem>>, vector<1x1x1x16xf32>,
        %get3A_1909 = vector.shape_cast %get3A_1908 : vector<1x1x1x16xf32> to vector<16xf32>
        %mul3A_1910 = arith.mulf %get3A_1909, %while3A_1796 : vector<16xf32>
        %add3A_1911 = arith.addf %while3A_1790, %mul3A_1910 : vector<16xf32>
        %get3A_1912 = arith.index_cast %rem3A_42 : i32 to index
        %get3A_1913 = arith.index_cast %select_n3A_1820 : i32 to index
        %get3A_1914 = arith.index_cast %sub3A_1823 : i32 to index
        %get3A_1915 = arith.constant 432 : index
        %get3A_1916 = tpu.vector_load %arg8[%get3A_1912, %get3A_1913, %get3A_1914, %get3A_1915] {strides = array<i32>} : memref<2x7x8x768xf32, #tpu.memory_space<vmem>>, vector<1x1x1x16xf32>,
        %get3A_1917 = vector.shape_cast %get3A_1916 : vector<1x1x1x16xf32> to vector<16xf32>
        %mul3A_1918 = arith.mulf %get3A_1917, %while3A_1796 : vector<16xf32>
        %add3A_1919 = arith.addf %while3A_1791, %mul3A_1918 : vector<16xf32>
        %get3A_1920 = arith.index_cast %rem3A_42 : i32 to index
        %get3A_1921 = arith.index_cast %select_n3A_1820 : i32 to index
        %get3A_1922 = arith.index_cast %sub3A_1823 : i32 to index
        %get3A_1923 = arith.constant 448 : index
        %get3A_1924 = tpu.vector_load %arg8[%get3A_1920, %get3A_1921, %get3A_1922, %get3A_1923] {strides = array<i32>} : memref<2x7x8x768xf32, #tpu.memory_space<vmem>>, vector<1x1x1x16xf32>,
        %get3A_1925 = vector.shape_cast %get3A_1924 : vector<1x1x1x16xf32> to vector<16xf32>
        %mul3A_1926 = arith.mulf %get3A_1925, %while3A_1796 : vector<16xf32>
        %add3A_1927 = arith.addf %while3A_1792, %mul3A_1926 : vector<16xf32>
        %get3A_1928 = arith.index_cast %rem3A_42 : i32 to index
        %get3A_1929 = arith.index_cast %select_n3A_1820 : i32 to index
        %get3A_1930 = arith.index_cast %sub3A_1823 : i32 to index
        %get3A_1931 = arith.constant 464 : index
        %get3A_1932 = tpu.vector_load %arg8[%get3A_1928, %get3A_1929, %get3A_1930, %get3A_1931] {strides = array<i32>} : memref<2x7x8x768xf32, #tpu.memory_space<vmem>>, vector<1x1x1x16xf32>,
        %get3A_1933 = vector.shape_cast %get3A_1932 : vector<1x1x1x16xf32> to vector<16xf32>
        %mul3A_1934 = arith.mulf %get3A_1933, %while3A_1796 : vector<16xf32>
        %add3A_1935 = arith.addf %while3A_1793, %mul3A_1934 : vector<16xf32>
        %get3A_1936 = arith.index_cast %rem3A_42 : i32 to index
        %get3A_1937 = arith.index_cast %select_n3A_1820 : i32 to index
        %get3A_1938 = arith.index_cast %sub3A_1823 : i32 to index
        %get3A_1939 = arith.constant 480 : index
        %get3A_1940 = tpu.vector_load %arg8[%get3A_1936, %get3A_1937, %get3A_1938, %get3A_1939] {strides = array<i32>} : memref<2x7x8x768xf32, #tpu.memory_space<vmem>>, vector<1x1x1x16xf32>,
        %get3A_1941 = vector.shape_cast %get3A_1940 : vector<1x1x1x16xf32> to vector<16xf32>
        %mul3A_1942 = arith.mulf %get3A_1941, %while3A_1796 : vector<16xf32>
        %add3A_1943 = arith.addf %while3A_1794, %mul3A_1942 : vector<16xf32>
        %get3A_1944 = arith.index_cast %rem3A_42 : i32 to index
        %get3A_1945 = arith.index_cast %select_n3A_1820 : i32 to index
        %get3A_1946 = arith.index_cast %sub3A_1823 : i32 to index
        %get3A_1947 = arith.constant 496 : index
        %get3A_1948 = tpu.vector_load %arg8[%get3A_1944, %get3A_1945, %get3A_1946, %get3A_1947] {strides = array<i32>} : memref<2x7x8x768xf32, #tpu.memory_space<vmem>>, vector<1x1x1x16xf32>,
        %get3A_1949 = vector.shape_cast %get3A_1948 : vector<1x1x1x16xf32> to vector<16xf32>
        %mul3A_1950 = arith.mulf %get3A_1949, %while3A_1796 : vector<16xf32>
        %add3A_1951 = arith.addf %while3A_1795, %mul3A_1950 : vector<16xf32>
        %mul3A_1952 = arith.mulf %while3A_1796, %broadcast_in_dim3A_68 : vector<16xf32>
        scf.yield %add3A_1831, %add3A_1839, %add3A_1847, %add3A_1855, %add3A_1863, %add3A_1871, %add3A_1879, %add3A_1887, %add3A_1895, %add3A_1903, %add3A_1911, %add3A_1919, %add3A_1927, %add3A_1935, %add3A_1943, %add3A_1951, %mul3A_1952 : vector<16xf32>, vector<16xf32>, vector<16xf32>, vector<16xf32>, vector<16xf32>, vector<16xf32>, vector<16xf32>, vector<16xf32>, vector<16xf32>, vector<16xf32>, vector<16xf32>, vector<16xf32>, vector<16xf32>, vector<16xf32>, vector<16xf32>, vector<16xf32>, vector<16xf32>
      }
      %while3A_181 = arith.constant 1 : i32
      %while3A_182:17 = scf.for %while3A_1779 = %while3A_178 to %while3A_174 step %while3A_181 iter_args(%while3A_1780 = %while3A_180#0, %while3A_1781 = %while3A_180#1, %while3A_1782 = %while3A_180#2, %while3A_1783 = %while3A_180#3, %while3A_1784 = %while3A_180#4, %while3A_1785 = %while3A_180#5, %while3A_1786 = %while3A_180#6, %while3A_1787 = %while3A_180#7, %while3A_1788 = %while3A_180#8, %while3A_1789 = %while3A_180#9, %while3A_1790 = %while3A_180#10, %while3A_1791 = %while3A_180#11, %while3A_1792 = %while3A_180#12, %while3A_1793 = %while3A_180#13, %while3A_1794 = %while3A_180#14, %while3A_1795 = %while3A_180#15, %while3A_1796 = %while3A_180#16) -> (vector<16xf32>, vector<16xf32>, vector<16xf32>, vector<16xf32>, vector<16xf32>, vector<16xf32>, vector<16xf32>, vector<16xf32>, vector<16xf32>, vector<16xf32>, vector<16xf32>, vector<16xf32>, vector<16xf32>, vector<16xf32>, vector<16xf32>, vector<16xf32>, vector<16xf32>)  : i32 {
        %jit3A_1797 = arith.constant 8 : i32
        %div3A_1798 = arith.divsi %while3A_1779, %jit3A_1797 : i32
        %sign3A_1799 = arith.constant 0 : i32
        %sign3A_1800 = arith.cmpi sgt, %while3A_1779, %sign3A_1799 : i32
        %sign3A_1801 = arith.extui %sign3A_1800 : i1 to i32
        %sign3A_1802 = arith.constant 0 : i32
        %sign3A_1803 = arith.cmpi slt, %while3A_1779, %sign3A_1802 : i32
        %sign3A_1804 = arith.extui %sign3A_1803 : i1 to i32
        %sign3A_1805 = arith.subi %sign3A_1801, %sign3A_1804 : i32
        %sign3A_1806 = arith.constant 0 : i32
        %sign3A_1807 = arith.cmpi sgt, %jit3A_1797, %sign3A_1806 : i32
        %sign3A_1808 = arith.extui %sign3A_1807 : i1 to i32
        %sign3A_1809 = arith.constant 0 : i32
        %sign3A_1810 = arith.cmpi slt, %jit3A_1797, %sign3A_1809 : i32
        %sign3A_1811 = arith.extui %sign3A_1810 : i1 to i32
        %sign3A_1812 = arith.subi %sign3A_1808, %sign3A_1811 : i32
        %ne3A_1813 = arith.cmpi ne, %sign3A_1805, %sign3A_1812 : i32
        %rem3A_1814 = arith.remsi %while3A_1779, %jit3A_1797 : i32
        %ne3A_1815 = arith.constant 0 : i32
        %ne3A_1816 = arith.cmpi ne, %rem3A_1814, %ne3A_1815 : i32
        %and3A_1817 = arith.andi %ne3A_1813, %ne3A_1816 : i1
        %sub3A_1818 = arith.constant 1 : i32
        %sub3A_1819 = arith.subi %div3A_1798, %sub3A_1818 : i32
        %select_n3A_1820 = arith.select %and3A_1817, %sub3A_1819, %div3A_1798 : i32
        %mul3A_1821 = arith.constant 8 : i32
        %mul3A_1822 = arith.muli %select_n3A_1820, %mul3A_1821 : i32
        %sub3A_1823 = arith.subi %while3A_1779, %mul3A_1822 : i32
        %get3A_1824 = arith.index_cast %rem3A_42 : i32 to index
        %get3A_1825 = arith.index_cast %select_n3A_1820 : i32 to index
        %get3A_1826 = arith.index_cast %sub3A_1823 : i32 to index
        %get3A_1827 = arith.constant 256 : index
        %get3A_1828 = tpu.vector_load %arg8[%get3A_1824, %get3A_1825, %get3A_1826, %get3A_1827] {strides = array<i32>} : memref<2x7x8x768xf32, #tpu.memory_space<vmem>>, vector<1x1x1x16xf32>,
        %get3A_1829 = vector.shape_cast %get3A_1828 : vector<1x1x1x16xf32> to vector<16xf32>
        %mul3A_1830 = arith.mulf %get3A_1829, %while3A_1796 : vector<16xf32>
        %add3A_1831 = arith.addf %while3A_1780, %mul3A_1830 : vector<16xf32>
        %get3A_1832 = arith.index_cast %rem3A_42 : i32 to index
        %get3A_1833 = arith.index_cast %select_n3A_1820 : i32 to index
        %get3A_1834 = arith.index_cast %sub3A_1823 : i32 to index
        %get3A_1835 = arith.constant 272 : index
        %get3A_1836 = tpu.vector_load %arg8[%get3A_1832, %get3A_1833, %get3A_1834, %get3A_1835] {strides = array<i32>} : memref<2x7x8x768xf32, #tpu.memory_space<vmem>>, vector<1x1x1x16xf32>,
        %get3A_1837 = vector.shape_cast %get3A_1836 : vector<1x1x1x16xf32> to vector<16xf32>
        %mul3A_1838 = arith.mulf %get3A_1837, %while3A_1796 : vector<16xf32>
        %add3A_1839 = arith.addf %while3A_1781, %mul3A_1838 : vector<16xf32>
        %get3A_1840 = arith.index_cast %rem3A_42 : i32 to index
        %get3A_1841 = arith.index_cast %select_n3A_1820 : i32 to index
        %get3A_1842 = arith.index_cast %sub3A_1823 : i32 to index
        %get3A_1843 = arith.constant 288 : index
        %get3A_1844 = tpu.vector_load %arg8[%get3A_1840, %get3A_1841, %get3A_1842, %get3A_1843] {strides = array<i32>} : memref<2x7x8x768xf32, #tpu.memory_space<vmem>>, vector<1x1x1x16xf32>,
        %get3A_1845 = vector.shape_cast %get3A_1844 : vector<1x1x1x16xf32> to vector<16xf32>
        %mul3A_1846 = arith.mulf %get3A_1845, %while3A_1796 : vector<16xf32>
        %add3A_1847 = arith.addf %while3A_1782, %mul3A_1846 : vector<16xf32>
        %get3A_1848 = arith.index_cast %rem3A_42 : i32 to index
        %get3A_1849 = arith.index_cast %select_n3A_1820 : i32 to index
        %get3A_1850 = arith.index_cast %sub3A_1823 : i32 to index
        %get3A_1851 = arith.constant 304 : index
        %get3A_1852 = tpu.vector_load %arg8[%get3A_1848, %get3A_1849, %get3A_1850, %get3A_1851] {strides = array<i32>} : memref<2x7x8x768xf32, #tpu.memory_space<vmem>>, vector<1x1x1x16xf32>,
        %get3A_1853 = vector.shape_cast %get3A_1852 : vector<1x1x1x16xf32> to vector<16xf32>
        %mul3A_1854 = arith.mulf %get3A_1853, %while3A_1796 : vector<16xf32>
        %add3A_1855 = arith.addf %while3A_1783, %mul3A_1854 : vector<16xf32>
        %get3A_1856 = arith.index_cast %rem3A_42 : i32 to index
        %get3A_1857 = arith.index_cast %select_n3A_1820 : i32 to index
        %get3A_1858 = arith.index_cast %sub3A_1823 : i32 to index
        %get3A_1859 = arith.constant 320 : index
        %get3A_1860 = tpu.vector_load %arg8[%get3A_1856, %get3A_1857, %get3A_1858, %get3A_1859] {strides = array<i32>} : memref<2x7x8x768xf32, #tpu.memory_space<vmem>>, vector<1x1x1x16xf32>,
        %get3A_1861 = vector.shape_cast %get3A_1860 : vector<1x1x1x16xf32> to vector<16xf32>
        %mul3A_1862 = arith.mulf %get3A_1861, %while3A_1796 : vector<16xf32>
        %add3A_1863 = arith.addf %while3A_1784, %mul3A_1862 : vector<16xf32>
        %get3A_1864 = arith.index_cast %rem3A_42 : i32 to index
        %get3A_1865 = arith.index_cast %select_n3A_1820 : i32 to index
        %get3A_1866 = arith.index_cast %sub3A_1823 : i32 to index
        %get3A_1867 = arith.constant 336 : index
        %get3A_1868 = tpu.vector_load %arg8[%get3A_1864, %get3A_1865, %get3A_1866, %get3A_1867] {strides = array<i32>} : memref<2x7x8x768xf32, #tpu.memory_space<vmem>>, vector<1x1x1x16xf32>,
        %get3A_1869 = vector.shape_cast %get3A_1868 : vector<1x1x1x16xf32> to vector<16xf32>
        %mul3A_1870 = arith.mulf %get3A_1869, %while3A_1796 : vector<16xf32>
        %add3A_1871 = arith.addf %while3A_1785, %mul3A_1870 : vector<16xf32>
        %get3A_1872 = arith.index_cast %rem3A_42 : i32 to index
        %get3A_1873 = arith.index_cast %select_n3A_1820 : i32 to index
        %get3A_1874 = arith.index_cast %sub3A_1823 : i32 to index
        %get3A_1875 = arith.constant 352 : index
        %get3A_1876 = tpu.vector_load %arg8[%get3A_1872, %get3A_1873, %get3A_1874, %get3A_1875] {strides = array<i32>} : memref<2x7x8x768xf32, #tpu.memory_space<vmem>>, vector<1x1x1x16xf32>,
        %get3A_1877 = vector.shape_cast %get3A_1876 : vector<1x1x1x16xf32> to vector<16xf32>
        %mul3A_1878 = arith.mulf %get3A_1877, %while3A_1796 : vector<16xf32>
        %add3A_1879 = arith.addf %while3A_1786, %mul3A_1878 : vector<16xf32>
        %get3A_1880 = arith.index_cast %rem3A_42 : i32 to index
        %get3A_1881 = arith.index_cast %select_n3A_1820 : i32 to index
        %get3A_1882 = arith.index_cast %sub3A_1823 : i32 to index
        %get3A_1883 = arith.constant 368 : index
        %get3A_1884 = tpu.vector_load %arg8[%get3A_1880, %get3A_1881, %get3A_1882, %get3A_1883] {strides = array<i32>} : memref<2x7x8x768xf32, #tpu.memory_space<vmem>>, vector<1x1x1x16xf32>,
        %get3A_1885 = vector.shape_cast %get3A_1884 : vector<1x1x1x16xf32> to vector<16xf32>
        %mul3A_1886 = arith.mulf %get3A_1885, %while3A_1796 : vector<16xf32>
        %add3A_1887 = arith.addf %while3A_1787, %mul3A_1886 : vector<16xf32>
        %get3A_1888 = arith.index_cast %rem3A_42 : i32 to index
        %get3A_1889 = arith.index_cast %select_n3A_1820 : i32 to index
        %get3A_1890 = arith.index_cast %sub3A_1823 : i32 to index
        %get3A_1891 = arith.constant 384 : index
        %get3A_1892 = tpu.vector_load %arg8[%get3A_1888, %get3A_1889, %get3A_1890, %get3A_1891] {strides = array<i32>} : memref<2x7x8x768xf32, #tpu.memory_space<vmem>>, vector<1x1x1x16xf32>,
        %get3A_1893 = vector.shape_cast %get3A_1892 : vector<1x1x1x16xf32> to vector<16xf32>
        %mul3A_1894 = arith.mulf %get3A_1893, %while3A_1796 : vector<16xf32>
        %add3A_1895 = arith.addf %while3A_1788, %mul3A_1894 : vector<16xf32>
        %get3A_1896 = arith.index_cast %rem3A_42 : i32 to index
        %get3A_1897 = arith.index_cast %select_n3A_1820 : i32 to index
        %get3A_1898 = arith.index_cast %sub3A_1823 : i32 to index
        %get3A_1899 = arith.constant 400 : index
        %get3A_1900 = tpu.vector_load %arg8[%get3A_1896, %get3A_1897, %get3A_1898, %get3A_1899] {strides = array<i32>} : memref<2x7x8x768xf32, #tpu.memory_space<vmem>>, vector<1x1x1x16xf32>,
        %get3A_1901 = vector.shape_cast %get3A_1900 : vector<1x1x1x16xf32> to vector<16xf32>
        %mul3A_1902 = arith.mulf %get3A_1901, %while3A_1796 : vector<16xf32>
        %add3A_1903 = arith.addf %while3A_1789, %mul3A_1902 : vector<16xf32>
        %get3A_1904 = arith.index_cast %rem3A_42 : i32 to index
        %get3A_1905 = arith.index_cast %select_n3A_1820 : i32 to index
        %get3A_1906 = arith.index_cast %sub3A_1823 : i32 to index
        %get3A_1907 = arith.constant 416 : index
        %get3A_1908 = tpu.vector_load %arg8[%get3A_1904, %get3A_1905, %get3A_1906, %get3A_1907] {strides = array<i32>} : memref<2x7x8x768xf32, #tpu.memory_space<vmem>>, vector<1x1x1x16xf32>,
        %get3A_1909 = vector.shape_cast %get3A_1908 : vector<1x1x1x16xf32> to vector<16xf32>
        %mul3A_1910 = arith.mulf %get3A_1909, %while3A_1796 : vector<16xf32>
        %add3A_1911 = arith.addf %while3A_1790, %mul3A_1910 : vector<16xf32>
        %get3A_1912 = arith.index_cast %rem3A_42 : i32 to index
        %get3A_1913 = arith.index_cast %select_n3A_1820 : i32 to index
        %get3A_1914 = arith.index_cast %sub3A_1823 : i32 to index
        %get3A_1915 = arith.constant 432 : index
        %get3A_1916 = tpu.vector_load %arg8[%get3A_1912, %get3A_1913, %get3A_1914, %get3A_1915] {strides = array<i32>} : memref<2x7x8x768xf32, #tpu.memory_space<vmem>>, vector<1x1x1x16xf32>,
        %get3A_1917 = vector.shape_cast %get3A_1916 : vector<1x1x1x16xf32> to vector<16xf32>
        %mul3A_1918 = arith.mulf %get3A_1917, %while3A_1796 : vector<16xf32>
        %add3A_1919 = arith.addf %while3A_1791, %mul3A_1918 : vector<16xf32>
        %get3A_1920 = arith.index_cast %rem3A_42 : i32 to index
        %get3A_1921 = arith.index_cast %select_n3A_1820 : i32 to index
        %get3A_1922 = arith.index_cast %sub3A_1823 : i32 to index
        %get3A_1923 = arith.constant 448 : index
        %get3A_1924 = tpu.vector_load %arg8[%get3A_1920, %get3A_1921, %get3A_1922, %get3A_1923] {strides = array<i32>} : memref<2x7x8x768xf32, #tpu.memory_space<vmem>>, vector<1x1x1x16xf32>,
        %get3A_1925 = vector.shape_cast %get3A_1924 : vector<1x1x1x16xf32> to vector<16xf32>
        %mul3A_1926 = arith.mulf %get3A_1925, %while3A_1796 : vector<16xf32>
        %add3A_1927 = arith.addf %while3A_1792, %mul3A_1926 : vector<16xf32>
        %get3A_1928 = arith.index_cast %rem3A_42 : i32 to index
        %get3A_1929 = arith.index_cast %select_n3A_1820 : i32 to index
        %get3A_1930 = arith.index_cast %sub3A_1823 : i32 to index
        %get3A_1931 = arith.constant 464 : index
        %get3A_1932 = tpu.vector_load %arg8[%get3A_1928, %get3A_1929, %get3A_1930, %get3A_1931] {strides = array<i32>} : memref<2x7x8x768xf32, #tpu.memory_space<vmem>>, vector<1x1x1x16xf32>,
        %get3A_1933 = vector.shape_cast %get3A_1932 : vector<1x1x1x16xf32> to vector<16xf32>
        %mul3A_1934 = arith.mulf %get3A_1933, %while3A_1796 : vector<16xf32>
        %add3A_1935 = arith.addf %while3A_1793, %mul3A_1934 : vector<16xf32>
        %get3A_1936 = arith.index_cast %rem3A_42 : i32 to index
        %get3A_1937 = arith.index_cast %select_n3A_1820 : i32 to index
        %get3A_1938 = arith.index_cast %sub3A_1823 : i32 to index
        %get3A_1939 = arith.constant 480 : index
        %get3A_1940 = tpu.vector_load %arg8[%get3A_1936, %get3A_1937, %get3A_1938, %get3A_1939] {strides = array<i32>} : memref<2x7x8x768xf32, #tpu.memory_space<vmem>>, vector<1x1x1x16xf32>,
        %get3A_1941 = vector.shape_cast %get3A_1940 : vector<1x1x1x16xf32> to vector<16xf32>
        %mul3A_1942 = arith.mulf %get3A_1941, %while3A_1796 : vector<16xf32>
        %add3A_1943 = arith.addf %while3A_1794, %mul3A_1942 : vector<16xf32>
        %get3A_1944 = arith.index_cast %rem3A_42 : i32 to index
        %get3A_1945 = arith.index_cast %select_n3A_1820 : i32 to index
        %get3A_1946 = arith.index_cast %sub3A_1823 : i32 to index
        %get3A_1947 = arith.constant 496 : index
        %get3A_1948 = tpu.vector_load %arg8[%get3A_1944, %get3A_1945, %get3A_1946, %get3A_1947] {strides = array<i32>} : memref<2x7x8x768xf32, #tpu.memory_space<vmem>>, vector<1x1x1x16xf32>,
        %get3A_1949 = vector.shape_cast %get3A_1948 : vector<1x1x1x16xf32> to vector<16xf32>
        %mul3A_1950 = arith.mulf %get3A_1949, %while3A_1796 : vector<16xf32>
        %add3A_1951 = arith.addf %while3A_1795, %mul3A_1950 : vector<16xf32>
        %mul3A_1952 = arith.mulf %while3A_1796, %broadcast_in_dim3A_68 : vector<16xf32>
        scf.yield %add3A_1831, %add3A_1839, %add3A_1847, %add3A_1855, %add3A_1863, %add3A_1871, %add3A_1879, %add3A_1887, %add3A_1895, %add3A_1903, %add3A_1911, %add3A_1919, %add3A_1927, %add3A_1935, %add3A_1943, %add3A_1951, %mul3A_1952 : vector<16xf32>, vector<16xf32>, vector<16xf32>, vector<16xf32>, vector<16xf32>, vector<16xf32>, vector<16xf32>, vector<16xf32>, vector<16xf32>, vector<16xf32>, vector<16xf32>, vector<16xf32>, vector<16xf32>, vector<16xf32>, vector<16xf32>, vector<16xf32>, vector<16xf32>
      }
      %mul3A_183 = arith.mulf %while3A_182#0, %div3A_92 : vector<16xf32>
      %swap3A_184 = arith.constant 256 : index
      %swap3A_185 = tpu.vector_load %arg11[%swap3A_184] {strides = array<i32>} : memref<768xf32, #tpu.memory_space<vmem>>, vector<16xf32>,
      %swap3A_186 = vector.shape_cast %swap3A_185 : vector<16xf32> to vector<16xf32>
      %swap3A_187 = vector.shape_cast %mul3A_183 : vector<16xf32> to vector<16xf32>
      tpu.vector_store %arg11[%swap3A_184], %swap3A_187 {strides = array<i32>} : memref<768xf32, #tpu.memory_space<vmem>>, vector<16xf32>,
      %mul3A_188 = arith.mulf %while3A_182#1, %div3A_92 : vector<16xf32>
      %swap3A_189 = arith.constant 272 : index
      %swap3A_190 = tpu.vector_load %arg11[%swap3A_189] {strides = array<i32>} : memref<768xf32, #tpu.memory_space<vmem>>, vector<16xf32>,
      %swap3A_191 = vector.shape_cast %swap3A_190 : vector<16xf32> to vector<16xf32>
      %swap3A_192 = vector.shape_cast %mul3A_188 : vector<16xf32> to vector<16xf32>
      tpu.vector_store %arg11[%swap3A_189], %swap3A_192 {strides = array<i32>} : memref<768xf32, #tpu.memory_space<vmem>>, vector<16xf32>,
      %mul3A_193 = arith.mulf %while3A_182#2, %div3A_92 : vector<16xf32>
      %swap3A_194 = arith.constant 288 : index
      %swap3A_195 = tpu.vector_load %arg11[%swap3A_194] {strides = array<i32>} : memref<768xf32, #tpu.memory_space<vmem>>, vector<16xf32>,
      %swap3A_196 = vector.shape_cast %swap3A_195 : vector<16xf32> to vector<16xf32>
      %swap3A_197 = vector.shape_cast %mul3A_193 : vector<16xf32> to vector<16xf32>
      tpu.vector_store %arg11[%swap3A_194], %swap3A_197 {strides = array<i32>} : memref<768xf32, #tpu.memory_space<vmem>>, vector<16xf32>,
      %mul3A_198 = arith.mulf %while3A_182#3, %div3A_92 : vector<16xf32>
      %swap3A_199 = arith.constant 304 : index
      %swap3A_200 = tpu.vector_load %arg11[%swap3A_199] {strides = array<i32>} : memref<768xf32, #tpu.memory_space<vmem>>, vector<16xf32>,
      %swap3A_201 = vector.shape_cast %swap3A_200 : vector<16xf32> to vector<16xf32>
      %swap3A_202 = vector.shape_cast %mul3A_198 : vector<16xf32> to vector<16xf32>
      tpu.vector_store %arg11[%swap3A_199], %swap3A_202 {strides = array<i32>} : memref<768xf32, #tpu.memory_space<vmem>>, vector<16xf32>,
      %mul3A_203 = arith.mulf %while3A_182#4, %div3A_92 : vector<16xf32>
      %swap3A_204 = arith.constant 320 : index
      %swap3A_205 = tpu.vector_load %arg11[%swap3A_204] {strides = array<i32>} : memref<768xf32, #tpu.memory_space<vmem>>, vector<16xf32>,
      %swap3A_206 = vector.shape_cast %swap3A_205 : vector<16xf32> to vector<16xf32>
      %swap3A_207 = vector.shape_cast %mul3A_203 : vector<16xf32> to vector<16xf32>
      tpu.vector_store %arg11[%swap3A_204], %swap3A_207 {strides = array<i32>} : memref<768xf32, #tpu.memory_space<vmem>>, vector<16xf32>,
      %mul3A_208 = arith.mulf %while3A_182#5, %div3A_92 : vector<16xf32>
      %swap3A_209 = arith.constant 336 : index
      %swap3A_210 = tpu.vector_load %arg11[%swap3A_209] {strides = array<i32>} : memref<768xf32, #tpu.memory_space<vmem>>, vector<16xf32>,
      %swap3A_211 = vector.shape_cast %swap3A_210 : vector<16xf32> to vector<16xf32>
      %swap3A_212 = vector.shape_cast %mul3A_208 : vector<16xf32> to vector<16xf32>
      tpu.vector_store %arg11[%swap3A_209], %swap3A_212 {strides = array<i32>} : memref<768xf32, #tpu.memory_space<vmem>>, vector<16xf32>,
      %mul3A_213 = arith.mulf %while3A_182#6, %div3A_92 : vector<16xf32>
      %swap3A_214 = arith.constant 352 : index
      %swap3A_215 = tpu.vector_load %arg11[%swap3A_214] {strides = array<i32>} : memref<768xf32, #tpu.memory_space<vmem>>, vector<16xf32>,
      %swap3A_216 = vector.shape_cast %swap3A_215 : vector<16xf32> to vector<16xf32>
      %swap3A_217 = vector.shape_cast %mul3A_213 : vector<16xf32> to vector<16xf32>
      tpu.vector_store %arg11[%swap3A_214], %swap3A_217 {strides = array<i32>} : memref<768xf32, #tpu.memory_space<vmem>>, vector<16xf32>,
      %mul3A_218 = arith.mulf %while3A_182#7, %div3A_92 : vector<16xf32>
      %swap3A_219 = arith.constant 368 : index
      %swap3A_220 = tpu.vector_load %arg11[%swap3A_219] {strides = array<i32>} : memref<768xf32, #tpu.memory_space<vmem>>, vector<16xf32>,
      %swap3A_221 = vector.shape_cast %swap3A_220 : vector<16xf32> to vector<16xf32>
      %swap3A_222 = vector.shape_cast %mul3A_218 : vector<16xf32> to vector<16xf32>
      tpu.vector_store %arg11[%swap3A_219], %swap3A_222 {strides = array<i32>} : memref<768xf32, #tpu.memory_space<vmem>>, vector<16xf32>,
      %mul3A_223 = arith.mulf %while3A_182#8, %div3A_92 : vector<16xf32>
      %swap3A_224 = arith.constant 384 : index
      %swap3A_225 = tpu.vector_load %arg11[%swap3A_224] {strides = array<i32>} : memref<768xf32, #tpu.memory_space<vmem>>, vector<16xf32>,
      %swap3A_226 = vector.shape_cast %swap3A_225 : vector<16xf32> to vector<16xf32>
      %swap3A_227 = vector.shape_cast %mul3A_223 : vector<16xf32> to vector<16xf32>
      tpu.vector_store %arg11[%swap3A_224], %swap3A_227 {strides = array<i32>} : memref<768xf32, #tpu.memory_space<vmem>>, vector<16xf32>,
      %mul3A_228 = arith.mulf %while3A_182#9, %div3A_92 : vector<16xf32>
      %swap3A_229 = arith.constant 400 : index
      %swap3A_230 = tpu.vector_load %arg11[%swap3A_229] {strides = array<i32>} : memref<768xf32, #tpu.memory_space<vmem>>, vector<16xf32>,
      %swap3A_231 = vector.shape_cast %swap3A_230 : vector<16xf32> to vector<16xf32>
      %swap3A_232 = vector.shape_cast %mul3A_228 : vector<16xf32> to vector<16xf32>
      tpu.vector_store %arg11[%swap3A_229], %swap3A_232 {strides = array<i32>} : memref<768xf32, #tpu.memory_space<vmem>>, vector<16xf32>,
      %mul3A_233 = arith.mulf %while3A_182#10, %div3A_92 : vector<16xf32>
      %swap3A_234 = arith.constant 416 : index
      %swap3A_235 = tpu.vector_load %arg11[%swap3A_234] {strides = array<i32>} : memref<768xf32, #tpu.memory_space<vmem>>, vector<16xf32>,
      %swap3A_236 = vector.shape_cast %swap3A_235 : vector<16xf32> to vector<16xf32>
      %swap3A_237 = vector.shape_cast %mul3A_233 : vector<16xf32> to vector<16xf32>
      tpu.vector_store %arg11[%swap3A_234], %swap3A_237 {strides = array<i32>} : memref<768xf32, #tpu.memory_space<vmem>>, vector<16xf32>,
      %mul3A_238 = arith.mulf %while3A_182#11, %div3A_92 : vector<16xf32>
      %swap3A_239 = arith.constant 432 : index
      %swap3A_240 = tpu.vector_load %arg11[%swap3A_239] {strides = array<i32>} : memref<768xf32, #tpu.memory_space<vmem>>, vector<16xf32>,
      %swap3A_241 = vector.shape_cast %swap3A_240 : vector<16xf32> to vector<16xf32>
      %swap3A_242 = vector.shape_cast %mul3A_238 : vector<16xf32> to vector<16xf32>
      tpu.vector_store %arg11[%swap3A_239], %swap3A_242 {strides = array<i32>} : memref<768xf32, #tpu.memory_space<vmem>>, vector<16xf32>,
      %mul3A_243 = arith.mulf %while3A_182#12, %div3A_92 : vector<16xf32>
      %swap3A_244 = arith.constant 448 : index
      %swap3A_245 = tpu.vector_load %arg11[%swap3A_244] {strides = array<i32>} : memref<768xf32, #tpu.memory_space<vmem>>, vector<16xf32>,
      %swap3A_246 = vector.shape_cast %swap3A_245 : vector<16xf32> to vector<16xf32>
      %swap3A_247 = vector.shape_cast %mul3A_243 : vector<16xf32> to vector<16xf32>
      tpu.vector_store %arg11[%swap3A_244], %swap3A_247 {strides = array<i32>} : memref<768xf32, #tpu.memory_space<vmem>>, vector<16xf32>,
      %mul3A_248 = arith.mulf %while3A_182#13, %div3A_92 : vector<16xf32>
      %swap3A_249 = arith.constant 464 : index
      %swap3A_250 = tpu.vector_load %arg11[%swap3A_249] {strides = array<i32>} : memref<768xf32, #tpu.memory_space<vmem>>, vector<16xf32>,
      %swap3A_251 = vector.shape_cast %swap3A_250 : vector<16xf32> to vector<16xf32>
      %swap3A_252 = vector.shape_cast %mul3A_248 : vector<16xf32> to vector<16xf32>
      tpu.vector_store %arg11[%swap3A_249], %swap3A_252 {strides = array<i32>} : memref<768xf32, #tpu.memory_space<vmem>>, vector<16xf32>,
      %mul3A_253 = arith.mulf %while3A_182#14, %div3A_92 : vector<16xf32>
      %swap3A_254 = arith.constant 480 : index
      %swap3A_255 = tpu.vector_load %arg11[%swap3A_254] {strides = array<i32>} : memref<768xf32, #tpu.memory_space<vmem>>, vector<16xf32>,
      %swap3A_256 = vector.shape_cast %swap3A_255 : vector<16xf32> to vector<16xf32>
      %swap3A_257 = vector.shape_cast %mul3A_253 : vector<16xf32> to vector<16xf32>
      tpu.vector_store %arg11[%swap3A_254], %swap3A_257 {strides = array<i32>} : memref<768xf32, #tpu.memory_space<vmem>>, vector<16xf32>,
      %mul3A_258 = arith.mulf %while3A_182#15, %div3A_92 : vector<16xf32>
      %swap3A_259 = arith.constant 496 : index
      %swap3A_260 = tpu.vector_load %arg11[%swap3A_259] {strides = array<i32>} : memref<768xf32, #tpu.memory_space<vmem>>, vector<16xf32>,
      %swap3A_261 = vector.shape_cast %swap3A_260 : vector<16xf32> to vector<16xf32>
      %swap3A_262 = vector.shape_cast %mul3A_258 : vector<16xf32> to vector<16xf32>
      tpu.vector_store %arg11[%swap3A_259], %swap3A_262 {strides = array<i32>} : memref<768xf32, #tpu.memory_space<vmem>>, vector<16xf32>,
      %while3A_263 = arith.constant 0 : i32
      %while3A_264 = arith.subi %squeeze3A_67, %while3A_263 : i32
      %while3A_265 = arith.addi %while3A_263, %while3A_264 : i32
      %while3A_266 = arith.constant 1 : i32
      %while3A_267 = arith.divsi %while3A_264, %while3A_266 : i32
      %while3A_268 = arith.muli %while3A_267, %while3A_266 : i32
      %while3A_269 = arith.addi %while3A_263, %while3A_268 : i32
      %while3A_270 = arith.constant 1 : i32
      %while3A_271:17 = scf.for %while3A_1779 = %while3A_263 to %while3A_269 step %while3A_270 iter_args(%while3A_1780 = %broadcast_in_dim3A_72, %while3A_1781 = %broadcast_in_dim3A_72, %while3A_1782 = %broadcast_in_dim3A_72, %while3A_1783 = %broadcast_in_dim3A_72, %while3A_1784 = %broadcast_in_dim3A_72, %while3A_1785 = %broadcast_in_dim3A_72, %while3A_1786 = %broadcast_in_dim3A_72, %while3A_1787 = %broadcast_in_dim3A_72, %while3A_1788 = %broadcast_in_dim3A_72, %while3A_1789 = %broadcast_in_dim3A_72, %while3A_1790 = %broadcast_in_dim3A_72, %while3A_1791 = %broadcast_in_dim3A_72, %while3A_1792 = %broadcast_in_dim3A_72, %while3A_1793 = %broadcast_in_dim3A_72, %while3A_1794 = %broadcast_in_dim3A_72, %while3A_1795 = %broadcast_in_dim3A_72, %while3A_1796 = %broadcast_in_dim3A_70) -> (vector<16xf32>, vector<16xf32>, vector<16xf32>, vector<16xf32>, vector<16xf32>, vector<16xf32>, vector<16xf32>, vector<16xf32>, vector<16xf32>, vector<16xf32>, vector<16xf32>, vector<16xf32>, vector<16xf32>, vector<16xf32>, vector<16xf32>, vector<16xf32>, vector<16xf32>)  : i32 {
        %jit3A_1797 = arith.constant 8 : i32
        %div3A_1798 = arith.divsi %while3A_1779, %jit3A_1797 : i32
        %sign3A_1799 = arith.constant 0 : i32
        %sign3A_1800 = arith.cmpi sgt, %while3A_1779, %sign3A_1799 : i32
        %sign3A_1801 = arith.extui %sign3A_1800 : i1 to i32
        %sign3A_1802 = arith.constant 0 : i32
        %sign3A_1803 = arith.cmpi slt, %while3A_1779, %sign3A_1802 : i32
        %sign3A_1804 = arith.extui %sign3A_1803 : i1 to i32
        %sign3A_1805 = arith.subi %sign3A_1801, %sign3A_1804 : i32
        %sign3A_1806 = arith.constant 0 : i32
        %sign3A_1807 = arith.cmpi sgt, %jit3A_1797, %sign3A_1806 : i32
        %sign3A_1808 = arith.extui %sign3A_1807 : i1 to i32
        %sign3A_1809 = arith.constant 0 : i32
        %sign3A_1810 = arith.cmpi slt, %jit3A_1797, %sign3A_1809 : i32
        %sign3A_1811 = arith.extui %sign3A_1810 : i1 to i32
        %sign3A_1812 = arith.subi %sign3A_1808, %sign3A_1811 : i32
        %ne3A_1813 = arith.cmpi ne, %sign3A_1805, %sign3A_1812 : i32
        %rem3A_1814 = arith.remsi %while3A_1779, %jit3A_1797 : i32
        %ne3A_1815 = arith.constant 0 : i32
        %ne3A_1816 = arith.cmpi ne, %rem3A_1814, %ne3A_1815 : i32
        %and3A_1817 = arith.andi %ne3A_1813, %ne3A_1816 : i1
        %sub3A_1818 = arith.constant 1 : i32
        %sub3A_1819 = arith.subi %div3A_1798, %sub3A_1818 : i32
        %select_n3A_1820 = arith.select %and3A_1817, %sub3A_1819, %div3A_1798 : i32
        %mul3A_1821 = arith.constant 8 : i32
        %mul3A_1822 = arith.muli %select_n3A_1820, %mul3A_1821 : i32
        %sub3A_1823 = arith.subi %while3A_1779, %mul3A_1822 : i32
        %get3A_1824 = arith.index_cast %rem3A_42 : i32 to index
        %get3A_1825 = arith.index_cast %select_n3A_1820 : i32 to index
        %get3A_1826 = arith.index_cast %sub3A_1823 : i32 to index
        %get3A_1827 = arith.constant 512 : index
        %get3A_1828 = tpu.vector_load %arg8[%get3A_1824, %get3A_1825, %get3A_1826, %get3A_1827] {strides = array<i32>} : memref<2x7x8x768xf32, #tpu.memory_space<vmem>>, vector<1x1x1x16xf32>,
        %get3A_1829 = vector.shape_cast %get3A_1828 : vector<1x1x1x16xf32> to vector<16xf32>
        %mul3A_1830 = arith.mulf %get3A_1829, %while3A_1796 : vector<16xf32>
        %add3A_1831 = arith.addf %while3A_1780, %mul3A_1830 : vector<16xf32>
        %get3A_1832 = arith.index_cast %rem3A_42 : i32 to index
        %get3A_1833 = arith.index_cast %select_n3A_1820 : i32 to index
        %get3A_1834 = arith.index_cast %sub3A_1823 : i32 to index
        %get3A_1835 = arith.constant 528 : index
        %get3A_1836 = tpu.vector_load %arg8[%get3A_1832, %get3A_1833, %get3A_1834, %get3A_1835] {strides = array<i32>} : memref<2x7x8x768xf32, #tpu.memory_space<vmem>>, vector<1x1x1x16xf32>,
        %get3A_1837 = vector.shape_cast %get3A_1836 : vector<1x1x1x16xf32> to vector<16xf32>
        %mul3A_1838 = arith.mulf %get3A_1837, %while3A_1796 : vector<16xf32>
        %add3A_1839 = arith.addf %while3A_1781, %mul3A_1838 : vector<16xf32>
        %get3A_1840 = arith.index_cast %rem3A_42 : i32 to index
        %get3A_1841 = arith.index_cast %select_n3A_1820 : i32 to index
        %get3A_1842 = arith.index_cast %sub3A_1823 : i32 to index
        %get3A_1843 = arith.constant 544 : index
        %get3A_1844 = tpu.vector_load %arg8[%get3A_1840, %get3A_1841, %get3A_1842, %get3A_1843] {strides = array<i32>} : memref<2x7x8x768xf32, #tpu.memory_space<vmem>>, vector<1x1x1x16xf32>,
        %get3A_1845 = vector.shape_cast %get3A_1844 : vector<1x1x1x16xf32> to vector<16xf32>
        %mul3A_1846 = arith.mulf %get3A_1845, %while3A_1796 : vector<16xf32>
        %add3A_1847 = arith.addf %while3A_1782, %mul3A_1846 : vector<16xf32>
        %get3A_1848 = arith.index_cast %rem3A_42 : i32 to index
        %get3A_1849 = arith.index_cast %select_n3A_1820 : i32 to index
        %get3A_1850 = arith.index_cast %sub3A_1823 : i32 to index
        %get3A_1851 = arith.constant 560 : index
        %get3A_1852 = tpu.vector_load %arg8[%get3A_1848, %get3A_1849, %get3A_1850, %get3A_1851] {strides = array<i32>} : memref<2x7x8x768xf32, #tpu.memory_space<vmem>>, vector<1x1x1x16xf32>,
        %get3A_1853 = vector.shape_cast %get3A_1852 : vector<1x1x1x16xf32> to vector<16xf32>
        %mul3A_1854 = arith.mulf %get3A_1853, %while3A_1796 : vector<16xf32>
        %add3A_1855 = arith.addf %while3A_1783, %mul3A_1854 : vector<16xf32>
        %get3A_1856 = arith.index_cast %rem3A_42 : i32 to index
        %get3A_1857 = arith.index_cast %select_n3A_1820 : i32 to index
        %get3A_1858 = arith.index_cast %sub3A_1823 : i32 to index
        %get3A_1859 = arith.constant 576 : index
        %get3A_1860 = tpu.vector_load %arg8[%get3A_1856, %get3A_1857, %get3A_1858, %get3A_1859] {strides = array<i32>} : memref<2x7x8x768xf32, #tpu.memory_space<vmem>>, vector<1x1x1x16xf32>,
        %get3A_1861 = vector.shape_cast %get3A_1860 : vector<1x1x1x16xf32> to vector<16xf32>
        %mul3A_1862 = arith.mulf %get3A_1861, %while3A_1796 : vector<16xf32>
        %add3A_1863 = arith.addf %while3A_1784, %mul3A_1862 : vector<16xf32>
        %get3A_1864 = arith.index_cast %rem3A_42 : i32 to index
        %get3A_1865 = arith.index_cast %select_n3A_1820 : i32 to index
        %get3A_1866 = arith.index_cast %sub3A_1823 : i32 to index
        %get3A_1867 = arith.constant 592 : index
        %get3A_1868 = tpu.vector_load %arg8[%get3A_1864, %get3A_1865, %get3A_1866, %get3A_1867] {strides = array<i32>} : memref<2x7x8x768xf32, #tpu.memory_space<vmem>>, vector<1x1x1x16xf32>,
        %get3A_1869 = vector.shape_cast %get3A_1868 : vector<1x1x1x16xf32> to vector<16xf32>
        %mul3A_1870 = arith.mulf %get3A_1869, %while3A_1796 : vector<16xf32>
        %add3A_1871 = arith.addf %while3A_1785, %mul3A_1870 : vector<16xf32>
        %get3A_1872 = arith.index_cast %rem3A_42 : i32 to index
        %get3A_1873 = arith.index_cast %select_n3A_1820 : i32 to index
        %get3A_1874 = arith.index_cast %sub3A_1823 : i32 to index
        %get3A_1875 = arith.constant 608 : index
        %get3A_1876 = tpu.vector_load %arg8[%get3A_1872, %get3A_1873, %get3A_1874, %get3A_1875] {strides = array<i32>} : memref<2x7x8x768xf32, #tpu.memory_space<vmem>>, vector<1x1x1x16xf32>,
        %get3A_1877 = vector.shape_cast %get3A_1876 : vector<1x1x1x16xf32> to vector<16xf32>
        %mul3A_1878 = arith.mulf %get3A_1877, %while3A_1796 : vector<16xf32>
        %add3A_1879 = arith.addf %while3A_1786, %mul3A_1878 : vector<16xf32>
        %get3A_1880 = arith.index_cast %rem3A_42 : i32 to index
        %get3A_1881 = arith.index_cast %select_n3A_1820 : i32 to index
        %get3A_1882 = arith.index_cast %sub3A_1823 : i32 to index
        %get3A_1883 = arith.constant 624 : index
        %get3A_1884 = tpu.vector_load %arg8[%get3A_1880, %get3A_1881, %get3A_1882, %get3A_1883] {strides = array<i32>} : memref<2x7x8x768xf32, #tpu.memory_space<vmem>>, vector<1x1x1x16xf32>,
        %get3A_1885 = vector.shape_cast %get3A_1884 : vector<1x1x1x16xf32> to vector<16xf32>
        %mul3A_1886 = arith.mulf %get3A_1885, %while3A_1796 : vector<16xf32>
        %add3A_1887 = arith.addf %while3A_1787, %mul3A_1886 : vector<16xf32>
        %get3A_1888 = arith.index_cast %rem3A_42 : i32 to index
        %get3A_1889 = arith.index_cast %select_n3A_1820 : i32 to index
        %get3A_1890 = arith.index_cast %sub3A_1823 : i32 to index
        %get3A_1891 = arith.constant 640 : index
        %get3A_1892 = tpu.vector_load %arg8[%get3A_1888, %get3A_1889, %get3A_1890, %get3A_1891] {strides = array<i32>} : memref<2x7x8x768xf32, #tpu.memory_space<vmem>>, vector<1x1x1x16xf32>,
        %get3A_1893 = vector.shape_cast %get3A_1892 : vector<1x1x1x16xf32> to vector<16xf32>
        %mul3A_1894 = arith.mulf %get3A_1893, %while3A_1796 : vector<16xf32>
        %add3A_1895 = arith.addf %while3A_1788, %mul3A_1894 : vector<16xf32>
        %get3A_1896 = arith.index_cast %rem3A_42 : i32 to index
        %get3A_1897 = arith.index_cast %select_n3A_1820 : i32 to index
        %get3A_1898 = arith.index_cast %sub3A_1823 : i32 to index
        %get3A_1899 = arith.constant 656 : index
        %get3A_1900 = tpu.vector_load %arg8[%get3A_1896, %get3A_1897, %get3A_1898, %get3A_1899] {strides = array<i32>} : memref<2x7x8x768xf32, #tpu.memory_space<vmem>>, vector<1x1x1x16xf32>,
        %get3A_1901 = vector.shape_cast %get3A_1900 : vector<1x1x1x16xf32> to vector<16xf32>
        %mul3A_1902 = arith.mulf %get3A_1901, %while3A_1796 : vector<16xf32>
        %add3A_1903 = arith.addf %while3A_1789, %mul3A_1902 : vector<16xf32>
        %get3A_1904 = arith.index_cast %rem3A_42 : i32 to index
        %get3A_1905 = arith.index_cast %select_n3A_1820 : i32 to index
        %get3A_1906 = arith.index_cast %sub3A_1823 : i32 to index
        %get3A_1907 = arith.constant 672 : index
        %get3A_1908 = tpu.vector_load %arg8[%get3A_1904, %get3A_1905, %get3A_1906, %get3A_1907] {strides = array<i32>} : memref<2x7x8x768xf32, #tpu.memory_space<vmem>>, vector<1x1x1x16xf32>,
        %get3A_1909 = vector.shape_cast %get3A_1908 : vector<1x1x1x16xf32> to vector<16xf32>
        %mul3A_1910 = arith.mulf %get3A_1909, %while3A_1796 : vector<16xf32>
        %add3A_1911 = arith.addf %while3A_1790, %mul3A_1910 : vector<16xf32>
        %get3A_1912 = arith.index_cast %rem3A_42 : i32 to index
        %get3A_1913 = arith.index_cast %select_n3A_1820 : i32 to index
        %get3A_1914 = arith.index_cast %sub3A_1823 : i32 to index
        %get3A_1915 = arith.constant 688 : index
        %get3A_1916 = tpu.vector_load %arg8[%get3A_1912, %get3A_1913, %get3A_1914, %get3A_1915] {strides = array<i32>} : memref<2x7x8x768xf32, #tpu.memory_space<vmem>>, vector<1x1x1x16xf32>,
        %get3A_1917 = vector.shape_cast %get3A_1916 : vector<1x1x1x16xf32> to vector<16xf32>
        %mul3A_1918 = arith.mulf %get3A_1917, %while3A_1796 : vector<16xf32>
        %add3A_1919 = arith.addf %while3A_1791, %mul3A_1918 : vector<16xf32>
        %get3A_1920 = arith.index_cast %rem3A_42 : i32 to index
        %get3A_1921 = arith.index_cast %select_n3A_1820 : i32 to index
        %get3A_1922 = arith.index_cast %sub3A_1823 : i32 to index
        %get3A_1923 = arith.constant 704 : index
        %get3A_1924 = tpu.vector_load %arg8[%get3A_1920, %get3A_1921, %get3A_1922, %get3A_1923] {strides = array<i32>} : memref<2x7x8x768xf32, #tpu.memory_space<vmem>>, vector<1x1x1x16xf32>,
        %get3A_1925 = vector.shape_cast %get3A_1924 : vector<1x1x1x16xf32> to vector<16xf32>
        %mul3A_1926 = arith.mulf %get3A_1925, %while3A_1796 : vector<16xf32>
        %add3A_1927 = arith.addf %while3A_1792, %mul3A_1926 : vector<16xf32>
        %get3A_1928 = arith.index_cast %rem3A_42 : i32 to index
        %get3A_1929 = arith.index_cast %select_n3A_1820 : i32 to index
        %get3A_1930 = arith.index_cast %sub3A_1823 : i32 to index
        %get3A_1931 = arith.constant 720 : index
        %get3A_1932 = tpu.vector_load %arg8[%get3A_1928, %get3A_1929, %get3A_1930, %get3A_1931] {strides = array<i32>} : memref<2x7x8x768xf32, #tpu.memory_space<vmem>>, vector<1x1x1x16xf32>,
        %get3A_1933 = vector.shape_cast %get3A_1932 : vector<1x1x1x16xf32> to vector<16xf32>
        %mul3A_1934 = arith.mulf %get3A_1933, %while3A_1796 : vector<16xf32>
        %add3A_1935 = arith.addf %while3A_1793, %mul3A_1934 : vector<16xf32>
        %get3A_1936 = arith.index_cast %rem3A_42 : i32 to index
        %get3A_1937 = arith.index_cast %select_n3A_1820 : i32 to index
        %get3A_1938 = arith.index_cast %sub3A_1823 : i32 to index
        %get3A_1939 = arith.constant 736 : index
        %get3A_1940 = tpu.vector_load %arg8[%get3A_1936, %get3A_1937, %get3A_1938, %get3A_1939] {strides = array<i32>} : memref<2x7x8x768xf32, #tpu.memory_space<vmem>>, vector<1x1x1x16xf32>,
        %get3A_1941 = vector.shape_cast %get3A_1940 : vector<1x1x1x16xf32> to vector<16xf32>
        %mul3A_1942 = arith.mulf %get3A_1941, %while3A_1796 : vector<16xf32>
        %add3A_1943 = arith.addf %while3A_1794, %mul3A_1942 : vector<16xf32>
        %get3A_1944 = arith.index_cast %rem3A_42 : i32 to index
        %get3A_1945 = arith.index_cast %select_n3A_1820 : i32 to index
        %get3A_1946 = arith.index_cast %sub3A_1823 : i32 to index
        %get3A_1947 = arith.constant 752 : index
        %get3A_1948 = tpu.vector_load %arg8[%get3A_1944, %get3A_1945, %get3A_1946, %get3A_1947] {strides = array<i32>} : memref<2x7x8x768xf32, #tpu.memory_space<vmem>>, vector<1x1x1x16xf32>,
        %get3A_1949 = vector.shape_cast %get3A_1948 : vector<1x1x1x16xf32> to vector<16xf32>
        %mul3A_1950 = arith.mulf %get3A_1949, %while3A_1796 : vector<16xf32>
        %add3A_1951 = arith.addf %while3A_1795, %mul3A_1950 : vector<16xf32>
        %mul3A_1952 = arith.mulf %while3A_1796, %broadcast_in_dim3A_68 : vector<16xf32>
        scf.yield %add3A_1831, %add3A_1839, %add3A_1847, %add3A_1855, %add3A_1863, %add3A_1871, %add3A_1879, %add3A_1887, %add3A_1895, %add3A_1903, %add3A_1911, %add3A_1919, %add3A_1927, %add3A_1935, %add3A_1943, %add3A_1951, %mul3A_1952 : vector<16xf32>, vector<16xf32>, vector<16xf32>, vector<16xf32>, vector<16xf32>, vector<16xf32>, vector<16xf32>, vector<16xf32>, vector<16xf32>, vector<16xf32>, vector<16xf32>, vector<16xf32>, vector<16xf32>, vector<16xf32>, vector<16xf32>, vector<16xf32>, vector<16xf32>
      }
      %while3A_272 = arith.constant 1 : i32
      %while3A_273:17 = scf.for %while3A_1779 = %while3A_269 to %while3A_265 step %while3A_272 iter_args(%while3A_1780 = %while3A_271#0, %while3A_1781 = %while3A_271#1, %while3A_1782 = %while3A_271#2, %while3A_1783 = %while3A_271#3, %while3A_1784 = %while3A_271#4, %while3A_1785 = %while3A_271#5, %while3A_1786 = %while3A_271#6, %while3A_1787 = %while3A_271#7, %while3A_1788 = %while3A_271#8, %while3A_1789 = %while3A_271#9, %while3A_1790 = %while3A_271#10, %while3A_1791 = %while3A_271#11, %while3A_1792 = %while3A_271#12, %while3A_1793 = %while3A_271#13, %while3A_1794 = %while3A_271#14, %while3A_1795 = %while3A_271#15, %while3A_1796 = %while3A_271#16) -> (vector<16xf32>, vector<16xf32>, vector<16xf32>, vector<16xf32>, vector<16xf32>, vector<16xf32>, vector<16xf32>, vector<16xf32>, vector<16xf32>, vector<16xf32>, vector<16xf32>, vector<16xf32>, vector<16xf32>, vector<16xf32>, vector<16xf32>, vector<16xf32>, vector<16xf32>)  : i32 {
        %jit3A_1797 = arith.constant 8 : i32
        %div3A_1798 = arith.divsi %while3A_1779, %jit3A_1797 : i32
        %sign3A_1799 = arith.constant 0 : i32
        %sign3A_1800 = arith.cmpi sgt, %while3A_1779, %sign3A_1799 : i32
        %sign3A_1801 = arith.extui %sign3A_1800 : i1 to i32
        %sign3A_1802 = arith.constant 0 : i32
        %sign3A_1803 = arith.cmpi slt, %while3A_1779, %sign3A_1802 : i32
        %sign3A_1804 = arith.extui %sign3A_1803 : i1 to i32
        %sign3A_1805 = arith.subi %sign3A_1801, %sign3A_1804 : i32
        %sign3A_1806 = arith.constant 0 : i32
        %sign3A_1807 = arith.cmpi sgt, %jit3A_1797, %sign3A_1806 : i32
        %sign3A_1808 = arith.extui %sign3A_1807 : i1 to i32
        %sign3A_1809 = arith.constant 0 : i32
        %sign3A_1810 = arith.cmpi slt, %jit3A_1797, %sign3A_1809 : i32
        %sign3A_1811 = arith.extui %sign3A_1810 : i1 to i32
        %sign3A_1812 = arith.subi %sign3A_1808, %sign3A_1811 : i32
        %ne3A_1813 = arith.cmpi ne, %sign3A_1805, %sign3A_1812 : i32
        %rem3A_1814 = arith.remsi %while3A_1779, %jit3A_1797 : i32
        %ne3A_1815 = arith.constant 0 : i32
        %ne3A_1816 = arith.cmpi ne, %rem3A_1814, %ne3A_1815 : i32
        %and3A_1817 = arith.andi %ne3A_1813, %ne3A_1816 : i1
        %sub3A_1818 = arith.constant 1 : i32
        %sub3A_1819 = arith.subi %div3A_1798, %sub3A_1818 : i32
        %select_n3A_1820 = arith.select %and3A_1817, %sub3A_1819, %div3A_1798 : i32
        %mul3A_1821 = arith.constant 8 : i32
        %mul3A_1822 = arith.muli %select_n3A_1820, %mul3A_1821 : i32
        %sub3A_1823 = arith.subi %while3A_1779, %mul3A_1822 : i32
        %get3A_1824 = arith.index_cast %rem3A_42 : i32 to index
        %get3A_1825 = arith.index_cast %select_n3A_1820 : i32 to index
        %get3A_1826 = arith.index_cast %sub3A_1823 : i32 to index
        %get3A_1827 = arith.constant 512 : index
        %get3A_1828 = tpu.vector_load %arg8[%get3A_1824, %get3A_1825, %get3A_1826, %get3A_1827] {strides = array<i32>} : memref<2x7x8x768xf32, #tpu.memory_space<vmem>>, vector<1x1x1x16xf32>,
        %get3A_1829 = vector.shape_cast %get3A_1828 : vector<1x1x1x16xf32> to vector<16xf32>
        %mul3A_1830 = arith.mulf %get3A_1829, %while3A_1796 : vector<16xf32>
        %add3A_1831 = arith.addf %while3A_1780, %mul3A_1830 : vector<16xf32>
        %get3A_1832 = arith.index_cast %rem3A_42 : i32 to index
        %get3A_1833 = arith.index_cast %select_n3A_1820 : i32 to index
        %get3A_1834 = arith.index_cast %sub3A_1823 : i32 to index
        %get3A_1835 = arith.constant 528 : index
        %get3A_1836 = tpu.vector_load %arg8[%get3A_1832, %get3A_1833, %get3A_1834, %get3A_1835] {strides = array<i32>} : memref<2x7x8x768xf32, #tpu.memory_space<vmem>>, vector<1x1x1x16xf32>,
        %get3A_1837 = vector.shape_cast %get3A_1836 : vector<1x1x1x16xf32> to vector<16xf32>
        %mul3A_1838 = arith.mulf %get3A_1837, %while3A_1796 : vector<16xf32>
        %add3A_1839 = arith.addf %while3A_1781, %mul3A_1838 : vector<16xf32>
        %get3A_1840 = arith.index_cast %rem3A_42 : i32 to index
        %get3A_1841 = arith.index_cast %select_n3A_1820 : i32 to index
        %get3A_1842 = arith.index_cast %sub3A_1823 : i32 to index
        %get3A_1843 = arith.constant 544 : index
        %get3A_1844 = tpu.vector_load %arg8[%get3A_1840, %get3A_1841, %get3A_1842, %get3A_1843] {strides = array<i32>} : memref<2x7x8x768xf32, #tpu.memory_space<vmem>>, vector<1x1x1x16xf32>,
        %get3A_1845 = vector.shape_cast %get3A_1844 : vector<1x1x1x16xf32> to vector<16xf32>
        %mul3A_1846 = arith.mulf %get3A_1845, %while3A_1796 : vector<16xf32>
        %add3A_1847 = arith.addf %while3A_1782, %mul3A_1846 : vector<16xf32>
        %get3A_1848 = arith.index_cast %rem3A_42 : i32 to index
        %get3A_1849 = arith.index_cast %select_n3A_1820 : i32 to index
        %get3A_1850 = arith.index_cast %sub3A_1823 : i32 to index
        %get3A_1851 = arith.constant 560 : index
        %get3A_1852 = tpu.vector_load %arg8[%get3A_1848, %get3A_1849, %get3A_1850, %get3A_1851] {strides = array<i32>} : memref<2x7x8x768xf32, #tpu.memory_space<vmem>>, vector<1x1x1x16xf32>,
        %get3A_1853 = vector.shape_cast %get3A_1852 : vector<1x1x1x16xf32> to vector<16xf32>
        %mul3A_1854 = arith.mulf %get3A_1853, %while3A_1796 : vector<16xf32>
        %add3A_1855 = arith.addf %while3A_1783, %mul3A_1854 : vector<16xf32>
        %get3A_1856 = arith.index_cast %rem3A_42 : i32 to index
        %get3A_1857 = arith.index_cast %select_n3A_1820 : i32 to index
        %get3A_1858 = arith.index_cast %sub3A_1823 : i32 to index
        %get3A_1859 = arith.constant 576 : index
        %get3A_1860 = tpu.vector_load %arg8[%get3A_1856, %get3A_1857, %get3A_1858, %get3A_1859] {strides = array<i32>} : memref<2x7x8x768xf32, #tpu.memory_space<vmem>>, vector<1x1x1x16xf32>,
        %get3A_1861 = vector.shape_cast %get3A_1860 : vector<1x1x1x16xf32> to vector<16xf32>
        %mul3A_1862 = arith.mulf %get3A_1861, %while3A_1796 : vector<16xf32>
        %add3A_1863 = arith.addf %while3A_1784, %mul3A_1862 : vector<16xf32>
        %get3A_1864 = arith.index_cast %rem3A_42 : i32 to index
        %get3A_1865 = arith.index_cast %select_n3A_1820 : i32 to index
        %get3A_1866 = arith.index_cast %sub3A_1823 : i32 to index
        %get3A_1867 = arith.constant 592 : index
        %get3A_1868 = tpu.vector_load %arg8[%get3A_1864, %get3A_1865, %get3A_1866, %get3A_1867] {strides = array<i32>} : memref<2x7x8x768xf32, #tpu.memory_space<vmem>>, vector<1x1x1x16xf32>,
        %get3A_1869 = vector.shape_cast %get3A_1868 : vector<1x1x1x16xf32> to vector<16xf32>
        %mul3A_1870 = arith.mulf %get3A_1869, %while3A_1796 : vector<16xf32>
        %add3A_1871 = arith.addf %while3A_1785, %mul3A_1870 : vector<16xf32>
        %get3A_1872 = arith.index_cast %rem3A_42 : i32 to index
        %get3A_1873 = arith.index_cast %select_n3A_1820 : i32 to index
        %get3A_1874 = arith.index_cast %sub3A_1823 : i32 to index
        %get3A_1875 = arith.constant 608 : index
        %get3A_1876 = tpu.vector_load %arg8[%get3A_1872, %get3A_1873, %get3A_1874, %get3A_1875] {strides = array<i32>} : memref<2x7x8x768xf32, #tpu.memory_space<vmem>>, vector<1x1x1x16xf32>,
        %get3A_1877 = vector.shape_cast %get3A_1876 : vector<1x1x1x16xf32> to vector<16xf32>
        %mul3A_1878 = arith.mulf %get3A_1877, %while3A_1796 : vector<16xf32>
        %add3A_1879 = arith.addf %while3A_1786, %mul3A_1878 : vector<16xf32>
        %get3A_1880 = arith.index_cast %rem3A_42 : i32 to index
        %get3A_1881 = arith.index_cast %select_n3A_1820 : i32 to index
        %get3A_1882 = arith.index_cast %sub3A_1823 : i32 to index
        %get3A_1883 = arith.constant 624 : index
        %get3A_1884 = tpu.vector_load %arg8[%get3A_1880, %get3A_1881, %get3A_1882, %get3A_1883] {strides = array<i32>} : memref<2x7x8x768xf32, #tpu.memory_space<vmem>>, vector<1x1x1x16xf32>,
        %get3A_1885 = vector.shape_cast %get3A_1884 : vector<1x1x1x16xf32> to vector<16xf32>
        %mul3A_1886 = arith.mulf %get3A_1885, %while3A_1796 : vector<16xf32>
        %add3A_1887 = arith.addf %while3A_1787, %mul3A_1886 : vector<16xf32>
        %get3A_1888 = arith.index_cast %rem3A_42 : i32 to index
        %get3A_1889 = arith.index_cast %select_n3A_1820 : i32 to index
        %get3A_1890 = arith.index_cast %sub3A_1823 : i32 to index
        %get3A_1891 = arith.constant 640 : index
        %get3A_1892 = tpu.vector_load %arg8[%get3A_1888, %get3A_1889, %get3A_1890, %get3A_1891] {strides = array<i32>} : memref<2x7x8x768xf32, #tpu.memory_space<vmem>>, vector<1x1x1x16xf32>,
        %get3A_1893 = vector.shape_cast %get3A_1892 : vector<1x1x1x16xf32> to vector<16xf32>
        %mul3A_1894 = arith.mulf %get3A_1893, %while3A_1796 : vector<16xf32>
        %add3A_1895 = arith.addf %while3A_1788, %mul3A_1894 : vector<16xf32>
        %get3A_1896 = arith.index_cast %rem3A_42 : i32 to index
        %get3A_1897 = arith.index_cast %select_n3A_1820 : i32 to index
        %get3A_1898 = arith.index_cast %sub3A_1823 : i32 to index
        %get3A_1899 = arith.constant 656 : index
        %get3A_1900 = tpu.vector_load %arg8[%get3A_1896, %get3A_1897, %get3A_1898, %get3A_1899] {strides = array<i32>} : memref<2x7x8x768xf32, #tpu.memory_space<vmem>>, vector<1x1x1x16xf32>,
        %get3A_1901 = vector.shape_cast %get3A_1900 : vector<1x1x1x16xf32> to vector<16xf32>
        %mul3A_1902 = arith.mulf %get3A_1901, %while3A_1796 : vector<16xf32>
        %add3A_1903 = arith.addf %while3A_1789, %mul3A_1902 : vector<16xf32>
        %get3A_1904 = arith.index_cast %rem3A_42 : i32 to index
        %get3A_1905 = arith.index_cast %select_n3A_1820 : i32 to index
        %get3A_1906 = arith.index_cast %sub3A_1823 : i32 to index
        %get3A_1907 = arith.constant 672 : index
        %get3A_1908 = tpu.vector_load %arg8[%get3A_1904, %get3A_1905, %get3A_1906, %get3A_1907] {strides = array<i32>} : memref<2x7x8x768xf32, #tpu.memory_space<vmem>>, vector<1x1x1x16xf32>,
        %get3A_1909 = vector.shape_cast %get3A_1908 : vector<1x1x1x16xf32> to vector<16xf32>
        %mul3A_1910 = arith.mulf %get3A_1909, %while3A_1796 : vector<16xf32>
        %add3A_1911 = arith.addf %while3A_1790, %mul3A_1910 : vector<16xf32>
        %get3A_1912 = arith.index_cast %rem3A_42 : i32 to index
        %get3A_1913 = arith.index_cast %select_n3A_1820 : i32 to index
        %get3A_1914 = arith.index_cast %sub3A_1823 : i32 to index
        %get3A_1915 = arith.constant 688 : index
        %get3A_1916 = tpu.vector_load %arg8[%get3A_1912, %get3A_1913, %get3A_1914, %get3A_1915] {strides = array<i32>} : memref<2x7x8x768xf32, #tpu.memory_space<vmem>>, vector<1x1x1x16xf32>,
        %get3A_1917 = vector.shape_cast %get3A_1916 : vector<1x1x1x16xf32> to vector<16xf32>
        %mul3A_1918 = arith.mulf %get3A_1917, %while3A_1796 : vector<16xf32>
        %add3A_1919 = arith.addf %while3A_1791, %mul3A_1918 : vector<16xf32>
        %get3A_1920 = arith.index_cast %rem3A_42 : i32 to index
        %get3A_1921 = arith.index_cast %select_n3A_1820 : i32 to index
        %get3A_1922 = arith.index_cast %sub3A_1823 : i32 to index
        %get3A_1923 = arith.constant 704 : index
        %get3A_1924 = tpu.vector_load %arg8[%get3A_1920, %get3A_1921, %get3A_1922, %get3A_1923] {strides = array<i32>} : memref<2x7x8x768xf32, #tpu.memory_space<vmem>>, vector<1x1x1x16xf32>,
        %get3A_1925 = vector.shape_cast %get3A_1924 : vector<1x1x1x16xf32> to vector<16xf32>
        %mul3A_1926 = arith.mulf %get3A_1925, %while3A_1796 : vector<16xf32>
        %add3A_1927 = arith.addf %while3A_1792, %mul3A_1926 : vector<16xf32>
        %get3A_1928 = arith.index_cast %rem3A_42 : i32 to index
        %get3A_1929 = arith.index_cast %select_n3A_1820 : i32 to index
        %get3A_1930 = arith.index_cast %sub3A_1823 : i32 to index
        %get3A_1931 = arith.constant 720 : index
        %get3A_1932 = tpu.vector_load %arg8[%get3A_1928, %get3A_1929, %get3A_1930, %get3A_1931] {strides = array<i32>} : memref<2x7x8x768xf32, #tpu.memory_space<vmem>>, vector<1x1x1x16xf32>,
        %get3A_1933 = vector.shape_cast %get3A_1932 : vector<1x1x1x16xf32> to vector<16xf32>
        %mul3A_1934 = arith.mulf %get3A_1933, %while3A_1796 : vector<16xf32>
        %add3A_1935 = arith.addf %while3A_1793, %mul3A_1934 : vector<16xf32>
        %get3A_1936 = arith.index_cast %rem3A_42 : i32 to index
        %get3A_1937 = arith.index_cast %select_n3A_1820 : i32 to index
        %get3A_1938 = arith.index_cast %sub3A_1823 : i32 to index
        %get3A_1939 = arith.constant 736 : index
        %get3A_1940 = tpu.vector_load %arg8[%get3A_1936, %get3A_1937, %get3A_1938, %get3A_1939] {strides = array<i32>} : memref<2x7x8x768xf32, #tpu.memory_space<vmem>>, vector<1x1x1x16xf32>,
        %get3A_1941 = vector.shape_cast %get3A_1940 : vector<1x1x1x16xf32> to vector<16xf32>
        %mul3A_1942 = arith.mulf %get3A_1941, %while3A_1796 : vector<16xf32>
        %add3A_1943 = arith.addf %while3A_1794, %mul3A_1942 : vector<16xf32>
        %get3A_1944 = arith.index_cast %rem3A_42 : i32 to index
        %get3A_1945 = arith.index_cast %select_n3A_1820 : i32 to index
        %get3A_1946 = arith.index_cast %sub3A_1823 : i32 to index
        %get3A_1947 = arith.constant 752 : index
        %get3A_1948 = tpu.vector_load %arg8[%get3A_1944, %get3A_1945, %get3A_1946, %get3A_1947] {strides = array<i32>} : memref<2x7x8x768xf32, #tpu.memory_space<vmem>>, vector<1x1x1x16xf32>,
        %get3A_1949 = vector.shape_cast %get3A_1948 : vector<1x1x1x16xf32> to vector<16xf32>
        %mul3A_1950 = arith.mulf %get3A_1949, %while3A_1796 : vector<16xf32>
        %add3A_1951 = arith.addf %while3A_1795, %mul3A_1950 : vector<16xf32>
        %mul3A_1952 = arith.mulf %while3A_1796, %broadcast_in_dim3A_68 : vector<16xf32>
        scf.yield %add3A_1831, %add3A_1839, %add3A_1847, %add3A_1855, %add3A_1863, %add3A_1871, %add3A_1879, %add3A_1887, %add3A_1895, %add3A_1903, %add3A_1911, %add3A_1919, %add3A_1927, %add3A_1935, %add3A_1943, %add3A_1951, %mul3A_1952 : vector<16xf32>, vector<16xf32>, vector<16xf32>, vector<16xf32>, vector<16xf32>, vector<16xf32>, vector<16xf32>, vector<16xf32>, vector<16xf32>, vector<16xf32>, vector<16xf32>, vector<16xf32>, vector<16xf32>, vector<16xf32>, vector<16xf32>, vector<16xf32>, vector<16xf32>
      }
      %mul3A_274 = arith.mulf %while3A_273#0, %div3A_92 : vector<16xf32>
      %swap3A_275 = arith.constant 512 : index
      %swap3A_276 = tpu.vector_load %arg11[%swap3A_275] {strides = array<i32>} : memref<768xf32, #tpu.memory_space<vmem>>, vector<16xf32>,
      %swap3A_277 = vector.shape_cast %swap3A_276 : vector<16xf32> to vector<16xf32>
      %swap3A_278 = vector.shape_cast %mul3A_274 : vector<16xf32> to vector<16xf32>
      tpu.vector_store %arg11[%swap3A_275], %swap3A_278 {strides = array<i32>} : memref<768xf32, #tpu.memory_space<vmem>>, vector<16xf32>,
      %mul3A_279 = arith.mulf %while3A_273#1, %div3A_92 : vector<16xf32>
      %swap3A_280 = arith.constant 528 : index
      %swap3A_281 = tpu.vector_load %arg11[%swap3A_280] {strides = array<i32>} : memref<768xf32, #tpu.memory_space<vmem>>, vector<16xf32>,
      %swap3A_282 = vector.shape_cast %swap3A_281 : vector<16xf32> to vector<16xf32>
      %swap3A_283 = vector.shape_cast %mul3A_279 : vector<16xf32> to vector<16xf32>
      tpu.vector_store %arg11[%swap3A_280], %swap3A_283 {strides = array<i32>} : memref<768xf32, #tpu.memory_space<vmem>>, vector<16xf32>,
      %mul3A_284 = arith.mulf %while3A_273#2, %div3A_92 : vector<16xf32>
      %swap3A_285 = arith.constant 544 : index
      %swap3A_286 = tpu.vector_load %arg11[%swap3A_285] {strides = array<i32>} : memref<768xf32, #tpu.memory_space<vmem>>, vector<16xf32>,
      %swap3A_287 = vector.shape_cast %swap3A_286 : vector<16xf32> to vector<16xf32>
      %swap3A_288 = vector.shape_cast %mul3A_284 : vector<16xf32> to vector<16xf32>
      tpu.vector_store %arg11[%swap3A_285], %swap3A_288 {strides = array<i32>} : memref<768xf32, #tpu.memory_space<vmem>>, vector<16xf32>,
      %mul3A_289 = arith.mulf %while3A_273#3, %div3A_92 : vector<16xf32>
      %swap3A_290 = arith.constant 560 : index
      %swap3A_291 = tpu.vector_load %arg11[%swap3A_290] {strides = array<i32>} : memref<768xf32, #tpu.memory_space<vmem>>, vector<16xf32>,
      %swap3A_292 = vector.shape_cast %swap3A_291 : vector<16xf32> to vector<16xf32>
      %swap3A_293 = vector.shape_cast %mul3A_289 : vector<16xf32> to vector<16xf32>
      tpu.vector_store %arg11[%swap3A_290], %swap3A_293 {strides = array<i32>} : memref<768xf32, #tpu.memory_space<vmem>>, vector<16xf32>,
      %mul3A_294 = arith.mulf %while3A_273#4, %div3A_92 : vector<16xf32>
      %swap3A_295 = arith.constant 576 : index
      %swap3A_296 = tpu.vector_load %arg11[%swap3A_295] {strides = array<i32>} : memref<768xf32, #tpu.memory_space<vmem>>, vector<16xf32>,
      %swap3A_297 = vector.shape_cast %swap3A_296 : vector<16xf32> to vector<16xf32>
      %swap3A_298 = vector.shape_cast %mul3A_294 : vector<16xf32> to vector<16xf32>
      tpu.vector_store %arg11[%swap3A_295], %swap3A_298 {strides = array<i32>} : memref<768xf32, #tpu.memory_space<vmem>>, vector<16xf32>,
      %mul3A_299 = arith.mulf %while3A_273#5, %div3A_92 : vector<16xf32>
      %swap3A_300 = arith.constant 592 : index
      %swap3A_301 = tpu.vector_load %arg11[%swap3A_300] {strides = array<i32>} : memref<768xf32, #tpu.memory_space<vmem>>, vector<16xf32>,
      %swap3A_302 = vector.shape_cast %swap3A_301 : vector<16xf32> to vector<16xf32>
      %swap3A_303 = vector.shape_cast %mul3A_299 : vector<16xf32> to vector<16xf32>
      tpu.vector_store %arg11[%swap3A_300], %swap3A_303 {strides = array<i32>} : memref<768xf32, #tpu.memory_space<vmem>>, vector<16xf32>,
      %mul3A_304 = arith.mulf %while3A_273#6, %div3A_92 : vector<16xf32>
      %swap3A_305 = arith.constant 608 : index
      %swap3A_306 = tpu.vector_load %arg11[%swap3A_305] {strides = array<i32>} : memref<768xf32, #tpu.memory_space<vmem>>, vector<16xf32>,
      %swap3A_307 = vector.shape_cast %swap3A_306 : vector<16xf32> to vector<16xf32>
      %swap3A_308 = vector.shape_cast %mul3A_304 : vector<16xf32> to vector<16xf32>
      tpu.vector_store %arg11[%swap3A_305], %swap3A_308 {strides = array<i32>} : memref<768xf32, #tpu.memory_space<vmem>>, vector<16xf32>,
      %mul3A_309 = arith.mulf %while3A_273#7, %div3A_92 : vector<16xf32>
      %swap3A_310 = arith.constant 624 : index
      %swap3A_311 = tpu.vector_load %arg11[%swap3A_310] {strides = array<i32>} : memref<768xf32, #tpu.memory_space<vmem>>, vector<16xf32>,
      %swap3A_312 = vector.shape_cast %swap3A_311 : vector<16xf32> to vector<16xf32>
      %swap3A_313 = vector.shape_cast %mul3A_309 : vector<16xf32> to vector<16xf32>
      tpu.vector_store %arg11[%swap3A_310], %swap3A_313 {strides = array<i32>} : memref<768xf32, #tpu.memory_space<vmem>>, vector<16xf32>,
      %mul3A_314 = arith.mulf %while3A_273#8, %div3A_92 : vector<16xf32>
      %swap3A_315 = arith.constant 640 : index
      %swap3A_316 = tpu.vector_load %arg11[%swap3A_315] {strides = array<i32>} : memref<768xf32, #tpu.memory_space<vmem>>, vector<16xf32>,
      %swap3A_317 = vector.shape_cast %swap3A_316 : vector<16xf32> to vector<16xf32>
      %swap3A_318 = vector.shape_cast %mul3A_314 : vector<16xf32> to vector<16xf32>
      tpu.vector_store %arg11[%swap3A_315], %swap3A_318 {strides = array<i32>} : memref<768xf32, #tpu.memory_space<vmem>>, vector<16xf32>,
      %mul3A_319 = arith.mulf %while3A_273#9, %div3A_92 : vector<16xf32>
      %swap3A_320 = arith.constant 656 : index
      %swap3A_321 = tpu.vector_load %arg11[%swap3A_320] {strides = array<i32>} : memref<768xf32, #tpu.memory_space<vmem>>, vector<16xf32>,
      %swap3A_322 = vector.shape_cast %swap3A_321 : vector<16xf32> to vector<16xf32>
      %swap3A_323 = vector.shape_cast %mul3A_319 : vector<16xf32> to vector<16xf32>
      tpu.vector_store %arg11[%swap3A_320], %swap3A_323 {strides = array<i32>} : memref<768xf32, #tpu.memory_space<vmem>>, vector<16xf32>,
      %mul3A_324 = arith.mulf %while3A_273#10, %div3A_92 : vector<16xf32>
      %swap3A_325 = arith.constant 672 : index
      %swap3A_326 = tpu.vector_load %arg11[%swap3A_325] {strides = array<i32>} : memref<768xf32, #tpu.memory_space<vmem>>, vector<16xf32>,
      %swap3A_327 = vector.shape_cast %swap3A_326 : vector<16xf32> to vector<16xf32>
      %swap3A_328 = vector.shape_cast %mul3A_324 : vector<16xf32> to vector<16xf32>
      tpu.vector_store %arg11[%swap3A_325], %swap3A_328 {strides = array<i32>} : memref<768xf32, #tpu.memory_space<vmem>>, vector<16xf32>,
      %mul3A_329 = arith.mulf %while3A_273#11, %div3A_92 : vector<16xf32>
      %swap3A_330 = arith.constant 688 : index
      %swap3A_331 = tpu.vector_load %arg11[%swap3A_330] {strides = array<i32>} : memref<768xf32, #tpu.memory_space<vmem>>, vector<16xf32>,
      %swap3A_332 = vector.shape_cast %swap3A_331 : vector<16xf32> to vector<16xf32>
      %swap3A_333 = vector.shape_cast %mul3A_329 : vector<16xf32> to vector<16xf32>
      tpu.vector_store %arg11[%swap3A_330], %swap3A_333 {strides = array<i32>} : memref<768xf32, #tpu.memory_space<vmem>>, vector<16xf32>,
      %mul3A_334 = arith.mulf %while3A_273#12, %div3A_92 : vector<16xf32>
      %swap3A_335 = arith.constant 704 : index
      %swap3A_336 = tpu.vector_load %arg11[%swap3A_335] {strides = array<i32>} : memref<768xf32, #tpu.memory_space<vmem>>, vector<16xf32>,
      %swap3A_337 = vector.shape_cast %swap3A_336 : vector<16xf32> to vector<16xf32>
      %swap3A_338 = vector.shape_cast %mul3A_334 : vector<16xf32> to vector<16xf32>
      tpu.vector_store %arg11[%swap3A_335], %swap3A_338 {strides = array<i32>} : memref<768xf32, #tpu.memory_space<vmem>>, vector<16xf32>,
      %mul3A_339 = arith.mulf %while3A_273#13, %div3A_92 : vector<16xf32>
      %swap3A_340 = arith.constant 720 : index
      %swap3A_341 = tpu.vector_load %arg11[%swap3A_340] {strides = array<i32>} : memref<768xf32, #tpu.memory_space<vmem>>, vector<16xf32>,
      %swap3A_342 = vector.shape_cast %swap3A_341 : vector<16xf32> to vector<16xf32>
      %swap3A_343 = vector.shape_cast %mul3A_339 : vector<16xf32> to vector<16xf32>
      tpu.vector_store %arg11[%swap3A_340], %swap3A_343 {strides = array<i32>} : memref<768xf32, #tpu.memory_space<vmem>>, vector<16xf32>,
      %mul3A_344 = arith.mulf %while3A_273#14, %div3A_92 : vector<16xf32>
      %swap3A_345 = arith.constant 736 : index
      %swap3A_346 = tpu.vector_load %arg11[%swap3A_345] {strides = array<i32>} : memref<768xf32, #tpu.memory_space<vmem>>, vector<16xf32>,
      %swap3A_347 = vector.shape_cast %swap3A_346 : vector<16xf32> to vector<16xf32>
      %swap3A_348 = vector.shape_cast %mul3A_344 : vector<16xf32> to vector<16xf32>
      tpu.vector_store %arg11[%swap3A_345], %swap3A_348 {strides = array<i32>} : memref<768xf32, #tpu.memory_space<vmem>>, vector<16xf32>,
      %mul3A_349 = arith.mulf %while3A_273#15, %div3A_92 : vector<16xf32>
      %swap3A_350 = arith.constant 752 : index
      %swap3A_351 = tpu.vector_load %arg11[%swap3A_350] {strides = array<i32>} : memref<768xf32, #tpu.memory_space<vmem>>, vector<16xf32>,
      %swap3A_352 = vector.shape_cast %swap3A_351 : vector<16xf32> to vector<16xf32>
      %swap3A_353 = vector.shape_cast %mul3A_349 : vector<16xf32> to vector<16xf32>
      tpu.vector_store %arg11[%swap3A_350], %swap3A_353 {strides = array<i32>} : memref<768xf32, #tpu.memory_space<vmem>>, vector<16xf32>,
      %get3A_354 = arith.constant 0 : index
      %get3A_355 = tpu.vector_load %arg11[%get3A_354] {strides = array<i32>} : memref<768xf32, #tpu.memory_space<vmem>>, vector<16xf32>,
      %get3A_356 = vector.shape_cast %get3A_355 : vector<16xf32> to vector<16xf32>
      %add3A_357 = arith.addf %broadcast_in_dim3A_72, %get3A_356 : vector<16xf32>
      %mul3A_358 = arith.mulf %get3A_356, %get3A_356 : vector<16xf32>
      %add3A_359 = arith.addf %broadcast_in_dim3A_72, %mul3A_358 : vector<16xf32>
      %get3A_360 = arith.constant 16 : index
      %get3A_361 = tpu.vector_load %arg11[%get3A_360] {strides = array<i32>} : memref<768xf32, #tpu.memory_space<vmem>>, vector<16xf32>,
      %get3A_362 = vector.shape_cast %get3A_361 : vector<16xf32> to vector<16xf32>
      %add3A_363 = arith.addf %add3A_357, %get3A_362 : vector<16xf32>
      %mul3A_364 = arith.mulf %get3A_362, %get3A_362 : vector<16xf32>
      %add3A_365 = arith.addf %add3A_359, %mul3A_364 : vector<16xf32>
      %get3A_366 = arith.constant 32 : index
      %get3A_367 = tpu.vector_load %arg11[%get3A_366] {strides = array<i32>} : memref<768xf32, #tpu.memory_space<vmem>>, vector<16xf32>,
      %get3A_368 = vector.shape_cast %get3A_367 : vector<16xf32> to vector<16xf32>
      %add3A_369 = arith.addf %add3A_363, %get3A_368 : vector<16xf32>
      %mul3A_370 = arith.mulf %get3A_368, %get3A_368 : vector<16xf32>
      %add3A_371 = arith.addf %add3A_365, %mul3A_370 : vector<16xf32>
      %get3A_372 = arith.constant 48 : index
      %get3A_373 = tpu.vector_load %arg11[%get3A_372] {strides = array<i32>} : memref<768xf32, #tpu.memory_space<vmem>>, vector<16xf32>,
      %get3A_374 = vector.shape_cast %get3A_373 : vector<16xf32> to vector<16xf32>
      %add3A_375 = arith.addf %add3A_369, %get3A_374 : vector<16xf32>
      %mul3A_376 = arith.mulf %get3A_374, %get3A_374 : vector<16xf32>
      %add3A_377 = arith.addf %add3A_371, %mul3A_376 : vector<16xf32>
      %get3A_378 = arith.constant 64 : index
      %get3A_379 = tpu.vector_load %arg11[%get3A_378] {strides = array<i32>} : memref<768xf32, #tpu.memory_space<vmem>>, vector<16xf32>,
      %get3A_380 = vector.shape_cast %get3A_379 : vector<16xf32> to vector<16xf32>
      %add3A_381 = arith.addf %add3A_375, %get3A_380 : vector<16xf32>
      %mul3A_382 = arith.mulf %get3A_380, %get3A_380 : vector<16xf32>
      %add3A_383 = arith.addf %add3A_377, %mul3A_382 : vector<16xf32>
      %get3A_384 = arith.constant 80 : index
      %get3A_385 = tpu.vector_load %arg11[%get3A_384] {strides = array<i32>} : memref<768xf32, #tpu.memory_space<vmem>>, vector<16xf32>,
      %get3A_386 = vector.shape_cast %get3A_385 : vector<16xf32> to vector<16xf32>
      %add3A_387 = arith.addf %add3A_381, %get3A_386 : vector<16xf32>
      %mul3A_388 = arith.mulf %get3A_386, %get3A_386 : vector<16xf32>
      %add3A_389 = arith.addf %add3A_383, %mul3A_388 : vector<16xf32>
      %get3A_390 = arith.constant 96 : index
      %get3A_391 = tpu.vector_load %arg11[%get3A_390] {strides = array<i32>} : memref<768xf32, #tpu.memory_space<vmem>>, vector<16xf32>,
      %get3A_392 = vector.shape_cast %get3A_391 : vector<16xf32> to vector<16xf32>
      %add3A_393 = arith.addf %add3A_387, %get3A_392 : vector<16xf32>
      %mul3A_394 = arith.mulf %get3A_392, %get3A_392 : vector<16xf32>
      %add3A_395 = arith.addf %add3A_389, %mul3A_394 : vector<16xf32>
      %get3A_396 = arith.constant 112 : index
      %get3A_397 = tpu.vector_load %arg11[%get3A_396] {strides = array<i32>} : memref<768xf32, #tpu.memory_space<vmem>>, vector<16xf32>,
      %get3A_398 = vector.shape_cast %get3A_397 : vector<16xf32> to vector<16xf32>
      %add3A_399 = arith.addf %add3A_393, %get3A_398 : vector<16xf32>
      %mul3A_400 = arith.mulf %get3A_398, %get3A_398 : vector<16xf32>
      %add3A_401 = arith.addf %add3A_395, %mul3A_400 : vector<16xf32>
      %get3A_402 = arith.constant 128 : index
      %get3A_403 = tpu.vector_load %arg11[%get3A_402] {strides = array<i32>} : memref<768xf32, #tpu.memory_space<vmem>>, vector<16xf32>,
      %get3A_404 = vector.shape_cast %get3A_403 : vector<16xf32> to vector<16xf32>
      %add3A_405 = arith.addf %add3A_399, %get3A_404 : vector<16xf32>
      %mul3A_406 = arith.mulf %get3A_404, %get3A_404 : vector<16xf32>
      %add3A_407 = arith.addf %add3A_401, %mul3A_406 : vector<16xf32>
      %get3A_408 = arith.constant 144 : index
      %get3A_409 = tpu.vector_load %arg11[%get3A_408] {strides = array<i32>} : memref<768xf32, #tpu.memory_space<vmem>>, vector<16xf32>,
      %get3A_410 = vector.shape_cast %get3A_409 : vector<16xf32> to vector<16xf32>
      %add3A_411 = arith.addf %add3A_405, %get3A_410 : vector<16xf32>
      %mul3A_412 = arith.mulf %get3A_410, %get3A_410 : vector<16xf32>
      %add3A_413 = arith.addf %add3A_407, %mul3A_412 : vector<16xf32>
      %get3A_414 = arith.constant 160 : index
      %get3A_415 = tpu.vector_load %arg11[%get3A_414] {strides = array<i32>} : memref<768xf32, #tpu.memory_space<vmem>>, vector<16xf32>,
      %get3A_416 = vector.shape_cast %get3A_415 : vector<16xf32> to vector<16xf32>
      %add3A_417 = arith.addf %add3A_411, %get3A_416 : vector<16xf32>
      %mul3A_418 = arith.mulf %get3A_416, %get3A_416 : vector<16xf32>
      %add3A_419 = arith.addf %add3A_413, %mul3A_418 : vector<16xf32>
      %get3A_420 = arith.constant 176 : index
      %get3A_421 = tpu.vector_load %arg11[%get3A_420] {strides = array<i32>} : memref<768xf32, #tpu.memory_space<vmem>>, vector<16xf32>,
      %get3A_422 = vector.shape_cast %get3A_421 : vector<16xf32> to vector<16xf32>
      %add3A_423 = arith.addf %add3A_417, %get3A_422 : vector<16xf32>
      %mul3A_424 = arith.mulf %get3A_422, %get3A_422 : vector<16xf32>
      %add3A_425 = arith.addf %add3A_419, %mul3A_424 : vector<16xf32>
      %get3A_426 = arith.constant 192 : index
      %get3A_427 = tpu.vector_load %arg11[%get3A_426] {strides = array<i32>} : memref<768xf32, #tpu.memory_space<vmem>>, vector<16xf32>,
      %get3A_428 = vector.shape_cast %get3A_427 : vector<16xf32> to vector<16xf32>
      %add3A_429 = arith.addf %add3A_423, %get3A_428 : vector<16xf32>
      %mul3A_430 = arith.mulf %get3A_428, %get3A_428 : vector<16xf32>
      %add3A_431 = arith.addf %add3A_425, %mul3A_430 : vector<16xf32>
      %get3A_432 = arith.constant 208 : index
      %get3A_433 = tpu.vector_load %arg11[%get3A_432] {strides = array<i32>} : memref<768xf32, #tpu.memory_space<vmem>>, vector<16xf32>,
      %get3A_434 = vector.shape_cast %get3A_433 : vector<16xf32> to vector<16xf32>
      %add3A_435 = arith.addf %add3A_429, %get3A_434 : vector<16xf32>
      %mul3A_436 = arith.mulf %get3A_434, %get3A_434 : vector<16xf32>
      %add3A_437 = arith.addf %add3A_431, %mul3A_436 : vector<16xf32>
      %get3A_438 = arith.constant 224 : index
      %get3A_439 = tpu.vector_load %arg11[%get3A_438] {strides = array<i32>} : memref<768xf32, #tpu.memory_space<vmem>>, vector<16xf32>,
      %get3A_440 = vector.shape_cast %get3A_439 : vector<16xf32> to vector<16xf32>
      %add3A_441 = arith.addf %add3A_435, %get3A_440 : vector<16xf32>
      %mul3A_442 = arith.mulf %get3A_440, %get3A_440 : vector<16xf32>
      %add3A_443 = arith.addf %add3A_437, %mul3A_442 : vector<16xf32>
      %get3A_444 = arith.constant 240 : index
      %get3A_445 = tpu.vector_load %arg11[%get3A_444] {strides = array<i32>} : memref<768xf32, #tpu.memory_space<vmem>>, vector<16xf32>,
      %get3A_446 = vector.shape_cast %get3A_445 : vector<16xf32> to vector<16xf32>
      %add3A_447 = arith.addf %add3A_441, %get3A_446 : vector<16xf32>
      %mul3A_448 = arith.mulf %get3A_446, %get3A_446 : vector<16xf32>
      %add3A_449 = arith.addf %add3A_443, %mul3A_448 : vector<16xf32>
      %get3A_450 = arith.constant 256 : index
      %get3A_451 = tpu.vector_load %arg11[%get3A_450] {strides = array<i32>} : memref<768xf32, #tpu.memory_space<vmem>>, vector<16xf32>,
      %get3A_452 = vector.shape_cast %get3A_451 : vector<16xf32> to vector<16xf32>
      %add3A_453 = arith.addf %add3A_447, %get3A_452 : vector<16xf32>
      %mul3A_454 = arith.mulf %get3A_452, %get3A_452 : vector<16xf32>
      %add3A_455 = arith.addf %add3A_449, %mul3A_454 : vector<16xf32>
      %get3A_456 = arith.constant 272 : index
      %get3A_457 = tpu.vector_load %arg11[%get3A_456] {strides = array<i32>} : memref<768xf32, #tpu.memory_space<vmem>>, vector<16xf32>,
      %get3A_458 = vector.shape_cast %get3A_457 : vector<16xf32> to vector<16xf32>
      %add3A_459 = arith.addf %add3A_453, %get3A_458 : vector<16xf32>
      %mul3A_460 = arith.mulf %get3A_458, %get3A_458 : vector<16xf32>
      %add3A_461 = arith.addf %add3A_455, %mul3A_460 : vector<16xf32>
      %get3A_462 = arith.constant 288 : index
      %get3A_463 = tpu.vector_load %arg11[%get3A_462] {strides = array<i32>} : memref<768xf32, #tpu.memory_space<vmem>>, vector<16xf32>,
      %get3A_464 = vector.shape_cast %get3A_463 : vector<16xf32> to vector<16xf32>
      %add3A_465 = arith.addf %add3A_459, %get3A_464 : vector<16xf32>
      %mul3A_466 = arith.mulf %get3A_464, %get3A_464 : vector<16xf32>
      %add3A_467 = arith.addf %add3A_461, %mul3A_466 : vector<16xf32>
      %get3A_468 = arith.constant 304 : index
      %get3A_469 = tpu.vector_load %arg11[%get3A_468] {strides = array<i32>} : memref<768xf32, #tpu.memory_space<vmem>>, vector<16xf32>,
      %get3A_470 = vector.shape_cast %get3A_469 : vector<16xf32> to vector<16xf32>
      %add3A_471 = arith.addf %add3A_465, %get3A_470 : vector<16xf32>
      %mul3A_472 = arith.mulf %get3A_470, %get3A_470 : vector<16xf32>
      %add3A_473 = arith.addf %add3A_467, %mul3A_472 : vector<16xf32>
      %get3A_474 = arith.constant 320 : index
      %get3A_475 = tpu.vector_load %arg11[%get3A_474] {strides = array<i32>} : memref<768xf32, #tpu.memory_space<vmem>>, vector<16xf32>,
      %get3A_476 = vector.shape_cast %get3A_475 : vector<16xf32> to vector<16xf32>
      %add3A_477 = arith.addf %add3A_471, %get3A_476 : vector<16xf32>
      %mul3A_478 = arith.mulf %get3A_476, %get3A_476 : vector<16xf32>
      %add3A_479 = arith.addf %add3A_473, %mul3A_478 : vector<16xf32>
      %get3A_480 = arith.constant 336 : index
      %get3A_481 = tpu.vector_load %arg11[%get3A_480] {strides = array<i32>} : memref<768xf32, #tpu.memory_space<vmem>>, vector<16xf32>,
      %get3A_482 = vector.shape_cast %get3A_481 : vector<16xf32> to vector<16xf32>
      %add3A_483 = arith.addf %add3A_477, %get3A_482 : vector<16xf32>
      %mul3A_484 = arith.mulf %get3A_482, %get3A_482 : vector<16xf32>
      %add3A_485 = arith.addf %add3A_479, %mul3A_484 : vector<16xf32>
      %get3A_486 = arith.constant 352 : index
      %get3A_487 = tpu.vector_load %arg11[%get3A_486] {strides = array<i32>} : memref<768xf32, #tpu.memory_space<vmem>>, vector<16xf32>,
      %get3A_488 = vector.shape_cast %get3A_487 : vector<16xf32> to vector<16xf32>
      %add3A_489 = arith.addf %add3A_483, %get3A_488 : vector<16xf32>
      %mul3A_490 = arith.mulf %get3A_488, %get3A_488 : vector<16xf32>
      %add3A_491 = arith.addf %add3A_485, %mul3A_490 : vector<16xf32>
      %get3A_492 = arith.constant 368 : index
      %get3A_493 = tpu.vector_load %arg11[%get3A_492] {strides = array<i32>} : memref<768xf32, #tpu.memory_space<vmem>>, vector<16xf32>,
      %get3A_494 = vector.shape_cast %get3A_493 : vector<16xf32> to vector<16xf32>
      %add3A_495 = arith.addf %add3A_489, %get3A_494 : vector<16xf32>
      %mul3A_496 = arith.mulf %get3A_494, %get3A_494 : vector<16xf32>
      %add3A_497 = arith.addf %add3A_491, %mul3A_496 : vector<16xf32>
      %get3A_498 = arith.constant 384 : index
      %get3A_499 = tpu.vector_load %arg11[%get3A_498] {strides = array<i32>} : memref<768xf32, #tpu.memory_space<vmem>>, vector<16xf32>,
      %get3A_500 = vector.shape_cast %get3A_499 : vector<16xf32> to vector<16xf32>
      %add3A_501 = arith.addf %add3A_495, %get3A_500 : vector<16xf32>
      %mul3A_502 = arith.mulf %get3A_500, %get3A_500 : vector<16xf32>
      %add3A_503 = arith.addf %add3A_497, %mul3A_502 : vector<16xf32>
      %get3A_504 = arith.constant 400 : index
      %get3A_505 = tpu.vector_load %arg11[%get3A_504] {strides = array<i32>} : memref<768xf32, #tpu.memory_space<vmem>>, vector<16xf32>,
      %get3A_506 = vector.shape_cast %get3A_505 : vector<16xf32> to vector<16xf32>
      %add3A_507 = arith.addf %add3A_501, %get3A_506 : vector<16xf32>
      %mul3A_508 = arith.mulf %get3A_506, %get3A_506 : vector<16xf32>
      %add3A_509 = arith.addf %add3A_503, %mul3A_508 : vector<16xf32>
      %get3A_510 = arith.constant 416 : index
      %get3A_511 = tpu.vector_load %arg11[%get3A_510] {strides = array<i32>} : memref<768xf32, #tpu.memory_space<vmem>>, vector<16xf32>,
      %get3A_512 = vector.shape_cast %get3A_511 : vector<16xf32> to vector<16xf32>
      %add3A_513 = arith.addf %add3A_507, %get3A_512 : vector<16xf32>
      %mul3A_514 = arith.mulf %get3A_512, %get3A_512 : vector<16xf32>
      %add3A_515 = arith.addf %add3A_509, %mul3A_514 : vector<16xf32>
      %get3A_516 = arith.constant 432 : index
      %get3A_517 = tpu.vector_load %arg11[%get3A_516] {strides = array<i32>} : memref<768xf32, #tpu.memory_space<vmem>>, vector<16xf32>,
      %get3A_518 = vector.shape_cast %get3A_517 : vector<16xf32> to vector<16xf32>
      %add3A_519 = arith.addf %add3A_513, %get3A_518 : vector<16xf32>
      %mul3A_520 = arith.mulf %get3A_518, %get3A_518 : vector<16xf32>
      %add3A_521 = arith.addf %add3A_515, %mul3A_520 : vector<16xf32>
      %get3A_522 = arith.constant 448 : index
      %get3A_523 = tpu.vector_load %arg11[%get3A_522] {strides = array<i32>} : memref<768xf32, #tpu.memory_space<vmem>>, vector<16xf32>,
      %get3A_524 = vector.shape_cast %get3A_523 : vector<16xf32> to vector<16xf32>
      %add3A_525 = arith.addf %add3A_519, %get3A_524 : vector<16xf32>
      %mul3A_526 = arith.mulf %get3A_524, %get3A_524 : vector<16xf32>
      %add3A_527 = arith.addf %add3A_521, %mul3A_526 : vector<16xf32>
      %get3A_528 = arith.constant 464 : index
      %get3A_529 = tpu.vector_load %arg11[%get3A_528] {strides = array<i32>} : memref<768xf32, #tpu.memory_space<vmem>>, vector<16xf32>,
      %get3A_530 = vector.shape_cast %get3A_529 : vector<16xf32> to vector<16xf32>
      %add3A_531 = arith.addf %add3A_525, %get3A_530 : vector<16xf32>
      %mul3A_532 = arith.mulf %get3A_530, %get3A_530 : vector<16xf32>
      %add3A_533 = arith.addf %add3A_527, %mul3A_532 : vector<16xf32>
      %get3A_534 = arith.constant 480 : index
      %get3A_535 = tpu.vector_load %arg11[%get3A_534] {strides = array<i32>} : memref<768xf32, #tpu.memory_space<vmem>>, vector<16xf32>,
      %get3A_536 = vector.shape_cast %get3A_535 : vector<16xf32> to vector<16xf32>
      %add3A_537 = arith.addf %add3A_531, %get3A_536 : vector<16xf32>
      %mul3A_538 = arith.mulf %get3A_536, %get3A_536 : vector<16xf32>
      %add3A_539 = arith.addf %add3A_533, %mul3A_538 : vector<16xf32>
      %get3A_540 = arith.constant 496 : index
      %get3A_541 = tpu.vector_load %arg11[%get3A_540] {strides = array<i32>} : memref<768xf32, #tpu.memory_space<vmem>>, vector<16xf32>,
      %get3A_542 = vector.shape_cast %get3A_541 : vector<16xf32> to vector<16xf32>
      %add3A_543 = arith.addf %add3A_537, %get3A_542 : vector<16xf32>
      %mul3A_544 = arith.mulf %get3A_542, %get3A_542 : vector<16xf32>
      %add3A_545 = arith.addf %add3A_539, %mul3A_544 : vector<16xf32>
      %get3A_546 = arith.constant 512 : index
      %get3A_547 = tpu.vector_load %arg11[%get3A_546] {strides = array<i32>} : memref<768xf32, #tpu.memory_space<vmem>>, vector<16xf32>,
      %get3A_548 = vector.shape_cast %get3A_547 : vector<16xf32> to vector<16xf32>
      %add3A_549 = arith.addf %add3A_543, %get3A_548 : vector<16xf32>
      %mul3A_550 = arith.mulf %get3A_548, %get3A_548 : vector<16xf32>
      %add3A_551 = arith.addf %add3A_545, %mul3A_550 : vector<16xf32>
      %get3A_552 = arith.constant 528 : index
      %get3A_553 = tpu.vector_load %arg11[%get3A_552] {strides = array<i32>} : memref<768xf32, #tpu.memory_space<vmem>>, vector<16xf32>,
      %get3A_554 = vector.shape_cast %get3A_553 : vector<16xf32> to vector<16xf32>
      %add3A_555 = arith.addf %add3A_549, %get3A_554 : vector<16xf32>
      %mul3A_556 = arith.mulf %get3A_554, %get3A_554 : vector<16xf32>
      %add3A_557 = arith.addf %add3A_551, %mul3A_556 : vector<16xf32>
      %get3A_558 = arith.constant 544 : index
      %get3A_559 = tpu.vector_load %arg11[%get3A_558] {strides = array<i32>} : memref<768xf32, #tpu.memory_space<vmem>>, vector<16xf32>,
      %get3A_560 = vector.shape_cast %get3A_559 : vector<16xf32> to vector<16xf32>
      %add3A_561 = arith.addf %add3A_555, %get3A_560 : vector<16xf32>
      %mul3A_562 = arith.mulf %get3A_560, %get3A_560 : vector<16xf32>
      %add3A_563 = arith.addf %add3A_557, %mul3A_562 : vector<16xf32>
      %get3A_564 = arith.constant 560 : index
      %get3A_565 = tpu.vector_load %arg11[%get3A_564] {strides = array<i32>} : memref<768xf32, #tpu.memory_space<vmem>>, vector<16xf32>,
      %get3A_566 = vector.shape_cast %get3A_565 : vector<16xf32> to vector<16xf32>
      %add3A_567 = arith.addf %add3A_561, %get3A_566 : vector<16xf32>
      %mul3A_568 = arith.mulf %get3A_566, %get3A_566 : vector<16xf32>
      %add3A_569 = arith.addf %add3A_563, %mul3A_568 : vector<16xf32>
      %get3A_570 = arith.constant 576 : index
      %get3A_571 = tpu.vector_load %arg11[%get3A_570] {strides = array<i32>} : memref<768xf32, #tpu.memory_space<vmem>>, vector<16xf32>,
      %get3A_572 = vector.shape_cast %get3A_571 : vector<16xf32> to vector<16xf32>
      %add3A_573 = arith.addf %add3A_567, %get3A_572 : vector<16xf32>
      %mul3A_574 = arith.mulf %get3A_572, %get3A_572 : vector<16xf32>
      %add3A_575 = arith.addf %add3A_569, %mul3A_574 : vector<16xf32>
      %get3A_576 = arith.constant 592 : index
      %get3A_577 = tpu.vector_load %arg11[%get3A_576] {strides = array<i32>} : memref<768xf32, #tpu.memory_space<vmem>>, vector<16xf32>,
      %get3A_578 = vector.shape_cast %get3A_577 : vector<16xf32> to vector<16xf32>
      %add3A_579 = arith.addf %add3A_573, %get3A_578 : vector<16xf32>
      %mul3A_580 = arith.mulf %get3A_578, %get3A_578 : vector<16xf32>
      %add3A_581 = arith.addf %add3A_575, %mul3A_580 : vector<16xf32>
      %get3A_582 = arith.constant 608 : index
      %get3A_583 = tpu.vector_load %arg11[%get3A_582] {strides = array<i32>} : memref<768xf32, #tpu.memory_space<vmem>>, vector<16xf32>,
      %get3A_584 = vector.shape_cast %get3A_583 : vector<16xf32> to vector<16xf32>
      %add3A_585 = arith.addf %add3A_579, %get3A_584 : vector<16xf32>
      %mul3A_586 = arith.mulf %get3A_584, %get3A_584 : vector<16xf32>
      %add3A_587 = arith.addf %add3A_581, %mul3A_586 : vector<16xf32>
      %get3A_588 = arith.constant 624 : index
      %get3A_589 = tpu.vector_load %arg11[%get3A_588] {strides = array<i32>} : memref<768xf32, #tpu.memory_space<vmem>>, vector<16xf32>,
      %get3A_590 = vector.shape_cast %get3A_589 : vector<16xf32> to vector<16xf32>
      %add3A_591 = arith.addf %add3A_585, %get3A_590 : vector<16xf32>
      %mul3A_592 = arith.mulf %get3A_590, %get3A_590 : vector<16xf32>
      %add3A_593 = arith.addf %add3A_587, %mul3A_592 : vector<16xf32>
      %get3A_594 = arith.constant 640 : index
      %get3A_595 = tpu.vector_load %arg11[%get3A_594] {strides = array<i32>} : memref<768xf32, #tpu.memory_space<vmem>>, vector<16xf32>,
      %get3A_596 = vector.shape_cast %get3A_595 : vector<16xf32> to vector<16xf32>
      %add3A_597 = arith.addf %add3A_591, %get3A_596 : vector<16xf32>
      %mul3A_598 = arith.mulf %get3A_596, %get3A_596 : vector<16xf32>
      %add3A_599 = arith.addf %add3A_593, %mul3A_598 : vector<16xf32>
      %get3A_600 = arith.constant 656 : index
      %get3A_601 = tpu.vector_load %arg11[%get3A_600] {strides = array<i32>} : memref<768xf32, #tpu.memory_space<vmem>>, vector<16xf32>,
      %get3A_602 = vector.shape_cast %get3A_601 : vector<16xf32> to vector<16xf32>
      %add3A_603 = arith.addf %add3A_597, %get3A_602 : vector<16xf32>
      %mul3A_604 = arith.mulf %get3A_602, %get3A_602 : vector<16xf32>
      %add3A_605 = arith.addf %add3A_599, %mul3A_604 : vector<16xf32>
      %get3A_606 = arith.constant 672 : index
      %get3A_607 = tpu.vector_load %arg11[%get3A_606] {strides = array<i32>} : memref<768xf32, #tpu.memory_space<vmem>>, vector<16xf32>,
      %get3A_608 = vector.shape_cast %get3A_607 : vector<16xf32> to vector<16xf32>
      %add3A_609 = arith.addf %add3A_603, %get3A_608 : vector<16xf32>
      %mul3A_610 = arith.mulf %get3A_608, %get3A_608 : vector<16xf32>
      %add3A_611 = arith.addf %add3A_605, %mul3A_610 : vector<16xf32>
      %get3A_612 = arith.constant 688 : index
      %get3A_613 = tpu.vector_load %arg11[%get3A_612] {strides = array<i32>} : memref<768xf32, #tpu.memory_space<vmem>>, vector<16xf32>,
      %get3A_614 = vector.shape_cast %get3A_613 : vector<16xf32> to vector<16xf32>
      %add3A_615 = arith.addf %add3A_609, %get3A_614 : vector<16xf32>
      %mul3A_616 = arith.mulf %get3A_614, %get3A_614 : vector<16xf32>
      %add3A_617 = arith.addf %add3A_611, %mul3A_616 : vector<16xf32>
      %get3A_618 = arith.constant 704 : index
      %get3A_619 = tpu.vector_load %arg11[%get3A_618] {strides = array<i32>} : memref<768xf32, #tpu.memory_space<vmem>>, vector<16xf32>,
      %get3A_620 = vector.shape_cast %get3A_619 : vector<16xf32> to vector<16xf32>
      %add3A_621 = arith.addf %add3A_615, %get3A_620 : vector<16xf32>
      %mul3A_622 = arith.mulf %get3A_620, %get3A_620 : vector<16xf32>
      %add3A_623 = arith.addf %add3A_617, %mul3A_622 : vector<16xf32>
      %get3A_624 = arith.constant 720 : index
      %get3A_625 = tpu.vector_load %arg11[%get3A_624] {strides = array<i32>} : memref<768xf32, #tpu.memory_space<vmem>>, vector<16xf32>,
      %get3A_626 = vector.shape_cast %get3A_625 : vector<16xf32> to vector<16xf32>
      %add3A_627 = arith.addf %add3A_621, %get3A_626 : vector<16xf32>
      %mul3A_628 = arith.mulf %get3A_626, %get3A_626 : vector<16xf32>
      %add3A_629 = arith.addf %add3A_623, %mul3A_628 : vector<16xf32>
      %get3A_630 = arith.constant 736 : index
      %get3A_631 = tpu.vector_load %arg11[%get3A_630] {strides = array<i32>} : memref<768xf32, #tpu.memory_space<vmem>>, vector<16xf32>,
      %get3A_632 = vector.shape_cast %get3A_631 : vector<16xf32> to vector<16xf32>
      %add3A_633 = arith.addf %add3A_627, %get3A_632 : vector<16xf32>
      %mul3A_634 = arith.mulf %get3A_632, %get3A_632 : vector<16xf32>
      %add3A_635 = arith.addf %add3A_629, %mul3A_634 : vector<16xf32>
      %get3A_636 = arith.constant 752 : index
      %get3A_637 = tpu.vector_load %arg11[%get3A_636] {strides = array<i32>} : memref<768xf32, #tpu.memory_space<vmem>>, vector<16xf32>,
      %get3A_638 = vector.shape_cast %get3A_637 : vector<16xf32> to vector<16xf32>
      %add3A_639 = arith.addf %add3A_633, %get3A_638 : vector<16xf32>
      %mul3A_640 = arith.mulf %get3A_638, %get3A_638 : vector<16xf32>
      %add3A_641 = arith.addf %add3A_635, %mul3A_640 : vector<16xf32>
      %slice3A = vector.extract_strided_slice %add3A_639 {offsets = [0], sizes = [1], strides = [1]} : vector<16xf32> to vector<1xf32>
      %squeeze3A_642 = vector.extract %slice3A[0] : f32 from vector<1xf32>
      %slice3A_643 = vector.extract_strided_slice %add3A_641 {offsets = [0], sizes = [1], strides = [1]} : vector<16xf32> to vector<1xf32>
      %squeeze3A_644 = vector.extract %slice3A_643[0] : f32 from vector<1xf32>
      %slice3A_645 = vector.extract_strided_slice %add3A_639 {offsets = [1], sizes = [1], strides = [1]} : vector<16xf32> to vector<1xf32>
      %squeeze3A_646 = vector.extract %slice3A_645[0] : f32 from vector<1xf32>
      %add3A_647 = arith.addf %squeeze3A_642, %squeeze3A_646 : f32
      %slice3A_648 = vector.extract_strided_slice %add3A_641 {offsets = [1], sizes = [1], strides = [1]} : vector<16xf32> to vector<1xf32>
      %squeeze3A_649 = vector.extract %slice3A_648[0] : f32 from vector<1xf32>
      %add3A_650 = arith.addf %squeeze3A_644, %squeeze3A_649 : f32
      %slice3A_651 = vector.extract_strided_slice %add3A_639 {offsets = [2], sizes = [1], strides = [1]} : vector<16xf32> to vector<1xf32>
      %squeeze3A_652 = vector.extract %slice3A_651[0] : f32 from vector<1xf32>
      %add3A_653 = arith.addf %add3A_647, %squeeze3A_652 : f32
      %slice3A_654 = vector.extract_strided_slice %add3A_641 {offsets = [2], sizes = [1], strides = [1]} : vector<16xf32> to vector<1xf32>
      %squeeze3A_655 = vector.extract %slice3A_654[0] : f32 from vector<1xf32>
      %add3A_656 = arith.addf %add3A_650, %squeeze3A_655 : f32
      %slice3A_657 = vector.extract_strided_slice %add3A_639 {offsets = [3], sizes = [1], strides = [1]} : vector<16xf32> to vector<1xf32>
      %squeeze3A_658 = vector.extract %slice3A_657[0] : f32 from vector<1xf32>
      %add3A_659 = arith.addf %add3A_653, %squeeze3A_658 : f32
      %slice3A_660 = vector.extract_strided_slice %add3A_641 {offsets = [3], sizes = [1], strides = [1]} : vector<16xf32> to vector<1xf32>
      %squeeze3A_661 = vector.extract %slice3A_660[0] : f32 from vector<1xf32>
      %add3A_662 = arith.addf %add3A_656, %squeeze3A_661 : f32
      %slice3A_663 = vector.extract_strided_slice %add3A_639 {offsets = [4], sizes = [1], strides = [1]} : vector<16xf32> to vector<1xf32>
      %squeeze3A_664 = vector.extract %slice3A_663[0] : f32 from vector<1xf32>
      %add3A_665 = arith.addf %add3A_659, %squeeze3A_664 : f32
      %slice3A_666 = vector.extract_strided_slice %add3A_641 {offsets = [4], sizes = [1], strides = [1]} : vector<16xf32> to vector<1xf32>
      %squeeze3A_667 = vector.extract %slice3A_666[0] : f32 from vector<1xf32>
      %add3A_668 = arith.addf %add3A_662, %squeeze3A_667 : f32
      %slice3A_669 = vector.extract_strided_slice %add3A_639 {offsets = [5], sizes = [1], strides = [1]} : vector<16xf32> to vector<1xf32>
      %squeeze3A_670 = vector.extract %slice3A_669[0] : f32 from vector<1xf32>
      %add3A_671 = arith.addf %add3A_665, %squeeze3A_670 : f32
      %slice3A_672 = vector.extract_strided_slice %add3A_641 {offsets = [5], sizes = [1], strides = [1]} : vector<16xf32> to vector<1xf32>
      %squeeze3A_673 = vector.extract %slice3A_672[0] : f32 from vector<1xf32>
      %add3A_674 = arith.addf %add3A_668, %squeeze3A_673 : f32
      %slice3A_675 = vector.extract_strided_slice %add3A_639 {offsets = [6], sizes = [1], strides = [1]} : vector<16xf32> to vector<1xf32>
      %squeeze3A_676 = vector.extract %slice3A_675[0] : f32 from vector<1xf32>
      %add3A_677 = arith.addf %add3A_671, %squeeze3A_676 : f32
      %slice3A_678 = vector.extract_strided_slice %add3A_641 {offsets = [6], sizes = [1], strides = [1]} : vector<16xf32> to vector<1xf32>
      %squeeze3A_679 = vector.extract %slice3A_678[0] : f32 from vector<1xf32>
      %add3A_680 = arith.addf %add3A_674, %squeeze3A_679 : f32
      %slice3A_681 = vector.extract_strided_slice %add3A_639 {offsets = [7], sizes = [1], strides = [1]} : vector<16xf32> to vector<1xf32>
      %squeeze3A_682 = vector.extract %slice3A_681[0] : f32 from vector<1xf32>
      %add3A_683 = arith.addf %add3A_677, %squeeze3A_682 : f32
      %slice3A_684 = vector.extract_strided_slice %add3A_641 {offsets = [7], sizes = [1], strides = [1]} : vector<16xf32> to vector<1xf32>
      %squeeze3A_685 = vector.extract %slice3A_684[0] : f32 from vector<1xf32>
      %add3A_686 = arith.addf %add3A_680, %squeeze3A_685 : f32
      %slice3A_687 = vector.extract_strided_slice %add3A_639 {offsets = [8], sizes = [1], strides = [1]} : vector<16xf32> to vector<1xf32>
      %squeeze3A_688 = vector.extract %slice3A_687[0] : f32 from vector<1xf32>
      %add3A_689 = arith.addf %add3A_683, %squeeze3A_688 : f32
      %slice3A_690 = vector.extract_strided_slice %add3A_641 {offsets = [8], sizes = [1], strides = [1]} : vector<16xf32> to vector<1xf32>
      %squeeze3A_691 = vector.extract %slice3A_690[0] : f32 from vector<1xf32>
      %add3A_692 = arith.addf %add3A_686, %squeeze3A_691 : f32
      %slice3A_693 = vector.extract_strided_slice %add3A_639 {offsets = [9], sizes = [1], strides = [1]} : vector<16xf32> to vector<1xf32>
      %squeeze3A_694 = vector.extract %slice3A_693[0] : f32 from vector<1xf32>
      %add3A_695 = arith.addf %add3A_689, %squeeze3A_694 : f32
      %slice3A_696 = vector.extract_strided_slice %add3A_641 {offsets = [9], sizes = [1], strides = [1]} : vector<16xf32> to vector<1xf32>
      %squeeze3A_697 = vector.extract %slice3A_696[0] : f32 from vector<1xf32>
      %add3A_698 = arith.addf %add3A_692, %squeeze3A_697 : f32
      %slice3A_699 = vector.extract_strided_slice %add3A_639 {offsets = [10], sizes = [1], strides = [1]} : vector<16xf32> to vector<1xf32>
      %squeeze3A_700 = vector.extract %slice3A_699[0] : f32 from vector<1xf32>
      %add3A_701 = arith.addf %add3A_695, %squeeze3A_700 : f32
      %slice3A_702 = vector.extract_strided_slice %add3A_641 {offsets = [10], sizes = [1], strides = [1]} : vector<16xf32> to vector<1xf32>
      %squeeze3A_703 = vector.extract %slice3A_702[0] : f32 from vector<1xf32>
      %add3A_704 = arith.addf %add3A_698, %squeeze3A_703 : f32
      %slice3A_705 = vector.extract_strided_slice %add3A_639 {offsets = [11], sizes = [1], strides = [1]} : vector<16xf32> to vector<1xf32>
      %squeeze3A_706 = vector.extract %slice3A_705[0] : f32 from vector<1xf32>
      %add3A_707 = arith.addf %add3A_701, %squeeze3A_706 : f32
      %slice3A_708 = vector.extract_strided_slice %add3A_641 {offsets = [11], sizes = [1], strides = [1]} : vector<16xf32> to vector<1xf32>
      %squeeze3A_709 = vector.extract %slice3A_708[0] : f32 from vector<1xf32>
      %add3A_710 = arith.addf %add3A_704, %squeeze3A_709 : f32
      %slice3A_711 = vector.extract_strided_slice %add3A_639 {offsets = [12], sizes = [1], strides = [1]} : vector<16xf32> to vector<1xf32>
      %squeeze3A_712 = vector.extract %slice3A_711[0] : f32 from vector<1xf32>
      %add3A_713 = arith.addf %add3A_707, %squeeze3A_712 : f32
      %slice3A_714 = vector.extract_strided_slice %add3A_641 {offsets = [12], sizes = [1], strides = [1]} : vector<16xf32> to vector<1xf32>
      %squeeze3A_715 = vector.extract %slice3A_714[0] : f32 from vector<1xf32>
      %add3A_716 = arith.addf %add3A_710, %squeeze3A_715 : f32
      %slice3A_717 = vector.extract_strided_slice %add3A_639 {offsets = [13], sizes = [1], strides = [1]} : vector<16xf32> to vector<1xf32>
      %squeeze3A_718 = vector.extract %slice3A_717[0] : f32 from vector<1xf32>
      %add3A_719 = arith.addf %add3A_713, %squeeze3A_718 : f32
      %slice3A_720 = vector.extract_strided_slice %add3A_641 {offsets = [13], sizes = [1], strides = [1]} : vector<16xf32> to vector<1xf32>
      %squeeze3A_721 = vector.extract %slice3A_720[0] : f32 from vector<1xf32>
      %add3A_722 = arith.addf %add3A_716, %squeeze3A_721 : f32
      %slice3A_723 = vector.extract_strided_slice %add3A_639 {offsets = [14], sizes = [1], strides = [1]} : vector<16xf32> to vector<1xf32>
      %squeeze3A_724 = vector.extract %slice3A_723[0] : f32 from vector<1xf32>
      %add3A_725 = arith.addf %add3A_719, %squeeze3A_724 : f32
      %slice3A_726 = vector.extract_strided_slice %add3A_641 {offsets = [14], sizes = [1], strides = [1]} : vector<16xf32> to vector<1xf32>
      %squeeze3A_727 = vector.extract %slice3A_726[0] : f32 from vector<1xf32>
      %add3A_728 = arith.addf %add3A_722, %squeeze3A_727 : f32
      %slice3A_729 = vector.extract_strided_slice %add3A_639 {offsets = [15], sizes = [1], strides = [1]} : vector<16xf32> to vector<1xf32>
      %squeeze3A_730 = vector.extract %slice3A_729[0] : f32 from vector<1xf32>
      %add3A_731 = arith.addf %add3A_725, %squeeze3A_730 : f32
      %slice3A_732 = vector.extract_strided_slice %add3A_641 {offsets = [15], sizes = [1], strides = [1]} : vector<16xf32> to vector<1xf32>
      %squeeze3A_733 = vector.extract %slice3A_732[0] : f32 from vector<1xf32>
      %add3A_734 = arith.addf %add3A_728, %squeeze3A_733 : f32
      %mul3A_735 = arith.constant 0.00130208337 : f32
      %mul3A_736 = arith.mulf %add3A_731, %mul3A_735 : f32
      %mul3A_737 = arith.constant 0.00130208337 : f32
      %mul3A_738 = arith.mulf %add3A_734, %mul3A_737 : f32
      %broadcast_in_dim3A_739 = vector.broadcast %mul3A_736 : f32 to vector<16xf32>
      %broadcast_in_dim3A_740 = vector.broadcast %mul3A_738 : f32 to vector<16xf32>
      %mul3A_741 = arith.mulf %broadcast_in_dim3A_739, %broadcast_in_dim3A_739 : vector<16xf32>
      %sub3A_742 = arith.subf %broadcast_in_dim3A_740, %mul3A_741 : vector<16xf32>
      %add3A_743 = arith.constant 9.99999974E-6 : f32
      %add3A_744 = vector.broadcast %add3A_743 : f32 to vector<16xf32>
      %add3A_745 = arith.addf %sub3A_742, %add3A_744 : vector<16xf32>
      %bitcast_convert_type3A = tpu.bitcast %add3A_745 : vector<16xf32> -> vector<16xi32>
      %shift_right_arithmetic3A = arith.constant 1 : i32
      %shift_right_arithmetic3A_746 = vector.broadcast %shift_right_arithmetic3A : i32 to vector<16xi32>
      %shift_right_arithmetic3A_747 = arith.shrsi %bitcast_convert_type3A, %shift_right_arithmetic3A_746 : vector<16xi32>
      %sub3A_748 = arith.constant 1597463007 : i32
      %sub3A_749 = vector.broadcast %sub3A_748 : i32 to vector<16xi32>
      %sub3A_750 = arith.subi %sub3A_749, %shift_right_arithmetic3A_747 : vector<16xi32>
      %bitcast_convert_type3A_751 = tpu.bitcast %sub3A_750 : vector<16xi32> -> vector<16xf32>
      %mul3A_752 = arith.constant 5.000000e-01 : f32
      %mul3A_753 = vector.broadcast %mul3A_752 : f32 to vector<16xf32>
      %mul3A_754 = arith.mulf %mul3A_753, %add3A_745 : vector<16xf32>
      %mul3A_755 = arith.mulf %mul3A_754, %bitcast_convert_type3A_751 : vector<16xf32>
      %mul3A_756 = arith.mulf %mul3A_755, %bitcast_convert_type3A_751 : vector<16xf32>
      %sub3A_757 = arith.constant 1.500000e+00 : f32
      %sub3A_758 = vector.broadcast %sub3A_757 : f32 to vector<16xf32>
      %sub3A_759 = arith.subf %sub3A_758, %mul3A_756 : vector<16xf32>
      %mul3A_760 = arith.mulf %bitcast_convert_type3A_751, %sub3A_759 : vector<16xf32>
      %mul3A_761 = arith.constant 5.000000e-01 : f32
      %mul3A_762 = vector.broadcast %mul3A_761 : f32 to vector<16xf32>
      %mul3A_763 = arith.mulf %mul3A_762, %add3A_745 : vector<16xf32>
      %mul3A_764 = arith.mulf %mul3A_763, %mul3A_760 : vector<16xf32>
      %mul3A_765 = arith.mulf %mul3A_764, %mul3A_760 : vector<16xf32>
      %sub3A_766 = arith.constant 1.500000e+00 : f32
      %sub3A_767 = vector.broadcast %sub3A_766 : f32 to vector<16xf32>
      %sub3A_768 = arith.subf %sub3A_767, %mul3A_765 : vector<16xf32>
      %mul3A_769 = arith.mulf %mul3A_760, %sub3A_768 : vector<16xf32>
      %mul3A_770 = arith.constant 5.000000e-01 : f32
      %mul3A_771 = vector.broadcast %mul3A_770 : f32 to vector<16xf32>
      %mul3A_772 = arith.mulf %mul3A_771, %add3A_745 : vector<16xf32>
      %mul3A_773 = arith.mulf %mul3A_772, %mul3A_769 : vector<16xf32>
      %mul3A_774 = arith.mulf %mul3A_773, %mul3A_769 : vector<16xf32>
      %sub3A_775 = arith.constant 1.500000e+00 : f32
      %sub3A_776 = vector.broadcast %sub3A_775 : f32 to vector<16xf32>
      %sub3A_777 = arith.subf %sub3A_776, %mul3A_774 : vector<16xf32>
      %mul3A_778 = arith.mulf %mul3A_769, %sub3A_777 : vector<16xf32>
      %mul3A_779 = arith.constant 5.000000e-01 : f32
      %mul3A_780 = vector.broadcast %mul3A_779 : f32 to vector<16xf32>
      %mul3A_781 = arith.mulf %mul3A_780, %add3A_745 : vector<16xf32>
      %mul3A_782 = arith.mulf %mul3A_781, %mul3A_778 : vector<16xf32>
      %mul3A_783 = arith.mulf %mul3A_782, %mul3A_778 : vector<16xf32>
      %sub3A_784 = arith.constant 1.500000e+00 : f32
      %sub3A_785 = vector.broadcast %sub3A_784 : f32 to vector<16xf32>
      %sub3A_786 = arith.subf %sub3A_785, %mul3A_783 : vector<16xf32>
      %mul3A_787 = arith.mulf %mul3A_778, %sub3A_786 : vector<16xf32>
      %ge3A = arith.constant 1 : i32
      %ge3A_788 = arith.cmpi sge, %squeeze3A_67, %ge3A : i32
      %jit3A_789 = arith.constant 1.000000e+00 : f32
      %jit3A_790 = arith.constant 0.000000e+00 : f32
      %select_n3A_791 = arith.select %ge3A_788, %jit3A_789, %jit3A_790 : f32
      %broadcast_in_dim3A_792 = vector.broadcast %select_n3A_791 : f32 to vector<16xf32>
      %get3A_793 = arith.constant 0 : index
      %get3A_794 = tpu.vector_load %arg11[%get3A_793] {strides = array<i32>} : memref<768xf32, #tpu.memory_space<vmem>>, vector<16xf32>,
      %get3A_795 = vector.shape_cast %get3A_794 : vector<16xf32> to vector<16xf32>
      %sub3A_796 = arith.subf %get3A_795, %broadcast_in_dim3A_739 : vector<16xf32>
      %mul3A_797 = arith.mulf %sub3A_796, %mul3A_787 : vector<16xf32>
      %get3A_798 = arith.constant 0 : index
      %get3A_799 = tpu.vector_load %arg9[%get3A_798] {strides = array<i32>} : memref<768xf32, #tpu.memory_space<vmem>>, vector<16xf32>,
      %get3A_800 = vector.shape_cast %get3A_799 : vector<16xf32> to vector<16xf32>
      %mul3A_801 = arith.mulf %mul3A_797, %get3A_800 : vector<16xf32>
      %get3A_802 = arith.constant 0 : index
      %get3A_803 = tpu.vector_load %arg10[%get3A_802] {strides = array<i32>} : memref<768xf32, #tpu.memory_space<vmem>>, vector<16xf32>,
      %get3A_804 = vector.shape_cast %get3A_803 : vector<16xf32> to vector<16xf32>
      %add3A_805 = arith.addf %mul3A_801, %get3A_804 : vector<16xf32>
      %sub3A_806 = arith.subf %add3A_805, %get3A_795 : vector<16xf32>
      %mul3A_807 = arith.mulf %sub3A_806, %broadcast_in_dim3A_792 : vector<16xf32>
      %add3A_808 = arith.addf %get3A_795, %mul3A_807 : vector<16xf32>
      %swap3A_809 = arith.constant 0 : index
      %swap3A_810 = tpu.vector_load %arg11[%swap3A_809] {strides = array<i32>} : memref<768xf32, #tpu.memory_space<vmem>>, vector<16xf32>,
      %swap3A_811 = vector.shape_cast %swap3A_810 : vector<16xf32> to vector<16xf32>
      %swap3A_812 = vector.shape_cast %add3A_808 : vector<16xf32> to vector<16xf32>
      tpu.vector_store %arg11[%swap3A_809], %swap3A_812 {strides = array<i32>} : memref<768xf32, #tpu.memory_space<vmem>>, vector<16xf32>,
      %get3A_813 = arith.constant 16 : index
      %get3A_814 = tpu.vector_load %arg11[%get3A_813] {strides = array<i32>} : memref<768xf32, #tpu.memory_space<vmem>>, vector<16xf32>,
      %get3A_815 = vector.shape_cast %get3A_814 : vector<16xf32> to vector<16xf32>
      %sub3A_816 = arith.subf %get3A_815, %broadcast_in_dim3A_739 : vector<16xf32>
      %mul3A_817 = arith.mulf %sub3A_816, %mul3A_787 : vector<16xf32>
      %get3A_818 = arith.constant 16 : index
      %get3A_819 = tpu.vector_load %arg9[%get3A_818] {strides = array<i32>} : memref<768xf32, #tpu.memory_space<vmem>>, vector<16xf32>,
      %get3A_820 = vector.shape_cast %get3A_819 : vector<16xf32> to vector<16xf32>
      %mul3A_821 = arith.mulf %mul3A_817, %get3A_820 : vector<16xf32>
      %get3A_822 = arith.constant 16 : index
      %get3A_823 = tpu.vector_load %arg10[%get3A_822] {strides = array<i32>} : memref<768xf32, #tpu.memory_space<vmem>>, vector<16xf32>,
      %get3A_824 = vector.shape_cast %get3A_823 : vector<16xf32> to vector<16xf32>
      %add3A_825 = arith.addf %mul3A_821, %get3A_824 : vector<16xf32>
      %sub3A_826 = arith.subf %add3A_825, %get3A_815 : vector<16xf32>
      %mul3A_827 = arith.mulf %sub3A_826, %broadcast_in_dim3A_792 : vector<16xf32>
      %add3A_828 = arith.addf %get3A_815, %mul3A_827 : vector<16xf32>
      %swap3A_829 = arith.constant 16 : index
      %swap3A_830 = tpu.vector_load %arg11[%swap3A_829] {strides = array<i32>} : memref<768xf32, #tpu.memory_space<vmem>>, vector<16xf32>,
      %swap3A_831 = vector.shape_cast %swap3A_830 : vector<16xf32> to vector<16xf32>
      %swap3A_832 = vector.shape_cast %add3A_828 : vector<16xf32> to vector<16xf32>
      tpu.vector_store %arg11[%swap3A_829], %swap3A_832 {strides = array<i32>} : memref<768xf32, #tpu.memory_space<vmem>>, vector<16xf32>,
      %get3A_833 = arith.constant 32 : index
      %get3A_834 = tpu.vector_load %arg11[%get3A_833] {strides = array<i32>} : memref<768xf32, #tpu.memory_space<vmem>>, vector<16xf32>,
      %get3A_835 = vector.shape_cast %get3A_834 : vector<16xf32> to vector<16xf32>
      %sub3A_836 = arith.subf %get3A_835, %broadcast_in_dim3A_739 : vector<16xf32>
      %mul3A_837 = arith.mulf %sub3A_836, %mul3A_787 : vector<16xf32>
      %get3A_838 = arith.constant 32 : index
      %get3A_839 = tpu.vector_load %arg9[%get3A_838] {strides = array<i32>} : memref<768xf32, #tpu.memory_space<vmem>>, vector<16xf32>,
      %get3A_840 = vector.shape_cast %get3A_839 : vector<16xf32> to vector<16xf32>
      %mul3A_841 = arith.mulf %mul3A_837, %get3A_840 : vector<16xf32>
      %get3A_842 = arith.constant 32 : index
      %get3A_843 = tpu.vector_load %arg10[%get3A_842] {strides = array<i32>} : memref<768xf32, #tpu.memory_space<vmem>>, vector<16xf32>,
      %get3A_844 = vector.shape_cast %get3A_843 : vector<16xf32> to vector<16xf32>
      %add3A_845 = arith.addf %mul3A_841, %get3A_844 : vector<16xf32>
      %sub3A_846 = arith.subf %add3A_845, %get3A_835 : vector<16xf32>
      %mul3A_847 = arith.mulf %sub3A_846, %broadcast_in_dim3A_792 : vector<16xf32>
      %add3A_848 = arith.addf %get3A_835, %mul3A_847 : vector<16xf32>
      %swap3A_849 = arith.constant 32 : index
      %swap3A_850 = tpu.vector_load %arg11[%swap3A_849] {strides = array<i32>} : memref<768xf32, #tpu.memory_space<vmem>>, vector<16xf32>,
      %swap3A_851 = vector.shape_cast %swap3A_850 : vector<16xf32> to vector<16xf32>
      %swap3A_852 = vector.shape_cast %add3A_848 : vector<16xf32> to vector<16xf32>
      tpu.vector_store %arg11[%swap3A_849], %swap3A_852 {strides = array<i32>} : memref<768xf32, #tpu.memory_space<vmem>>, vector<16xf32>,
      %get3A_853 = arith.constant 48 : index
      %get3A_854 = tpu.vector_load %arg11[%get3A_853] {strides = array<i32>} : memref<768xf32, #tpu.memory_space<vmem>>, vector<16xf32>,
      %get3A_855 = vector.shape_cast %get3A_854 : vector<16xf32> to vector<16xf32>
      %sub3A_856 = arith.subf %get3A_855, %broadcast_in_dim3A_739 : vector<16xf32>
      %mul3A_857 = arith.mulf %sub3A_856, %mul3A_787 : vector<16xf32>
      %get3A_858 = arith.constant 48 : index
      %get3A_859 = tpu.vector_load %arg9[%get3A_858] {strides = array<i32>} : memref<768xf32, #tpu.memory_space<vmem>>, vector<16xf32>,
      %get3A_860 = vector.shape_cast %get3A_859 : vector<16xf32> to vector<16xf32>
      %mul3A_861 = arith.mulf %mul3A_857, %get3A_860 : vector<16xf32>
      %get3A_862 = arith.constant 48 : index
      %get3A_863 = tpu.vector_load %arg10[%get3A_862] {strides = array<i32>} : memref<768xf32, #tpu.memory_space<vmem>>, vector<16xf32>,
      %get3A_864 = vector.shape_cast %get3A_863 : vector<16xf32> to vector<16xf32>
      %add3A_865 = arith.addf %mul3A_861, %get3A_864 : vector<16xf32>
      %sub3A_866 = arith.subf %add3A_865, %get3A_855 : vector<16xf32>
      %mul3A_867 = arith.mulf %sub3A_866, %broadcast_in_dim3A_792 : vector<16xf32>
      %add3A_868 = arith.addf %get3A_855, %mul3A_867 : vector<16xf32>
      %swap3A_869 = arith.constant 48 : index
      %swap3A_870 = tpu.vector_load %arg11[%swap3A_869] {strides = array<i32>} : memref<768xf32, #tpu.memory_space<vmem>>, vector<16xf32>,
      %swap3A_871 = vector.shape_cast %swap3A_870 : vector<16xf32> to vector<16xf32>
      %swap3A_872 = vector.shape_cast %add3A_868 : vector<16xf32> to vector<16xf32>
      tpu.vector_store %arg11[%swap3A_869], %swap3A_872 {strides = array<i32>} : memref<768xf32, #tpu.memory_space<vmem>>, vector<16xf32>,
      %get3A_873 = arith.constant 64 : index
      %get3A_874 = tpu.vector_load %arg11[%get3A_873] {strides = array<i32>} : memref<768xf32, #tpu.memory_space<vmem>>, vector<16xf32>,
      %get3A_875 = vector.shape_cast %get3A_874 : vector<16xf32> to vector<16xf32>
      %sub3A_876 = arith.subf %get3A_875, %broadcast_in_dim3A_739 : vector<16xf32>
      %mul3A_877 = arith.mulf %sub3A_876, %mul3A_787 : vector<16xf32>
      %get3A_878 = arith.constant 64 : index
      %get3A_879 = tpu.vector_load %arg9[%get3A_878] {strides = array<i32>} : memref<768xf32, #tpu.memory_space<vmem>>, vector<16xf32>,
      %get3A_880 = vector.shape_cast %get3A_879 : vector<16xf32> to vector<16xf32>
      %mul3A_881 = arith.mulf %mul3A_877, %get3A_880 : vector<16xf32>
      %get3A_882 = arith.constant 64 : index
      %get3A_883 = tpu.vector_load %arg10[%get3A_882] {strides = array<i32>} : memref<768xf32, #tpu.memory_space<vmem>>, vector<16xf32>,
      %get3A_884 = vector.shape_cast %get3A_883 : vector<16xf32> to vector<16xf32>
      %add3A_885 = arith.addf %mul3A_881, %get3A_884 : vector<16xf32>
      %sub3A_886 = arith.subf %add3A_885, %get3A_875 : vector<16xf32>
      %mul3A_887 = arith.mulf %sub3A_886, %broadcast_in_dim3A_792 : vector<16xf32>
      %add3A_888 = arith.addf %get3A_875, %mul3A_887 : vector<16xf32>
      %swap3A_889 = arith.constant 64 : index
      %swap3A_890 = tpu.vector_load %arg11[%swap3A_889] {strides = array<i32>} : memref<768xf32, #tpu.memory_space<vmem>>, vector<16xf32>,
      %swap3A_891 = vector.shape_cast %swap3A_890 : vector<16xf32> to vector<16xf32>
      %swap3A_892 = vector.shape_cast %add3A_888 : vector<16xf32> to vector<16xf32>
      tpu.vector_store %arg11[%swap3A_889], %swap3A_892 {strides = array<i32>} : memref<768xf32, #tpu.memory_space<vmem>>, vector<16xf32>,
      %get3A_893 = arith.constant 80 : index
      %get3A_894 = tpu.vector_load %arg11[%get3A_893] {strides = array<i32>} : memref<768xf32, #tpu.memory_space<vmem>>, vector<16xf32>,
      %get3A_895 = vector.shape_cast %get3A_894 : vector<16xf32> to vector<16xf32>
      %sub3A_896 = arith.subf %get3A_895, %broadcast_in_dim3A_739 : vector<16xf32>
      %mul3A_897 = arith.mulf %sub3A_896, %mul3A_787 : vector<16xf32>
      %get3A_898 = arith.constant 80 : index
      %get3A_899 = tpu.vector_load %arg9[%get3A_898] {strides = array<i32>} : memref<768xf32, #tpu.memory_space<vmem>>, vector<16xf32>,
      %get3A_900 = vector.shape_cast %get3A_899 : vector<16xf32> to vector<16xf32>
      %mul3A_901 = arith.mulf %mul3A_897, %get3A_900 : vector<16xf32>
      %get3A_902 = arith.constant 80 : index
      %get3A_903 = tpu.vector_load %arg10[%get3A_902] {strides = array<i32>} : memref<768xf32, #tpu.memory_space<vmem>>, vector<16xf32>,
      %get3A_904 = vector.shape_cast %get3A_903 : vector<16xf32> to vector<16xf32>
      %add3A_905 = arith.addf %mul3A_901, %get3A_904 : vector<16xf32>
      %sub3A_906 = arith.subf %add3A_905, %get3A_895 : vector<16xf32>
      %mul3A_907 = arith.mulf %sub3A_906, %broadcast_in_dim3A_792 : vector<16xf32>
      %add3A_908 = arith.addf %get3A_895, %mul3A_907 : vector<16xf32>
      %swap3A_909 = arith.constant 80 : index
      %swap3A_910 = tpu.vector_load %arg11[%swap3A_909] {strides = array<i32>} : memref<768xf32, #tpu.memory_space<vmem>>, vector<16xf32>,
      %swap3A_911 = vector.shape_cast %swap3A_910 : vector<16xf32> to vector<16xf32>
      %swap3A_912 = vector.shape_cast %add3A_908 : vector<16xf32> to vector<16xf32>
      tpu.vector_store %arg11[%swap3A_909], %swap3A_912 {strides = array<i32>} : memref<768xf32, #tpu.memory_space<vmem>>, vector<16xf32>,
      %get3A_913 = arith.constant 96 : index
      %get3A_914 = tpu.vector_load %arg11[%get3A_913] {strides = array<i32>} : memref<768xf32, #tpu.memory_space<vmem>>, vector<16xf32>,
      %get3A_915 = vector.shape_cast %get3A_914 : vector<16xf32> to vector<16xf32>
      %sub3A_916 = arith.subf %get3A_915, %broadcast_in_dim3A_739 : vector<16xf32>
      %mul3A_917 = arith.mulf %sub3A_916, %mul3A_787 : vector<16xf32>
      %get3A_918 = arith.constant 96 : index
      %get3A_919 = tpu.vector_load %arg9[%get3A_918] {strides = array<i32>} : memref<768xf32, #tpu.memory_space<vmem>>, vector<16xf32>,
      %get3A_920 = vector.shape_cast %get3A_919 : vector<16xf32> to vector<16xf32>
      %mul3A_921 = arith.mulf %mul3A_917, %get3A_920 : vector<16xf32>
      %get3A_922 = arith.constant 96 : index
      %get3A_923 = tpu.vector_load %arg10[%get3A_922] {strides = array<i32>} : memref<768xf32, #tpu.memory_space<vmem>>, vector<16xf32>,
      %get3A_924 = vector.shape_cast %get3A_923 : vector<16xf32> to vector<16xf32>
      %add3A_925 = arith.addf %mul3A_921, %get3A_924 : vector<16xf32>
      %sub3A_926 = arith.subf %add3A_925, %get3A_915 : vector<16xf32>
      %mul3A_927 = arith.mulf %sub3A_926, %broadcast_in_dim3A_792 : vector<16xf32>
      %add3A_928 = arith.addf %get3A_915, %mul3A_927 : vector<16xf32>
      %swap3A_929 = arith.constant 96 : index
      %swap3A_930 = tpu.vector_load %arg11[%swap3A_929] {strides = array<i32>} : memref<768xf32, #tpu.memory_space<vmem>>, vector<16xf32>,
      %swap3A_931 = vector.shape_cast %swap3A_930 : vector<16xf32> to vector<16xf32>
      %swap3A_932 = vector.shape_cast %add3A_928 : vector<16xf32> to vector<16xf32>
      tpu.vector_store %arg11[%swap3A_929], %swap3A_932 {strides = array<i32>} : memref<768xf32, #tpu.memory_space<vmem>>, vector<16xf32>,
      %get3A_933 = arith.constant 112 : index
      %get3A_934 = tpu.vector_load %arg11[%get3A_933] {strides = array<i32>} : memref<768xf32, #tpu.memory_space<vmem>>, vector<16xf32>,
      %get3A_935 = vector.shape_cast %get3A_934 : vector<16xf32> to vector<16xf32>
      %sub3A_936 = arith.subf %get3A_935, %broadcast_in_dim3A_739 : vector<16xf32>
      %mul3A_937 = arith.mulf %sub3A_936, %mul3A_787 : vector<16xf32>
      %get3A_938 = arith.constant 112 : index
      %get3A_939 = tpu.vector_load %arg9[%get3A_938] {strides = array<i32>} : memref<768xf32, #tpu.memory_space<vmem>>, vector<16xf32>,
      %get3A_940 = vector.shape_cast %get3A_939 : vector<16xf32> to vector<16xf32>
      %mul3A_941 = arith.mulf %mul3A_937, %get3A_940 : vector<16xf32>
      %get3A_942 = arith.constant 112 : index
      %get3A_943 = tpu.vector_load %arg10[%get3A_942] {strides = array<i32>} : memref<768xf32, #tpu.memory_space<vmem>>, vector<16xf32>,
      %get3A_944 = vector.shape_cast %get3A_943 : vector<16xf32> to vector<16xf32>
      %add3A_945 = arith.addf %mul3A_941, %get3A_944 : vector<16xf32>
      %sub3A_946 = arith.subf %add3A_945, %get3A_935 : vector<16xf32>
      %mul3A_947 = arith.mulf %sub3A_946, %broadcast_in_dim3A_792 : vector<16xf32>
      %add3A_948 = arith.addf %get3A_935, %mul3A_947 : vector<16xf32>
      %swap3A_949 = arith.constant 112 : index
      %swap3A_950 = tpu.vector_load %arg11[%swap3A_949] {strides = array<i32>} : memref<768xf32, #tpu.memory_space<vmem>>, vector<16xf32>,
      %swap3A_951 = vector.shape_cast %swap3A_950 : vector<16xf32> to vector<16xf32>
      %swap3A_952 = vector.shape_cast %add3A_948 : vector<16xf32> to vector<16xf32>
      tpu.vector_store %arg11[%swap3A_949], %swap3A_952 {strides = array<i32>} : memref<768xf32, #tpu.memory_space<vmem>>, vector<16xf32>,
      %get3A_953 = arith.constant 128 : index
      %get3A_954 = tpu.vector_load %arg11[%get3A_953] {strides = array<i32>} : memref<768xf32, #tpu.memory_space<vmem>>, vector<16xf32>,
      %get3A_955 = vector.shape_cast %get3A_954 : vector<16xf32> to vector<16xf32>
      %sub3A_956 = arith.subf %get3A_955, %broadcast_in_dim3A_739 : vector<16xf32>
      %mul3A_957 = arith.mulf %sub3A_956, %mul3A_787 : vector<16xf32>
      %get3A_958 = arith.constant 128 : index
      %get3A_959 = tpu.vector_load %arg9[%get3A_958] {strides = array<i32>} : memref<768xf32, #tpu.memory_space<vmem>>, vector<16xf32>,
      %get3A_960 = vector.shape_cast %get3A_959 : vector<16xf32> to vector<16xf32>
      %mul3A_961 = arith.mulf %mul3A_957, %get3A_960 : vector<16xf32>
      %get3A_962 = arith.constant 128 : index
      %get3A_963 = tpu.vector_load %arg10[%get3A_962] {strides = array<i32>} : memref<768xf32, #tpu.memory_space<vmem>>, vector<16xf32>,
      %get3A_964 = vector.shape_cast %get3A_963 : vector<16xf32> to vector<16xf32>
      %add3A_965 = arith.addf %mul3A_961, %get3A_964 : vector<16xf32>
      %sub3A_966 = arith.subf %add3A_965, %get3A_955 : vector<16xf32>
      %mul3A_967 = arith.mulf %sub3A_966, %broadcast_in_dim3A_792 : vector<16xf32>
      %add3A_968 = arith.addf %get3A_955, %mul3A_967 : vector<16xf32>
      %swap3A_969 = arith.constant 128 : index
      %swap3A_970 = tpu.vector_load %arg11[%swap3A_969] {strides = array<i32>} : memref<768xf32, #tpu.memory_space<vmem>>, vector<16xf32>,
      %swap3A_971 = vector.shape_cast %swap3A_970 : vector<16xf32> to vector<16xf32>
      %swap3A_972 = vector.shape_cast %add3A_968 : vector<16xf32> to vector<16xf32>
      tpu.vector_store %arg11[%swap3A_969], %swap3A_972 {strides = array<i32>} : memref<768xf32, #tpu.memory_space<vmem>>, vector<16xf32>,
      %get3A_973 = arith.constant 144 : index
      %get3A_974 = tpu.vector_load %arg11[%get3A_973] {strides = array<i32>} : memref<768xf32, #tpu.memory_space<vmem>>, vector<16xf32>,
      %get3A_975 = vector.shape_cast %get3A_974 : vector<16xf32> to vector<16xf32>
      %sub3A_976 = arith.subf %get3A_975, %broadcast_in_dim3A_739 : vector<16xf32>
      %mul3A_977 = arith.mulf %sub3A_976, %mul3A_787 : vector<16xf32>
      %get3A_978 = arith.constant 144 : index
      %get3A_979 = tpu.vector_load %arg9[%get3A_978] {strides = array<i32>} : memref<768xf32, #tpu.memory_space<vmem>>, vector<16xf32>,
      %get3A_980 = vector.shape_cast %get3A_979 : vector<16xf32> to vector<16xf32>
      %mul3A_981 = arith.mulf %mul3A_977, %get3A_980 : vector<16xf32>
      %get3A_982 = arith.constant 144 : index
      %get3A_983 = tpu.vector_load %arg10[%get3A_982] {strides = array<i32>} : memref<768xf32, #tpu.memory_space<vmem>>, vector<16xf32>,
      %get3A_984 = vector.shape_cast %get3A_983 : vector<16xf32> to vector<16xf32>
      %add3A_985 = arith.addf %mul3A_981, %get3A_984 : vector<16xf32>
      %sub3A_986 = arith.subf %add3A_985, %get3A_975 : vector<16xf32>
      %mul3A_987 = arith.mulf %sub3A_986, %broadcast_in_dim3A_792 : vector<16xf32>
      %add3A_988 = arith.addf %get3A_975, %mul3A_987 : vector<16xf32>
      %swap3A_989 = arith.constant 144 : index
      %swap3A_990 = tpu.vector_load %arg11[%swap3A_989] {strides = array<i32>} : memref<768xf32, #tpu.memory_space<vmem>>, vector<16xf32>,
      %swap3A_991 = vector.shape_cast %swap3A_990 : vector<16xf32> to vector<16xf32>
      %swap3A_992 = vector.shape_cast %add3A_988 : vector<16xf32> to vector<16xf32>
      tpu.vector_store %arg11[%swap3A_989], %swap3A_992 {strides = array<i32>} : memref<768xf32, #tpu.memory_space<vmem>>, vector<16xf32>,
      %get3A_993 = arith.constant 160 : index
      %get3A_994 = tpu.vector_load %arg11[%get3A_993] {strides = array<i32>} : memref<768xf32, #tpu.memory_space<vmem>>, vector<16xf32>,
      %get3A_995 = vector.shape_cast %get3A_994 : vector<16xf32> to vector<16xf32>
      %sub3A_996 = arith.subf %get3A_995, %broadcast_in_dim3A_739 : vector<16xf32>
      %mul3A_997 = arith.mulf %sub3A_996, %mul3A_787 : vector<16xf32>
      %get3A_998 = arith.constant 160 : index
      %get3A_999 = tpu.vector_load %arg9[%get3A_998] {strides = array<i32>} : memref<768xf32, #tpu.memory_space<vmem>>, vector<16xf32>,
      %get3A_1000 = vector.shape_cast %get3A_999 : vector<16xf32> to vector<16xf32>
      %mul3A_1001 = arith.mulf %mul3A_997, %get3A_1000 : vector<16xf32>
      %get3A_1002 = arith.constant 160 : index
      %get3A_1003 = tpu.vector_load %arg10[%get3A_1002] {strides = array<i32>} : memref<768xf32, #tpu.memory_space<vmem>>, vector<16xf32>,
      %get3A_1004 = vector.shape_cast %get3A_1003 : vector<16xf32> to vector<16xf32>
      %add3A_1005 = arith.addf %mul3A_1001, %get3A_1004 : vector<16xf32>
      %sub3A_1006 = arith.subf %add3A_1005, %get3A_995 : vector<16xf32>
      %mul3A_1007 = arith.mulf %sub3A_1006, %broadcast_in_dim3A_792 : vector<16xf32>
      %add3A_1008 = arith.addf %get3A_995, %mul3A_1007 : vector<16xf32>
      %swap3A_1009 = arith.constant 160 : index
      %swap3A_1010 = tpu.vector_load %arg11[%swap3A_1009] {strides = array<i32>} : memref<768xf32, #tpu.memory_space<vmem>>, vector<16xf32>,
      %swap3A_1011 = vector.shape_cast %swap3A_1010 : vector<16xf32> to vector<16xf32>
      %swap3A_1012 = vector.shape_cast %add3A_1008 : vector<16xf32> to vector<16xf32>
      tpu.vector_store %arg11[%swap3A_1009], %swap3A_1012 {strides = array<i32>} : memref<768xf32, #tpu.memory_space<vmem>>, vector<16xf32>,
      %get3A_1013 = arith.constant 176 : index
      %get3A_1014 = tpu.vector_load %arg11[%get3A_1013] {strides = array<i32>} : memref<768xf32, #tpu.memory_space<vmem>>, vector<16xf32>,
      %get3A_1015 = vector.shape_cast %get3A_1014 : vector<16xf32> to vector<16xf32>
      %sub3A_1016 = arith.subf %get3A_1015, %broadcast_in_dim3A_739 : vector<16xf32>
      %mul3A_1017 = arith.mulf %sub3A_1016, %mul3A_787 : vector<16xf32>
      %get3A_1018 = arith.constant 176 : index
      %get3A_1019 = tpu.vector_load %arg9[%get3A_1018] {strides = array<i32>} : memref<768xf32, #tpu.memory_space<vmem>>, vector<16xf32>,
      %get3A_1020 = vector.shape_cast %get3A_1019 : vector<16xf32> to vector<16xf32>
      %mul3A_1021 = arith.mulf %mul3A_1017, %get3A_1020 : vector<16xf32>
      %get3A_1022 = arith.constant 176 : index
      %get3A_1023 = tpu.vector_load %arg10[%get3A_1022] {strides = array<i32>} : memref<768xf32, #tpu.memory_space<vmem>>, vector<16xf32>,
      %get3A_1024 = vector.shape_cast %get3A_1023 : vector<16xf32> to vector<16xf32>
      %add3A_1025 = arith.addf %mul3A_1021, %get3A_1024 : vector<16xf32>
      %sub3A_1026 = arith.subf %add3A_1025, %get3A_1015 : vector<16xf32>
      %mul3A_1027 = arith.mulf %sub3A_1026, %broadcast_in_dim3A_792 : vector<16xf32>
      %add3A_1028 = arith.addf %get3A_1015, %mul3A_1027 : vector<16xf32>
      %swap3A_1029 = arith.constant 176 : index
      %swap3A_1030 = tpu.vector_load %arg11[%swap3A_1029] {strides = array<i32>} : memref<768xf32, #tpu.memory_space<vmem>>, vector<16xf32>,
      %swap3A_1031 = vector.shape_cast %swap3A_1030 : vector<16xf32> to vector<16xf32>
      %swap3A_1032 = vector.shape_cast %add3A_1028 : vector<16xf32> to vector<16xf32>
      tpu.vector_store %arg11[%swap3A_1029], %swap3A_1032 {strides = array<i32>} : memref<768xf32, #tpu.memory_space<vmem>>, vector<16xf32>,
      %get3A_1033 = arith.constant 192 : index
      %get3A_1034 = tpu.vector_load %arg11[%get3A_1033] {strides = array<i32>} : memref<768xf32, #tpu.memory_space<vmem>>, vector<16xf32>,
      %get3A_1035 = vector.shape_cast %get3A_1034 : vector<16xf32> to vector<16xf32>
      %sub3A_1036 = arith.subf %get3A_1035, %broadcast_in_dim3A_739 : vector<16xf32>
      %mul3A_1037 = arith.mulf %sub3A_1036, %mul3A_787 : vector<16xf32>
      %get3A_1038 = arith.constant 192 : index
      %get3A_1039 = tpu.vector_load %arg9[%get3A_1038] {strides = array<i32>} : memref<768xf32, #tpu.memory_space<vmem>>, vector<16xf32>,
      %get3A_1040 = vector.shape_cast %get3A_1039 : vector<16xf32> to vector<16xf32>
      %mul3A_1041 = arith.mulf %mul3A_1037, %get3A_1040 : vector<16xf32>
      %get3A_1042 = arith.constant 192 : index
      %get3A_1043 = tpu.vector_load %arg10[%get3A_1042] {strides = array<i32>} : memref<768xf32, #tpu.memory_space<vmem>>, vector<16xf32>,
      %get3A_1044 = vector.shape_cast %get3A_1043 : vector<16xf32> to vector<16xf32>
      %add3A_1045 = arith.addf %mul3A_1041, %get3A_1044 : vector<16xf32>
      %sub3A_1046 = arith.subf %add3A_1045, %get3A_1035 : vector<16xf32>
      %mul3A_1047 = arith.mulf %sub3A_1046, %broadcast_in_dim3A_792 : vector<16xf32>
      %add3A_1048 = arith.addf %get3A_1035, %mul3A_1047 : vector<16xf32>
      %swap3A_1049 = arith.constant 192 : index
      %swap3A_1050 = tpu.vector_load %arg11[%swap3A_1049] {strides = array<i32>} : memref<768xf32, #tpu.memory_space<vmem>>, vector<16xf32>,
      %swap3A_1051 = vector.shape_cast %swap3A_1050 : vector<16xf32> to vector<16xf32>
      %swap3A_1052 = vector.shape_cast %add3A_1048 : vector<16xf32> to vector<16xf32>
      tpu.vector_store %arg11[%swap3A_1049], %swap3A_1052 {strides = array<i32>} : memref<768xf32, #tpu.memory_space<vmem>>, vector<16xf32>,
      %get3A_1053 = arith.constant 208 : index
      %get3A_1054 = tpu.vector_load %arg11[%get3A_1053] {strides = array<i32>} : memref<768xf32, #tpu.memory_space<vmem>>, vector<16xf32>,
      %get3A_1055 = vector.shape_cast %get3A_1054 : vector<16xf32> to vector<16xf32>
      %sub3A_1056 = arith.subf %get3A_1055, %broadcast_in_dim3A_739 : vector<16xf32>
      %mul3A_1057 = arith.mulf %sub3A_1056, %mul3A_787 : vector<16xf32>
      %get3A_1058 = arith.constant 208 : index
      %get3A_1059 = tpu.vector_load %arg9[%get3A_1058] {strides = array<i32>} : memref<768xf32, #tpu.memory_space<vmem>>, vector<16xf32>,
      %get3A_1060 = vector.shape_cast %get3A_1059 : vector<16xf32> to vector<16xf32>
      %mul3A_1061 = arith.mulf %mul3A_1057, %get3A_1060 : vector<16xf32>
      %get3A_1062 = arith.constant 208 : index
      %get3A_1063 = tpu.vector_load %arg10[%get3A_1062] {strides = array<i32>} : memref<768xf32, #tpu.memory_space<vmem>>, vector<16xf32>,
      %get3A_1064 = vector.shape_cast %get3A_1063 : vector<16xf32> to vector<16xf32>
      %add3A_1065 = arith.addf %mul3A_1061, %get3A_1064 : vector<16xf32>
      %sub3A_1066 = arith.subf %add3A_1065, %get3A_1055 : vector<16xf32>
      %mul3A_1067 = arith.mulf %sub3A_1066, %broadcast_in_dim3A_792 : vector<16xf32>
      %add3A_1068 = arith.addf %get3A_1055, %mul3A_1067 : vector<16xf32>
      %swap3A_1069 = arith.constant 208 : index
      %swap3A_1070 = tpu.vector_load %arg11[%swap3A_1069] {strides = array<i32>} : memref<768xf32, #tpu.memory_space<vmem>>, vector<16xf32>,
      %swap3A_1071 = vector.shape_cast %swap3A_1070 : vector<16xf32> to vector<16xf32>
      %swap3A_1072 = vector.shape_cast %add3A_1068 : vector<16xf32> to vector<16xf32>
      tpu.vector_store %arg11[%swap3A_1069], %swap3A_1072 {strides = array<i32>} : memref<768xf32, #tpu.memory_space<vmem>>, vector<16xf32>,
      %get3A_1073 = arith.constant 224 : index
      %get3A_1074 = tpu.vector_load %arg11[%get3A_1073] {strides = array<i32>} : memref<768xf32, #tpu.memory_space<vmem>>, vector<16xf32>,
      %get3A_1075 = vector.shape_cast %get3A_1074 : vector<16xf32> to vector<16xf32>
      %sub3A_1076 = arith.subf %get3A_1075, %broadcast_in_dim3A_739 : vector<16xf32>
      %mul3A_1077 = arith.mulf %sub3A_1076, %mul3A_787 : vector<16xf32>
      %get3A_1078 = arith.constant 224 : index
      %get3A_1079 = tpu.vector_load %arg9[%get3A_1078] {strides = array<i32>} : memref<768xf32, #tpu.memory_space<vmem>>, vector<16xf32>,
      %get3A_1080 = vector.shape_cast %get3A_1079 : vector<16xf32> to vector<16xf32>
      %mul3A_1081 = arith.mulf %mul3A_1077, %get3A_1080 : vector<16xf32>
      %get3A_1082 = arith.constant 224 : index
      %get3A_1083 = tpu.vector_load %arg10[%get3A_1082] {strides = array<i32>} : memref<768xf32, #tpu.memory_space<vmem>>, vector<16xf32>,
      %get3A_1084 = vector.shape_cast %get3A_1083 : vector<16xf32> to vector<16xf32>
      %add3A_1085 = arith.addf %mul3A_1081, %get3A_1084 : vector<16xf32>
      %sub3A_1086 = arith.subf %add3A_1085, %get3A_1075 : vector<16xf32>
      %mul3A_1087 = arith.mulf %sub3A_1086, %broadcast_in_dim3A_792 : vector<16xf32>
      %add3A_1088 = arith.addf %get3A_1075, %mul3A_1087 : vector<16xf32>
      %swap3A_1089 = arith.constant 224 : index
      %swap3A_1090 = tpu.vector_load %arg11[%swap3A_1089] {strides = array<i32>} : memref<768xf32, #tpu.memory_space<vmem>>, vector<16xf32>,
      %swap3A_1091 = vector.shape_cast %swap3A_1090 : vector<16xf32> to vector<16xf32>
      %swap3A_1092 = vector.shape_cast %add3A_1088 : vector<16xf32> to vector<16xf32>
      tpu.vector_store %arg11[%swap3A_1089], %swap3A_1092 {strides = array<i32>} : memref<768xf32, #tpu.memory_space<vmem>>, vector<16xf32>,
      %get3A_1093 = arith.constant 240 : index
      %get3A_1094 = tpu.vector_load %arg11[%get3A_1093] {strides = array<i32>} : memref<768xf32, #tpu.memory_space<vmem>>, vector<16xf32>,
      %get3A_1095 = vector.shape_cast %get3A_1094 : vector<16xf32> to vector<16xf32>
      %sub3A_1096 = arith.subf %get3A_1095, %broadcast_in_dim3A_739 : vector<16xf32>
      %mul3A_1097 = arith.mulf %sub3A_1096, %mul3A_787 : vector<16xf32>
      %get3A_1098 = arith.constant 240 : index
      %get3A_1099 = tpu.vector_load %arg9[%get3A_1098] {strides = array<i32>} : memref<768xf32, #tpu.memory_space<vmem>>, vector<16xf32>,
      %get3A_1100 = vector.shape_cast %get3A_1099 : vector<16xf32> to vector<16xf32>
      %mul3A_1101 = arith.mulf %mul3A_1097, %get3A_1100 : vector<16xf32>
      %get3A_1102 = arith.constant 240 : index
      %get3A_1103 = tpu.vector_load %arg10[%get3A_1102] {strides = array<i32>} : memref<768xf32, #tpu.memory_space<vmem>>, vector<16xf32>,
      %get3A_1104 = vector.shape_cast %get3A_1103 : vector<16xf32> to vector<16xf32>
      %add3A_1105 = arith.addf %mul3A_1101, %get3A_1104 : vector<16xf32>
      %sub3A_1106 = arith.subf %add3A_1105, %get3A_1095 : vector<16xf32>
      %mul3A_1107 = arith.mulf %sub3A_1106, %broadcast_in_dim3A_792 : vector<16xf32>
      %add3A_1108 = arith.addf %get3A_1095, %mul3A_1107 : vector<16xf32>
      %swap3A_1109 = arith.constant 240 : index
      %swap3A_1110 = tpu.vector_load %arg11[%swap3A_1109] {strides = array<i32>} : memref<768xf32, #tpu.memory_space<vmem>>, vector<16xf32>,
      %swap3A_1111 = vector.shape_cast %swap3A_1110 : vector<16xf32> to vector<16xf32>
      %swap3A_1112 = vector.shape_cast %add3A_1108 : vector<16xf32> to vector<16xf32>
      tpu.vector_store %arg11[%swap3A_1109], %swap3A_1112 {strides = array<i32>} : memref<768xf32, #tpu.memory_space<vmem>>, vector<16xf32>,
      %get3A_1113 = arith.constant 256 : index
      %get3A_1114 = tpu.vector_load %arg11[%get3A_1113] {strides = array<i32>} : memref<768xf32, #tpu.memory_space<vmem>>, vector<16xf32>,
      %get3A_1115 = vector.shape_cast %get3A_1114 : vector<16xf32> to vector<16xf32>
      %sub3A_1116 = arith.subf %get3A_1115, %broadcast_in_dim3A_739 : vector<16xf32>
      %mul3A_1117 = arith.mulf %sub3A_1116, %mul3A_787 : vector<16xf32>
      %get3A_1118 = arith.constant 256 : index
      %get3A_1119 = tpu.vector_load %arg9[%get3A_1118] {strides = array<i32>} : memref<768xf32, #tpu.memory_space<vmem>>, vector<16xf32>,
      %get3A_1120 = vector.shape_cast %get3A_1119 : vector<16xf32> to vector<16xf32>
      %mul3A_1121 = arith.mulf %mul3A_1117, %get3A_1120 : vector<16xf32>
      %get3A_1122 = arith.constant 256 : index
      %get3A_1123 = tpu.vector_load %arg10[%get3A_1122] {strides = array<i32>} : memref<768xf32, #tpu.memory_space<vmem>>, vector<16xf32>,
      %get3A_1124 = vector.shape_cast %get3A_1123 : vector<16xf32> to vector<16xf32>
      %add3A_1125 = arith.addf %mul3A_1121, %get3A_1124 : vector<16xf32>
      %sub3A_1126 = arith.subf %add3A_1125, %get3A_1115 : vector<16xf32>
      %mul3A_1127 = arith.mulf %sub3A_1126, %broadcast_in_dim3A_792 : vector<16xf32>
      %add3A_1128 = arith.addf %get3A_1115, %mul3A_1127 : vector<16xf32>
      %swap3A_1129 = arith.constant 256 : index
      %swap3A_1130 = tpu.vector_load %arg11[%swap3A_1129] {strides = array<i32>} : memref<768xf32, #tpu.memory_space<vmem>>, vector<16xf32>,
      %swap3A_1131 = vector.shape_cast %swap3A_1130 : vector<16xf32> to vector<16xf32>
      %swap3A_1132 = vector.shape_cast %add3A_1128 : vector<16xf32> to vector<16xf32>
      tpu.vector_store %arg11[%swap3A_1129], %swap3A_1132 {strides = array<i32>} : memref<768xf32, #tpu.memory_space<vmem>>, vector<16xf32>,
      %get3A_1133 = arith.constant 272 : index
      %get3A_1134 = tpu.vector_load %arg11[%get3A_1133] {strides = array<i32>} : memref<768xf32, #tpu.memory_space<vmem>>, vector<16xf32>,
      %get3A_1135 = vector.shape_cast %get3A_1134 : vector<16xf32> to vector<16xf32>
      %sub3A_1136 = arith.subf %get3A_1135, %broadcast_in_dim3A_739 : vector<16xf32>
      %mul3A_1137 = arith.mulf %sub3A_1136, %mul3A_787 : vector<16xf32>
      %get3A_1138 = arith.constant 272 : index
      %get3A_1139 = tpu.vector_load %arg9[%get3A_1138] {strides = array<i32>} : memref<768xf32, #tpu.memory_space<vmem>>, vector<16xf32>,
      %get3A_1140 = vector.shape_cast %get3A_1139 : vector<16xf32> to vector<16xf32>
      %mul3A_1141 = arith.mulf %mul3A_1137, %get3A_1140 : vector<16xf32>
      %get3A_1142 = arith.constant 272 : index
      %get3A_1143 = tpu.vector_load %arg10[%get3A_1142] {strides = array<i32>} : memref<768xf32, #tpu.memory_space<vmem>>, vector<16xf32>,
      %get3A_1144 = vector.shape_cast %get3A_1143 : vector<16xf32> to vector<16xf32>
      %add3A_1145 = arith.addf %mul3A_1141, %get3A_1144 : vector<16xf32>
      %sub3A_1146 = arith.subf %add3A_1145, %get3A_1135 : vector<16xf32>
      %mul3A_1147 = arith.mulf %sub3A_1146, %broadcast_in_dim3A_792 : vector<16xf32>
      %add3A_1148 = arith.addf %get3A_1135, %mul3A_1147 : vector<16xf32>
      %swap3A_1149 = arith.constant 272 : index
      %swap3A_1150 = tpu.vector_load %arg11[%swap3A_1149] {strides = array<i32>} : memref<768xf32, #tpu.memory_space<vmem>>, vector<16xf32>,
      %swap3A_1151 = vector.shape_cast %swap3A_1150 : vector<16xf32> to vector<16xf32>
      %swap3A_1152 = vector.shape_cast %add3A_1148 : vector<16xf32> to vector<16xf32>
      tpu.vector_store %arg11[%swap3A_1149], %swap3A_1152 {strides = array<i32>} : memref<768xf32, #tpu.memory_space<vmem>>, vector<16xf32>,
      %get3A_1153 = arith.constant 288 : index
      %get3A_1154 = tpu.vector_load %arg11[%get3A_1153] {strides = array<i32>} : memref<768xf32, #tpu.memory_space<vmem>>, vector<16xf32>,
      %get3A_1155 = vector.shape_cast %get3A_1154 : vector<16xf32> to vector<16xf32>
      %sub3A_1156 = arith.subf %get3A_1155, %broadcast_in_dim3A_739 : vector<16xf32>
      %mul3A_1157 = arith.mulf %sub3A_1156, %mul3A_787 : vector<16xf32>
      %get3A_1158 = arith.constant 288 : index
      %get3A_1159 = tpu.vector_load %arg9[%get3A_1158] {strides = array<i32>} : memref<768xf32, #tpu.memory_space<vmem>>, vector<16xf32>,
      %get3A_1160 = vector.shape_cast %get3A_1159 : vector<16xf32> to vector<16xf32>
      %mul3A_1161 = arith.mulf %mul3A_1157, %get3A_1160 : vector<16xf32>
      %get3A_1162 = arith.constant 288 : index
      %get3A_1163 = tpu.vector_load %arg10[%get3A_1162] {strides = array<i32>} : memref<768xf32, #tpu.memory_space<vmem>>, vector<16xf32>,
      %get3A_1164 = vector.shape_cast %get3A_1163 : vector<16xf32> to vector<16xf32>
      %add3A_1165 = arith.addf %mul3A_1161, %get3A_1164 : vector<16xf32>
      %sub3A_1166 = arith.subf %add3A_1165, %get3A_1155 : vector<16xf32>
      %mul3A_1167 = arith.mulf %sub3A_1166, %broadcast_in_dim3A_792 : vector<16xf32>
      %add3A_1168 = arith.addf %get3A_1155, %mul3A_1167 : vector<16xf32>
      %swap3A_1169 = arith.constant 288 : index
      %swap3A_1170 = tpu.vector_load %arg11[%swap3A_1169] {strides = array<i32>} : memref<768xf32, #tpu.memory_space<vmem>>, vector<16xf32>,
      %swap3A_1171 = vector.shape_cast %swap3A_1170 : vector<16xf32> to vector<16xf32>
      %swap3A_1172 = vector.shape_cast %add3A_1168 : vector<16xf32> to vector<16xf32>
      tpu.vector_store %arg11[%swap3A_1169], %swap3A_1172 {strides = array<i32>} : memref<768xf32, #tpu.memory_space<vmem>>, vector<16xf32>,
      %get3A_1173 = arith.constant 304 : index
      %get3A_1174 = tpu.vector_load %arg11[%get3A_1173] {strides = array<i32>} : memref<768xf32, #tpu.memory_space<vmem>>, vector<16xf32>,
      %get3A_1175 = vector.shape_cast %get3A_1174 : vector<16xf32> to vector<16xf32>
      %sub3A_1176 = arith.subf %get3A_1175, %broadcast_in_dim3A_739 : vector<16xf32>
      %mul3A_1177 = arith.mulf %sub3A_1176, %mul3A_787 : vector<16xf32>
      %get3A_1178 = arith.constant 304 : index
      %get3A_1179 = tpu.vector_load %arg9[%get3A_1178] {strides = array<i32>} : memref<768xf32, #tpu.memory_space<vmem>>, vector<16xf32>,
      %get3A_1180 = vector.shape_cast %get3A_1179 : vector<16xf32> to vector<16xf32>
      %mul3A_1181 = arith.mulf %mul3A_1177, %get3A_1180 : vector<16xf32>
      %get3A_1182 = arith.constant 304 : index
      %get3A_1183 = tpu.vector_load %arg10[%get3A_1182] {strides = array<i32>} : memref<768xf32, #tpu.memory_space<vmem>>, vector<16xf32>,
      %get3A_1184 = vector.shape_cast %get3A_1183 : vector<16xf32> to vector<16xf32>
      %add3A_1185 = arith.addf %mul3A_1181, %get3A_1184 : vector<16xf32>
      %sub3A_1186 = arith.subf %add3A_1185, %get3A_1175 : vector<16xf32>
      %mul3A_1187 = arith.mulf %sub3A_1186, %broadcast_in_dim3A_792 : vector<16xf32>
      %add3A_1188 = arith.addf %get3A_1175, %mul3A_1187 : vector<16xf32>
      %swap3A_1189 = arith.constant 304 : index
      %swap3A_1190 = tpu.vector_load %arg11[%swap3A_1189] {strides = array<i32>} : memref<768xf32, #tpu.memory_space<vmem>>, vector<16xf32>,
      %swap3A_1191 = vector.shape_cast %swap3A_1190 : vector<16xf32> to vector<16xf32>
      %swap3A_1192 = vector.shape_cast %add3A_1188 : vector<16xf32> to vector<16xf32>
      tpu.vector_store %arg11[%swap3A_1189], %swap3A_1192 {strides = array<i32>} : memref<768xf32, #tpu.memory_space<vmem>>, vector<16xf32>,
      %get3A_1193 = arith.constant 320 : index
      %get3A_1194 = tpu.vector_load %arg11[%get3A_1193] {strides = array<i32>} : memref<768xf32, #tpu.memory_space<vmem>>, vector<16xf32>,
      %get3A_1195 = vector.shape_cast %get3A_1194 : vector<16xf32> to vector<16xf32>
      %sub3A_1196 = arith.subf %get3A_1195, %broadcast_in_dim3A_739 : vector<16xf32>
      %mul3A_1197 = arith.mulf %sub3A_1196, %mul3A_787 : vector<16xf32>
      %get3A_1198 = arith.constant 320 : index
      %get3A_1199 = tpu.vector_load %arg9[%get3A_1198] {strides = array<i32>} : memref<768xf32, #tpu.memory_space<vmem>>, vector<16xf32>,
      %get3A_1200 = vector.shape_cast %get3A_1199 : vector<16xf32> to vector<16xf32>
      %mul3A_1201 = arith.mulf %mul3A_1197, %get3A_1200 : vector<16xf32>
      %get3A_1202 = arith.constant 320 : index
      %get3A_1203 = tpu.vector_load %arg10[%get3A_1202] {strides = array<i32>} : memref<768xf32, #tpu.memory_space<vmem>>, vector<16xf32>,
      %get3A_1204 = vector.shape_cast %get3A_1203 : vector<16xf32> to vector<16xf32>
      %add3A_1205 = arith.addf %mul3A_1201, %get3A_1204 : vector<16xf32>
      %sub3A_1206 = arith.subf %add3A_1205, %get3A_1195 : vector<16xf32>
      %mul3A_1207 = arith.mulf %sub3A_1206, %broadcast_in_dim3A_792 : vector<16xf32>
      %add3A_1208 = arith.addf %get3A_1195, %mul3A_1207 : vector<16xf32>
      %swap3A_1209 = arith.constant 320 : index
      %swap3A_1210 = tpu.vector_load %arg11[%swap3A_1209] {strides = array<i32>} : memref<768xf32, #tpu.memory_space<vmem>>, vector<16xf32>,
      %swap3A_1211 = vector.shape_cast %swap3A_1210 : vector<16xf32> to vector<16xf32>
      %swap3A_1212 = vector.shape_cast %add3A_1208 : vector<16xf32> to vector<16xf32>
      tpu.vector_store %arg11[%swap3A_1209], %swap3A_1212 {strides = array<i32>} : memref<768xf32, #tpu.memory_space<vmem>>, vector<16xf32>,
      %get3A_1213 = arith.constant 336 : index
      %get3A_1214 = tpu.vector_load %arg11[%get3A_1213] {strides = array<i32>} : memref<768xf32, #tpu.memory_space<vmem>>, vector<16xf32>,
      %get3A_1215 = vector.shape_cast %get3A_1214 : vector<16xf32> to vector<16xf32>
      %sub3A_1216 = arith.subf %get3A_1215, %broadcast_in_dim3A_739 : vector<16xf32>
      %mul3A_1217 = arith.mulf %sub3A_1216, %mul3A_787 : vector<16xf32>
      %get3A_1218 = arith.constant 336 : index
      %get3A_1219 = tpu.vector_load %arg9[%get3A_1218] {strides = array<i32>} : memref<768xf32, #tpu.memory_space<vmem>>, vector<16xf32>,
      %get3A_1220 = vector.shape_cast %get3A_1219 : vector<16xf32> to vector<16xf32>
      %mul3A_1221 = arith.mulf %mul3A_1217, %get3A_1220 : vector<16xf32>
      %get3A_1222 = arith.constant 336 : index
      %get3A_1223 = tpu.vector_load %arg10[%get3A_1222] {strides = array<i32>} : memref<768xf32, #tpu.memory_space<vmem>>, vector<16xf32>,
      %get3A_1224 = vector.shape_cast %get3A_1223 : vector<16xf32> to vector<16xf32>
      %add3A_1225 = arith.addf %mul3A_1221, %get3A_1224 : vector<16xf32>
      %sub3A_1226 = arith.subf %add3A_1225, %get3A_1215 : vector<16xf32>
      %mul3A_1227 = arith.mulf %sub3A_1226, %broadcast_in_dim3A_792 : vector<16xf32>
      %add3A_1228 = arith.addf %get3A_1215, %mul3A_1227 : vector<16xf32>
      %swap3A_1229 = arith.constant 336 : index
      %swap3A_1230 = tpu.vector_load %arg11[%swap3A_1229] {strides = array<i32>} : memref<768xf32, #tpu.memory_space<vmem>>, vector<16xf32>,
      %swap3A_1231 = vector.shape_cast %swap3A_1230 : vector<16xf32> to vector<16xf32>
      %swap3A_1232 = vector.shape_cast %add3A_1228 : vector<16xf32> to vector<16xf32>
      tpu.vector_store %arg11[%swap3A_1229], %swap3A_1232 {strides = array<i32>} : memref<768xf32, #tpu.memory_space<vmem>>, vector<16xf32>,
      %get3A_1233 = arith.constant 352 : index
      %get3A_1234 = tpu.vector_load %arg11[%get3A_1233] {strides = array<i32>} : memref<768xf32, #tpu.memory_space<vmem>>, vector<16xf32>,
      %get3A_1235 = vector.shape_cast %get3A_1234 : vector<16xf32> to vector<16xf32>
      %sub3A_1236 = arith.subf %get3A_1235, %broadcast_in_dim3A_739 : vector<16xf32>
      %mul3A_1237 = arith.mulf %sub3A_1236, %mul3A_787 : vector<16xf32>
      %get3A_1238 = arith.constant 352 : index
      %get3A_1239 = tpu.vector_load %arg9[%get3A_1238] {strides = array<i32>} : memref<768xf32, #tpu.memory_space<vmem>>, vector<16xf32>,
      %get3A_1240 = vector.shape_cast %get3A_1239 : vector<16xf32> to vector<16xf32>
      %mul3A_1241 = arith.mulf %mul3A_1237, %get3A_1240 : vector<16xf32>
      %get3A_1242 = arith.constant 352 : index
      %get3A_1243 = tpu.vector_load %arg10[%get3A_1242] {strides = array<i32>} : memref<768xf32, #tpu.memory_space<vmem>>, vector<16xf32>,
      %get3A_1244 = vector.shape_cast %get3A_1243 : vector<16xf32> to vector<16xf32>
      %add3A_1245 = arith.addf %mul3A_1241, %get3A_1244 : vector<16xf32>
      %sub3A_1246 = arith.subf %add3A_1245, %get3A_1235 : vector<16xf32>
      %mul3A_1247 = arith.mulf %sub3A_1246, %broadcast_in_dim3A_792 : vector<16xf32>
      %add3A_1248 = arith.addf %get3A_1235, %mul3A_1247 : vector<16xf32>
      %swap3A_1249 = arith.constant 352 : index
      %swap3A_1250 = tpu.vector_load %arg11[%swap3A_1249] {strides = array<i32>} : memref<768xf32, #tpu.memory_space<vmem>>, vector<16xf32>,
      %swap3A_1251 = vector.shape_cast %swap3A_1250 : vector<16xf32> to vector<16xf32>
      %swap3A_1252 = vector.shape_cast %add3A_1248 : vector<16xf32> to vector<16xf32>
      tpu.vector_store %arg11[%swap3A_1249], %swap3A_1252 {strides = array<i32>} : memref<768xf32, #tpu.memory_space<vmem>>, vector<16xf32>,
      %get3A_1253 = arith.constant 368 : index
      %get3A_1254 = tpu.vector_load %arg11[%get3A_1253] {strides = array<i32>} : memref<768xf32, #tpu.memory_space<vmem>>, vector<16xf32>,
      %get3A_1255 = vector.shape_cast %get3A_1254 : vector<16xf32> to vector<16xf32>
      %sub3A_1256 = arith.subf %get3A_1255, %broadcast_in_dim3A_739 : vector<16xf32>
      %mul3A_1257 = arith.mulf %sub3A_1256, %mul3A_787 : vector<16xf32>
      %get3A_1258 = arith.constant 368 : index
      %get3A_1259 = tpu.vector_load %arg9[%get3A_1258] {strides = array<i32>} : memref<768xf32, #tpu.memory_space<vmem>>, vector<16xf32>,
      %get3A_1260 = vector.shape_cast %get3A_1259 : vector<16xf32> to vector<16xf32>
      %mul3A_1261 = arith.mulf %mul3A_1257, %get3A_1260 : vector<16xf32>
      %get3A_1262 = arith.constant 368 : index
      %get3A_1263 = tpu.vector_load %arg10[%get3A_1262] {strides = array<i32>} : memref<768xf32, #tpu.memory_space<vmem>>, vector<16xf32>,
      %get3A_1264 = vector.shape_cast %get3A_1263 : vector<16xf32> to vector<16xf32>
      %add3A_1265 = arith.addf %mul3A_1261, %get3A_1264 : vector<16xf32>
      %sub3A_1266 = arith.subf %add3A_1265, %get3A_1255 : vector<16xf32>
      %mul3A_1267 = arith.mulf %sub3A_1266, %broadcast_in_dim3A_792 : vector<16xf32>
      %add3A_1268 = arith.addf %get3A_1255, %mul3A_1267 : vector<16xf32>
      %swap3A_1269 = arith.constant 368 : index
      %swap3A_1270 = tpu.vector_load %arg11[%swap3A_1269] {strides = array<i32>} : memref<768xf32, #tpu.memory_space<vmem>>, vector<16xf32>,
      %swap3A_1271 = vector.shape_cast %swap3A_1270 : vector<16xf32> to vector<16xf32>
      %swap3A_1272 = vector.shape_cast %add3A_1268 : vector<16xf32> to vector<16xf32>
      tpu.vector_store %arg11[%swap3A_1269], %swap3A_1272 {strides = array<i32>} : memref<768xf32, #tpu.memory_space<vmem>>, vector<16xf32>,
      %get3A_1273 = arith.constant 384 : index
      %get3A_1274 = tpu.vector_load %arg11[%get3A_1273] {strides = array<i32>} : memref<768xf32, #tpu.memory_space<vmem>>, vector<16xf32>,
      %get3A_1275 = vector.shape_cast %get3A_1274 : vector<16xf32> to vector<16xf32>
      %sub3A_1276 = arith.subf %get3A_1275, %broadcast_in_dim3A_739 : vector<16xf32>
      %mul3A_1277 = arith.mulf %sub3A_1276, %mul3A_787 : vector<16xf32>
      %get3A_1278 = arith.constant 384 : index
      %get3A_1279 = tpu.vector_load %arg9[%get3A_1278] {strides = array<i32>} : memref<768xf32, #tpu.memory_space<vmem>>, vector<16xf32>,
      %get3A_1280 = vector.shape_cast %get3A_1279 : vector<16xf32> to vector<16xf32>
      %mul3A_1281 = arith.mulf %mul3A_1277, %get3A_1280 : vector<16xf32>
      %get3A_1282 = arith.constant 384 : index
      %get3A_1283 = tpu.vector_load %arg10[%get3A_1282] {strides = array<i32>} : memref<768xf32, #tpu.memory_space<vmem>>, vector<16xf32>,
      %get3A_1284 = vector.shape_cast %get3A_1283 : vector<16xf32> to vector<16xf32>
      %add3A_1285 = arith.addf %mul3A_1281, %get3A_1284 : vector<16xf32>
      %sub3A_1286 = arith.subf %add3A_1285, %get3A_1275 : vector<16xf32>
      %mul3A_1287 = arith.mulf %sub3A_1286, %broadcast_in_dim3A_792 : vector<16xf32>
      %add3A_1288 = arith.addf %get3A_1275, %mul3A_1287 : vector<16xf32>
      %swap3A_1289 = arith.constant 384 : index
      %swap3A_1290 = tpu.vector_load %arg11[%swap3A_1289] {strides = array<i32>} : memref<768xf32, #tpu.memory_space<vmem>>, vector<16xf32>,
      %swap3A_1291 = vector.shape_cast %swap3A_1290 : vector<16xf32> to vector<16xf32>
      %swap3A_1292 = vector.shape_cast %add3A_1288 : vector<16xf32> to vector<16xf32>
      tpu.vector_store %arg11[%swap3A_1289], %swap3A_1292 {strides = array<i32>} : memref<768xf32, #tpu.memory_space<vmem>>, vector<16xf32>,
      %get3A_1293 = arith.constant 400 : index
      %get3A_1294 = tpu.vector_load %arg11[%get3A_1293] {strides = array<i32>} : memref<768xf32, #tpu.memory_space<vmem>>, vector<16xf32>,
      %get3A_1295 = vector.shape_cast %get3A_1294 : vector<16xf32> to vector<16xf32>
      %sub3A_1296 = arith.subf %get3A_1295, %broadcast_in_dim3A_739 : vector<16xf32>
      %mul3A_1297 = arith.mulf %sub3A_1296, %mul3A_787 : vector<16xf32>
      %get3A_1298 = arith.constant 400 : index
      %get3A_1299 = tpu.vector_load %arg9[%get3A_1298] {strides = array<i32>} : memref<768xf32, #tpu.memory_space<vmem>>, vector<16xf32>,
      %get3A_1300 = vector.shape_cast %get3A_1299 : vector<16xf32> to vector<16xf32>
      %mul3A_1301 = arith.mulf %mul3A_1297, %get3A_1300 : vector<16xf32>
      %get3A_1302 = arith.constant 400 : index
      %get3A_1303 = tpu.vector_load %arg10[%get3A_1302] {strides = array<i32>} : memref<768xf32, #tpu.memory_space<vmem>>, vector<16xf32>,
      %get3A_1304 = vector.shape_cast %get3A_1303 : vector<16xf32> to vector<16xf32>
      %add3A_1305 = arith.addf %mul3A_1301, %get3A_1304 : vector<16xf32>
      %sub3A_1306 = arith.subf %add3A_1305, %get3A_1295 : vector<16xf32>
      %mul3A_1307 = arith.mulf %sub3A_1306, %broadcast_in_dim3A_792 : vector<16xf32>
      %add3A_1308 = arith.addf %get3A_1295, %mul3A_1307 : vector<16xf32>
      %swap3A_1309 = arith.constant 400 : index
      %swap3A_1310 = tpu.vector_load %arg11[%swap3A_1309] {strides = array<i32>} : memref<768xf32, #tpu.memory_space<vmem>>, vector<16xf32>,
      %swap3A_1311 = vector.shape_cast %swap3A_1310 : vector<16xf32> to vector<16xf32>
      %swap3A_1312 = vector.shape_cast %add3A_1308 : vector<16xf32> to vector<16xf32>
      tpu.vector_store %arg11[%swap3A_1309], %swap3A_1312 {strides = array<i32>} : memref<768xf32, #tpu.memory_space<vmem>>, vector<16xf32>,
      %get3A_1313 = arith.constant 416 : index
      %get3A_1314 = tpu.vector_load %arg11[%get3A_1313] {strides = array<i32>} : memref<768xf32, #tpu.memory_space<vmem>>, vector<16xf32>,
      %get3A_1315 = vector.shape_cast %get3A_1314 : vector<16xf32> to vector<16xf32>
      %sub3A_1316 = arith.subf %get3A_1315, %broadcast_in_dim3A_739 : vector<16xf32>
      %mul3A_1317 = arith.mulf %sub3A_1316, %mul3A_787 : vector<16xf32>
      %get3A_1318 = arith.constant 416 : index
      %get3A_1319 = tpu.vector_load %arg9[%get3A_1318] {strides = array<i32>} : memref<768xf32, #tpu.memory_space<vmem>>, vector<16xf32>,
      %get3A_1320 = vector.shape_cast %get3A_1319 : vector<16xf32> to vector<16xf32>
      %mul3A_1321 = arith.mulf %mul3A_1317, %get3A_1320 : vector<16xf32>
      %get3A_1322 = arith.constant 416 : index
      %get3A_1323 = tpu.vector_load %arg10[%get3A_1322] {strides = array<i32>} : memref<768xf32, #tpu.memory_space<vmem>>, vector<16xf32>,
      %get3A_1324 = vector.shape_cast %get3A_1323 : vector<16xf32> to vector<16xf32>
      %add3A_1325 = arith.addf %mul3A_1321, %get3A_1324 : vector<16xf32>
      %sub3A_1326 = arith.subf %add3A_1325, %get3A_1315 : vector<16xf32>
      %mul3A_1327 = arith.mulf %sub3A_1326, %broadcast_in_dim3A_792 : vector<16xf32>
      %add3A_1328 = arith.addf %get3A_1315, %mul3A_1327 : vector<16xf32>
      %swap3A_1329 = arith.constant 416 : index
      %swap3A_1330 = tpu.vector_load %arg11[%swap3A_1329] {strides = array<i32>} : memref<768xf32, #tpu.memory_space<vmem>>, vector<16xf32>,
      %swap3A_1331 = vector.shape_cast %swap3A_1330 : vector<16xf32> to vector<16xf32>
      %swap3A_1332 = vector.shape_cast %add3A_1328 : vector<16xf32> to vector<16xf32>
      tpu.vector_store %arg11[%swap3A_1329], %swap3A_1332 {strides = array<i32>} : memref<768xf32, #tpu.memory_space<vmem>>, vector<16xf32>,
      %get3A_1333 = arith.constant 432 : index
      %get3A_1334 = tpu.vector_load %arg11[%get3A_1333] {strides = array<i32>} : memref<768xf32, #tpu.memory_space<vmem>>, vector<16xf32>,
      %get3A_1335 = vector.shape_cast %get3A_1334 : vector<16xf32> to vector<16xf32>
      %sub3A_1336 = arith.subf %get3A_1335, %broadcast_in_dim3A_739 : vector<16xf32>
      %mul3A_1337 = arith.mulf %sub3A_1336, %mul3A_787 : vector<16xf32>
      %get3A_1338 = arith.constant 432 : index
      %get3A_1339 = tpu.vector_load %arg9[%get3A_1338] {strides = array<i32>} : memref<768xf32, #tpu.memory_space<vmem>>, vector<16xf32>,
      %get3A_1340 = vector.shape_cast %get3A_1339 : vector<16xf32> to vector<16xf32>
      %mul3A_1341 = arith.mulf %mul3A_1337, %get3A_1340 : vector<16xf32>
      %get3A_1342 = arith.constant 432 : index
      %get3A_1343 = tpu.vector_load %arg10[%get3A_1342] {strides = array<i32>} : memref<768xf32, #tpu.memory_space<vmem>>, vector<16xf32>,
      %get3A_1344 = vector.shape_cast %get3A_1343 : vector<16xf32> to vector<16xf32>
      %add3A_1345 = arith.addf %mul3A_1341, %get3A_1344 : vector<16xf32>
      %sub3A_1346 = arith.subf %add3A_1345, %get3A_1335 : vector<16xf32>
      %mul3A_1347 = arith.mulf %sub3A_1346, %broadcast_in_dim3A_792 : vector<16xf32>
      %add3A_1348 = arith.addf %get3A_1335, %mul3A_1347 : vector<16xf32>
      %swap3A_1349 = arith.constant 432 : index
      %swap3A_1350 = tpu.vector_load %arg11[%swap3A_1349] {strides = array<i32>} : memref<768xf32, #tpu.memory_space<vmem>>, vector<16xf32>,
      %swap3A_1351 = vector.shape_cast %swap3A_1350 : vector<16xf32> to vector<16xf32>
      %swap3A_1352 = vector.shape_cast %add3A_1348 : vector<16xf32> to vector<16xf32>
      tpu.vector_store %arg11[%swap3A_1349], %swap3A_1352 {strides = array<i32>} : memref<768xf32, #tpu.memory_space<vmem>>, vector<16xf32>,
      %get3A_1353 = arith.constant 448 : index
      %get3A_1354 = tpu.vector_load %arg11[%get3A_1353] {strides = array<i32>} : memref<768xf32, #tpu.memory_space<vmem>>, vector<16xf32>,
      %get3A_1355 = vector.shape_cast %get3A_1354 : vector<16xf32> to vector<16xf32>
      %sub3A_1356 = arith.subf %get3A_1355, %broadcast_in_dim3A_739 : vector<16xf32>
      %mul3A_1357 = arith.mulf %sub3A_1356, %mul3A_787 : vector<16xf32>
      %get3A_1358 = arith.constant 448 : index
      %get3A_1359 = tpu.vector_load %arg9[%get3A_1358] {strides = array<i32>} : memref<768xf32, #tpu.memory_space<vmem>>, vector<16xf32>,
      %get3A_1360 = vector.shape_cast %get3A_1359 : vector<16xf32> to vector<16xf32>
      %mul3A_1361 = arith.mulf %mul3A_1357, %get3A_1360 : vector<16xf32>
      %get3A_1362 = arith.constant 448 : index
      %get3A_1363 = tpu.vector_load %arg10[%get3A_1362] {strides = array<i32>} : memref<768xf32, #tpu.memory_space<vmem>>, vector<16xf32>,
      %get3A_1364 = vector.shape_cast %get3A_1363 : vector<16xf32> to vector<16xf32>
      %add3A_1365 = arith.addf %mul3A_1361, %get3A_1364 : vector<16xf32>
      %sub3A_1366 = arith.subf %add3A_1365, %get3A_1355 : vector<16xf32>
      %mul3A_1367 = arith.mulf %sub3A_1366, %broadcast_in_dim3A_792 : vector<16xf32>
      %add3A_1368 = arith.addf %get3A_1355, %mul3A_1367 : vector<16xf32>
      %swap3A_1369 = arith.constant 448 : index
      %swap3A_1370 = tpu.vector_load %arg11[%swap3A_1369] {strides = array<i32>} : memref<768xf32, #tpu.memory_space<vmem>>, vector<16xf32>,
      %swap3A_1371 = vector.shape_cast %swap3A_1370 : vector<16xf32> to vector<16xf32>
      %swap3A_1372 = vector.shape_cast %add3A_1368 : vector<16xf32> to vector<16xf32>
      tpu.vector_store %arg11[%swap3A_1369], %swap3A_1372 {strides = array<i32>} : memref<768xf32, #tpu.memory_space<vmem>>, vector<16xf32>,
      %get3A_1373 = arith.constant 464 : index
      %get3A_1374 = tpu.vector_load %arg11[%get3A_1373] {strides = array<i32>} : memref<768xf32, #tpu.memory_space<vmem>>, vector<16xf32>,
      %get3A_1375 = vector.shape_cast %get3A_1374 : vector<16xf32> to vector<16xf32>
      %sub3A_1376 = arith.subf %get3A_1375, %broadcast_in_dim3A_739 : vector<16xf32>
      %mul3A_1377 = arith.mulf %sub3A_1376, %mul3A_787 : vector<16xf32>
      %get3A_1378 = arith.constant 464 : index
      %get3A_1379 = tpu.vector_load %arg9[%get3A_1378] {strides = array<i32>} : memref<768xf32, #tpu.memory_space<vmem>>, vector<16xf32>,
      %get3A_1380 = vector.shape_cast %get3A_1379 : vector<16xf32> to vector<16xf32>
      %mul3A_1381 = arith.mulf %mul3A_1377, %get3A_1380 : vector<16xf32>
      %get3A_1382 = arith.constant 464 : index
      %get3A_1383 = tpu.vector_load %arg10[%get3A_1382] {strides = array<i32>} : memref<768xf32, #tpu.memory_space<vmem>>, vector<16xf32>,
      %get3A_1384 = vector.shape_cast %get3A_1383 : vector<16xf32> to vector<16xf32>
      %add3A_1385 = arith.addf %mul3A_1381, %get3A_1384 : vector<16xf32>
      %sub3A_1386 = arith.subf %add3A_1385, %get3A_1375 : vector<16xf32>
      %mul3A_1387 = arith.mulf %sub3A_1386, %broadcast_in_dim3A_792 : vector<16xf32>
      %add3A_1388 = arith.addf %get3A_1375, %mul3A_1387 : vector<16xf32>
      %swap3A_1389 = arith.constant 464 : index
      %swap3A_1390 = tpu.vector_load %arg11[%swap3A_1389] {strides = array<i32>} : memref<768xf32, #tpu.memory_space<vmem>>, vector<16xf32>,
      %swap3A_1391 = vector.shape_cast %swap3A_1390 : vector<16xf32> to vector<16xf32>
      %swap3A_1392 = vector.shape_cast %add3A_1388 : vector<16xf32> to vector<16xf32>
      tpu.vector_store %arg11[%swap3A_1389], %swap3A_1392 {strides = array<i32>} : memref<768xf32, #tpu.memory_space<vmem>>, vector<16xf32>,
      %get3A_1393 = arith.constant 480 : index
      %get3A_1394 = tpu.vector_load %arg11[%get3A_1393] {strides = array<i32>} : memref<768xf32, #tpu.memory_space<vmem>>, vector<16xf32>,
      %get3A_1395 = vector.shape_cast %get3A_1394 : vector<16xf32> to vector<16xf32>
      %sub3A_1396 = arith.subf %get3A_1395, %broadcast_in_dim3A_739 : vector<16xf32>
      %mul3A_1397 = arith.mulf %sub3A_1396, %mul3A_787 : vector<16xf32>
      %get3A_1398 = arith.constant 480 : index
      %get3A_1399 = tpu.vector_load %arg9[%get3A_1398] {strides = array<i32>} : memref<768xf32, #tpu.memory_space<vmem>>, vector<16xf32>,
      %get3A_1400 = vector.shape_cast %get3A_1399 : vector<16xf32> to vector<16xf32>
      %mul3A_1401 = arith.mulf %mul3A_1397, %get3A_1400 : vector<16xf32>
      %get3A_1402 = arith.constant 480 : index
      %get3A_1403 = tpu.vector_load %arg10[%get3A_1402] {strides = array<i32>} : memref<768xf32, #tpu.memory_space<vmem>>, vector<16xf32>,
      %get3A_1404 = vector.shape_cast %get3A_1403 : vector<16xf32> to vector<16xf32>
      %add3A_1405 = arith.addf %mul3A_1401, %get3A_1404 : vector<16xf32>
      %sub3A_1406 = arith.subf %add3A_1405, %get3A_1395 : vector<16xf32>
      %mul3A_1407 = arith.mulf %sub3A_1406, %broadcast_in_dim3A_792 : vector<16xf32>
      %add3A_1408 = arith.addf %get3A_1395, %mul3A_1407 : vector<16xf32>
      %swap3A_1409 = arith.constant 480 : index
      %swap3A_1410 = tpu.vector_load %arg11[%swap3A_1409] {strides = array<i32>} : memref<768xf32, #tpu.memory_space<vmem>>, vector<16xf32>,
      %swap3A_1411 = vector.shape_cast %swap3A_1410 : vector<16xf32> to vector<16xf32>
      %swap3A_1412 = vector.shape_cast %add3A_1408 : vector<16xf32> to vector<16xf32>
      tpu.vector_store %arg11[%swap3A_1409], %swap3A_1412 {strides = array<i32>} : memref<768xf32, #tpu.memory_space<vmem>>, vector<16xf32>,
      %get3A_1413 = arith.constant 496 : index
      %get3A_1414 = tpu.vector_load %arg11[%get3A_1413] {strides = array<i32>} : memref<768xf32, #tpu.memory_space<vmem>>, vector<16xf32>,
      %get3A_1415 = vector.shape_cast %get3A_1414 : vector<16xf32> to vector<16xf32>
      %sub3A_1416 = arith.subf %get3A_1415, %broadcast_in_dim3A_739 : vector<16xf32>
      %mul3A_1417 = arith.mulf %sub3A_1416, %mul3A_787 : vector<16xf32>
      %get3A_1418 = arith.constant 496 : index
      %get3A_1419 = tpu.vector_load %arg9[%get3A_1418] {strides = array<i32>} : memref<768xf32, #tpu.memory_space<vmem>>, vector<16xf32>,
      %get3A_1420 = vector.shape_cast %get3A_1419 : vector<16xf32> to vector<16xf32>
      %mul3A_1421 = arith.mulf %mul3A_1417, %get3A_1420 : vector<16xf32>
      %get3A_1422 = arith.constant 496 : index
      %get3A_1423 = tpu.vector_load %arg10[%get3A_1422] {strides = array<i32>} : memref<768xf32, #tpu.memory_space<vmem>>, vector<16xf32>,
      %get3A_1424 = vector.shape_cast %get3A_1423 : vector<16xf32> to vector<16xf32>
      %add3A_1425 = arith.addf %mul3A_1421, %get3A_1424 : vector<16xf32>
      %sub3A_1426 = arith.subf %add3A_1425, %get3A_1415 : vector<16xf32>
      %mul3A_1427 = arith.mulf %sub3A_1426, %broadcast_in_dim3A_792 : vector<16xf32>
      %add3A_1428 = arith.addf %get3A_1415, %mul3A_1427 : vector<16xf32>
      %swap3A_1429 = arith.constant 496 : index
      %swap3A_1430 = tpu.vector_load %arg11[%swap3A_1429] {strides = array<i32>} : memref<768xf32, #tpu.memory_space<vmem>>, vector<16xf32>,
      %swap3A_1431 = vector.shape_cast %swap3A_1430 : vector<16xf32> to vector<16xf32>
      %swap3A_1432 = vector.shape_cast %add3A_1428 : vector<16xf32> to vector<16xf32>
      tpu.vector_store %arg11[%swap3A_1429], %swap3A_1432 {strides = array<i32>} : memref<768xf32, #tpu.memory_space<vmem>>, vector<16xf32>,
      %get3A_1433 = arith.constant 512 : index
      %get3A_1434 = tpu.vector_load %arg11[%get3A_1433] {strides = array<i32>} : memref<768xf32, #tpu.memory_space<vmem>>, vector<16xf32>,
      %get3A_1435 = vector.shape_cast %get3A_1434 : vector<16xf32> to vector<16xf32>
      %sub3A_1436 = arith.subf %get3A_1435, %broadcast_in_dim3A_739 : vector<16xf32>
      %mul3A_1437 = arith.mulf %sub3A_1436, %mul3A_787 : vector<16xf32>
      %get3A_1438 = arith.constant 512 : index
      %get3A_1439 = tpu.vector_load %arg9[%get3A_1438] {strides = array<i32>} : memref<768xf32, #tpu.memory_space<vmem>>, vector<16xf32>,
      %get3A_1440 = vector.shape_cast %get3A_1439 : vector<16xf32> to vector<16xf32>
      %mul3A_1441 = arith.mulf %mul3A_1437, %get3A_1440 : vector<16xf32>
      %get3A_1442 = arith.constant 512 : index
      %get3A_1443 = tpu.vector_load %arg10[%get3A_1442] {strides = array<i32>} : memref<768xf32, #tpu.memory_space<vmem>>, vector<16xf32>,
      %get3A_1444 = vector.shape_cast %get3A_1443 : vector<16xf32> to vector<16xf32>
      %add3A_1445 = arith.addf %mul3A_1441, %get3A_1444 : vector<16xf32>
      %sub3A_1446 = arith.subf %add3A_1445, %get3A_1435 : vector<16xf32>
      %mul3A_1447 = arith.mulf %sub3A_1446, %broadcast_in_dim3A_792 : vector<16xf32>
      %add3A_1448 = arith.addf %get3A_1435, %mul3A_1447 : vector<16xf32>
      %swap3A_1449 = arith.constant 512 : index
      %swap3A_1450 = tpu.vector_load %arg11[%swap3A_1449] {strides = array<i32>} : memref<768xf32, #tpu.memory_space<vmem>>, vector<16xf32>,
      %swap3A_1451 = vector.shape_cast %swap3A_1450 : vector<16xf32> to vector<16xf32>
      %swap3A_1452 = vector.shape_cast %add3A_1448 : vector<16xf32> to vector<16xf32>
      tpu.vector_store %arg11[%swap3A_1449], %swap3A_1452 {strides = array<i32>} : memref<768xf32, #tpu.memory_space<vmem>>, vector<16xf32>,
      %get3A_1453 = arith.constant 528 : index
      %get3A_1454 = tpu.vector_load %arg11[%get3A_1453] {strides = array<i32>} : memref<768xf32, #tpu.memory_space<vmem>>, vector<16xf32>,
      %get3A_1455 = vector.shape_cast %get3A_1454 : vector<16xf32> to vector<16xf32>
      %sub3A_1456 = arith.subf %get3A_1455, %broadcast_in_dim3A_739 : vector<16xf32>
      %mul3A_1457 = arith.mulf %sub3A_1456, %mul3A_787 : vector<16xf32>
      %get3A_1458 = arith.constant 528 : index
      %get3A_1459 = tpu.vector_load %arg9[%get3A_1458] {strides = array<i32>} : memref<768xf32, #tpu.memory_space<vmem>>, vector<16xf32>,
      %get3A_1460 = vector.shape_cast %get3A_1459 : vector<16xf32> to vector<16xf32>
      %mul3A_1461 = arith.mulf %mul3A_1457, %get3A_1460 : vector<16xf32>
      %get3A_1462 = arith.constant 528 : index
      %get3A_1463 = tpu.vector_load %arg10[%get3A_1462] {strides = array<i32>} : memref<768xf32, #tpu.memory_space<vmem>>, vector<16xf32>,
      %get3A_1464 = vector.shape_cast %get3A_1463 : vector<16xf32> to vector<16xf32>
      %add3A_1465 = arith.addf %mul3A_1461, %get3A_1464 : vector<16xf32>
      %sub3A_1466 = arith.subf %add3A_1465, %get3A_1455 : vector<16xf32>
      %mul3A_1467 = arith.mulf %sub3A_1466, %broadcast_in_dim3A_792 : vector<16xf32>
      %add3A_1468 = arith.addf %get3A_1455, %mul3A_1467 : vector<16xf32>
      %swap3A_1469 = arith.constant 528 : index
      %swap3A_1470 = tpu.vector_load %arg11[%swap3A_1469] {strides = array<i32>} : memref<768xf32, #tpu.memory_space<vmem>>, vector<16xf32>,
      %swap3A_1471 = vector.shape_cast %swap3A_1470 : vector<16xf32> to vector<16xf32>
      %swap3A_1472 = vector.shape_cast %add3A_1468 : vector<16xf32> to vector<16xf32>
      tpu.vector_store %arg11[%swap3A_1469], %swap3A_1472 {strides = array<i32>} : memref<768xf32, #tpu.memory_space<vmem>>, vector<16xf32>,
      %get3A_1473 = arith.constant 544 : index
      %get3A_1474 = tpu.vector_load %arg11[%get3A_1473] {strides = array<i32>} : memref<768xf32, #tpu.memory_space<vmem>>, vector<16xf32>,
      %get3A_1475 = vector.shape_cast %get3A_1474 : vector<16xf32> to vector<16xf32>
      %sub3A_1476 = arith.subf %get3A_1475, %broadcast_in_dim3A_739 : vector<16xf32>
      %mul3A_1477 = arith.mulf %sub3A_1476, %mul3A_787 : vector<16xf32>
      %get3A_1478 = arith.constant 544 : index
      %get3A_1479 = tpu.vector_load %arg9[%get3A_1478] {strides = array<i32>} : memref<768xf32, #tpu.memory_space<vmem>>, vector<16xf32>,
      %get3A_1480 = vector.shape_cast %get3A_1479 : vector<16xf32> to vector<16xf32>
      %mul3A_1481 = arith.mulf %mul3A_1477, %get3A_1480 : vector<16xf32>
      %get3A_1482 = arith.constant 544 : index
      %get3A_1483 = tpu.vector_load %arg10[%get3A_1482] {strides = array<i32>} : memref<768xf32, #tpu.memory_space<vmem>>, vector<16xf32>,
      %get3A_1484 = vector.shape_cast %get3A_1483 : vector<16xf32> to vector<16xf32>
      %add3A_1485 = arith.addf %mul3A_1481, %get3A_1484 : vector<16xf32>
      %sub3A_1486 = arith.subf %add3A_1485, %get3A_1475 : vector<16xf32>
      %mul3A_1487 = arith.mulf %sub3A_1486, %broadcast_in_dim3A_792 : vector<16xf32>
      %add3A_1488 = arith.addf %get3A_1475, %mul3A_1487 : vector<16xf32>
      %swap3A_1489 = arith.constant 544 : index
      %swap3A_1490 = tpu.vector_load %arg11[%swap3A_1489] {strides = array<i32>} : memref<768xf32, #tpu.memory_space<vmem>>, vector<16xf32>,
      %swap3A_1491 = vector.shape_cast %swap3A_1490 : vector<16xf32> to vector<16xf32>
      %swap3A_1492 = vector.shape_cast %add3A_1488 : vector<16xf32> to vector<16xf32>
      tpu.vector_store %arg11[%swap3A_1489], %swap3A_1492 {strides = array<i32>} : memref<768xf32, #tpu.memory_space<vmem>>, vector<16xf32>,
      %get3A_1493 = arith.constant 560 : index
      %get3A_1494 = tpu.vector_load %arg11[%get3A_1493] {strides = array<i32>} : memref<768xf32, #tpu.memory_space<vmem>>, vector<16xf32>,
      %get3A_1495 = vector.shape_cast %get3A_1494 : vector<16xf32> to vector<16xf32>
      %sub3A_1496 = arith.subf %get3A_1495, %broadcast_in_dim3A_739 : vector<16xf32>
      %mul3A_1497 = arith.mulf %sub3A_1496, %mul3A_787 : vector<16xf32>
      %get3A_1498 = arith.constant 560 : index
      %get3A_1499 = tpu.vector_load %arg9[%get3A_1498] {strides = array<i32>} : memref<768xf32, #tpu.memory_space<vmem>>, vector<16xf32>,
      %get3A_1500 = vector.shape_cast %get3A_1499 : vector<16xf32> to vector<16xf32>
      %mul3A_1501 = arith.mulf %mul3A_1497, %get3A_1500 : vector<16xf32>
      %get3A_1502 = arith.constant 560 : index
      %get3A_1503 = tpu.vector_load %arg10[%get3A_1502] {strides = array<i32>} : memref<768xf32, #tpu.memory_space<vmem>>, vector<16xf32>,
      %get3A_1504 = vector.shape_cast %get3A_1503 : vector<16xf32> to vector<16xf32>
      %add3A_1505 = arith.addf %mul3A_1501, %get3A_1504 : vector<16xf32>
      %sub3A_1506 = arith.subf %add3A_1505, %get3A_1495 : vector<16xf32>
      %mul3A_1507 = arith.mulf %sub3A_1506, %broadcast_in_dim3A_792 : vector<16xf32>
      %add3A_1508 = arith.addf %get3A_1495, %mul3A_1507 : vector<16xf32>
      %swap3A_1509 = arith.constant 560 : index
      %swap3A_1510 = tpu.vector_load %arg11[%swap3A_1509] {strides = array<i32>} : memref<768xf32, #tpu.memory_space<vmem>>, vector<16xf32>,
      %swap3A_1511 = vector.shape_cast %swap3A_1510 : vector<16xf32> to vector<16xf32>
      %swap3A_1512 = vector.shape_cast %add3A_1508 : vector<16xf32> to vector<16xf32>
      tpu.vector_store %arg11[%swap3A_1509], %swap3A_1512 {strides = array<i32>} : memref<768xf32, #tpu.memory_space<vmem>>, vector<16xf32>,
      %get3A_1513 = arith.constant 576 : index
      %get3A_1514 = tpu.vector_load %arg11[%get3A_1513] {strides = array<i32>} : memref<768xf32, #tpu.memory_space<vmem>>, vector<16xf32>,
      %get3A_1515 = vector.shape_cast %get3A_1514 : vector<16xf32> to vector<16xf32>
      %sub3A_1516 = arith.subf %get3A_1515, %broadcast_in_dim3A_739 : vector<16xf32>
      %mul3A_1517 = arith.mulf %sub3A_1516, %mul3A_787 : vector<16xf32>
      %get3A_1518 = arith.constant 576 : index
      %get3A_1519 = tpu.vector_load %arg9[%get3A_1518] {strides = array<i32>} : memref<768xf32, #tpu.memory_space<vmem>>, vector<16xf32>,
      %get3A_1520 = vector.shape_cast %get3A_1519 : vector<16xf32> to vector<16xf32>
      %mul3A_1521 = arith.mulf %mul3A_1517, %get3A_1520 : vector<16xf32>
      %get3A_1522 = arith.constant 576 : index
      %get3A_1523 = tpu.vector_load %arg10[%get3A_1522] {strides = array<i32>} : memref<768xf32, #tpu.memory_space<vmem>>, vector<16xf32>,
      %get3A_1524 = vector.shape_cast %get3A_1523 : vector<16xf32> to vector<16xf32>
      %add3A_1525 = arith.addf %mul3A_1521, %get3A_1524 : vector<16xf32>
      %sub3A_1526 = arith.subf %add3A_1525, %get3A_1515 : vector<16xf32>
      %mul3A_1527 = arith.mulf %sub3A_1526, %broadcast_in_dim3A_792 : vector<16xf32>
      %add3A_1528 = arith.addf %get3A_1515, %mul3A_1527 : vector<16xf32>
      %swap3A_1529 = arith.constant 576 : index
      %swap3A_1530 = tpu.vector_load %arg11[%swap3A_1529] {strides = array<i32>} : memref<768xf32, #tpu.memory_space<vmem>>, vector<16xf32>,
      %swap3A_1531 = vector.shape_cast %swap3A_1530 : vector<16xf32> to vector<16xf32>
      %swap3A_1532 = vector.shape_cast %add3A_1528 : vector<16xf32> to vector<16xf32>
      tpu.vector_store %arg11[%swap3A_1529], %swap3A_1532 {strides = array<i32>} : memref<768xf32, #tpu.memory_space<vmem>>, vector<16xf32>,
      %get3A_1533 = arith.constant 592 : index
      %get3A_1534 = tpu.vector_load %arg11[%get3A_1533] {strides = array<i32>} : memref<768xf32, #tpu.memory_space<vmem>>, vector<16xf32>,
      %get3A_1535 = vector.shape_cast %get3A_1534 : vector<16xf32> to vector<16xf32>
      %sub3A_1536 = arith.subf %get3A_1535, %broadcast_in_dim3A_739 : vector<16xf32>
      %mul3A_1537 = arith.mulf %sub3A_1536, %mul3A_787 : vector<16xf32>
      %get3A_1538 = arith.constant 592 : index
      %get3A_1539 = tpu.vector_load %arg9[%get3A_1538] {strides = array<i32>} : memref<768xf32, #tpu.memory_space<vmem>>, vector<16xf32>,
      %get3A_1540 = vector.shape_cast %get3A_1539 : vector<16xf32> to vector<16xf32>
      %mul3A_1541 = arith.mulf %mul3A_1537, %get3A_1540 : vector<16xf32>
      %get3A_1542 = arith.constant 592 : index
      %get3A_1543 = tpu.vector_load %arg10[%get3A_1542] {strides = array<i32>} : memref<768xf32, #tpu.memory_space<vmem>>, vector<16xf32>,
      %get3A_1544 = vector.shape_cast %get3A_1543 : vector<16xf32> to vector<16xf32>
      %add3A_1545 = arith.addf %mul3A_1541, %get3A_1544 : vector<16xf32>
      %sub3A_1546 = arith.subf %add3A_1545, %get3A_1535 : vector<16xf32>
      %mul3A_1547 = arith.mulf %sub3A_1546, %broadcast_in_dim3A_792 : vector<16xf32>
      %add3A_1548 = arith.addf %get3A_1535, %mul3A_1547 : vector<16xf32>
      %swap3A_1549 = arith.constant 592 : index
      %swap3A_1550 = tpu.vector_load %arg11[%swap3A_1549] {strides = array<i32>} : memref<768xf32, #tpu.memory_space<vmem>>, vector<16xf32>,
      %swap3A_1551 = vector.shape_cast %swap3A_1550 : vector<16xf32> to vector<16xf32>
      %swap3A_1552 = vector.shape_cast %add3A_1548 : vector<16xf32> to vector<16xf32>
      tpu.vector_store %arg11[%swap3A_1549], %swap3A_1552 {strides = array<i32>} : memref<768xf32, #tpu.memory_space<vmem>>, vector<16xf32>,
      %get3A_1553 = arith.constant 608 : index
      %get3A_1554 = tpu.vector_load %arg11[%get3A_1553] {strides = array<i32>} : memref<768xf32, #tpu.memory_space<vmem>>, vector<16xf32>,
      %get3A_1555 = vector.shape_cast %get3A_1554 : vector<16xf32> to vector<16xf32>
      %sub3A_1556 = arith.subf %get3A_1555, %broadcast_in_dim3A_739 : vector<16xf32>
      %mul3A_1557 = arith.mulf %sub3A_1556, %mul3A_787 : vector<16xf32>
      %get3A_1558 = arith.constant 608 : index
      %get3A_1559 = tpu.vector_load %arg9[%get3A_1558] {strides = array<i32>} : memref<768xf32, #tpu.memory_space<vmem>>, vector<16xf32>,
      %get3A_1560 = vector.shape_cast %get3A_1559 : vector<16xf32> to vector<16xf32>
      %mul3A_1561 = arith.mulf %mul3A_1557, %get3A_1560 : vector<16xf32>
      %get3A_1562 = arith.constant 608 : index
      %get3A_1563 = tpu.vector_load %arg10[%get3A_1562] {strides = array<i32>} : memref<768xf32, #tpu.memory_space<vmem>>, vector<16xf32>,
      %get3A_1564 = vector.shape_cast %get3A_1563 : vector<16xf32> to vector<16xf32>
      %add3A_1565 = arith.addf %mul3A_1561, %get3A_1564 : vector<16xf32>
      %sub3A_1566 = arith.subf %add3A_1565, %get3A_1555 : vector<16xf32>
      %mul3A_1567 = arith.mulf %sub3A_1566, %broadcast_in_dim3A_792 : vector<16xf32>
      %add3A_1568 = arith.addf %get3A_1555, %mul3A_1567 : vector<16xf32>
      %swap3A_1569 = arith.constant 608 : index
      %swap3A_1570 = tpu.vector_load %arg11[%swap3A_1569] {strides = array<i32>} : memref<768xf32, #tpu.memory_space<vmem>>, vector<16xf32>,
      %swap3A_1571 = vector.shape_cast %swap3A_1570 : vector<16xf32> to vector<16xf32>
      %swap3A_1572 = vector.shape_cast %add3A_1568 : vector<16xf32> to vector<16xf32>
      tpu.vector_store %arg11[%swap3A_1569], %swap3A_1572 {strides = array<i32>} : memref<768xf32, #tpu.memory_space<vmem>>, vector<16xf32>,
      %get3A_1573 = arith.constant 624 : index
      %get3A_1574 = tpu.vector_load %arg11[%get3A_1573] {strides = array<i32>} : memref<768xf32, #tpu.memory_space<vmem>>, vector<16xf32>,
      %get3A_1575 = vector.shape_cast %get3A_1574 : vector<16xf32> to vector<16xf32>
      %sub3A_1576 = arith.subf %get3A_1575, %broadcast_in_dim3A_739 : vector<16xf32>
      %mul3A_1577 = arith.mulf %sub3A_1576, %mul3A_787 : vector<16xf32>
      %get3A_1578 = arith.constant 624 : index
      %get3A_1579 = tpu.vector_load %arg9[%get3A_1578] {strides = array<i32>} : memref<768xf32, #tpu.memory_space<vmem>>, vector<16xf32>,
      %get3A_1580 = vector.shape_cast %get3A_1579 : vector<16xf32> to vector<16xf32>
      %mul3A_1581 = arith.mulf %mul3A_1577, %get3A_1580 : vector<16xf32>
      %get3A_1582 = arith.constant 624 : index
      %get3A_1583 = tpu.vector_load %arg10[%get3A_1582] {strides = array<i32>} : memref<768xf32, #tpu.memory_space<vmem>>, vector<16xf32>,
      %get3A_1584 = vector.shape_cast %get3A_1583 : vector<16xf32> to vector<16xf32>
      %add3A_1585 = arith.addf %mul3A_1581, %get3A_1584 : vector<16xf32>
      %sub3A_1586 = arith.subf %add3A_1585, %get3A_1575 : vector<16xf32>
      %mul3A_1587 = arith.mulf %sub3A_1586, %broadcast_in_dim3A_792 : vector<16xf32>
      %add3A_1588 = arith.addf %get3A_1575, %mul3A_1587 : vector<16xf32>
      %swap3A_1589 = arith.constant 624 : index
      %swap3A_1590 = tpu.vector_load %arg11[%swap3A_1589] {strides = array<i32>} : memref<768xf32, #tpu.memory_space<vmem>>, vector<16xf32>,
      %swap3A_1591 = vector.shape_cast %swap3A_1590 : vector<16xf32> to vector<16xf32>
      %swap3A_1592 = vector.shape_cast %add3A_1588 : vector<16xf32> to vector<16xf32>
      tpu.vector_store %arg11[%swap3A_1589], %swap3A_1592 {strides = array<i32>} : memref<768xf32, #tpu.memory_space<vmem>>, vector<16xf32>,
      %get3A_1593 = arith.constant 640 : index
      %get3A_1594 = tpu.vector_load %arg11[%get3A_1593] {strides = array<i32>} : memref<768xf32, #tpu.memory_space<vmem>>, vector<16xf32>,
      %get3A_1595 = vector.shape_cast %get3A_1594 : vector<16xf32> to vector<16xf32>
      %sub3A_1596 = arith.subf %get3A_1595, %broadcast_in_dim3A_739 : vector<16xf32>
      %mul3A_1597 = arith.mulf %sub3A_1596, %mul3A_787 : vector<16xf32>
      %get3A_1598 = arith.constant 640 : index
      %get3A_1599 = tpu.vector_load %arg9[%get3A_1598] {strides = array<i32>} : memref<768xf32, #tpu.memory_space<vmem>>, vector<16xf32>,
      %get3A_1600 = vector.shape_cast %get3A_1599 : vector<16xf32> to vector<16xf32>
      %mul3A_1601 = arith.mulf %mul3A_1597, %get3A_1600 : vector<16xf32>
      %get3A_1602 = arith.constant 640 : index
      %get3A_1603 = tpu.vector_load %arg10[%get3A_1602] {strides = array<i32>} : memref<768xf32, #tpu.memory_space<vmem>>, vector<16xf32>,
      %get3A_1604 = vector.shape_cast %get3A_1603 : vector<16xf32> to vector<16xf32>
      %add3A_1605 = arith.addf %mul3A_1601, %get3A_1604 : vector<16xf32>
      %sub3A_1606 = arith.subf %add3A_1605, %get3A_1595 : vector<16xf32>
      %mul3A_1607 = arith.mulf %sub3A_1606, %broadcast_in_dim3A_792 : vector<16xf32>
      %add3A_1608 = arith.addf %get3A_1595, %mul3A_1607 : vector<16xf32>
      %swap3A_1609 = arith.constant 640 : index
      %swap3A_1610 = tpu.vector_load %arg11[%swap3A_1609] {strides = array<i32>} : memref<768xf32, #tpu.memory_space<vmem>>, vector<16xf32>,
      %swap3A_1611 = vector.shape_cast %swap3A_1610 : vector<16xf32> to vector<16xf32>
      %swap3A_1612 = vector.shape_cast %add3A_1608 : vector<16xf32> to vector<16xf32>
      tpu.vector_store %arg11[%swap3A_1609], %swap3A_1612 {strides = array<i32>} : memref<768xf32, #tpu.memory_space<vmem>>, vector<16xf32>,
      %get3A_1613 = arith.constant 656 : index
      %get3A_1614 = tpu.vector_load %arg11[%get3A_1613] {strides = array<i32>} : memref<768xf32, #tpu.memory_space<vmem>>, vector<16xf32>,
      %get3A_1615 = vector.shape_cast %get3A_1614 : vector<16xf32> to vector<16xf32>
      %sub3A_1616 = arith.subf %get3A_1615, %broadcast_in_dim3A_739 : vector<16xf32>
      %mul3A_1617 = arith.mulf %sub3A_1616, %mul3A_787 : vector<16xf32>
      %get3A_1618 = arith.constant 656 : index
      %get3A_1619 = tpu.vector_load %arg9[%get3A_1618] {strides = array<i32>} : memref<768xf32, #tpu.memory_space<vmem>>, vector<16xf32>,
      %get3A_1620 = vector.shape_cast %get3A_1619 : vector<16xf32> to vector<16xf32>
      %mul3A_1621 = arith.mulf %mul3A_1617, %get3A_1620 : vector<16xf32>
      %get3A_1622 = arith.constant 656 : index
      %get3A_1623 = tpu.vector_load %arg10[%get3A_1622] {strides = array<i32>} : memref<768xf32, #tpu.memory_space<vmem>>, vector<16xf32>,
      %get3A_1624 = vector.shape_cast %get3A_1623 : vector<16xf32> to vector<16xf32>
      %add3A_1625 = arith.addf %mul3A_1621, %get3A_1624 : vector<16xf32>
      %sub3A_1626 = arith.subf %add3A_1625, %get3A_1615 : vector<16xf32>
      %mul3A_1627 = arith.mulf %sub3A_1626, %broadcast_in_dim3A_792 : vector<16xf32>
      %add3A_1628 = arith.addf %get3A_1615, %mul3A_1627 : vector<16xf32>
      %swap3A_1629 = arith.constant 656 : index
      %swap3A_1630 = tpu.vector_load %arg11[%swap3A_1629] {strides = array<i32>} : memref<768xf32, #tpu.memory_space<vmem>>, vector<16xf32>,
      %swap3A_1631 = vector.shape_cast %swap3A_1630 : vector<16xf32> to vector<16xf32>
      %swap3A_1632 = vector.shape_cast %add3A_1628 : vector<16xf32> to vector<16xf32>
      tpu.vector_store %arg11[%swap3A_1629], %swap3A_1632 {strides = array<i32>} : memref<768xf32, #tpu.memory_space<vmem>>, vector<16xf32>,
      %get3A_1633 = arith.constant 672 : index
      %get3A_1634 = tpu.vector_load %arg11[%get3A_1633] {strides = array<i32>} : memref<768xf32, #tpu.memory_space<vmem>>, vector<16xf32>,
      %get3A_1635 = vector.shape_cast %get3A_1634 : vector<16xf32> to vector<16xf32>
      %sub3A_1636 = arith.subf %get3A_1635, %broadcast_in_dim3A_739 : vector<16xf32>
      %mul3A_1637 = arith.mulf %sub3A_1636, %mul3A_787 : vector<16xf32>
      %get3A_1638 = arith.constant 672 : index
      %get3A_1639 = tpu.vector_load %arg9[%get3A_1638] {strides = array<i32>} : memref<768xf32, #tpu.memory_space<vmem>>, vector<16xf32>,
      %get3A_1640 = vector.shape_cast %get3A_1639 : vector<16xf32> to vector<16xf32>
      %mul3A_1641 = arith.mulf %mul3A_1637, %get3A_1640 : vector<16xf32>
      %get3A_1642 = arith.constant 672 : index
      %get3A_1643 = tpu.vector_load %arg10[%get3A_1642] {strides = array<i32>} : memref<768xf32, #tpu.memory_space<vmem>>, vector<16xf32>,
      %get3A_1644 = vector.shape_cast %get3A_1643 : vector<16xf32> to vector<16xf32>
      %add3A_1645 = arith.addf %mul3A_1641, %get3A_1644 : vector<16xf32>
      %sub3A_1646 = arith.subf %add3A_1645, %get3A_1635 : vector<16xf32>
      %mul3A_1647 = arith.mulf %sub3A_1646, %broadcast_in_dim3A_792 : vector<16xf32>
      %add3A_1648 = arith.addf %get3A_1635, %mul3A_1647 : vector<16xf32>
      %swap3A_1649 = arith.constant 672 : index
      %swap3A_1650 = tpu.vector_load %arg11[%swap3A_1649] {strides = array<i32>} : memref<768xf32, #tpu.memory_space<vmem>>, vector<16xf32>,
      %swap3A_1651 = vector.shape_cast %swap3A_1650 : vector<16xf32> to vector<16xf32>
      %swap3A_1652 = vector.shape_cast %add3A_1648 : vector<16xf32> to vector<16xf32>
      tpu.vector_store %arg11[%swap3A_1649], %swap3A_1652 {strides = array<i32>} : memref<768xf32, #tpu.memory_space<vmem>>, vector<16xf32>,
      %get3A_1653 = arith.constant 688 : index
      %get3A_1654 = tpu.vector_load %arg11[%get3A_1653] {strides = array<i32>} : memref<768xf32, #tpu.memory_space<vmem>>, vector<16xf32>,
      %get3A_1655 = vector.shape_cast %get3A_1654 : vector<16xf32> to vector<16xf32>
      %sub3A_1656 = arith.subf %get3A_1655, %broadcast_in_dim3A_739 : vector<16xf32>
      %mul3A_1657 = arith.mulf %sub3A_1656, %mul3A_787 : vector<16xf32>
      %get3A_1658 = arith.constant 688 : index
      %get3A_1659 = tpu.vector_load %arg9[%get3A_1658] {strides = array<i32>} : memref<768xf32, #tpu.memory_space<vmem>>, vector<16xf32>,
      %get3A_1660 = vector.shape_cast %get3A_1659 : vector<16xf32> to vector<16xf32>
      %mul3A_1661 = arith.mulf %mul3A_1657, %get3A_1660 : vector<16xf32>
      %get3A_1662 = arith.constant 688 : index
      %get3A_1663 = tpu.vector_load %arg10[%get3A_1662] {strides = array<i32>} : memref<768xf32, #tpu.memory_space<vmem>>, vector<16xf32>,
      %get3A_1664 = vector.shape_cast %get3A_1663 : vector<16xf32> to vector<16xf32>
      %add3A_1665 = arith.addf %mul3A_1661, %get3A_1664 : vector<16xf32>
      %sub3A_1666 = arith.subf %add3A_1665, %get3A_1655 : vector<16xf32>
      %mul3A_1667 = arith.mulf %sub3A_1666, %broadcast_in_dim3A_792 : vector<16xf32>
      %add3A_1668 = arith.addf %get3A_1655, %mul3A_1667 : vector<16xf32>
      %swap3A_1669 = arith.constant 688 : index
      %swap3A_1670 = tpu.vector_load %arg11[%swap3A_1669] {strides = array<i32>} : memref<768xf32, #tpu.memory_space<vmem>>, vector<16xf32>,
      %swap3A_1671 = vector.shape_cast %swap3A_1670 : vector<16xf32> to vector<16xf32>
      %swap3A_1672 = vector.shape_cast %add3A_1668 : vector<16xf32> to vector<16xf32>
      tpu.vector_store %arg11[%swap3A_1669], %swap3A_1672 {strides = array<i32>} : memref<768xf32, #tpu.memory_space<vmem>>, vector<16xf32>,
      %get3A_1673 = arith.constant 704 : index
      %get3A_1674 = tpu.vector_load %arg11[%get3A_1673] {strides = array<i32>} : memref<768xf32, #tpu.memory_space<vmem>>, vector<16xf32>,
      %get3A_1675 = vector.shape_cast %get3A_1674 : vector<16xf32> to vector<16xf32>
      %sub3A_1676 = arith.subf %get3A_1675, %broadcast_in_dim3A_739 : vector<16xf32>
      %mul3A_1677 = arith.mulf %sub3A_1676, %mul3A_787 : vector<16xf32>
      %get3A_1678 = arith.constant 704 : index
      %get3A_1679 = tpu.vector_load %arg9[%get3A_1678] {strides = array<i32>} : memref<768xf32, #tpu.memory_space<vmem>>, vector<16xf32>,
      %get3A_1680 = vector.shape_cast %get3A_1679 : vector<16xf32> to vector<16xf32>
      %mul3A_1681 = arith.mulf %mul3A_1677, %get3A_1680 : vector<16xf32>
      %get3A_1682 = arith.constant 704 : index
      %get3A_1683 = tpu.vector_load %arg10[%get3A_1682] {strides = array<i32>} : memref<768xf32, #tpu.memory_space<vmem>>, vector<16xf32>,
      %get3A_1684 = vector.shape_cast %get3A_1683 : vector<16xf32> to vector<16xf32>
      %add3A_1685 = arith.addf %mul3A_1681, %get3A_1684 : vector<16xf32>
      %sub3A_1686 = arith.subf %add3A_1685, %get3A_1675 : vector<16xf32>
      %mul3A_1687 = arith.mulf %sub3A_1686, %broadcast_in_dim3A_792 : vector<16xf32>
      %add3A_1688 = arith.addf %get3A_1675, %mul3A_1687 : vector<16xf32>
      %swap3A_1689 = arith.constant 704 : index
      %swap3A_1690 = tpu.vector_load %arg11[%swap3A_1689] {strides = array<i32>} : memref<768xf32, #tpu.memory_space<vmem>>, vector<16xf32>,
      %swap3A_1691 = vector.shape_cast %swap3A_1690 : vector<16xf32> to vector<16xf32>
      %swap3A_1692 = vector.shape_cast %add3A_1688 : vector<16xf32> to vector<16xf32>
      tpu.vector_store %arg11[%swap3A_1689], %swap3A_1692 {strides = array<i32>} : memref<768xf32, #tpu.memory_space<vmem>>, vector<16xf32>,
      %get3A_1693 = arith.constant 720 : index
      %get3A_1694 = tpu.vector_load %arg11[%get3A_1693] {strides = array<i32>} : memref<768xf32, #tpu.memory_space<vmem>>, vector<16xf32>,
      %get3A_1695 = vector.shape_cast %get3A_1694 : vector<16xf32> to vector<16xf32>
      %sub3A_1696 = arith.subf %get3A_1695, %broadcast_in_dim3A_739 : vector<16xf32>
      %mul3A_1697 = arith.mulf %sub3A_1696, %mul3A_787 : vector<16xf32>
      %get3A_1698 = arith.constant 720 : index
      %get3A_1699 = tpu.vector_load %arg9[%get3A_1698] {strides = array<i32>} : memref<768xf32, #tpu.memory_space<vmem>>, vector<16xf32>,
      %get3A_1700 = vector.shape_cast %get3A_1699 : vector<16xf32> to vector<16xf32>
      %mul3A_1701 = arith.mulf %mul3A_1697, %get3A_1700 : vector<16xf32>
      %get3A_1702 = arith.constant 720 : index
      %get3A_1703 = tpu.vector_load %arg10[%get3A_1702] {strides = array<i32>} : memref<768xf32, #tpu.memory_space<vmem>>, vector<16xf32>,
      %get3A_1704 = vector.shape_cast %get3A_1703 : vector<16xf32> to vector<16xf32>
      %add3A_1705 = arith.addf %mul3A_1701, %get3A_1704 : vector<16xf32>
      %sub3A_1706 = arith.subf %add3A_1705, %get3A_1695 : vector<16xf32>
      %mul3A_1707 = arith.mulf %sub3A_1706, %broadcast_in_dim3A_792 : vector<16xf32>
      %add3A_1708 = arith.addf %get3A_1695, %mul3A_1707 : vector<16xf32>
      %swap3A_1709 = arith.constant 720 : index
      %swap3A_1710 = tpu.vector_load %arg11[%swap3A_1709] {strides = array<i32>} : memref<768xf32, #tpu.memory_space<vmem>>, vector<16xf32>,
      %swap3A_1711 = vector.shape_cast %swap3A_1710 : vector<16xf32> to vector<16xf32>
      %swap3A_1712 = vector.shape_cast %add3A_1708 : vector<16xf32> to vector<16xf32>
      tpu.vector_store %arg11[%swap3A_1709], %swap3A_1712 {strides = array<i32>} : memref<768xf32, #tpu.memory_space<vmem>>, vector<16xf32>,
      %get3A_1713 = arith.constant 736 : index
      %get3A_1714 = tpu.vector_load %arg11[%get3A_1713] {strides = array<i32>} : memref<768xf32, #tpu.memory_space<vmem>>, vector<16xf32>,
      %get3A_1715 = vector.shape_cast %get3A_1714 : vector<16xf32> to vector<16xf32>
      %sub3A_1716 = arith.subf %get3A_1715, %broadcast_in_dim3A_739 : vector<16xf32>
      %mul3A_1717 = arith.mulf %sub3A_1716, %mul3A_787 : vector<16xf32>
      %get3A_1718 = arith.constant 736 : index
      %get3A_1719 = tpu.vector_load %arg9[%get3A_1718] {strides = array<i32>} : memref<768xf32, #tpu.memory_space<vmem>>, vector<16xf32>,
      %get3A_1720 = vector.shape_cast %get3A_1719 : vector<16xf32> to vector<16xf32>
      %mul3A_1721 = arith.mulf %mul3A_1717, %get3A_1720 : vector<16xf32>
      %get3A_1722 = arith.constant 736 : index
      %get3A_1723 = tpu.vector_load %arg10[%get3A_1722] {strides = array<i32>} : memref<768xf32, #tpu.memory_space<vmem>>, vector<16xf32>,
      %get3A_1724 = vector.shape_cast %get3A_1723 : vector<16xf32> to vector<16xf32>
      %add3A_1725 = arith.addf %mul3A_1721, %get3A_1724 : vector<16xf32>
      %sub3A_1726 = arith.subf %add3A_1725, %get3A_1715 : vector<16xf32>
      %mul3A_1727 = arith.mulf %sub3A_1726, %broadcast_in_dim3A_792 : vector<16xf32>
      %add3A_1728 = arith.addf %get3A_1715, %mul3A_1727 : vector<16xf32>
      %swap3A_1729 = arith.constant 736 : index
      %swap3A_1730 = tpu.vector_load %arg11[%swap3A_1729] {strides = array<i32>} : memref<768xf32, #tpu.memory_space<vmem>>, vector<16xf32>,
      %swap3A_1731 = vector.shape_cast %swap3A_1730 : vector<16xf32> to vector<16xf32>
      %swap3A_1732 = vector.shape_cast %add3A_1728 : vector<16xf32> to vector<16xf32>
      tpu.vector_store %arg11[%swap3A_1729], %swap3A_1732 {strides = array<i32>} : memref<768xf32, #tpu.memory_space<vmem>>, vector<16xf32>,
      %get3A_1733 = arith.constant 752 : index
      %get3A_1734 = tpu.vector_load %arg11[%get3A_1733] {strides = array<i32>} : memref<768xf32, #tpu.memory_space<vmem>>, vector<16xf32>,
      %get3A_1735 = vector.shape_cast %get3A_1734 : vector<16xf32> to vector<16xf32>
      %sub3A_1736 = arith.subf %get3A_1735, %broadcast_in_dim3A_739 : vector<16xf32>
      %mul3A_1737 = arith.mulf %sub3A_1736, %mul3A_787 : vector<16xf32>
      %get3A_1738 = arith.constant 752 : index
      %get3A_1739 = tpu.vector_load %arg9[%get3A_1738] {strides = array<i32>} : memref<768xf32, #tpu.memory_space<vmem>>, vector<16xf32>,
      %get3A_1740 = vector.shape_cast %get3A_1739 : vector<16xf32> to vector<16xf32>
      %mul3A_1741 = arith.mulf %mul3A_1737, %get3A_1740 : vector<16xf32>
      %get3A_1742 = arith.constant 752 : index
      %get3A_1743 = tpu.vector_load %arg10[%get3A_1742] {strides = array<i32>} : memref<768xf32, #tpu.memory_space<vmem>>, vector<16xf32>,
      %get3A_1744 = vector.shape_cast %get3A_1743 : vector<16xf32> to vector<16xf32>
      %add3A_1745 = arith.addf %mul3A_1741, %get3A_1744 : vector<16xf32>
      %sub3A_1746 = arith.subf %add3A_1745, %get3A_1735 : vector<16xf32>
      %mul3A_1747 = arith.mulf %sub3A_1746, %broadcast_in_dim3A_792 : vector<16xf32>
      %add3A_1748 = arith.addf %get3A_1735, %mul3A_1747 : vector<16xf32>
      %swap3A_1749 = arith.constant 752 : index
      %swap3A_1750 = tpu.vector_load %arg11[%swap3A_1749] {strides = array<i32>} : memref<768xf32, #tpu.memory_space<vmem>>, vector<16xf32>,
      %swap3A_1751 = vector.shape_cast %swap3A_1750 : vector<16xf32> to vector<16xf32>
      %swap3A_1752 = vector.shape_cast %add3A_1748 : vector<16xf32> to vector<16xf32>
      tpu.vector_store %arg11[%swap3A_1749], %swap3A_1752 {strides = array<i32>} : memref<768xf32, #tpu.memory_space<vmem>>, vector<16xf32>,
      %jit3A_1753 = arith.constant 26 : i32
      %div3A_1754 = arith.divsi %add3A_63, %jit3A_1753 : i32
      %sign3A_1755 = arith.constant 0 : i32
      %sign3A_1756 = arith.cmpi sgt, %add3A_63, %sign3A_1755 : i32
      %sign3A_1757 = arith.extui %sign3A_1756 : i1 to i32
      %sign3A_1758 = arith.constant 0 : i32
      %sign3A_1759 = arith.cmpi slt, %add3A_63, %sign3A_1758 : i32
      %sign3A_1760 = arith.extui %sign3A_1759 : i1 to i32
      %sign3A_1761 = arith.subi %sign3A_1757, %sign3A_1760 : i32
      %sign3A_1762 = arith.constant 0 : i32
      %sign3A_1763 = arith.cmpi sgt, %jit3A_1753, %sign3A_1762 : i32
      %sign3A_1764 = arith.extui %sign3A_1763 : i1 to i32
      %sign3A_1765 = arith.constant 0 : i32
      %sign3A_1766 = arith.cmpi slt, %jit3A_1753, %sign3A_1765 : i32
      %sign3A_1767 = arith.extui %sign3A_1766 : i1 to i32
      %sign3A_1768 = arith.subi %sign3A_1764, %sign3A_1767 : i32
      %ne3A_1769 = arith.cmpi ne, %sign3A_1761, %sign3A_1768 : i32
      %rem3A_1770 = arith.remsi %add3A_63, %jit3A_1753 : i32
      %ne3A_1771 = arith.constant 0 : i32
      %ne3A_1772 = arith.cmpi ne, %rem3A_1770, %ne3A_1771 : i32
      %and3A_1773 = arith.andi %ne3A_1769, %ne3A_1772 : i1
      %sub3A_1774 = arith.constant 1 : i32
      %sub3A_1775 = arith.subi %div3A_1754, %sub3A_1774 : i32
      %select_n3A_1776 = arith.select %and3A_1773, %sub3A_1775, %div3A_1754 : i32
      %rem3A_1777 = arith.constant 26 : i32
      %rem3A_1778 = arith.remsi %add3A_63, %rem3A_1777 : i32
      "tpu.region"() ({
        %run_scoped3A = tpu.sem_alloc : memref<!tpu.dma_semaphore, #tpu.memory_space<semaphore_mem>>
        %dma_start3A = arith.constant 0 : i32
        %dma_start3A_1779 = tpu.memref_slice %arg6[%select_n3A_1776, %rem3A_1778, %dma_start3A] : memref<64x26x768xf32, #tpu.memory_space<hbm>> -> memref<1x1x768xf32, #tpu.memory_space<hbm>>
        %dma_start3A_1780 = tpu.memref_squeeze %dma_start3A_1779 : memref<1x1x768xf32, #tpu.memory_space<hbm>> -> memref<768xf32, #tpu.memory_space<hbm>>
        %dma_start3A_1781 = arith.constant 0 : i32
        %dma_start3A_1782 = tpu.memref_slice %arg6[%select_n3A_1776, %rem3A_1778, %dma_start3A_1781] : memref<64x26x768xf32, #tpu.memory_space<hbm>> -> memref<1x1x768xf32, #tpu.memory_space<hbm>>
        %dma_start3A_1783 = tpu.memref_squeeze %dma_start3A_1782 : memref<1x1x768xf32, #tpu.memory_space<hbm>> -> memref<768xf32, #tpu.memory_space<hbm>>
        tpu.enqueue_dma source(%arg11 : memref<768xf32, #tpu.memory_space<vmem>>) target(%dma_start3A_1783 : memref<768xf32, #tpu.memory_space<hbm>>) target_semaphore(%run_scoped3A : memref<!tpu.dma_semaphore, #tpu.memory_space<semaphore_mem>>)
        %dma_wait3A = arith.constant 0 : i32
        %dma_wait3A_1784 = tpu.memref_slice %arg6[%select_n3A_1776, %rem3A_1778, %dma_wait3A] : memref<64x26x768xf32, #tpu.memory_space<hbm>> -> memref<1x1x768xf32, #tpu.memory_space<hbm>>
        %dma_wait3A_1785 = tpu.memref_squeeze %dma_wait3A_1784 : memref<1x1x768xf32, #tpu.memory_space<hbm>> -> memref<768xf32, #tpu.memory_space<hbm>>
        %dma_wait3A_1786 = arith.constant 0 : i32
        %dma_wait3A_1787 = tpu.memref_slice %arg6[%select_n3A_1776, %rem3A_1778, %dma_wait3A_1786] : memref<64x26x768xf32, #tpu.memory_space<hbm>> -> memref<1x1x768xf32, #tpu.memory_space<hbm>>
        %dma_wait3A_1788 = tpu.memref_squeeze %dma_wait3A_1787 : memref<1x1x768xf32, #tpu.memory_space<hbm>> -> memref<768xf32, #tpu.memory_space<hbm>>
        tpu.wait_dma2 semaphore(%run_scoped3A : memref<!tpu.dma_semaphore, #tpu.memory_space<semaphore_mem>>) src(%arg11 : memref<768xf32, #tpu.memory_space<vmem>>) dst(%dma_wait3A_1788 : memref<768xf32, #tpu.memory_space<hbm>>)
        tpu.yield
      }) : () -> ()
      scf.yield %cond3A_47 : i32
    }
    %scan3A_38 = arith.constant 52 : i32
    return
  }
}

</mosaic_0001>

<sc_bundles>
// kernel: kernel.3.cloned.1.call-start
scs
__scs_entry_jumppad:
0x0: {  	(pc) =	sbr.rel $0x88, $3  }
0x1: {  	(tag) =	ssettag $0x0;
	lr =	simm.s32 $0x1  }
0x2: {  	[smem:$0x3F9D] =	sst lr;
	_ =	strace $0xD0000000  }
0x3: {  	_ = 	snop  }
0x4: {  	_ = 	snop  }
0x5: {  	_ = 	snop  }
0x6: {  	_ = 	snop  }
0x7: {  	_ = 	snop  }
__scs_overlays_trampoline_lowered:
0x8: {  	[smem:$0x3FAC] =	sst s0  }
0x9: {  	[smem:$0x3FAD] =	sst s1  }
0xa: {  	[smem:$0x3FAE] =	sst s2  }
0xb: {  	[smem:$0x3FAF] =	sst s3  }
0xc: {  	[smem:$0x3FB0] =	sst s4  }
0xd: {  	[smem:$0x3FB1] =	sst s5  }
0xe: {  	[smem:$0x3FB2] =	sst s6  }
0xf: {  	[smem:$0x3FB3] =	sst s7  }
0x10: {  	[smem:$0x3FB4] =	sst s8  }
0x11: {  	[smem:$0x3FB5] =	sst s9;
	s0 =	simm.s32 @!p0 $0x0  }
0x12: {  	s1 =	sld [smem:$0x3F9B];
	s0 =	simm.s32 @p0 $0x1  }
0x13: {  	[smem:$0x3FB6] =	sst s0;
	s0 =	simm.s32 @!p1 $0x0  }
0x14: {  	s2 =	sld [smem:$0x3F9A];
	s0 =	simm.s32 @p1 $0x1  }
0x15: {  	[smem:$0x3FB7] =	sst s0;
	s0 =	simm.s32 @!p2 $0x0  }
0x16: {  	s3 =	sld [smem:$0x3FDB];
	s0 =	simm.s32 @p2 $0x1  }
0x17: {  	s4 =	simm.s32 $0x1BF5;
	[smem:$0x3FB9] =	sst s0  }
0x18: {  	s0 =	sld [smem:$0x3F9C];
	_ =	swait.ge [sflag:s4], $0x0  }
0x19: {  	s7 =	sld [smem:$0x3F9D]  }
0x1a: {  	s8 =	sadd.s32 $0xFFFFE003, lr  }
0x1b: {  	s9 =	sadd.s32 $0xFFFFFEF7, lr;
	s5 =	simm.s32 $0xFFFFFFFF;
	p2 =	slt.u32 s8, $0xFFFFF086  }
0x1c: {  	p1 =	slt.u32 s9, $0xF7A;
	s5 =	simm.s32 @!p2 $0x0  }
0x1d: {  	s5 =	simm.s32 @p1 $0x1;
	p0 =	seq.s32 s7, s2  }
0x1e: {  	s7 =	smul.u32 @!p0 $0xF7A, s2;
	p2 =	seq.s32 @!p0 s5, $0x0  }
0x1f: {  	s9 =	smul.u32 $0xF7A, s1;
	s8 =	simm.s32 @!p0 $0x1BF5;
	p2 =	por !p2, p0  }
0x20: {  	[sflag:s8] =	ssyncset.s32 @!p0 $0xFFFFF086;
	s6 =	sadd.s32 @!p0 s3, s7;
	s7 =	simm.s32 @!p0 $0x108  }
0x21: {  	s3 =	sadd.s32 s3, s9;
	s6 =	sadd.s32 @!p0 $0x88, s6;
	s7 =	simm.s32 @p2 $0x1082  }
0x22: {  	[simem:s7], [sflag:s8] =	dma.local @!p0 [hbm:s6], $0xF7A  }
0x23: {  	s9 =	sor.u32 $0xD0000000, s2;
	s6 =	simm.s32 $0x108;
	_ =	swait.ge @!p0 [sflag:s8], $0x0  }
0x24: {  	s3 =	sadd.s32 $0x88, s3;
	s6 =	simm.s32 @!p1 $0x1082;
	[sflag:s4] =	ssyncset.s32 $0xFFFFF086  }
0x25: {  	[simem:s6], [sflag:s4] =	dma.local [hbm:s3], $0xF7A  }
0x26: {  	[smem:$0x3F9D] =	sst s1;
	(tag) =	ssettag s2;
	_ =	strace s9  }
0x27: {  	s1 =	sld [smem:$0x3FAD]  }
0x28: {  	s2 =	sld [smem:$0x3FAE]  }
0x29: {  	s4 =	sld [smem:$0x3FB0]  }
0x2a: {  	p0 =	seq.s32 s5, $0x0;
	s5 =	sld [smem:$0x3FB1]  }
0x2b: {  	s6 =	sld [smem:$0x3FB2]  }
0x2c: {  	s7 =	sld [smem:$0x3FB3]  }
0x2d: {  	s3 =	simm.s32 $0x108;
	s8 =	sld [smem:$0x3FB4]  }
0x2e: {  	s3 =	simm.s32 @!p0 $0x1082;
	s9 =	sld [smem:$0x3FB5]  }
0x2f: {  	lr =	sadd.s32 s0, s3;
	s0 =	sld [smem:$0x3FAC]  }
0x30: {  	s3 =	sld [smem:$0x3FAF]  }
0x31: {  	[smem:$0x3FB8] =	sst s10  }
0x32: {  	s10 =	sld [smem:$0x3FB6];
	_ =	sdelay $0x3  }
0x33: {  	p0 =	seq.s32 s10, $0x1;
	s10 =	sld [smem:$0x3FB8];
	_ =	sdelay $0x3  }
0x34: {  	[smem:$0x3FB8] =	sst s10  }
0x35: {  	s10 =	sld [smem:$0x3FB7];
	_ =	sdelay $0x3  }
0x36: {  	p1 =	seq.s32 s10, $0x1;
	s10 =	sld [smem:$0x3FB8];
	_ =	sdelay $0x3  }
0x37: {  	[smem:$0x3FB8] =	sst s10  }
0x38: {  	s10 =	sld [smem:$0x3FB9]  }
0x39: {  	_ = 	snop;
	(pc) =	sbr.ind lr, $3  }
0x3a: {  	_ = 	snop  }
0x3b: {  	_ = 	snop  }
0x3c: {  	p2 =	seq.s32 s10, $0x1;
	s10 =	sld [smem:$0x3FB8]  }
0x3d: {  	_ =	shalt  }
0x3e: {  	_ =	shalt  }
0x3f: {  	_ =	shalt  }
0x40: {  	_ =	shalt  }
0x41: {  	_ =	shalt  }
0x42: {  	_ =	shalt  }
0x43: {  	_ =	shalt  }
0x44: {  	_ =	shalt  }
0x45: {  	_ =	shalt  }
0x46: {  	_ =	shalt  }
0x47: {  	_ =	shalt  }
0x48: {  	_ =	shalt  }
0x49: {  	_ =	shalt  }
0x4a: {  	_ =	shalt  }
0x4b: {  	_ =	shalt  }
0x4c: {  	_ =	shalt  }
0x4d: {  	_ =	shalt  }
0x4e: {  	_ =	shalt  }
0x4f: {  	_ =	shalt  }
0x50: {  	_ =	shalt  }
0x51: {  	_ =	shalt  }
0x52: {  	_ =	shalt  }
0x53: {  	_ =	shalt  }
0x54: {  	_ =	shalt  }
0x55: {  	_ =	shalt  }
0x56: {  	_ =	shalt  }
0x57: {  	_ =	shalt  }
0x58: {  	_ =	shalt  }
0x59: {  	_ =	shalt  }
0x5a: {  	_ =	shalt  }
0x5b: {  	_ =	shalt  }
0x5c: {  	_ =	shalt  }
0x5d: {  	_ =	shalt  }
0x5e: {  	_ =	shalt  }
0x5f: {  	_ =	shalt  }
0x60: {  	_ =	shalt  }
0x61: {  	_ =	shalt  }
0x62: {  	_ =	shalt  }
0x63: {  	_ =	shalt  }
0x64: {  	_ =	shalt  }
0x65: {  	_ =	shalt  }
0x66: {  	_ =	shalt  }
0x67: {  	_ =	shalt  }
0x68: {  	_ =	shalt  }
0x69: {  	_ =	shalt  }
0x6a: {  	_ =	shalt  }
0x6b: {  	_ =	shalt  }
0x6c: {  	_ =	shalt  }
0x6d: {  	_ =	shalt  }
0x6e: {  	_ =	shalt  }
0x6f: {  	_ =	shalt  }
0x70: {  	_ =	shalt  }
0x71: {  	_ =	shalt  }
0x72: {  	_ =	shalt  }
0x73: {  	_ =	shalt  }
0x74: {  	_ =	shalt  }
0x75: {  	_ =	shalt  }
0x76: {  	_ =	shalt  }
0x77: {  	_ =	shalt  }
0x78: {  	_ =	shalt  }
0x79: {  	_ =	shalt  }
0x7a: {  	_ =	shalt  }
0x7b: {  	_ =	shalt  }
0x7c: {  	_ =	shalt  }
0x7d: {  	_ =	shalt  }
0x7e: {  	_ =	shalt  }
0x7f: {  	_ =	shalt  }
0x80: {  	_ =	shalt  }
0x81: {  	_ =	shalt  }
0x82: {  	_ =	shalt  }
0x83: {  	_ =	shalt  }
0x84: {  	_ =	shalt  }
0x85: {  	_ =	shalt  }
0x86: {  	_ =	shalt  }
0x87: {  	_ =	shalt  }
.Lfunc_end0:
.L_simem_size_0:
called_computation_lowered:
.L_overlay_start_0:
0x88: {  	s2 =	sld [smem:$0x3FD9]  }
0x89: {  	s3 =	sld [smem:$0x3FFE];
	_ =	sdelay $0x1  }
0x8a: {  	s1 =	srdreg.scid  }
0x8b: {  	s0 =	sand.u32 $0x1, s1  }
0x8c: {  	s17 =	sshll.u32 s0, $0xA;
	s2 =	sadd.s32 s3, s2  }
0x8d: {  	s2 =	sadd.s32 s2, s17  }
0x8e: {  	[smem:$0x3FC4] =	sst s2  }
0x8f: {  	_ = 	snop  }
0x90: {  	s2 =	sld [smem:$0x3FC7]  }
0x91: {  	s18 =	sld [smem:$0x3FC6]  }
0x92: {  	s4 =	sld [smem:$0x3FD0];
	(tm) =	ssettm $0x1  }
0x93: {  	s5 =	sld [smem:$0x3FFB];
	_ =	sdelay $0x3  }
0x94: {  	_ =	strace s5  }
0x95: {  	s5 =	sld [smem:$0x3FFC];
	_ =	sdelay $0x3  }
0x96: {  	_ =	strace s5  }
0x97: {  	s5 =	sld [smem:$0x3FFD];
	_ =	sdelay $0x3  }
0x98: {  	_ =	strace s5  }
0x99: {  	_ =	strace $0x8FFFFFFF  }
0x9a: {  	s19 =	sld [smem:$0x3FDB];
	_ =	sdelay $0x1  }
0x9b: {  	s6 =	simm.s32 $_scs_section_size  }
0x9c: {  	s7 =	simm.s32 $_size__tile_overlayer_lowered;
	s8 =	simm.s32 $_tile_overlayer_lowered  }
0x9d: {  	s22 =	simm.s32 $0x1BFF;
	s21 =	sshll.u32 s8, $0x1;
	s5 =	sadd.s32 s6, s19  }
0x9e: {  	s9 =	simm.s32 $0x0;
	s20 =	sshll.u32 s7, $0x1;
	s7 =	sadd.s32 s21, s5  }
0x9f: {  	[timem:s9], [sflag:s22] =	dma.local [hbm:s7], s20  }
0xa0: {  	_ =	swait.ge [sflag:s22], s20  }
0xa1: {  	s6 =	ssub.s32 $0x0, s20;
	[sflag:s22] =	ssyncset.done $0x0  }
0xa2: {  	[sflag:s22] =	ssyncadd.s32 s6;
	_ =	sdelay $0x1  }
0xa3: {  	s23 =	simm.s32 $0x1B8B  }
0xa4: {  	_ =	swait.ge [sflag:s23], $0x1  }
0xa5: {  	[sflag:s23] =	ssyncset.done $0x0  }
0xa6: {  	s25 =	simm.s32 $0x1B8E;
	s24 =	sld [smem:$0x3FFE];
	[sflag:s23] =	ssyncadd.s32 $0xFFFFFFFF  }
0xa7: {  	s26 =	simm.s32 $execute0_lowered;
	[smem:$0x3FD2] =	sst s25  }
0xa8: {  	s7 =	sshll.u32 s26, $0x1;
	_ =	strace $0x80000046;
	[dreg:$0x1] =	wrdreg $0xFFFFFFFF  }
0xa9: {  	s28 =	simm.s32 $_size_execute0_lowered;
	s5 =	sadd.s32 s5, s7;
	[dreg:$0x0] =	wrdreg $0x0  }
0xaa: {  	s7 =	sshll.u32 s28, $0x1;
	[dreg:$0x2] =	wrdreg s5  }
0xab: {  	[dreg:$0x3] =	wrdreg s7  }
0xac: {  	[dreg:$0x4] =	wrdreg $0xC0  }
0xad: {  	_ =	task [dreg:s9], $0x5FFFF  }
0xae: {  	[dreg:$0x1] =	wrdreg $0xFFFFFFFF  }
0xaf: {  	[dreg:$0x0] =	wrdreg $0x60  }
0xb0: {  	[dreg:$0x2] =	wrdreg s24  }
0xb1: {  	[dreg:$0x3] =	wrdreg s4  }
0xb2: {  	[dreg:$0x4] =	wrdreg s2  }
0xb3: {  	[dreg:$0x5] =	wrdreg s18  }
0xb4: {  	[dreg:$0x6] =	wrdreg $0x9  }
0xb5: {  	_ =	task.clear_ibuf [dreg:s9], $0x7FFFF;
	_ =	strace $0x90000046  }
0xb6: {  	s29 =	simm.s32 $0x9;
	_ =	strace $0x80000048  }
0xb7: {  	_ =	swait.ge [sflag:s29], $0x1  }
0xb8: {  	[sflag:s29] =	ssyncadd.s32 $0xFFFFFFFF  }
0xb9: {  	_ =	strace $0x90000048  }
0xba: {  	_ =	sfence  }
0xbb: {  	s30 =	sld [smem:$0x0];
	_ =	sdelay $0x2  }
0xbc: {  	s31 =	sshll.u32 s1, $0xD;
	s1 =	sshrl.u32 s1, $0x2  }
0xbd: {  	s3 =	sand.u32 $0x4000, s31;
	s1 =	sadd.s32 s1, s30  }
0xbe: {  	s0 =	sor.u32 s3, s0;
	s1 =	sshll.u32 s1, $0x11  }
0xbf: {  	s0 =	sor.u32 s1, s0  }
0xc0: {  	s0 =	sadd.s32 $0x8F2B, s0  }
0xc1: {  	[sflag:s0] =	ssyncadd.remote.s32 $0x1  }
0xc2: {  	_ =	sfence.sel $0xFFFF  }
0xc3: {  	[dreg:$0x0] =	wrdreg $0xFFFFFFFF;
	(pc) =	sbr.abs _section_cstart, $3  }
0xc4: {  	[dreg:$0x1] =	wrdreg $0xFFFFFFFF  }
0xc5: {  	_ =	task.clear_ibuf [dreg:s9], $0x2FFFF;
	_ =	strace $0x9FFFFFFF  }
0xc6: {  	(tm) =	ssettm $0x7FFFFFFF  }
0xc7: {  	_ =	shalt  }
tec
execute0_lowered:
.L_overlay_start_1:
0x0: {  	(tag) =	ssettag $0x1  }
0x1: {  	s7 =	rddreg [dreg:$0x0]  }
0x2: {  	s1 =	rddreg [dreg:$0x1]  }
0x3: {  	s2 =	rddreg [dreg:$0x2]  }
0x4: {  	s3 =	rddreg [dreg:$0x3];
	s5 =	simm.s32 $0x0;
	s6 =	srdreg.scid  }
0x5: {  	s4 =	stileid.u32;
	s16 =	simm.s32 $0x80;
	s17 =	simm.s32 $0x400  }
0x6: {  	s18 =	simm.s32 $0x15C80;
	s19 =	simm.s32 $0x0;
	s9 =	smul.u32 $0x68, s4  }
0x7: {  	[smem:$0x7FF] =	sst s5;
	s8 =	sand.u32 $0x1, s6;
	s13 =	smul.u32 $0x444000, s4  }
0x8: {  	s6 =	sadd.s32 $0x400, s7;
	s7 =	sadd.s32 $0x888400, s7;
	s11 =	smul.u32 $0x34, s8  }
0x9: {  	s14 =	sshll.u32 s4, $0x1;
	_ =	strace $0x80000047;
	s15 =	smul.u32 $0x222000, s8  }
.Ltmp0:
0xa: {  	s10 =	ssub.s32 $0x2, s8;
	s8 =	sor.u32 s8, s14;
	(pc) =	sbr.rel .LBB2_1-.Ltmp0, $4  }
0xb: {  	s12 =	sshrl.u32 s10, $0x1;
	s8 =	smul.u32 $0x34, s8;
	s9 =	sadd.s32 s11, s9  }
0xc: {  	s14 =	simm.s32 $0x15980;
	s10 =	ssub.s32 s10, s12;
	s11 =	smul.u32 $0xA800, s9  }
0xd: {  	s12 =	simm.s32 $0x2;
	s9 =	smax.u32 s10, $0x1;
	s10 =	sadd.s32 s15, s13;
	v0 =	vmov s8  }
0xe: {  	s13 =	simm.s32 $0x15680;
	s15 =	simm.s32 $0x1;
	[tilespmem:$0x1FFF0] =	vst v0;
	s11 =	sadd.s32 $0xA800, s11  }
.LBB2_27:
0xf: {  	s19 =	sadd.s32 $0x1, s19  }
0x10: {  	p0 =	sne.s32 s19, s9  }
.Ltmp1:
0x11: {  	_ = 	snop;
	(pc) =	sbr.rel @!p0 .LBB2_28-.Ltmp1, $1  }
0x12: {  	_ =	sdelay $0x3  }
.LBB2_1:
0x13: {  	[tilespmem:s5], [sflag:$0x2] =	stream.linear.gather [hbm4b:s1+s5], $0x680, $0x38;
	[tilespmem:$0x15F80] =	vst v63  }
0x14: {  	_ =	swait.ge [sflag:s12], $0x680  }
0x15: {  	[sflag:s12] =	ssyncset.done $0x0  }
0x16: {  	[sflag:s12] =	ssyncadd.s32 $0xFFFFF980  }
0x17: {  	[tilespmem:s13], [sflag:$0x2] =	stream.linear.gather [hbm4b:s2+s5], $0x300, $0x38;
	[tilespmem:$0x15F80] =	vst v63  }
0x18: {  	_ =	swait.ge [sflag:s12], $0x300  }
0x19: {  	[sflag:s12] =	ssyncset.done $0x0  }
0x1a: {  	[sflag:s12] =	ssyncadd.s32 $0xFFFFFD00  }
0x1b: {  	[tilespmem:s14], [sflag:$0x2] =	stream.linear.gather [hbm4b:s3+s5], $0x300, $0x38;
	[tilespmem:$0x15F80] =	vst v63  }
0x1c: {  	_ =	swait.ge [sflag:s12], $0x300  }
0x1d: {  	[sflag:s12] =	ssyncset.done $0x0  }
0x1e: {  	[sflag:s12] =	ssyncadd.s32 $0xFFFFFD00  }
0x1f: {  	v1 =	vld.msk [tilespmem:s8+$0x0], $0x1;
	_ =	sdelay $0x4  }
0x20: {  	(v2sf) =	vpush v1, $0x0;
	_ =	sdelay $0xe  }
0x21: {  	s20 =	spop (v2sf)  }
0x22: {  	s20 =	sadd.s32 $0x7, s20  }
0x23: {  	s21 =	sand.u32 $0x7, s20  }
0x24: {  	s31 =	sshra.s32 s20, $0x1F;
	p1 =	slt.s32 s20, $0x1;
	p0 =	sne.s32 s21, $0x0  }
0x25: {  	s21 =	sshrl.u32 s31, $0x1D;
	p0 =	por !p1, !p0  }
0x26: {  	s20 =	sadd.s32 s21, s20;
	s21 =	simm.s32 $0x1;
	p0 =	por !p0, !p0  }
0x27: {  	s20 =	sshra.s32 s20, $0x3;
	s21 =	simm.s32 @!p0 $0x0  }
0x28: {  	s23 =	ssub.s32 s20, s21  }
0x29: {  	p0 =	slt.s32 s23, $0x1  }
.Ltmp2:
0x2a: {  	_ = 	snop;
	(pc) =	sbr.rel @p0 .LBB2_4-.Ltmp2, $2  }
0x2b: {  	_ =	sdelay $0x2  }
0x2c: {  	s20 =	simm.s32 $0x680  }
0x2d: {  	p0 =	sne.s32 s23, $0x1  }
.Ltmp3:
0x2e: {  	_ = 	snop;
	(pc) =	sbr.rel @!p0 .LBB2_4-.Ltmp3, $4  }
0x2f: {  	s21 =	sshrl.u32 s10, $0x3  }
0x30: {  	s21 =	sadd.s32 s6, s21  }
0x31: {  	[tilespmem:s20], [sflag:$0x1] =	stream.linear.gather [hbm4b:s21+s5], $0x1800, $0x38;
	[tilespmem:$0x15F80] =	vst v63  }
0x32: {  	s22 =	sadd.s32 $0x1800, s10;
	s21 =	sadd.s32 $0xFFFFFFFF, s23  }
.LBB2_3:
0x33: {  	s24 =	sshrl.u32 s22, $0x3;
	p0 =	sne.s32 s21, $0x1;
	s21 =	sadd.s32 $0xFFFFFFFF, s21  }
.Ltmp4:
0x34: {  	s20 =	sadd.s32 $0x1800, s20;
	s24 =	sadd.s32 s6, s24;
	(pc) =	sbr.rel @p0 .LBB2_3-.Ltmp4, $3  }
0x35: {  	[tilespmem:s20], [sflag:$0x1] =	stream.linear.gather [hbm4b:s24+s5], $0x1800, $0x38;
	[tilespmem:$0x15F80] =	vst v63  }
0x36: {  	_ =	sdelay $0x1  }
0x37: {  	s22 =	sadd.s32 $0x1800, s22  }
.LBB2_4:
.Ltmp5:
0x38: {  	(pc) =	sbr.rel .LBB2_5-.Ltmp5, $2  }
0x39: {  	_ =	sdelay $0x2  }
0x3a: {  	s25 =	simm.s32 $0x0;
	p0 =	por $0x1, $0x1;
	s20 =	smov.u32 s11  }
.LBB2_22:
0x3b: {  	v33 =	vimm.f32 $0.0e+00  }
0x3c: {  	v34 =	vimm.f32 $0.0e+00;
	v42 =	vimm.f32 $0.0e+00;
	v43 =	vimm.f32 $0.0e+00  }
0x3d: {  	v44 =	vimm.f32 $0.0e+00;
	v53 =	vimm.f32 $0.0e+00;
	v41 =	vimm.f32 $0.0e+00  }
0x3e: {  	v40 =	vimm.f32 $0.0e+00;
	v39 =	vimm.f32 $0.0e+00;
	v37 =	vimm.f32 $0.0e+00  }
0x3f: {  	v38 =	vimm.f32 $0.0e+00;
	v52 =	vimm.f32 $0.0e+00;
	v51 =	vimm.f32 $0.0e+00  }
0x40: {  	s24 =	simm.f32 $0.0e+00;
	v50 =	vimm.f32 $0.0e+00;
	v35 =	vimm.f32 $0.0e+00;
	v49 =	vimm.f32 $0.0e+00  }
.LBB2_26:
0x41: {  	v45 =	vmul.f32 v24, v24;
	v46 =	vmul.f32 v23, v23;
	_ =	sdelay $0x1  }
0x42: {  	v14 =	vmul.f32 v22, v22;
	v45 =	vadd.f32 v46, v45  }
0x43: {  	v0 =	vadd.f32 $0.0e+00, v24  }
0x44: {  	v16 =	vmul.f32 v21, v21;
	v45 =	vadd.f32 v45, v14  }
0x45: {  	v0 =	vadd.f32 v0, v23  }
0x46: {  	v45 =	vadd.f32 v45, v16;
	v16 =	vld [tilespmem:$0x1FFC0]  }
0x47: {  	v0 =	vadd.f32 v0, v22;
	_ =	sdelay $0x1  }
0x48: {  	v0 =	vadd.f32 v0, v21;
	_ =	sdelay $0x1  }
0x49: {  	v0 =	vadd.f32 v0, v16;
	_ =	sdelay $0x1  }
0x4a: {  	v0 =	vadd.f32 v0, v12  }
0x4b: {  	v48 =	vmul.f32 v16, v16  }
0x4c: {  	v0 =	vadd.f32 v0, v11  }
0x4d: {  	v54 =	vmul.f32 v12, v12;
	v45 =	vadd.f32 v45, v48  }
0x4e: {  	v0 =	vadd.f32 v0, v10  }
0x4f: {  	v55 =	vmul.f32 v11, v11;
	v45 =	vadd.f32 v45, v54  }
0x50: {  	v0 =	vadd.f32 v0, v9  }
0x51: {  	v56 =	vmul.f32 v10, v10;
	v45 =	vadd.f32 v45, v55  }
0x52: {  	v58 =	vmul.f32 v8, v8;
	v14 =	vmov v8;
	v0 =	vadd.f32 v0, v8;
	v8 =	vld [tilespmem:$0x1FFD0]  }
0x53: {  	v57 =	vmul.f32 v9, v9;
	v45 =	vadd.f32 v45, v56  }
0x54: {  	v13 =	vld [tilespmem:$0x1FFE0]  }
0x55: {  	v45 =	vadd.f32 v45, v57;
	_ =	sdelay $0x1  }
0x56: {  	v45 =	vadd.f32 v45, v58;
	v59 =	vmul.f32 v8, v8  }
0x57: {  	v0 =	vadd.f32 v0, v8  }
0x58: {  	v60 =	vmul.f32 v13, v13;
	v45 =	vadd.f32 v45, v59  }
0x59: {  	v0 =	vadd.f32 v0, v13  }
0x5a: {  	v61 =	vmul.f32 v4, v4;
	v45 =	vadd.f32 v45, v60  }
0x5b: {  	v0 =	vadd.f32 v0, v4  }
0x5c: {  	v62 =	vmul.f32 v3, v3;
	v45 =	vadd.f32 v45, v61  }
0x5d: {  	v0 =	vadd.f32 v0, v3  }
0x5e: {  	v63 =	vmul.f32 v2, v2;
	v45 =	vadd.f32 v45, v62  }
0x5f: {  	v0 =	vadd.f32 v0, v2  }
0x60: {  	v48 =	vmul.f32 v1, v1;
	v45 =	vadd.f32 v45, v63  }
0x61: {  	v0 =	vadd.f32 v0, v1  }
0x62: {  	v54 =	vmul.f32 v32, v32;
	v45 =	vadd.f32 v45, v48  }
0x63: {  	v0 =	vadd.f32 v32, v0  }
0x64: {  	v55 =	vmul.f32 v31, v31;
	v45 =	vadd.f32 v54, v45  }
0x65: {  	v0 =	vadd.f32 v31, v0  }
0x66: {  	v56 =	vmul.f32 v20, v20;
	v45 =	vadd.f32 v55, v45  }
0x67: {  	v0 =	vadd.f32 v20, v0  }
0x68: {  	v57 =	vmul.f32 v15, v15;
	v45 =	vadd.f32 v56, v45  }
0x69: {  	v0 =	vadd.f32 v15, v0  }
0x6a: {  	v58 =	vmul.f32 v7, v7;
	v45 =	vadd.f32 v57, v45  }
0x6b: {  	v0 =	vadd.f32 v7, v0  }
0x6c: {  	v59 =	vmul.f32 v6, v6;
	v45 =	vadd.f32 v58, v45  }
0x6d: {  	v0 =	vadd.f32 v6, v0  }
0x6e: {  	v60 =	vmul.f32 v18, v18;
	v45 =	vadd.f32 v59, v45  }
0x6f: {  	v0 =	vadd.f32 v18, v0  }
0x70: {  	v61 =	vmul.f32 v17, v17;
	v45 =	vadd.f32 v60, v45  }
0x71: {  	v0 =	vadd.f32 v17, v0  }
0x72: {  	v62 =	vmul.f32 v19, v19;
	v45 =	vadd.f32 v61, v45  }
0x73: {  	v0 =	vadd.f32 v19, v0  }
0x74: {  	v63 =	vmul.f32 v30, v30;
	v45 =	vadd.f32 v62, v45  }
0x75: {  	v0 =	vadd.f32 v30, v0  }
0x76: {  	v48 =	vmul.f32 v25, v25;
	v45 =	vadd.f32 v63, v45  }
0x77: {  	v0 =	vadd.f32 v25, v0  }
0x78: {  	v54 =	vmul.f32 v26, v26;
	v45 =	vadd.f32 v48, v45  }
0x79: {  	v0 =	vadd.f32 v26, v0  }
0x7a: {  	v55 =	vmul.f32 v29, v29;
	v45 =	vadd.f32 v54, v45  }
0x7b: {  	v0 =	vadd.f32 v29, v0  }
0x7c: {  	v56 =	vmul.f32 v28, v28;
	v45 =	vadd.f32 v55, v45  }
0x7d: {  	v0 =	vadd.f32 v28, v0  }
0x7e: {  	v57 =	vmul.f32 v27, v27;
	v45 =	vadd.f32 v56, v45  }
0x7f: {  	v0 =	vadd.f32 v27, v0  }
0x80: {  	v59 =	vmul.f32 v5, v5;
	v48 =	vmul.f32 v33, v36;
	v58 =	vadd.f32 v57, v45  }
0x81: {  	v0 =	vadd.f32 v5, v0  }
0x82: {  	v47 =	vmul.f32 v34, v36;
	v60 =	vmul.f32 v48, v48;
	v33 =	vadd.f32 v59, v58  }
0x83: {  	v0 =	vadd.f32 v48, v0  }
0x84: {  	v46 =	vmul.f32 v42, v36;
	v61 =	vmul.f32 v47, v47;
	v33 =	vadd.f32 v60, v33  }
0x85: {  	v0 =	vadd.f32 v47, v0  }
0x86: {  	v62 =	vmul.f32 v46, v46;
	v45 =	vmul.f32 v43, v36;
	v33 =	vadd.f32 v61, v33  }
0x87: {  	v0 =	vadd.f32 v46, v0  }
0x88: {  	v44 =	vmul.f32 v44, v36;
	v63 =	vmul.f32 v45, v45;
	v33 =	vadd.f32 v62, v33  }
0x89: {  	v0 =	vadd.f32 v45, v0  }
0x8a: {  	v54 =	vmul.f32 v44, v44;
	v43 =	vmul.f32 v53, v36;
	v33 =	vadd.f32 v63, v33  }
0x8b: {  	v0 =	vadd.f32 v44, v0  }
0x8c: {  	v42 =	vmul.f32 v41, v36;
	v55 =	vmul.f32 v43, v43;
	v33 =	vadd.f32 v54, v33  }
0x8d: {  	v0 =	vadd.f32 v43, v0  }
0x8e: {  	v41 =	vmul.f32 v40, v36;
	v56 =	vmul.f32 v42, v42;
	v33 =	vadd.f32 v55, v33  }
0x8f: {  	v0 =	vadd.f32 v42, v0  }
0x90: {  	v40 =	vmul.f32 v39, v36;
	v57 =	vmul.f32 v41, v41;
	v33 =	vadd.f32 v56, v33  }
0x91: {  	v0 =	vadd.f32 v41, v0  }
0x92: {  	v39 =	vmul.f32 v37, v36;
	v58 =	vmul.f32 v40, v40;
	v33 =	vadd.f32 v57, v33  }
0x93: {  	v0 =	vadd.f32 v40, v0  }
0x94: {  	v38 =	vmul.f32 v38, v36;
	v59 =	vmul.f32 v39, v39;
	v33 =	vadd.f32 v58, v33  }
0x95: {  	v0 =	vadd.f32 v39, v0  }
0x96: {  	v37 =	vmul.f32 v52, v36;
	v60 =	vmul.f32 v38, v38;
	v34 =	vadd.f32 v59, v33  }
0x97: {  	v0 =	vadd.f32 v38, v0  }
0x98: {  	v61 =	vmul.f32 v51, v36;
	v63 =	vmul.f32 v37, v37;
	v62 =	vadd.f32 v60, v34  }
0x99: {  	v0 =	vadd.f32 v37, v0  }
0x9a: {  	v57 =	vmul.f32 v61, v61;
	v34 =	vmul.f32 v50, v36;
	v56 =	vadd.f32 v63, v62  }
0x9b: {  	v0 =	vadd.f32 v61, v0  }
0x9c: {  	v35 =	vmul.f32 v35, v36;
	v58 =	vmul.f32 v34, v34;
	v50 =	vadd.f32 v57, v56  }
0x9d: {  	v0 =	vadd.f32 v34, v0  }
0x9e: {  	v36 =	vmul.f32 v49, v36;
	v60 =	vmul.f32 v35, v35;
	v59 =	vadd.f32 v58, v50  }
0x9f: {  	v0 =	vadd.f32 v35, v0  }
0xa0: {  	[tilespmem:$0x1FF40] =	vst v61;
	v61 =	vmul.f32 v36, v36;
	v49 =	vadd.f32 v60, v59  }
0xa1: {  	v0 =	vadd.f32 v36, v0  }
0xa2: {  	v49 =	vadd.f32 v61, v49  }
0xa3: {  	(v2sf) =	vpush v0, $0x0  }
0xa4: {  	(v2sf) =	vpush v49, $0x0  }
0xa5: {  	(v2sf) =	vpush v0, $0x1  }
0xa6: {  	(v2sf) =	vpush v49, $0x1  }
0xa7: {  	(v2sf) =	vpush v0, $0x2  }
0xa8: {  	(v2sf) =	vpush v49, $0x2  }
0xa9: {  	(v2sf) =	vpush v0, $0x3  }
0xaa: {  	(v2sf) =	vpush v49, $0x3  }
0xab: {  	(v2sf) =	vpush v0, $0x4  }
0xac: {  	(v2sf) =	vpush v49, $0x4  }
0xad: {  	(v2sf) =	vpush v0, $0x5  }
0xae: {  	(v2sf) =	vpush v49, $0x5  }
0xaf: {  	(v2sf) =	vpush v0, $0x6  }
0xb0: {  	(v2sf) =	vpush v49, $0x6  }
0xb1: {  	(v2sf) =	vpush v0, $0x7  }
0xb2: {  	s0 =	spop (v2sf);
	(v2sf) =	vpush v49, $0x7  }
0xb3: {  	s25 =	spop (v2sf);
	(v2sf) =	vpush v0, $0x8  }
0xb4: {  	s26 =	spop (v2sf);
	(v2sf) =	vpush v49, $0x8  }
0xb5: {  	s0 =	sadd.f32 s26, s0;
	s31 =	spop (v2sf);
	(v2sf) =	vpush v0, $0x9  }
0xb6: {  	s25 =	sadd.f32 s31, s25;
	s28 =	spop (v2sf);
	(v2sf) =	vpush v49, $0x9  }
0xb7: {  	s0 =	sadd.f32 s0, s28;
	s29 =	spop (v2sf);
	(v2sf) =	vpush v0, $0xA  }
0xb8: {  	s25 =	sadd.f32 s25, s29;
	s30 =	spop (v2sf);
	(v2sf) =	vpush v49, $0xA  }
0xb9: {  	s0 =	sadd.f32 s0, s30;
	s31 =	spop (v2sf);
	(v2sf) =	vpush v0, $0xB  }
0xba: {  	s25 =	sadd.f32 s25, s31;
	s28 =	spop (v2sf);
	(v2sf) =	vpush v49, $0xB  }
0xbb: {  	s0 =	sadd.f32 s0, s28;
	s29 =	spop (v2sf);
	(v2sf) =	vpush v0, $0xC  }
0xbc: {  	s25 =	sadd.f32 s25, s29;
	s30 =	spop (v2sf);
	(v2sf) =	vpush v49, $0xC  }
0xbd: {  	s0 =	sadd.f32 s0, s30;
	s31 =	spop (v2sf);
	(v2sf) =	vpush v0, $0xD  }
0xbe: {  	s25 =	sadd.f32 s25, s31;
	s28 =	spop (v2sf);
	(v2sf) =	vpush v49, $0xD  }
0xbf: {  	s0 =	sadd.f32 s0, s28;
	s29 =	spop (v2sf);
	(v2sf) =	vpush v0, $0xE  }
0xc0: {  	s25 =	sadd.f32 s25, s29;
	s30 =	spop (v2sf);
	(v2sf) =	vpush v49, $0xE  }
0xc1: {  	s0 =	sadd.f32 s0, s30;
	s31 =	spop (v2sf);
	(v2sf) =	vpush v0, $0xF  }
0xc2: {  	s25 =	sadd.f32 s25, s31;
	s28 =	spop (v2sf);
	(v2sf) =	vpush v49, $0xF  }
0xc3: {  	s0 =	sadd.f32 s0, s28;
	s29 =	spop (v2sf)  }
0xc4: {  	s25 =	sadd.f32 s25, s29;
	s30 =	spop (v2sf)  }
0xc5: {  	s0 =	sadd.f32 s0, s30;
	s31 =	spop (v2sf)  }
0xc6: {  	s25 =	sadd.f32 s25, s31;
	s28 =	spop (v2sf)  }
0xc7: {  	s0 =	sadd.f32 s0, s28;
	s29 =	spop (v2sf)  }
0xc8: {  	s25 =	sadd.f32 s25, s29;
	s30 =	spop (v2sf)  }
0xc9: {  	s0 =	sadd.f32 s0, s30;
	s31 =	spop (v2sf)  }
0xca: {  	s25 =	sadd.f32 s25, s31;
	s28 =	spop (v2sf)  }
0xcb: {  	s0 =	sadd.f32 s0, s28;
	s29 =	spop (v2sf)  }
0xcc: {  	s25 =	sadd.f32 s25, s29;
	s30 =	spop (v2sf)  }
0xcd: {  	s0 =	sadd.f32 s0, s30;
	s31 =	spop (v2sf)  }
0xce: {  	s25 =	sadd.f32 s25, s31;
	s28 =	spop (v2sf)  }
0xcf: {  	s0 =	sadd.f32 s0, s28;
	s29 =	spop (v2sf)  }
0xd0: {  	s25 =	sadd.f32 s25, s29;
	s30 =	spop (v2sf)  }
0xd1: {  	s0 =	sadd.f32 s0, s30;
	s31 =	spop (v2sf)  }
0xd2: {  	s25 =	sadd.f32 s25, s31  }
0xd3: {  	s0 =	smul.f32 $1.302083370e-03, s0  }
0xd4: {  	s25 =	smul.f32 $1.302083370e-03, s25  }
0xd5: {  	s28 =	smul.f32 s0, s0;
	_ =	sdelay $0x1  }
0xd6: {  	s25 =	ssub.f32 s25, s28;
	_ =	sdelay $0x1  }
0xd7: {  	v0 =	vmov s25  }
0xd8: {  	v0 =	vadd.f32 $9.999999740e-06, v0;
	_ =	sdelay $0x1  }
0xd9: {  	v0 =	vbroadcast v0, $0x0;
	_ =	sdelay $0x1  }
0xda: {  	v62 =	vshra.s32 v0, $0x1;
	v0 =	vmul.f32 $5.000000000e-01, v0  }
0xdb: {  	v49 =	vsub.s32 $0x5F3759DF, v62  }
0xdc: {  	v63 =	vmul.f32 v49, v0;
	_ =	sdelay $0x1  }
0xdd: {  	v50 =	vmul.f32 v49, v63;
	_ =	sdelay $0x1  }
0xde: {  	v50 =	vsub.f32 $1.500000000e+00, v50;
	_ =	sdelay $0x1  }
0xdf: {  	v49 =	vmul.f32 v49, v50;
	_ =	sdelay $0x1  }
0xe0: {  	v50 =	vmul.f32 v49, v0;
	_ =	sdelay $0x1  }
0xe1: {  	v50 =	vmul.f32 v50, v49;
	_ =	sdelay $0x1  }
0xe2: {  	v50 =	vsub.f32 $1.500000000e+00, v50;
	_ =	sdelay $0x1  }
0xe3: {  	v49 =	vmul.f32 v50, v49;
	_ =	sdelay $0x1  }
0xe4: {  	v50 =	vmul.f32 v49, v0;
	_ =	sdelay $0x1  }
0xe5: {  	v50 =	vmul.f32 v50, v49;
	_ =	sdelay $0x1  }
0xe6: {  	v50 =	vsub.f32 $1.500000000e+00, v50;
	_ =	sdelay $0x1  }
0xe7: {  	v49 =	vmul.f32 v50, v49;
	_ =	sdelay $0x1  }
0xe8: {  	v0 =	vmul.f32 v49, v0;
	_ =	sdelay $0x1  }
0xe9: {  	v0 =	vmul.f32 v0, v49  }
0xea: {  	v52 =	vld [tilespmem:$0x15980]  }
0xeb: {  	v51 =	vld [tilespmem:$0x15680];
	v0 =	vsub.f32 $1.500000000e+00, v0  }
0xec: {  	v54 =	vld [tilespmem:$0x15990];
	v50 =	vmov s0  }
0xed: {  	v33 =	vld [tilespmem:$0x15690];
	v49 =	vmul.f32 v0, v49;
	v0 =	vsub.f32 v24, v50  }
0xee: {  	v55 =	vld [tilespmem:$0x156A0];
	v57 =	vsub.f32 v23, v50  }
0xef: {  	v56 =	vld [tilespmem:$0x159A0];
	v59 =	vsub.f32 v22, v50;
	v0 =	vmul.f32 v49, v0  }
0xf0: {  	v62 =	vld [tilespmem:$0x156C0];
	v61 =	vsub.f32 v21, v50;
	v57 =	vmul.f32 v49, v57  }
0xf1: {  	v58 =	vld [tilespmem:$0x156B0];
	v0 =	vmul.f32 v51, v0;
	v51 =	vmul.f32 v49, v59;
	v59 =	vsub.f32 v16, v50  }
0xf2: {  	v53 =	vmul.f32 v33, v57;
	v57 =	vmul.f32 v49, v61;
	v61 =	vld [tilespmem:$0x159C0]  }
0xf3: {  	v63 =	vld [tilespmem:$0x156D0];
	v0 =	vadd.f32 v52, v0;
	v51 =	vmul.f32 v55, v51;
	v52 =	vmul.f32 v49, v59  }
0xf4: {  	v33 =	vmov v5;
	v5 =	vmov v1;
	v1 =	vsub.f32 v12, v50  }
0xf5: {  	v55 =	vld [tilespmem:$0x159D0];
	v0 =	vsub.f32 v0, v24;
	v51 =	vadd.f32 v56, v51;
	v52 =	vmul.f32 v62, v52  }
0xf6: {  	v60 =	vld [tilespmem:$0x159B0];
	v1 =	vmul.f32 v49, v1  }
0xf7: {  	v0 =	vmul.f32 s24, v0;
	v51 =	vsub.f32 v51, v22;
	v61 =	vadd.f32 v61, v52  }
0xf8: {  	v53 =	vadd.f32 v54, v53;
	v59 =	vmul.f32 v58, v57;
	v1 =	vmul.f32 v63, v1  }
0xf9: {  	v52 =	vadd.f32 v0, v24;
	v0 =	vmul.f32 s24, v51;
	v57 =	vsub.f32 v61, v16  }
0xfa: {  	v58 =	vld [tilespmem:$0x159E0];
	v53 =	vsub.f32 v53, v23;
	v1 =	vadd.f32 v55, v1  }
0xfb: {  	v54 =	vadd.f32 v60, v59;
	v56 =	vld [tilespmem:$0x156E0];
	v24 =	vadd.f32 v0, v22;
	v0 =	vmul.f32 s24, v57  }
0xfc: {  	v59 =	vld [tilespmem:$0x159F0];
	v63 =	vsub.f32 v11, v50;
	v53 =	vmul.f32 s24, v53;
	v1 =	vsub.f32 v1, v12  }
0xfd: {  	v54 =	vsub.f32 v54, v21;
	v55 =	vld [tilespmem:$0x156F0];
	v0 =	vadd.f32 v0, v16  }
0xfe: {  	v51 =	vadd.f32 v53, v23;
	v53 =	vld [tilespmem:$0x15700];
	v23 =	vsub.f32 v10, v50;
	v1 =	vmul.f32 s24, v1  }
0xff: {  	v62 =	vmul.f32 s24, v54;
	v57 =	vld [tilespmem:$0x15710];
	v22 =	vsub.f32 v9, v50;
	[tilespmem:$0x1FF50] =	vst v0;
	v0 =	vmul.f32 v49, v63  }
0x100: {  	v54 =	vld [tilespmem:$0x15A00];
	v16 =	vsub.f32 v14, v50;
	v12 =	vadd.f32 v1, v12;
	v1 =	vmul.f32 v49, v23  }
0x101: {  	v60 =	vld [tilespmem:$0x15A10];
	v21 =	vadd.f32 v62, v21;
	v22 =	vmul.f32 v49, v22;
	v0 =	vmul.f32 v56, v0  }
0x102: {  	v62 =	vld [tilespmem:$0x15730];
	v23 =	vmul.f32 v49, v16;
	v1 =	vmul.f32 v55, v1;
	v56 =	vsub.f32 v8, v50  }
0x103: {  	v61 =	vld [tilespmem:$0x15720];
	v16 =	vsub.f32 v13, v50;
	v22 =	vmul.f32 v53, v22;
	v0 =	vadd.f32 v58, v0  }
0x104: {  	v23 =	vmul.f32 v57, v23;
	v1 =	vadd.f32 v59, v1;
	v53 =	vmul.f32 v49, v56;
	v56 =	vld [tilespmem:$0x15A30]  }
0x105: {  	v55 =	vld [tilespmem:$0x15A20];
	v16 =	vmul.f32 v49, v16;
	v22 =	vadd.f32 v54, v22;
	v0 =	vsub.f32 v0, v11  }
0x106: {  	v23 =	vadd.f32 v60, v23;
	v1 =	vsub.f32 v1, v10  }
0x107: {  	v60 =	vmul.f32 v62, v16;
	v22 =	vsub.f32 v22, v9;
	v0 =	vmul.f32 s24, v0  }
0x108: {  	v53 =	vmul.f32 v61, v53;
	v23 =	vsub.f32 v23, v14;
	v1 =	vmul.f32 s24, v1  }
0x109: {  	v54 =	vadd.f32 v56, v60;
	v0 =	vadd.f32 v0, v11  }
0x10a: {  	v57 =	vld [tilespmem:$0x15740];
	v53 =	vadd.f32 v55, v53;
	v11 =	vadd.f32 v1, v10  }
0x10b: {  	v59 =	vld [tilespmem:$0x15770];
	v1 =	vmul.f32 s24, v23;
	v62 =	vsub.f32 v54, v13;
	[tilespmem:$0x1FF60] =	vst v0;
	v0 =	vmul.f32 s24, v22  }
0x10c: {  	v58 =	vld [tilespmem:$0x15A60];
	v61 =	vsub.f32 v53, v8  }
0x10d: {  	v55 =	vld [tilespmem:$0x15A40];
	v10 =	vadd.f32 v0, v9;
	v9 =	vadd.f32 v1, v14;
	v1 =	vmul.f32 s24, v62  }
0x10e: {  	v63 =	vsub.f32 v4, v50;
	v56 =	vld [tilespmem:$0x15750];
	v0 =	vmul.f32 s24, v61  }
0x10f: {  	v54 =	vld [tilespmem:$0x15760];
	v14 =	vsub.f32 v3, v50;
	v1 =	vadd.f32 v1, v13  }
0x110: {  	v16 =	vsub.f32 v2, v50;
	v53 =	vld [tilespmem:$0x15A50];
	v8 =	vadd.f32 v0, v8;
	v0 =	vmul.f32 v49, v63  }
0x111: {  	v61 =	vld [tilespmem:$0x15780];
	[tilespmem:$0x1FF70] =	vst v1;
	v1 =	vmul.f32 v49, v14;
	v14 =	vsub.f32 v5, v50  }
0x112: {  	v60 =	vld [tilespmem:$0x15A70];
	v22 =	vmul.f32 v49, v16;
	v16 =	vsub.f32 v32, v50;
	v0 =	vmul.f32 v57, v0  }
0x113: {  	v1 =	vmul.f32 v56, v1;
	v23 =	vmul.f32 v49, v14;
	v56 =	vld [tilespmem:$0x15A80]  }
0x114: {  	v22 =	vmul.f32 v54, v22;
	v0 =	vadd.f32 v55, v0;
	v14 =	vmul.f32 v49, v16  }
0x115: {  	v13 =	vsub.f32 v31, v50;
	v1 =	vadd.f32 v53, v1;
	v23 =	vmul.f32 v59, v23  }
0x116: {  	v62 =	vld [tilespmem:$0x15790];
	v22 =	vadd.f32 v58, v22;
	v0 =	vsub.f32 v0, v4;
	v54 =	vmul.f32 v61, v14  }
0x117: {  	v1 =	vsub.f32 v1, v3;
	v23 =	vadd.f32 v60, v23  }
0x118: {  	v16 =	vld [tilespmem:$0x15A90];
	v22 =	vsub.f32 v22, v2;
	v0 =	vmul.f32 s24, v0;
	v54 =	vadd.f32 v56, v54  }
0x119: {  	v13 =	vmul.f32 v49, v13;
	v1 =	vmul.f32 s24, v1;
	v14 =	vsub.f32 v23, v5  }
0x11a: {  	v23 =	vadd.f32 v0, v4;
	v0 =	vmul.f32 s24, v22;
	v54 =	vsub.f32 v54, v32  }
0x11b: {  	v63 =	vld [tilespmem:$0x157F0];
	v53 =	vmul.f32 v62, v13  }
0x11c: {  	v57 =	vld [tilespmem:$0x157A0];
	v22 =	vadd.f32 v1, v3;
	v3 =	vadd.f32 v0, v2;
	v0 =	vmul.f32 s24, v54  }
0x11d: {  	v58 =	vld [tilespmem:$0x157C0];
	v53 =	vadd.f32 v16, v53  }
0x11e: {  	v55 =	vld [tilespmem:$0x157B0];
	v16 =	vsub.f32 v20, v50;
	v0 =	vadd.f32 v0, v32  }
0x11f: {  	v56 =	vld [tilespmem:$0x15AA0];
	v53 =	vsub.f32 v53, v31;
	v1 =	vmul.f32 s24, v14  }
0x120: {  	v61 =	vld [tilespmem:$0x157D0];
	v4 =	vsub.f32 v15, v50;
	v14 =	vsub.f32 v6, v50;
	[tilespmem:$0x1FF80] =	vst v0;
	v0 =	vmul.f32 v49, v16  }
0x121: {  	v59 =	vld [tilespmem:$0x15AB0];
	v2 =	vadd.f32 v1, v5;
	v1 =	vmul.f32 s24, v53;
	v5 =	vsub.f32 v7, v50  }
0x122: {  	v13 =	vmul.f32 v49, v4;
	v54 =	vld [tilespmem:$0x15AD0];
	v0 =	vmul.f32 v57, v0  }
0x123: {  	v60 =	vld [tilespmem:$0x15AC0];
	v53 =	vmul.f32 v49, v14;
	v1 =	vadd.f32 v1, v31;
	v32 =	vmul.f32 v49, v5  }
0x124: {  	v62 =	vld [tilespmem:$0x157E0];
	v31 =	vmul.f32 v55, v13;
	v16 =	vsub.f32 v18, v50;
	v0 =	vadd.f32 v56, v0  }
0x125: {  	[tilespmem:$0x15C80] =	vst v52;
	v52 =	vld [tilespmem:$0x15840];
	v13 =	vsub.f32 v17, v50;
	v53 =	vmul.f32 v61, v53;
	v32 =	vmul.f32 v58, v32  }
0x126: {  	v31 =	vadd.f32 v59, v31;
	v14 =	vmul.f32 v49, v16;
	v16 =	vld [tilespmem:$0x15AF0];
	v0 =	vsub.f32 v0, v20  }
0x127: {  	v55 =	vld [tilespmem:$0x15AE0];
	v5 =	vmul.f32 v49, v13;
	v53 =	vadd.f32 v54, v53  }
0x128: {  	[tilespmem:$0x15CB0] =	vst v21;
	v21 =	vld [tilespmem:$0x15B90];
	v32 =	vadd.f32 v60, v32;
	v31 =	vsub.f32 v31, v15;
	v0 =	vmul.f32 s24, v0  }
0x129: {  	[tilespmem:$0x15D50] =	vst v22;
	v22 =	vld [tilespmem:$0x158F0];
	v5 =	vmul.f32 v63, v5;
	v53 =	vsub.f32 v53, v6;
	v56 =	vmul.f32 v62, v14  }
0x12a: {  	v54 =	vld [tilespmem:$0x15800];
	v32 =	vsub.f32 v32, v7;
	v31 =	vmul.f32 s24, v31;
	v0 =	vadd.f32 v0, v20  }
0x12b: {  	v13 =	vsub.f32 v19, v50;
	v58 =	vld [tilespmem:$0x15B20];
	v62 =	vmul.f32 s24, v53;
	v5 =	vadd.f32 v16, v5  }
0x12c: {  	v53 =	vld [tilespmem:$0x15820];
	v55 =	vadd.f32 v55, v56;
	v63 =	vadd.f32 v31, v15;
	[tilespmem:$0x1FF90] =	vst v0;
	v0 =	vmul.f32 s24, v32  }
0x12d: {  	[tilespmem:$0x15D70] =	vst v2;
	v2 =	vld [tilespmem:$0x1FF80];
	v16 =	vsub.f32 v25, v50;
	v5 =	vsub.f32 v5, v17  }
0x12e: {  	v57 =	vld [tilespmem:$0x15810];
	v59 =	vsub.f32 v55, v18;
	v0 =	vadd.f32 v0, v7  }
0x12f: {  	[tilespmem:$0x15E90] =	vst v47;
	v56 =	vld [tilespmem:$0x15B00];
	v14 =	vadd.f32 v62, v6;
	v5 =	vmul.f32 s24, v5;
	v32 =	vmul.f32 v49, v16  }
0x130: {  	v15 =	vsub.f32 v30, v50;
	v6 =	vsub.f32 v46, v50;
	[tilespmem:$0x1FFA0] =	vst v0;
	v0 =	vmul.f32 s24, v59;
	v59 =	vld [tilespmem:$0x15830]  }
0x131: {  	[tilespmem:$0x15EC0] =	vst v44;
	v55 =	vld [tilespmem:$0x15B10];
	v20 =	vsub.f32 v26, v50;
	v61 =	vadd.f32 v5, v17;
	v32 =	vmul.f32 v53, v32  }
0x132: {  	[tilespmem:$0x15F20] =	vst v38;
	v60 =	vld [tilespmem:$0x15B30];
	v62 =	vadd.f32 v0, v18;
	v0 =	vmul.f32 v49, v13;
	v18 =	vmul.f32 v49, v15  }
0x133: {  	[tilespmem:$0x1FFB0] =	vst v14;
	v14 =	vld [tilespmem:$0x15850];
	v32 =	vadd.f32 v58, v32;
	v13 =	vsub.f32 v29, v50;
	v15 =	vmul.f32 v49, v20  }
0x134: {  	[tilespmem:$0x15C90] =	vst v51;
	v16 =	vld [tilespmem:$0x15B40];
	v17 =	vsub.f32 v28, v50;
	v0 =	vmul.f32 v54, v0;
	v5 =	vmul.f32 v57, v18  }
0x135: {  	[tilespmem:$0x15CA0] =	vst v24;
	v32 =	vsub.f32 v32, v25;
	v51 =	vmul.f32 v49, v13;
	v18 =	vld [tilespmem:$0x15B50];
	v24 =	vmul.f32 v59, v15  }
0x136: {  	[tilespmem:$0x15DB0] =	vst v63;
	v63 =	vld [tilespmem:$0x15C20];
	v20 =	vmul.f32 v49, v17;
	v0 =	vadd.f32 v56, v0;
	v5 =	vadd.f32 v55, v5  }
0x137: {  	[tilespmem:$0x15F60] =	vst v35;
	v53 =	vld [tilespmem:$0x15870];
	v58 =	vmul.f32 s24, v32;
	v51 =	vmul.f32 v52, v51;
	v24 =	vadd.f32 v60, v24  }
0x138: {  	[tilespmem:$0x15EA0] =	vst v46;
	v57 =	vmul.f32 v14, v20;
	v54 =	vld [tilespmem:$0x15860];
	v0 =	vsub.f32 v0, v19;
	v5 =	vsub.f32 v5, v30  }
0x139: {  	[tilespmem:$0x15EE0] =	vst v42;
	v32 =	vld [tilespmem:$0x15B70];
	v31 =	vadd.f32 v16, v51;
	v16 =	vadd.f32 v58, v25  }
0x13a: {  	[tilespmem:$0x15EF0] =	vst v41;
	v51 =	vld [tilespmem:$0x15B60];
	v24 =	vsub.f32 v24, v26;
	v52 =	vadd.f32 v18, v57;
	v0 =	vmul.f32 s24, v0  }
0x13b: {  	[tilespmem:$0x15F00] =	vst v40;
	v58 =	vld [tilespmem:$0x1FF50];
	v57 =	vsub.f32 v27, v50;
	v5 =	vmul.f32 s24, v5;
	v31 =	vsub.f32 v31, v29  }
0x13c: {  	[tilespmem:$0x15F10] =	vst v39;
	v59 =	vmul.f32 s24, v24;
	v60 =	vsub.f32 v52, v28;
	v52 =	vld [tilespmem:$0x15880];
	v0 =	vadd.f32 v0, v19  }
0x13d: {  	[tilespmem:$0x15F30] =	vst v37;
	v24 =	vld [tilespmem:$0x15890];
	v5 =	vadd.f32 v5, v30;
	v56 =	vmul.f32 s24, v31;
	v30 =	vsub.f32 v48, v50  }
0x13e: {  	[tilespmem:$0x15E80] =	vst v48;
	v31 =	vld [tilespmem:$0x15B80];
	v19 =	vmul.f32 v49, v6;
	v15 =	vadd.f32 v59, v26;
	v59 =	vmul.f32 s24, v60  }
0x13f: {  	[tilespmem:$0x15CD0] =	vst v12;
	v60 =	vsub.f32 v33, v50;
	v14 =	vadd.f32 v56, v29;
	v29 =	vmul.f32 v49, v57;
	v56 =	vld [tilespmem:$0x1FF60]  }
0x140: {  	[tilespmem:$0x15CC0] =	vst v58;
	v58 =	vsub.f32 v47, v50;
	v4 =	vmul.f32 v49, v30;
	v12 =	vadd.f32 v59, v28;
	v59 =	vld [tilespmem:$0x158A0]  }
0x141: {  	[tilespmem:$0x15EB0] =	vst v45;
	v7 =	vld [tilespmem:$0x158B0];
	v57 =	vmul.f32 v49, v60;
	v60 =	vmul.f32 v54, v29  }
0x142: {  	[tilespmem:$0x15ED0] =	vst v43;
	v30 =	vld [tilespmem:$0x15BA0];
	v29 =	vmul.f32 v49, v58;
	v18 =	vmul.f32 v52, v4  }
0x143: {  	[tilespmem:$0x15CF0] =	vst v11;
	v20 =	vld [tilespmem:$0x158C0];
	v54 =	vsub.f32 v44, v50;
	v28 =	vmul.f32 v53, v57;
	v11 =	vadd.f32 v51, v60  }
0x144: {  	v55 =	vld [tilespmem:$0x1FF40];
	v13 =	vmul.f32 v24, v29;
	v18 =	vadd.f32 v31, v18;
	[tilespmem:$0x15CE0] =	vst v56;
	v56 =	vsub.f32 v45, v50  }
0x145: {  	[tilespmem:$0x15D00] =	vst v10;
	v57 =	vld [tilespmem:$0x15BB0];
	v10 =	vadd.f32 v32, v28;
	v11 =	vsub.f32 v11, v27;
	v19 =	vmul.f32 v59, v19  }
0x146: {  	[tilespmem:$0x15F50] =	vst v34;
	v29 =	vld [tilespmem:$0x1FF70];
	v60 =	vadd.f32 v21, v13;
	v28 =	vsub.f32 v18, v48;
	v58 =	vmul.f32 v49, v56  }
0x147: {  	[tilespmem:$0x15F70] =	vst v36;
	v18 =	vld [tilespmem:$0x15BC0];
	v59 =	vsub.f32 v10, v33;
	v26 =	vmul.f32 s24, v11;
	v17 =	vadd.f32 v30, v19  }
0x148: {  	[tilespmem:$0x15D10] =	vst v9;
	v13 =	vld [tilespmem:$0x158D0];
	v31 =	vsub.f32 v60, v47;
	v51 =	vmul.f32 s24, v28;
	v25 =	vmul.f32 v7, v58  }
0x149: {  	[tilespmem:$0x15D20] =	vst v8;
	v21 =	vld [tilespmem:$0x15BE0];
	v30 =	vmul.f32 s24, v59;
	v59 =	vsub.f32 v42, v50;
	v6 =	vadd.f32 v26, v27  }
0x14a: {  	[tilespmem:$0x15D40] =	vst v23;
	v19 =	vld [tilespmem:$0x158E0];
	v58 =	vmul.f32 v49, v54;
	v52 =	vsub.f32 v17, v46;
	v32 =	vadd.f32 v57, v25  }
0x14b: {  	[tilespmem:$0x15D60] =	vst v3;
	v60 =	vld [tilespmem:$0x15BF0];
	v9 =	vmul.f32 s24, v31;
	v4 =	vadd.f32 v51, v48;
	v48 =	vsub.f32 v40, v50  }
0x14c: {  	[tilespmem:$0x15D90] =	vst v1;
	v28 =	vld [tilespmem:$0x15C30];
	v7 =	vadd.f32 v30, v33;
	v8 =	vmul.f32 v20, v58;
	v10 =	vsub.f32 v32, v45  }
0x14d: {  	[tilespmem:$0x15D80] =	vst v2;
	v54 =	vld [tilespmem:$0x1FFA0];
	v57 =	vsub.f32 v43, v50;
	v11 =	vmul.f32 v49, v59;
	v53 =	vmul.f32 s24, v52  }
0x14e: {  	[tilespmem:$0x15DF0] =	vst v61;
	v17 =	vld [tilespmem:$0x15BD0];
	v30 =	vsub.f32 v38, v50;
	v3 =	vadd.f32 v9, v47;
	v56 =	vmul.f32 s24, v10  }
0x14f: {  	[tilespmem:$0x15DE0] =	vst v62;
	v51 =	vld [tilespmem:$0x15910];
	v33 =	vmul.f32 v49, v57;
	v8 =	vadd.f32 v18, v8;
	v2 =	vadd.f32 v53, v46  }
0x150: {  	[tilespmem:$0x15E20] =	vst v16;
	v11 =	vmul.f32 v19, v11;
	v46 =	vld [tilespmem:$0x15900];
	v1 =	vadd.f32 v56, v45;
	v45 =	vsub.f32 v41, v50  }
0x151: {  	[tilespmem:$0x15D30] =	vst v29;
	v29 =	vld [tilespmem:$0x15940];
	v32 =	vsub.f32 v37, v50;
	v53 =	vsub.f32 v39, v50;
	v9 =	vmul.f32 v13, v33  }
0x152: {  	[tilespmem:$0x15F40] =	vst v55;
	v57 =	vld [tilespmem:$0x15C10];
	v8 =	vsub.f32 v8, v44;
	v11 =	vadd.f32 v21, v11;
	v10 =	vmul.f32 v49, v45  }
0x153: {  	[tilespmem:$0x15E00] =	vst v0;
	v52 =	vld [tilespmem:$0x15C00];
	v59 =	vmul.f32 v49, v53;
	v56 =	vmul.f32 v49, v48;
	v9 =	vadd.f32 v17, v9  }
0x154: {  	[tilespmem:$0x15E10] =	vst v5;
	v27 =	vld [tilespmem:$0x15930];
	v0 =	vmul.f32 s24, v8;
	v61 =	vsub.f32 v11, v42;
	v10 =	vmul.f32 v22, v10  }
0x155: {  	[tilespmem:$0x15E30] =	vst v15;
	v47 =	vld [tilespmem:$0x1FF90];
	v17 =	vmul.f32 v51, v59;
	v18 =	vmul.f32 v46, v56;
	v9 =	vsub.f32 v9, v43  }
0x156: {  	[tilespmem:$0x15E40] =	vst v14;
	v58 =	vld [tilespmem:$0x1FFB0];
	v8 =	vmul.f32 s24, v61;
	v46 =	vsub.f32 v34, v50;
	v10 =	vadd.f32 v60, v10  }
0x157: {  	[tilespmem:$0x15E50] =	vst v12;
	v33 =	vld [tilespmem:$0x15950];
	v45 =	vmul.f32 v49, v32;
	v26 =	vadd.f32 v57, v17;
	v57 =	vsub.f32 v36, v50  }
0x158: {  	[tilespmem:$0x15DC0] =	vst v54;
	v53 =	vld [tilespmem:$0x15970];
	v62 =	vadd.f32 v52, v18;
	v24 =	vmul.f32 s24, v9;
	v25 =	vsub.f32 v10, v41  }
0x159: {  	[tilespmem:$0x15E90] =	vst v3;
	v8 =	vadd.f32 v8, v42;
	v42 =	vsub.f32 v55, v50;
	v3 =	vmul.f32 v27, v45;
	v60 =	vld [tilespmem:$0x15920]  }
0x15a: {  	[tilespmem:$0x15DA0] =	vst v47;
	v47 =	vld [tilespmem:$0x15960];
	v52 =	vsub.f32 v35, v50;
	v54 =	vmul.f32 v49, v46;
	v9 =	vmul.f32 s24, v25  }
0x15b: {  	[tilespmem:$0x15E60] =	vst v6;
	v56 =	vld [tilespmem:$0x15C60];
	v61 =	vmul.f32 v49, v57;
	v11 =	vsub.f32 v62, v40;
	v5 =	vadd.f32 v24, v43  }
0x15c: {  	[tilespmem:$0x15E80] =	vst v4;
	v43 =	vld [tilespmem:$0x15C50];
	v51 =	vmul.f32 v49, v42;
	v9 =	vadd.f32 v9, v41;
	v41 =	vmul.f32 v49, v30  }
0x15d: {  	v31 =	vld [tilespmem:$0x15C40];
	[tilespmem:$0x15EB0] =	vst v1;
	v59 =	vmul.f32 v49, v52;
	v1 =	vadd.f32 v28, v3;
	v3 =	vmul.f32 v33, v54  }
0x15e: {  	[tilespmem:$0x15E70] =	vst v7;
	v0 =	vadd.f32 v0, v44;
	v11 =	vmul.f32 s24, v11;
	v48 =	vmul.f32 v60, v41;
	v60 =	vld [tilespmem:$0x15C70]  }
0x15f: {  	[tilespmem:$0x15DD0] =	vst v58;
	v10 =	vsub.f32 v26, v39;
	v62 =	vmul.f32 v47, v59;
	v1 =	vsub.f32 v1, v37  }
0x160: {  	s29 =	smulhi.u32 $0x4EC4EC4F, s23;
	[tilespmem:$0x15EA0] =	vst v2;
	v58 =	vmul.f32 v29, v51;
	v40 =	vadd.f32 v11, v40;
	v2 =	vadd.f32 v63, v48  }
0x161: {  	[tilespmem:$0x15EC0] =	vst v0;
	v4 =	vadd.f32 v56, v62;
	v3 =	vadd.f32 v43, v3;
	v63 =	vmul.f32 v53, v61  }
0x162: {  	s0 =	sshrl.u32 s29, $0x3;
	[tilespmem:$0x15EE0] =	vst v8;
	v10 =	vmul.f32 s24, v10;
	v0 =	vsub.f32 v2, v38;
	v2 =	vadd.f32 v31, v58  }
0x163: {  	s30 =	smul.u32 $0x1A, s0;
	[tilespmem:$0x15ED0] =	vst v5;
	v1 =	vmul.f32 s24, v1;
	v3 =	vsub.f32 v3, v34;
	v5 =	vadd.f32 v60, v63  }
0x164: {  	v44 =	vadd.f32 v10, v39;
	[tilespmem:$0x15F00] =	vst v40;
	v0 =	vmul.f32 s24, v0;
	v2 =	vsub.f32 v2, v55  }
0x165: {  	s31 =	ssub.s32 s23, s30;
	v1 =	vadd.f32 v1, v37;
	[tilespmem:$0x15EF0] =	vst v9;
	v3 =	vmul.f32 s24, v3;
	v5 =	vsub.f32 v5, v36  }
0x166: {  	s0 =	smul.u32 $0x6000, s0;
	s25 =	sshrl.u32 s31, $0x3;
	v4 =	vsub.f32 v4, v35;
	[tilespmem:$0x15F10] =	vst v44;
	v0 =	vadd.f32 v0, v38;
	v2 =	vmul.f32 s24, v2  }
0x167: {  	s25 =	smul.u32 $0x1800, s25;
	[tilespmem:$0x15F30] =	vst v1;
	v1 =	vadd.f32 v3, v34;
	v3 =	vmul.f32 s24, v5  }
0x168: {  	s23 =	sshll.u32 s31, $0x7;
	[tilespmem:$0x15F20] =	vst v0;
	v0 =	vadd.f32 v2, v55;
	v2 =	vmul.f32 s24, v4  }
0x169: {  	s23 =	sand.u32 $0x380, s23;
	s0 =	sadd.s32 s0, s25;
	[tilespmem:$0x15F50] =	vst v1;
	v1 =	vadd.f32 v3, v36  }
0x16a: {  	s0 =	sor.u32 s23, s0;
	[tilespmem:$0x15F40] =	vst v0;
	v0 =	vadd.f32 v2, v35  }
0x16b: {  	p1 =	sne.s32 s21, $0x34;
	s0 =	sshrl.u32 s0, $0x3;
	[tilespmem:$0x15F70] =	vst v1  }
.Ltmp6:
0x16c: {  	s0 =	sadd.s32 s7, s0;
	[tilespmem:$0x15F60] =	vst v0;
	(pc) =	sbr.rel @!p1 .LBB2_27-.Ltmp6, $4  }
0x16d: {  	[hbm4b:s0+s16] =	stream.strided.scatter [tilespmem:s18], [sflag:$0x2], $0x300, s17, s16, $0x38;
	[tilespmem:$0x15F80] =	vst v63  }
0x16e: {  	_ =	swait.ge [sflag:s12], $0x300  }
0x16f: {  	s20 =	sadd.s32 $0xA800, s20;
	p0 =	por !p0, !p0;
	[sflag:s12] =	ssyncset.done $0x0  }
0x170: {  	s25 =	smov.u32 s21;
	s23 =	smov.u32 s22;
	v0 =	vld [tilespmem:$0x1FFF0];
	[sflag:s12] =	ssyncadd.s32 $0xFFFFFD00  }
.LBB2_5:
0x171: {  	_ =	sdelay $0x6  }
0x172: {  	s21 =	sadd.s32 $0x1, s25;
	p1 =	seq.s32 s25, $0x33  }
0x173: {  	v1 =	vld.idx.msk @!p1 [tilespmem:v0+s21+$0x0 ss:$0x1], $0x1;
	_ =	sdelay $0x4  }
0x174: {  	(v2sf) =	vpush @!p1 v1, $0x0;
	_ =	sdelay $0xe  }
0x175: {  	s22 =	spop @!p1 (v2sf)  }
0x176: {  	s22 =	sadd.s32 @!p1 $0x7, s22  }
0x177: {  	s24 =	sand.u32 @!p1 $0x7, s22  }
0x178: {  	p2 =	slt.s32 @!p1 s22, $0x1;
	p3 =	sne.s32 @!p1 s24, $0x0  }
0x179: {  	s24 =	sshra.s32 @!p1 s22, $0x1F;
	p2 =	por @!p1 !p2, !p3  }
0x17a: {  	s24 =	sshrl.u32 @!p1 s24, $0x1D;
	p2 =	por @!p1 !p2, !p2  }
0x17b: {  	s22 =	sadd.s32 @!p1 s24, s22;
	s24 =	simm.s32 @!p1 $0x1;
	p2 =	por !p2, p1  }
0x17c: {  	s22 =	sshra.s32 @!p1 s22, $0x3;
	s24 =	simm.s32 @p2 $0x0  }
0x17d: {  	s22 =	ssub.s32 @!p1 s22, s24  }
0x17e: {  	p2 =	slt.s32 @!p1 s22, $0x1  }
0x17f: {  	p2 =	por p1, p2  }
.Ltmp7:
0x180: {  	_ = 	snop;
	(pc) =	sbr.rel @p2 .LBB2_29-.Ltmp7, $1  }
0x181: {  	_ =	sdelay $0x3  }
0x182: {  	s24 =	simm.s32 $0x1  }
0x183: {  	s24 =	simm.s32 @!p0 $0x0  }
0x184: {  	p1 =	sne.s32 s22, $0x1;
	s24 =	smul.u32 $0x2A000, s24  }
.Ltmp8:
0x185: {  	_ = 	snop;
	(pc) =	sbr.rel @!p1 .LBB2_8-.Ltmp8, $4  }
0x186: {  	s26 =	sshrl.u32 s20, $0x3;
	s24 =	sshrl.u32 s24, $0x2  }
0x187: {  	s26 =	sadd.s32 s6, s26;
	s24 =	sor.u32 $0x680, s24  }
0x188: {  	[tilespmem:s24], [sflag:$0x1] =	stream.linear.gather [hbm4b:s26+s5], $0x1800, $0x38;
	[tilespmem:$0x15F80] =	vst v63  }
0x189: {  	s28 =	sadd.s32 $0x1800, s20;
	s26 =	sadd.s32 $0xFFFFFFFF, s22  }
.LBB2_7:
0x18a: {  	s29 =	sshrl.u32 s28, $0x3;
	p1 =	sne.s32 s26, $0x1;
	s26 =	sadd.s32 $0xFFFFFFFF, s26  }
.Ltmp9:
0x18b: {  	s24 =	sadd.s32 $0x1800, s24;
	s29 =	sadd.s32 s6, s29;
	(pc) =	sbr.rel @p1 .LBB2_7-.Ltmp9, $3  }
0x18c: {  	[tilespmem:s24], [sflag:$0x1] =	stream.linear.gather [hbm4b:s29+s5], $0x1800, $0x38;
	[tilespmem:$0x15F80] =	vst v63  }
0x18d: {  	_ =	sdelay $0x1  }
0x18e: {  	s28 =	sadd.s32 $0x1800, s28  }
.Ltmp10:
0x18f: {  	_ = 	snop;
	(pc) =	sbr.rel .LBB2_8-.Ltmp10, $1  }
0x190: {  	_ =	sdelay $0x3  }
.LBB2_29:
0x191: {  	s22 =	simm.s32 @p1 $0x0  }
.LBB2_8:
0x192: {  	p1 =	slt.s32 s23, $0x1  }
.Ltmp11:
0x193: {  	_ = 	snop;
	(pc) =	sbr.rel @p1 .LBB2_12-.Ltmp11, $1  }
0x194: {  	_ =	sdelay $0x3  }
0x195: {  	p1 =	sne.s32 s23, $0x1  }
.Ltmp12:
0x196: {  	_ = 	snop;
	(pc) =	sbr.rel @!p1 .LBB2_11-.Ltmp12, $3  }
0x197: {  	_ =	sdelay $0x1  }
0x198: {  	_ =	swait.ge [sflag:s15], $0x1800  }
0x199: {  	s23 =	sadd.s32 $0xFFFFFFFF, s23;
	[sflag:s15] =	ssyncset.done $0x0  }
.LBB2_10:
0x19a: {  	p1 =	sne.s32 s23, $0x1;
	s23 =	sadd.s32 $0xFFFFFFFF, s23;
	[sflag:s15] =	ssyncadd.s32 $0xFFFFE800  }
.Ltmp13:
0x19b: {  	(pc) =	sbr.rel @p1 .LBB2_10-.Ltmp13, $3  }
0x19c: {  	_ =	sdelay $0x1  }
0x19d: {  	_ =	swait.ge [sflag:s15], $0x1800  }
0x19e: {  	[sflag:s15] =	ssyncset.done $0x0  }
.LBB2_11:
0x19f: {  	[sflag:s15] =	ssyncadd.s32 $0xFFFFE800  }
.LBB2_12:
0x1a0: {  	_ =	sdelay $0x3  }
0x1a1: {  	v1 =	vld.idx.msk [tilespmem:v0+s25+$0x0 ss:$0x1], $0x1;
	_ =	sdelay $0x4  }
0x1a2: {  	(v2sf) =	vpush v1, $0x0;
	_ =	sdelay $0xe  }
0x1a3: {  	s24 =	spop (v2sf)  }
0x1a4: {  	p1 =	slt.s32 s24, $0x1  }
.Ltmp14:
0x1a5: {  	_ = 	snop;
	(pc) =	sbr.rel @p1 .LBB2_13-.Ltmp14, $3  }
0x1a6: {  	s23 =	sand.u32 $0x1, s25  }
0x1a7: {  	s26 =	smul.u32 $0x2A000, s23;
	_ =	sdelay $0x1  }
0x1a8: {  	v5 =	vimm.f32 $0.0e+00;
	s23 =	sadd.s32 s8, s25;
	s25 =	sshrl.u32 s26, $0x2  }
0x1a9: {  	s26 =	simm.s32 $0x0  }
0x1aa: {  	s26 =	smul.u32 $0x6000, s26;
	_ =	sdelay $0x1  }
0x1ab: {  	s28 =	sor.u32 $0x680, s25;
	s29 =	simm.s32 $0x0;
	s26 =	sshra.s32 s26, $0x2  }
0x1ac: {  	s30 =	sand.u32 $0x380, s29;
	s26 =	sadd.s32 s26, s28  }
0x1ad: {  	s26 =	sadd.s32 s30, s26  }
0x1ae: {  	v1 =	vld [tilespmem:s26+$0x470]  }
0x1af: {  	v2 =	vld [tilespmem:s26+$0x0]  }
0x1b0: {  	v3 =	vld [tilespmem:s26+$0x10]  }
0x1b1: {  	v4 =	vimm.f32 $7.446582890e-03;
	v12 =	vimm.f32 $0.0e+00;
	v6 =	vld [tilespmem:s26+$0x20]  }
0x1b2: {  	v19 =	vimm.f32 $0.0e+00;
	v18 =	vimm.f32 $0.0e+00;
	v13 =	vimm.f32 $0.0e+00;
	v7 =	vld [tilespmem:s26+$0x30]  }
0x1b3: {  	v14 =	vimm.f32 $0.0e+00;
	v15 =	vimm.f32 $0.0e+00;
	v16 =	vimm.f32 $0.0e+00;
	p2 =	sne.s32 s24, $0x1  }
.Ltmp15:
0x1b4: {  	v8 =	vimm.f32 $0.0e+00;
	v17 =	vimm.f32 $7.446582890e-03;
	v9 =	vimm.f32 $0.0e+00;
	v20 =	vld [tilespmem:s26+$0x40];
	(pc) =	sbr.rel @!p2 .LBB2_16-.Ltmp15, $4  }
0x1b5: {  	v10 =	vimm.f32 $0.0e+00;
	v21 =	vld [tilespmem:s26+$0x50];
	v1 =	vmul.f32 v1, v4;
	v2 =	vmul.f32 v2, v4  }
0x1b6: {  	v11 =	vimm.f32 $0.0e+00;
	v22 =	vld [tilespmem:s26+$0x60];
	v3 =	vmul.f32 v3, v4;
	v26 =	vmul.f32 v6, v4  }
0x1b7: {  	v23 =	vld [tilespmem:s26+$0x70];
	v25 =	vmul.f32 v7, v4;
	v7 =	vimm.f32 $0.0e+00;
	v1 =	vadd.f32 v1, v12  }
0x1b8: {  	s30 =	simm.s32 $0x1;
	v24 =	vld [tilespmem:s26+$0x400];
	v6 =	vimm.f32 $0.0e+00;
	v2 =	vadd.f32 v2, v12;
	v3 =	vadd.f32 v3, v12  }
.LBB2_15:
0x1b9: {  	s31 =	sshrl.u32 s30, $0x3;
	s30 =	sadd.s32 $0x1, s30;
	v12 =	vadd.f32 v26, v12;
	v20 =	vmul.f32 v20, v4;
	v26 =	vld [tilespmem:s26+$0x410]  }
0x1ba: {  	s31 =	smul.u32 $0x6000, s31;
	p2 =	sne.s32 s24, s30;
	v19 =	vadd.f32 v25, v19;
	v21 =	vmul.f32 v21, v4;
	v25 =	vld [tilespmem:s26+$0x420]  }
0x1bb: {  	v18 =	vadd.f32 v20, v18;
	v20 =	vmul.f32 v22, v4;
	v22 =	vld [tilespmem:s26+$0x430]  }
0x1bc: {  	s29 =	sadd.s32 $0x80, s29;
	s31 =	sshra.s32 s31, $0x2;
	v13 =	vadd.f32 v21, v13;
	v21 =	vmul.f32 v23, v4;
	v23 =	vld [tilespmem:s26+$0x440]  }
0x1bd: {  	s0 =	sand.u32 $0x380, s29;
	s31 =	sadd.s32 s31, s28;
	v14 =	vadd.f32 v20, v14;
	v20 =	vmul.f32 v24, v4;
	v24 =	vld [tilespmem:s26+$0x450]  }
0x1be: {  	v15 =	vadd.f32 v21, v15;
	v21 =	vmul.f32 v26, v4;
	v26 =	vld [tilespmem:s26+$0x460];
	s26 =	sadd.s32 s0, s31  }
0x1bf: {  	v27 =	vld [tilespmem:s26+$0x470];
	v16 =	vadd.f32 v20, v16;
	v20 =	vmul.f32 v25, v4  }
0x1c0: {  	v25 =	vld [tilespmem:s26+$0x0];
	v7 =	vadd.f32 v21, v7;
	v21 =	vmul.f32 v22, v4  }
0x1c1: {  	v22 =	vld [tilespmem:s26+$0x10];
	v8 =	vadd.f32 v20, v8;
	v20 =	vmul.f32 v23, v4  }
0x1c2: {  	v4 =	vmul.f32 $1.105170970e+00, v4;
	v23 =	vld [tilespmem:s26+$0x20];
	v6 =	vadd.f32 v21, v6;
	v21 =	vmul.f32 v24, v17  }
0x1c3: {  	v24 =	vld [tilespmem:s26+$0x30];
	v9 =	vadd.f32 v20, v9;
	v26 =	vmul.f32 v26, v17  }
.Ltmp16:
0x1c4: {  	v17 =	vmov v4;
	v20 =	vld [tilespmem:s26+$0x40];
	v27 =	vmul.f32 v27, v4;
	v10 =	vadd.f32 v21, v10;
	(pc) =	sbr.rel @p2 .LBB2_15-.Ltmp16, $4  }
0x1c5: {  	v25 =	vmul.f32 v25, v4;
	v21 =	vld [tilespmem:s26+$0x50];
	v11 =	vadd.f32 v26, v11  }
0x1c6: {  	v28 =	vmul.f32 v22, v4;
	v22 =	vld [tilespmem:s26+$0x60];
	v1 =	vadd.f32 v27, v1  }
0x1c7: {  	v2 =	vadd.f32 v25, v2;
	v26 =	vmul.f32 v23, v4;
	v23 =	vld [tilespmem:s26+$0x70]  }
0x1c8: {  	v3 =	vadd.f32 v28, v3;
	v25 =	vmul.f32 v24, v4;
	v24 =	vld [tilespmem:s26+$0x400]  }
.LBB2_16:
0x1c9: {  	v27 =	vld [tilespmem:s26+$0x410]  }
0x1ca: {  	v28 =	vld [tilespmem:s26+$0x420]  }
0x1cb: {  	v29 =	vld [tilespmem:s26+$0x430]  }
0x1cc: {  	v12 =	vadd.f32 v26, v12;
	v20 =	vmul.f32 v20, v4;
	v26 =	vld [tilespmem:s26+$0x440]  }
0x1cd: {  	v61 =	vmul.f32 $1.105170970e+00, v4;
	v19 =	vadd.f32 v25, v19;
	v21 =	vmul.f32 v21, v4;
	v25 =	vld [tilespmem:s26+$0x450]  }
0x1ce: {  	v18 =	vadd.f32 v20, v18;
	v20 =	vmul.f32 v23, v4;
	v60 =	vmul.f32 v24, v4;
	v24 =	vld [tilespmem:s26+$0x460]  }
0x1cf: {  	v22 =	vmul.f32 v22, v4;
	v13 =	vadd.f32 v21, v13;
	v21 =	vadd.f32 $-7.446582890e-03, v61  }
0x1d0: {  	v15 =	vadd.f32 v20, v15;
	v20 =	vmul.f32 v27, v4;
	v62 =	vmul.f32 v28, v4  }
.Ltmp17:
0x1d1: {  	v14 =	vadd.f32 v22, v14;
	v63 =	vmul.f32 v29, v4;
	v21 =	vmul.f32 $9.508332250e+00, v21;
	(pc) =	sbr.rel .LBB2_17-.Ltmp17, $4  }
0x1d2: {  	v16 =	vadd.f32 v60, v16;
	v25 =	vmul.f32 v25, v17;
	v7 =	vadd.f32 v20, v7  }
0x1d3: {  	v20 =	vmul.f32 v26, v4;
	v4 =	vadd.f32 v62, v8;
	v8 =	vmul.f32 v24, v17  }
0x1d4: {  	v6 =	vadd.f32 v63, v6;
	v25 =	vadd.f32 v25, v10  }
0x1d5: {  	v17 =	vadd.f32 v20, v9;
	v26 =	vadd.f32 v8, v11;
	v8 =	vmax.f32 v21, $9.999999930e-09  }
.LBB2_13:
0x1d6: {  	v8 =	vimm.f32 $9.999999930e-09;
	v2 =	vimm.f32 $0.0e+00  }
0x1d7: {  	v3 =	vimm.f32 $0.0e+00;
	v12 =	vimm.f32 $0.0e+00;
	v19 =	vimm.f32 $0.0e+00  }
0x1d8: {  	v18 =	vimm.f32 $0.0e+00;
	v13 =	vimm.f32 $0.0e+00;
	v14 =	vimm.f32 $0.0e+00  }
0x1d9: {  	v15 =	vimm.f32 $0.0e+00;
	v16 =	vimm.f32 $0.0e+00;
	v7 =	vimm.f32 $0.0e+00  }
0x1da: {  	v4 =	vimm.f32 $0.0e+00;
	v6 =	vimm.f32 $0.0e+00;
	v17 =	vimm.f32 $0.0e+00  }
0x1db: {  	v25 =	vimm.f32 $0.0e+00;
	v26 =	vimm.f32 $0.0e+00;
	v1 =	vimm.f32 $0.0e+00  }
.LBB2_17:
0x1dc: {  	(erf) = vrcp.f32 v8;
	_ =	sdelay $0x8  }
0x1dd: {  	v36 =	vpop (erf)  }
0x1de: {  	v24 =	vmul.f32 v36, v2  }
0x1df: {  	v23 =	vmul.f32 v36, v3  }
0x1e0: {  	v22 =	vmul.f32 v36, v12;
	[tilespmem:$0x15C80] =	vst v24  }
0x1e1: {  	v21 =	vmul.f32 v36, v19;
	[tilespmem:$0x15C90] =	vst v23  }
0x1e2: {  	v0 =	vmul.f32 v36, v18;
	[tilespmem:$0x15CA0] =	vst v22  }
0x1e3: {  	[tilespmem:$0x15CB0] =	vst v21  }
0x1e4: {  	v12 =	vmul.f32 v36, v13;
	[tilespmem:$0x1FFC0] =	vst v0  }
0x1e5: {  	v11 =	vmul.f32 v36, v14;
	[tilespmem:$0x15CC0] =	vst v0  }
0x1e6: {  	v10 =	vmul.f32 v36, v15;
	[tilespmem:$0x15CD0] =	vst v12  }
0x1e7: {  	v9 =	vmul.f32 v36, v16;
	[tilespmem:$0x15CE0] =	vst v11  }
0x1e8: {  	v8 =	vmul.f32 v36, v7;
	[tilespmem:$0x15CF0] =	vst v10  }
0x1e9: {  	v2 =	vmul.f32 v36, v4;
	[tilespmem:$0x15D00] =	vst v9  }
0x1ea: {  	[tilespmem:$0x15D10] =	vst v8  }
0x1eb: {  	v4 =	vmul.f32 v36, v17;
	[tilespmem:$0x1FFD0] =	vst v2  }
0x1ec: {  	v3 =	vmul.f32 v36, v25;
	[tilespmem:$0x15D20] =	vst v2  }
0x1ed: {  	v34 =	vimm.f32 $0.0e+00;
	v35 =	vimm.f32 $0.0e+00;
	v1 =	vmul.f32 v36, v1;
	[tilespmem:$0x15D40] =	vst v4  }
.Ltmp18:
0x1ee: {  	v37 =	vimm.f32 $0.0e+00;
	v38 =	vimm.f32 $0.0e+00;
	v0 =	vmul.f32 v36, v6;
	[tilespmem:$0x15D50] =	vst v3;
	(pc) =	sbr.rel @p1 .LBB2_21-.Ltmp18, $4  }
0x1ef: {  	v39 =	vimm.f32 $0.0e+00;
	v40 =	vimm.f32 $0.0e+00;
	v41 =	vimm.f32 $0.0e+00;
	[tilespmem:$0x15D70] =	vst v1  }
0x1f0: {  	v33 =	vimm.f32 $0.0e+00;
	v15 =	vimm.f32 $0.0e+00;
	v2 =	vmul.f32 v36, v26;
	[tilespmem:$0x1FFE0] =	vst v0  }
0x1f1: {  	v19 =	vimm.f32 $0.0e+00;
	v25 =	vimm.f32 $0.0e+00;
	v16 =	vimm.f32 $0.0e+00;
	[tilespmem:$0x15D30] =	vst v0  }
0x1f2: {  	v13 =	vimm.f32 $0.0e+00;
	v14 =	vimm.f32 $0.0e+00;
	v6 =	vimm.f32 $0.0e+00;
	[tilespmem:$0x15D60] =	vst v2  }
0x1f3: {  	s0 =	simm.s32 $0x0  }
0x1f4: {  	s0 =	smul.u32 $0x6000, s0;
	_ =	sdelay $0x1  }
0x1f5: {  	s28 =	sor.u32 $0x680, s25;
	s29 =	simm.s32 $0x0;
	s0 =	sshra.s32 s0, $0x2  }
0x1f6: {  	s26 =	sand.u32 $0x380, s29;
	s0 =	sadd.s32 s0, s28  }
0x1f7: {  	s26 =	sadd.s32 s26, s0  }
0x1f8: {  	v5 =	vld [tilespmem:s26+$0xC70]  }
0x1f9: {  	v6 =	vld [tilespmem:s26+$0x800]  }
0x1fa: {  	v14 =	vld [tilespmem:s26+$0x810]  }
0x1fb: {  	v16 =	vld [tilespmem:s26+$0x820]  }
0x1fc: {  	v13 =	vimm.f32 $7.446582890e-03;
	v15 =	vimm.f32 $0.0e+00;
	v17 =	vld [tilespmem:s26+$0x830]  }
0x1fd: {  	v34 =	vimm.f32 $0.0e+00;
	v31 =	vimm.f32 $0.0e+00;
	v19 =	vimm.f32 $0.0e+00  }
0x1fe: {  	v25 =	vimm.f32 $0.0e+00;
	v26 =	vimm.f32 $0.0e+00;
	v27 =	vimm.f32 $0.0e+00;
	p2 =	sne.s32 s24, $0x1  }
.Ltmp19:
0x1ff: {  	v32 =	vimm.f32 $7.446582890e-03;
	v28 =	vimm.f32 $0.0e+00;
	v35 =	vld [tilespmem:s26+$0x840];
	v5 =	vmul.f32 v5, v13;
	(pc) =	sbr.rel @!p2 .LBB2_20-.Ltmp19, $4  }
0x200: {  	v29 =	vimm.f32 $0.0e+00;
	v37 =	vld [tilespmem:s26+$0x850];
	v6 =	vmul.f32 v6, v13;
	v14 =	vmul.f32 v14, v13  }
0x201: {  	v30 =	vimm.f32 $0.0e+00;
	v38 =	vld [tilespmem:s26+$0x860];
	v42 =	vmul.f32 v16, v13;
	v41 =	vmul.f32 v17, v13  }
0x202: {  	v39 =	vld [tilespmem:s26+$0x870];
	v16 =	vimm.f32 $0.0e+00;
	v17 =	vimm.f32 $0.0e+00;
	v33 =	vadd.f32 v5, v15  }
0x203: {  	s30 =	simm.s32 $0x1;
	v40 =	vld [tilespmem:s26+$0xC00];
	v5 =	vadd.f32 v6, v15;
	v6 =	vadd.f32 v14, v15;
	v14 =	vimm.f32 $0.0e+00  }
.LBB2_19:
0x204: {  	s0 =	sshrl.u32 s30, $0x3;
	s30 =	sadd.s32 $0x1, s30;
	v15 =	vadd.f32 v42, v15;
	v35 =	vmul.f32 v35, v13;
	v42 =	vld [tilespmem:s26+$0xC10]  }
0x205: {  	s0 =	smul.u32 $0x6000, s0;
	p2 =	sne.s32 s24, s30;
	v34 =	vadd.f32 v41, v34;
	v37 =	vmul.f32 v37, v13;
	v41 =	vld [tilespmem:s26+$0xC20]  }
0x206: {  	v31 =	vadd.f32 v35, v31;
	v35 =	vmul.f32 v38, v13;
	v38 =	vld [tilespmem:s26+$0xC30]  }
0x207: {  	s29 =	sadd.s32 $0x80, s29;
	s0 =	sshra.s32 s0, $0x2;
	v19 =	vadd.f32 v37, v19;
	v37 =	vmul.f32 v39, v13;
	v39 =	vld [tilespmem:s26+$0xC40]  }
0x208: {  	s31 =	sand.u32 $0x380, s29;
	s0 =	sadd.s32 s0, s28;
	v25 =	vadd.f32 v35, v25;
	v35 =	vmul.f32 v40, v13;
	v40 =	vld [tilespmem:s26+$0xC50]  }
0x209: {  	v26 =	vadd.f32 v37, v26;
	v37 =	vmul.f32 v42, v13;
	v42 =	vld [tilespmem:s26+$0xC60];
	s26 =	sadd.s32 s31, s0  }
0x20a: {  	v43 =	vld [tilespmem:s26+$0xC70];
	v27 =	vadd.f32 v35, v27;
	v35 =	vmul.f32 v41, v13  }
0x20b: {  	v41 =	vld [tilespmem:s26+$0x800];
	v16 =	vadd.f32 v37, v16;
	v37 =	vmul.f32 v38, v13  }
0x20c: {  	v38 =	vld [tilespmem:s26+$0x810];
	v17 =	vadd.f32 v35, v17;
	v35 =	vmul.f32 v39, v13  }
0x20d: {  	v13 =	vmul.f32 $1.105170970e+00, v13;
	v39 =	vld [tilespmem:s26+$0x820];
	v14 =	vadd.f32 v37, v14;
	v37 =	vmul.f32 v40, v32  }
0x20e: {  	v40 =	vld [tilespmem:s26+$0x830];
	v28 =	vadd.f32 v35, v28;
	v42 =	vmul.f32 v42, v32  }
.Ltmp20:
0x20f: {  	v32 =	vmov v13;
	v35 =	vld [tilespmem:s26+$0x840];
	v43 =	vmul.f32 v43, v13;
	v29 =	vadd.f32 v37, v29;
	(pc) =	sbr.rel @p2 .LBB2_19-.Ltmp20, $4  }
0x210: {  	v41 =	vmul.f32 v41, v13;
	v37 =	vld [tilespmem:s26+$0x850];
	v30 =	vadd.f32 v42, v30  }
0x211: {  	v44 =	vmul.f32 v38, v13;
	v38 =	vld [tilespmem:s26+$0x860];
	v33 =	vadd.f32 v43, v33  }
0x212: {  	v5 =	vadd.f32 v41, v5;
	v42 =	vmul.f32 v39, v13;
	v39 =	vld [tilespmem:s26+$0x870]  }
0x213: {  	v6 =	vadd.f32 v44, v6;
	v41 =	vmul.f32 v40, v13;
	v40 =	vld [tilespmem:s26+$0xC00]  }
.LBB2_20:
0x214: {  	v43 =	vld [tilespmem:s26+$0xC10]  }
0x215: {  	v44 =	vld [tilespmem:s26+$0xC20]  }
0x216: {  	v45 =	vld [tilespmem:s26+$0xC30]  }
0x217: {  	v46 =	vld [tilespmem:s26+$0xC40]  }
0x218: {  	v35 =	vmul.f32 v35, v13;
	v58 =	vld [tilespmem:s26+$0xC50];
	v37 =	vmul.f32 v37, v13  }
0x219: {  	v15 =	vadd.f32 v42, v15;
	v59 =	vld [tilespmem:s26+$0xC60];
	v34 =	vadd.f32 v41, v34;
	v38 =	vmul.f32 v38, v13  }
0x21a: {  	v35 =	vadd.f32 v35, v31;
	v60 =	vmul.f32 v39, v13;
	v19 =	vadd.f32 v37, v19  }
0x21b: {  	v61 =	vmul.f32 v40, v13;
	v25 =	vadd.f32 v38, v25;
	v62 =	vmul.f32 v43, v13  }
0x21c: {  	v37 =	vadd.f32 v60, v26;
	v26 =	vmul.f32 v44, v13;
	v63 =	vmul.f32 v46, v13  }
0x21d: {  	v38 =	vadd.f32 v61, v27;
	v27 =	vmul.f32 v45, v13;
	v16 =	vadd.f32 v62, v16  }
0x21e: {  	v13 =	vadd.f32 v26, v17;
	v17 =	vmul.f32 v58, v32;
	v26 =	vmul.f32 v59, v32  }
0x21f: {  	v39 =	vadd.f32 v63, v28;
	v14 =	vadd.f32 v27, v14  }
0x220: {  	v40 =	vadd.f32 v17, v29;
	v41 =	vadd.f32 v26, v30  }
.LBB2_21:
0x221: {  	v32 =	vmul.f32 v5, v36  }
0x222: {  	v31 =	vmul.f32 v6, v36  }
0x223: {  	v20 =	vmul.f32 v15, v36;
	[tilespmem:$0x15D80] =	vst v32  }
0x224: {  	v15 =	vmul.f32 v34, v36;
	[tilespmem:$0x15D90] =	vst v31  }
0x225: {  	v7 =	vmul.f32 v35, v36;
	[tilespmem:$0x15DA0] =	vst v20  }
0x226: {  	v6 =	vmul.f32 v19, v36;
	[tilespmem:$0x15DB0] =	vst v15  }
0x227: {  	v18 =	vmul.f32 v25, v36;
	[tilespmem:$0x15DC0] =	vst v7  }
0x228: {  	v17 =	vmul.f32 v37, v36;
	[tilespmem:$0x15DD0] =	vst v6  }
0x229: {  	v19 =	vmul.f32 v38, v36;
	[tilespmem:$0x15DE0] =	vst v18  }
0x22a: {  	v30 =	vmul.f32 v16, v36;
	[tilespmem:$0x15DF0] =	vst v17  }
0x22b: {  	v25 =	vmul.f32 v13, v36;
	[tilespmem:$0x15E00] =	vst v19  }
0x22c: {  	v26 =	vmul.f32 v14, v36;
	[tilespmem:$0x15E10] =	vst v30  }
0x22d: {  	v29 =	vmul.f32 v39, v36;
	[tilespmem:$0x15E20] =	vst v25  }
.Ltmp21:
0x22e: {  	v5 =	vmul.f32 v33, v36;
	[tilespmem:$0x15E30] =	vst v26;
	(pc) =	sbr.rel @p1 .LBB2_22-.Ltmp21, $4  }
0x22f: {  	v28 =	vmul.f32 v40, v36;
	[tilespmem:$0x15E40] =	vst v29  }
0x230: {  	v27 =	vmul.f32 v41, v36;
	[tilespmem:$0x15E70] =	vst v5  }
0x231: {  	[tilespmem:$0x15E50] =	vst v28  }
0x232: {  	[tilespmem:$0x15E60] =	vst v27  }
0x233: {  	s0 =	simm.s32 $0x0  }
0x234: {  	s0 =	smul.u32 $0x6000, s0;
	_ =	sdelay $0x1  }
0x235: {  	s26 =	sor.u32 $0x680, s25;
	s28 =	simm.s32 $0x0;
	s0 =	sshra.s32 s0, $0x2  }
0x236: {  	s31 =	sand.u32 $0x380, s28;
	s0 =	sadd.s32 s0, s26  }
0x237: {  	s25 =	sadd.s32 s31, s0  }
0x238: {  	v33 =	vld [tilespmem:s25+$0x1470]  }
0x239: {  	v34 =	vld [tilespmem:s25+$0x1000]  }
0x23a: {  	v38 =	vld [tilespmem:s25+$0x1010]  }
0x23b: {  	v39 =	vld [tilespmem:s25+$0x1020]  }
0x23c: {  	v35 =	vimm.f32 $7.446582890e-03;
	v37 =	vimm.f32 $0.0e+00;
	v40 =	vld [tilespmem:s25+$0x1030]  }
0x23d: {  	v43 =	vimm.f32 $0.0e+00;
	v41 =	vimm.f32 $0.0e+00;
	v47 =	vimm.f32 $0.0e+00  }
0x23e: {  	v48 =	vimm.f32 $0.0e+00;
	p1 =	sne.s32 s24, $0x1;
	v46 =	vimm.f32 $0.0e+00;
	v45 =	vimm.f32 $0.0e+00  }
.Ltmp22:
0x23f: {  	v51 =	vimm.f32 $7.446582890e-03;
	v50 =	vimm.f32 $0.0e+00;
	v44 =	vld [tilespmem:s25+$0x1040];
	v33 =	vmul.f32 v33, v35;
	(pc) =	sbr.rel @!p1 .LBB2_25-.Ltmp22, $4  }
0x240: {  	v54 =	vimm.f32 $0.0e+00;
	v52 =	vld [tilespmem:s25+$0x1050];
	v34 =	vmul.f32 v34, v35;
	v38 =	vmul.f32 v38, v35  }
0x241: {  	v55 =	vimm.f32 $0.0e+00;
	v53 =	vld [tilespmem:s25+$0x1060];
	v42 =	vmul.f32 v39, v35;
	v58 =	vmul.f32 v40, v35  }
0x242: {  	v56 =	vld [tilespmem:s25+$0x1070];
	v39 =	vimm.f32 $0.0e+00;
	v40 =	vimm.f32 $0.0e+00;
	v49 =	vadd.f32 v33, v37  }
0x243: {  	s29 =	simm.s32 $0x1;
	v57 =	vld [tilespmem:s25+$0x1400];
	v33 =	vadd.f32 v34, v37;
	v34 =	vadd.f32 v38, v37;
	v38 =	vimm.f32 $0.0e+00  }
.LBB2_24:
0x244: {  	s0 =	sshrl.u32 s29, $0x3;
	s29 =	sadd.s32 $0x1, s29;
	v37 =	vadd.f32 v42, v37;
	v42 =	vmul.f32 v44, v35;
	v44 =	vld [tilespmem:s25+$0x1410]  }
0x245: {  	s0 =	smul.u32 $0x6000, s0;
	p1 =	sne.s32 s24, s29;
	v43 =	vadd.f32 v58, v43;
	v52 =	vmul.f32 v52, v35;
	v58 =	vld [tilespmem:s25+$0x1420]  }
0x246: {  	v41 =	vadd.f32 v42, v41;
	v42 =	vmul.f32 v53, v35;
	v53 =	vld [tilespmem:s25+$0x1430]  }
0x247: {  	s28 =	sadd.s32 $0x80, s28;
	s0 =	sshra.s32 s0, $0x2;
	v39 =	vadd.f32 v52, v39;
	v52 =	vmul.f32 v56, v35;
	v56 =	vld [tilespmem:s25+$0x1440]  }
0x248: {  	s30 =	sand.u32 $0x380, s28;
	s0 =	sadd.s32 s0, s26;
	v40 =	vadd.f32 v42, v40;
	v42 =	vmul.f32 v57, v35;
	v57 =	vld [tilespmem:s25+$0x1450]  }
0x249: {  	v47 =	vadd.f32 v52, v47;
	v44 =	vmul.f32 v44, v35;
	v52 =	vld [tilespmem:s25+$0x1460];
	s25 =	sadd.s32 s30, s0  }
0x24a: {  	v59 =	vld [tilespmem:s25+$0x1470];
	v48 =	vadd.f32 v42, v48;
	v42 =	vmul.f32 v58, v35  }
0x24b: {  	v58 =	vld [tilespmem:s25+$0x1000];
	v38 =	vadd.f32 v44, v38;
	v44 =	vmul.f32 v53, v35  }
0x24c: {  	v53 =	vld [tilespmem:s25+$0x1010];
	v46 =	vadd.f32 v42, v46;
	v42 =	vmul.f32 v56, v35  }
0x24d: {  	v35 =	vmul.f32 $1.105170970e+00, v35;
	v56 =	vld [tilespmem:s25+$0x1020];
	v45 =	vadd.f32 v44, v45;
	v57 =	vmul.f32 v57, v51  }
0x24e: {  	v60 =	vld [tilespmem:s25+$0x1030];
	v50 =	vadd.f32 v42, v50;
	v42 =	vmul.f32 v52, v51  }
.Ltmp23:
0x24f: {  	v51 =	vmov v35;
	v44 =	vld [tilespmem:s25+$0x1040];
	v59 =	vmul.f32 v59, v35;
	v54 =	vadd.f32 v57, v54;
	(pc) =	sbr.rel @p1 .LBB2_24-.Ltmp23, $4  }
0x250: {  	v57 =	vmul.f32 v58, v35;
	v52 =	vld [tilespmem:s25+$0x1050];
	v55 =	vadd.f32 v42, v55  }
0x251: {  	v58 =	vmul.f32 v53, v35;
	v53 =	vld [tilespmem:s25+$0x1060];
	v49 =	vadd.f32 v59, v49  }
0x252: {  	v33 =	vadd.f32 v57, v33;
	v42 =	vmul.f32 v56, v35;
	v56 =	vld [tilespmem:s25+$0x1070]  }
0x253: {  	v34 =	vadd.f32 v58, v34;
	v58 =	vmul.f32 v60, v35;
	v57 =	vld [tilespmem:s25+$0x1400]  }
.LBB2_25:
0x254: {  	v59 =	vld [tilespmem:s25+$0x1410]  }
0x255: {  	v60 =	vld [tilespmem:s25+$0x1420]  }
0x256: {  	v61 =	vld [tilespmem:s25+$0x1430]  }
0x257: {  	v62 =	vld [tilespmem:s25+$0x1440]  }
0x258: {  	v42 =	vadd.f32 v42, v37;
	v37 =	vmul.f32 v44, v35;
	v63 =	vld [tilespmem:s25+$0x1450];
	v52 =	vmul.f32 v52, v35  }
0x259: {  	v0 =	vld [tilespmem:s25+$0x1460];
	v43 =	vadd.f32 v58, v43;
	v58 =	vmul.f32 v53, v35  }
0x25a: {  	v44 =	vadd.f32 v37, v41;
	v37 =	vmul.f32 v56, v35;
	v53 =	vadd.f32 v52, v39  }
0x25b: {  	v56 =	vmul.f32 v57, v35;
	v41 =	vadd.f32 v58, v40;
	v59 =	vmul.f32 v59, v35  }
.Ltmp24:
0x25c: {  	v40 =	vadd.f32 v37, v47;
	v60 =	vmul.f32 v60, v35;
	v61 =	vmul.f32 v61, v35;
	(pc) =	sbr.rel .LBB2_26-.Ltmp24, $4  }
0x25d: {  	v62 =	vmul.f32 v62, v35;
	v63 =	vmul.f32 v63, v51;
	v39 =	vadd.f32 v56, v48  }
0x25e: {  	v0 =	vmul.f32 v0, v51;
	v37 =	vadd.f32 v59, v38;
	v38 =	vadd.f32 v60, v46  }
0x25f: {  	v52 =	vadd.f32 v61, v45;
	v51 =	vadd.f32 v62, v50  }
0x260: {  	s24 =	simm.f32 $1.000000000e+00;
	v50 =	vadd.f32 v63, v54;
	v35 =	vadd.f32 v0, v55  }
.LBB2_28:
0x261: {  	_ =	sfence.sel $0x180000  }
0x262: {  	[bflag:$0x0] =	sbarrier.arrive $0xFFFF  }
0x263: {  	_ =	strace $0x90000047  }
0x264: {  	[bflag:$0x2] =	sbarrier.arrive $0xFFFF  }
0x265: {  	p0 =	sne.s32 s4, $0x0;
	s0 =	rddreg [dreg:$0x4]  }
0x266: {  	s0 =	sadd.s32 @!p0 $0x100000, s0  }
0x267: {  	[sflag:s0] =	ssyncadd.tile.s32 @!p0 $0x1;
	_ =	shalt  }
.Lfunc_end2:
_tile_overlayer_lowered:
.L_overlay_start_2:
0x268: {  	(tag) =	ssettag $0x2  }
0x269: {  	s0 =	rddreg [dreg:$0x0];
	s2 =	stileid.u32  }
0x26a: {  	s1 =	rddreg [dreg:$0x1];
	p0 =	sne.s32 s2, $0x0  }
0x26b: {  	s3 =	rddreg [dreg:$0x2];
	[bflag:$0x3] =	sbarrier.arrive $0xFFFF;
	s2 =	simm.s32 @!p0 $0x1C02  }
0x26c: {  	[timem:s3], [sflag:s2] =	dma.local @!p0 [hbm:s0], s1  }
0x26d: {  	s0 =	simm.s32 @!p0 $0x2  }
0x26e: {  	_ =	swait.ge @!p0 [sflag:s0], s1  }
0x26f: {  	s1 =	ssub.s32 @!p0 $0x0, s1;
	[sflag:s0] =	ssyncset.done @!p0 $0x0  }
0x270: {  	[sflag:s0] =	ssyncadd.s32 @!p0 s1  }
0x271: {  	[bflag:$0x3] =	sbarrier.arrive $0xFFFF  }
0x272: {  	_ =	shalt  }

</sc_bundles>
